<compile_context>
chip_gen: v7x
topology: tpu7x:2x2x1
jax: 0.10.2.dev20260603
libtpu: 0.0.44.dev20260713+nightly
codegen_flags: <defaults>
</compile_context>

<pallas_src>
import functools

import jax
import jax.numpy as jnp
from jax import lax
from jax.experimental import pallas as pl
from jax.experimental.pallas import tpu as pltpu
from jax.experimental.pallas import tpu_sc as plsc

N = 10000
E = 160000
H = 16
DIN = 128
EPS = 1e-5

NC = 2
NS = 16
NW = NC * NS
C = 128
J = 40
EPW = J * C
EPAD = NW * EPW
NPAD = 10240
ROWS_PER_SUB = NPAD // NS
EPW8 = EPW // 8
EP8 = EPAD // 8
NP8 = NPAD // 8
RPS8 = ROWS_PER_SUB // 8

_sc_mesh = plsc.VectorSubcoreMesh(
    core_axis_name="c", subcore_axis_name="s", num_cores=NC, num_subcores=NS)
_sc_params = pltpu.CompilerParams(use_tc_tiling_on_sc=False)



@functools.partial(
    pl.kernel, mesh=_sc_mesh, compiler_params=_sc_params,
    out_type=jax.ShapeDtypeStruct((EPAD, H), jnp.float32),
    scratch_types=[
        pltpu.VMEM((J, C), jnp.int32),
        pltpu.VMEM((EPW, H), jnp.float32),
        pltpu.VMEM_SHARED((NPAD, H), jnp.float32),
        pltpu.SemaphoreType.DMA,
    ])
def _sc_gather(h_hbm, idx_hbm, out_hbm, idx_v, rows_v, h_sp, sem):
  c = lax.axis_index("c")
  s = lax.axis_index("s")
  wid = s * NC + c
  pltpu.sync_copy(h_hbm.at[pl.ds(s * ROWS_PER_SUB, ROWS_PER_SUB)],
                  h_sp.at[pl.ds(s * ROWS_PER_SUB, ROWS_PER_SUB)])
  pltpu.sync_copy(idx_hbm.at[wid], idx_v)
  plsc.subcore_barrier()

  def fire(j, carry):
    pltpu.async_copy(h_sp.at[idx_v.at[j]], rows_v.at[pl.ds(j * C, C)], sem)
    return carry

  lax.fori_loop(0, J, fire, 0)

  def drain(j, carry):
    pltpu.make_async_copy(
        h_sp.at[idx_v.at[j]], rows_v.at[pl.ds(j * C, C)], sem).wait()
    return carry

  lax.fori_loop(0, J, drain, 0)
  pltpu.sync_copy(rows_v, out_hbm.at[pl.ds(wid * EPW, EPW)])


@functools.partial(
    pl.kernel, mesh=_sc_mesh, compiler_params=_sc_params,
    out_type=jax.ShapeDtypeStruct((NC, NPAD, H), jnp.float32),
    scratch_types=[
        pltpu.VMEM((J, C), jnp.int32),
        pltpu.VMEM((EPW, H), jnp.float32),
        pltpu.VMEM_SHARED((NPAD, H), jnp.float32),
        pltpu.SemaphoreType.DMA,
    ])
def _sc_scatter(m_hbm, idx_hbm, zeros_hbm, out_hbm, idx_v, m_v, acc, sem):
  c = lax.axis_index("c")
  s = lax.axis_index("s")
  wid = s * NC + c
  pltpu.sync_copy(zeros_hbm.at[pl.ds(s * ROWS_PER_SUB, ROWS_PER_SUB)],
                  acc.at[pl.ds(s * ROWS_PER_SUB, ROWS_PER_SUB)])
  pltpu.sync_copy(idx_hbm.at[wid], idx_v)
  pltpu.sync_copy(m_hbm.at[pl.ds(wid * EPW, EPW)], m_v)
  plsc.subcore_barrier()

  def fire(j, carry):
    pltpu.async_copy(m_v.at[pl.ds(j * C, C)], acc.at[idx_v.at[j]], sem,
                     add=True)
    return carry

  lax.fori_loop(0, J, fire, 0)

  def drain(j, carry):
    pltpu.make_async_copy(
        m_v.at[pl.ds(j * C, C)], acc.at[idx_v.at[j]], sem).wait()
    return carry

  lax.fori_loop(0, J, drain, 0)
  plsc.subcore_barrier()
  pltpu.sync_copy(acc.at[pl.ds(s * ROWS_PER_SUB, ROWS_PER_SUB)],
                  out_hbm.at[c, pl.ds(s * ROWS_PER_SUB, ROWS_PER_SUB)])


@functools.partial(
    pl.kernel, mesh=_sc_mesh, compiler_params=_sc_params,
    out_type=jax.ShapeDtypeStruct((NC, NPAD, H), jnp.float32),
    scratch_types=[
        pltpu.VMEM((J, C), jnp.int32),
        pltpu.VMEM((C, H), jnp.float32),
        pltpu.VMEM_SHARED((NPAD, H), jnp.float32),
    ])
def _sc_degree(ones_hbm, idx_hbm, zeros_hbm, out_hbm, idx_v, m_v, acc):
  c = lax.axis_index("c")
  s = lax.axis_index("s")
  wid = s * NC + c
  pltpu.sync_copy(zeros_hbm.at[pl.ds(s * ROWS_PER_SUB, ROWS_PER_SUB)],
                  acc.at[pl.ds(s * ROWS_PER_SUB, ROWS_PER_SUB)])
  pltpu.sync_copy(idx_hbm.at[wid], idx_v)
  pltpu.sync_copy(ones_hbm, m_v)
  plsc.subcore_barrier()

  def body(j, carry):
    pltpu.sync_copy(m_v, acc.at[idx_v.at[j]], add=True)
    return carry

  lax.fori_loop(0, J, body, 0)
  plsc.subcore_barrier()
  pltpu.sync_copy(acc.at[pl.ds(s * ROWS_PER_SUB, ROWS_PER_SUB)],
                  out_hbm.at[c, pl.ds(s * ROWS_PER_SUB, ROWS_PER_SUB)])



def _unpack_n(xp):
  return jnp.concatenate([xp[:, b * H:(b + 1) * H] for b in range(8)], axis=0)


def _pack_n(x):
  return jnp.concatenate([x[b * NP8:(b + 1) * NP8] for b in range(8)], axis=1)


def _pre_body(x_ref, w_ref, b_ref, g_ref, be_ref, out_ref):
  y = jnp.dot(x_ref[...], w_ref[...], preferred_element_type=jnp.float32)
  y = y + b_ref[...]
  m = jnp.mean(y, axis=0, keepdims=True)
  v = jnp.mean((y - m) * (y - m), axis=0, keepdims=True)
  yn = (y - m) * lax.rsqrt(v + EPS) * g_ref[...] + be_ref[...]
  h = jnp.maximum(yn, 0.0)
  out_ref[...] = jnp.concatenate(
      [h, jnp.zeros((NPAD - N, H), jnp.float32)], axis=0)


def _linear_bn_relu_full(x, w, b, g, be, out_dim):
  return pl.pallas_call(
      _pre_body,
      out_shape=jax.ShapeDtypeStruct((NPAD, H), jnp.float32),
  )(x, w, b.reshape(1, -1), g.reshape(1, -1), be.reshape(1, -1))


_ETILE = 4096
_EGRID = EPAD // _ETILE
_EROWS = _ETILE // 8


def _unpack(xp, w):
  return jnp.concatenate([xp[:, b * w:(b + 1) * w] for b in range(8)], axis=0)


def _pack(x, w):
  rows = x.shape[0] // 8
  return jnp.concatenate([x[b * rows:(b + 1) * rows] for b in range(8)],
                         axis=1)


def _valid_mask(i):
  p = lax.broadcasted_iota(jnp.int32, (_ETILE, 1), 0)
  edge_local = 8 * (p % _EROWS) + p // _EROWS
  return (i * _ETILE + edge_local < E).astype(jnp.float32)


def _z_body(x_ref, w_ref, b_ref, z_ref, s1_ref, s2_ref):
  i = pl.program_id(0)

  @pl.when(i == 0)
  def _():
    s1_ref[...] = jnp.zeros_like(s1_ref)
    s2_ref[...] = jnp.zeros_like(s2_ref)

  x = _unpack(x_ref[...], 16)
  z = jnp.dot(x, w_ref[...], preferred_element_type=jnp.float32)
  z = z + b_ref[...]
  z_ref[...] = _pack(z, 32)
  zv = z * _valid_mask(i)
  zr = zv.reshape(8, _ETILE // 8, 32)
  s1_ref[...] += jnp.sum(zr, axis=1)
  s2_ref[...] += jnp.sum(zr * zr, axis=1)


def _edge_z(ef_packed, w_e1, b_e1):
  return pl.pallas_call(
      _z_body,
      grid=(_EGRID,),
      in_specs=[
          pl.BlockSpec((_EROWS, 128), lambda i: (i, 0)),
          pl.BlockSpec((16, 32), lambda i: (0, 0)),
          pl.BlockSpec((1, 32), lambda i: (0, 0)),
      ],
      out_specs=[
          pl.BlockSpec((_EROWS, 256), lambda i: (i, 0)),
          pl.BlockSpec((8, 32), lambda i: (0, 0)),
          pl.BlockSpec((8, 32), lambda i: (0, 0)),
      ],
      out_shape=[
          jax.ShapeDtypeStruct((EP8, 256), jnp.float32),
          jax.ShapeDtypeStruct((8, 32), jnp.float32),
          jax.ShapeDtypeStruct((8, 32), jnp.float32),
      ],
  )(ef_packed, w_e1, b_e1.reshape(1, 32))


def _a_body(z_ref, sc_ref, sh_ref, a_ref, s1_ref, m2_ref):
  i = pl.program_id(0)

  @pl.when(i == 0)
  def _():
    s1_ref[...] = jnp.zeros_like(s1_ref)
    m2_ref[...] = jnp.zeros_like(m2_ref)

  z = _unpack(z_ref[...], 32)
  a = jnp.maximum(z * sc_ref[...] + sh_ref[...], 0.0)
  a_ref[...] = _pack(a, 32)
  av = a * _valid_mask(pl.program_id(0))
  ar = av.reshape(8, _ETILE // 8, 32)
  s1_ref[...] += jnp.sum(ar, axis=1)
  m2_ref[...] += jnp.dot(av.T, av, preferred_element_type=jnp.float32)


def _edge_a(z_packed, scale, shift):
  return pl.pallas_call(
      _a_body,
      grid=(_EGRID,),
      in_specs=[
          pl.BlockSpec((_EROWS, 256), lambda i: (i, 0)),
          pl.BlockSpec((1, 32), lambda i: (0, 0)),
          pl.BlockSpec((1, 32), lambda i: (0, 0)),
      ],
      out_specs=[
          pl.BlockSpec((_EROWS, 256), lambda i: (i, 0)),
          pl.BlockSpec((8, 32), lambda i: (0, 0)),
          pl.BlockSpec((32, 32), lambda i: (0, 0)),
      ],
      out_shape=[
          jax.ShapeDtypeStruct((EP8, 256), jnp.float32),
          jax.ShapeDtypeStruct((8, 32), jnp.float32),
          jax.ShapeDtypeStruct((32, 32), jnp.float32),
      ],
  )(z_packed, scale.reshape(1, 32), shift.reshape(1, 32))


_MTILE = 8192
_MGRID = EPAD // _MTILE


def _msg_body(x_ref, a_ref, cwd_ref, s_ref, m_ref):
  x = _unpack(x_ref[...], H)
  t = jnp.dot(x, cwd_ref[...], preferred_element_type=jnp.float32)
  a = _unpack(a_ref[...], 32)
  at = jnp.concatenate([a] * H, axis=1)
  m = jnp.dot(t[:, :32 * H] * at, s_ref[...],
              preferred_element_type=jnp.float32)
  m_ref[...] = _pack(m + t[:, 32 * H:], H)


def _msg(x_src, a_packed, cwd, sel):
  return pl.pallas_call(
      _msg_body,
      grid=(_MGRID,),
      in_specs=[
          pl.BlockSpec((_MTILE // 8, 128), lambda i: (i, 0)),
          pl.BlockSpec((_MTILE // 8, 256), lambda i: (i, 0)),
          pl.BlockSpec((H, 32 * H + H), lambda i: (0, 0)),
          pl.BlockSpec((32 * H, H), lambda i: (0, 0)),
      ],
      out_specs=pl.BlockSpec((_MTILE // 8, 128), lambda i: (i, 0)),
      out_shape=jax.ShapeDtypeStruct((EP8, 128), jnp.float32),
  )(x_src, a_packed, cwd, sel)


def _gru_body(p0_ref, p1_ref, g0_ref, g1_ref, hid_ref, bconv_ref,
              wir_ref, wiz_ref, win_ref, whr_ref, whz_ref, whn_ref,
              bir_ref, biz_ref, bin_ref, bhr_ref, bhz_ref, bhn_ref,
              out_ref):
  deg = _unpack_n(g0_ref[...]) + _unpack_n(g1_ref[...])
  dinv = 1.0 / jnp.maximum(deg, 1.0)
  neigh = (_unpack_n(p0_ref[...]) + _unpack_n(p1_ref[...])) * dinv
  msg = jnp.maximum(neigh + bconv_ref[...], 0.0)
  hid = _unpack_n(hid_ref[...])
  dot = lambda x, w: jnp.dot(x, w[...], preferred_element_type=jnp.float32)
  r = jax.nn.sigmoid(dot(msg, wir_ref) + bir_ref[...]
                     + dot(hid, whr_ref) + bhr_ref[...])
  z = jax.nn.sigmoid(dot(msg, wiz_ref) + biz_ref[...]
                     + dot(hid, whz_ref) + bhz_ref[...])
  n = jnp.tanh(dot(msg, win_ref) + bin_ref[...]
               + r * (dot(hid, whn_ref) + bhn_ref[...]))
  out_ref[...] = _pack_n((1.0 - z) * n + z * hid)


def _gru(partials, deg_partials, hidden, bconv, wi, wh, bi, bh):
  wir, wiz, win = wi
  whr, whz, whn = wh
  bir, biz, bin_ = bi
  bhr, bhz, bhn = bh
  return pl.pallas_call(
      _gru_body,
      out_shape=jax.ShapeDtypeStruct((NP8, 128), jnp.float32),
  )(partials[0].reshape(NP8, 128), partials[1].reshape(NP8, 128),
    deg_partials[0].reshape(NP8, 128), deg_partials[1].reshape(NP8, 128),
    hidden, bconv.reshape(1, H),
    wir, wiz, win, whr, whz, whn,
    bir.reshape(1, H), biz.reshape(1, H), bin_.reshape(1, H),
    bhr.reshape(1, H), bhz.reshape(1, H), bhn.reshape(1, H))


def _predict_body(h_ref, w1_ref, b1_ref, g1_ref, be1_ref, w2_ref, b2_ref,
                  out_ref):
  h = _unpack_n(h_ref[...])
  p = lax.broadcasted_iota(jnp.int32, (NPAD, 1), 0)
  node = 8 * (p % NP8) + p // NP8
  w = (node < N).astype(jnp.float32)
  y = jnp.dot(h, w1_ref[...], preferred_element_type=jnp.float32)
  y = y + b1_ref[...]
  m = jnp.sum(y * w, axis=0, keepdims=True) / N
  v = jnp.sum((y - m) * (y - m) * w, axis=0, keepdims=True) / N
  yn = (y - m) * lax.rsqrt(v + EPS) * g1_ref[...] + be1_ref[...]
  yr = jnp.maximum(yn, 0.0)
  out_ref[...] = jnp.dot(yr, w2_ref[...],
                         preferred_element_type=jnp.float32) + b2_ref[...]


def _predict(h_packed, w1, b1, g1, be1, w2, b2):
  return pl.pallas_call(
      _predict_body,
      out_shape=jax.ShapeDtypeStruct((NPAD, 1), jnp.float32),
  )(h_packed, w1, b1.reshape(1, H), g1.reshape(1, H), be1.reshape(1, H),
    w2, b2.reshape(1, 1))



@jax.jit
def kernel(node_feats, edge_feats, edge_index, W_pre, b_pre, g_pre, be_pre,
           W_e1, b_e1, g_e1, be_e1, W_e2, b_e2, g_e2, be_e2, b_conv,
           W_ih, W_hh, b_ih, b_hh, W_p1, b_p1, g_p1, be_p1, W_p2, b_p2):
  f32 = jnp.float32
  src = edge_index[0]
  dst = edge_index[1]
  pad = EPAD - E
  src_p = jnp.concatenate([src, jnp.zeros((pad,), jnp.int32)])
  dst_p = jnp.concatenate([dst, jnp.full((pad,), N, jnp.int32)])
  src_g = src_p.reshape(NW, J, C)
  dst_g = dst_p.reshape(NW, J, C)
  zeros_acc = jnp.zeros((NPAD, H), f32)
  ones_rows = jnp.ones((C, H), f32)

  h0 = _linear_bn_relu_full(
      node_feats, W_pre, b_pre, g_pre, be_pre, H).reshape(NP8, 128)

  ef_pad = jnp.concatenate(
      [edge_feats, jnp.zeros((pad, edge_feats.shape[1]), f32)], axis=0)
  z, s1, s2 = _edge_z(ef_pad.reshape(EP8, 128), W_e1, b_e1)
  mu1 = jnp.sum(s1, axis=0) / E
  var1 = jnp.maximum(jnp.sum(s2, axis=0) / E - mu1 * mu1, 0.0)
  inv1 = lax.rsqrt(var1 + EPS)
  scale1 = inv1 * g_e1
  shift1 = be_e1 - mu1 * scale1

  a, s1a, m2 = _edge_a(z, scale1, shift1)
  mu_a = jnp.sum(s1a, axis=0) / E
  m2m = m2 / E
  mean_ew = mu_a @ W_e2 + b_e2
  ex2 = (jnp.sum(W_e2 * (m2m @ W_e2), axis=0)
         + 2.0 * b_e2 * (mu_a @ W_e2) + b_e2 * b_e2)
  var_ew = jnp.maximum(ex2 - mean_ew * mean_ew, 0.0)
  inv2 = lax.rsqrt(var_ew + EPS)
  chat = W_e2 * (inv2 * g_e2)[None, :]
  dhat = (b_e2 - mean_ew) * inv2 * g_e2 + be_e2
  cw = chat.reshape(32, H, H).transpose(1, 2, 0).reshape(H, 32 * H)
  d2 = dhat.reshape(H, H)
  cwd = jnp.concatenate([cw, d2], axis=1)
  sel = jnp.repeat(jnp.eye(H, dtype=f32), 32, axis=0)


  deg_partials = _sc_degree(ones_rows, dst_g, zeros_acc)

  wi = (W_ih[:, :H], W_ih[:, H:2 * H], W_ih[:, 2 * H:])
  wh = (W_hh[:, :H], W_hh[:, H:2 * H], W_hh[:, 2 * H:])
  bi = (b_ih[:H], b_ih[H:2 * H], b_ih[2 * H:])
  bh = (b_hh[:H], b_hh[H:2 * H], b_hh[2 * H:])

  hidden = h0
  for _ in range(6):
    x_src = _sc_gather(hidden.reshape(NPAD, H), src_g).reshape(EP8, 128)
    m = _msg(x_src, a, cwd, sel)
    partials = _sc_scatter(m.reshape(EPAD, H), dst_g, zeros_acc)
    hidden = _gru(partials, deg_partials, hidden, b_conv, wi, wh, bi, bh)

  out_perm = _predict(hidden, W_p1, b_p1, g_p1, be_p1, W_p2, b_p2)
  return out_perm.reshape(8, NP8).transpose(1, 0).reshape(NPAD, 1)[:N]

# --- scband reference (transcript-rebuilt; emitter-appended) ---
"""Pipeline reference for scband-vanilla-mpnn-51814485458973 (READ-ONLY COPY).

The authoritative reference and input builder live on the scoring server;
editing this copy changes nothing except your own understanding.
"""

import jax, jax.numpy as jnp
import numpy as np

H = 16

def _bn(x, g, b, eps=1e-5):
    m = x.mean(axis=0)
    v = x.var(axis=0)
    return (x - m) / jnp.sqrt(v + eps) * g + b

def setup_inputs(seed: int = 0):
    key = jax.random.key(seed)
    ks = jax.random.split(key, 32)
    N, E, Din, De = 10000, 160000, 128, 16
    s = 0.05
    inp = {}
    inp['node_feats'] = jax.random.normal(ks[0], (N, Din), dtype=jnp.float32)
    inp['edge_feats'] = jax.random.normal(ks[1], (E, De), dtype=jnp.float32)
    inp['edge_index'] = jax.random.randint(ks[2], (2, E), 0, N, dtype=jnp.int32)
    # preprocess: LinearBn(128,16)
    inp['W_pre'] = jax.random.normal(ks[3], (Din, H), dtype=jnp.float32) * s
    inp['b_pre'] = jnp.zeros((H,), jnp.float32)
    inp['g_pre'] = jnp.ones((H,), jnp.float32)
    inp['be_pre'] = jnp.zeros((H,), jnp.float32)
    # edge function: LinearBn(16,32) + ReLU + LinearBn(32,256)
    inp['W_e1'] = jax.random.normal(ks[4], (De, 32), dtype=jnp.float32) * s
    inp['b_e1'] = jnp.zeros((32,), jnp.float32)
    inp['g_e1'] = jnp.ones((32,), jnp.float32)
    inp['be_e1'] = jnp.zeros((32,), jnp.float32)
    inp['W_e2'] = jax.random.normal(ks[5], (32, H * H), dtype=jnp.float32) * s
    inp['b_e2'] = jnp.zeros((H * H,), jnp.float32)
    inp['g_e2'] = jnp.ones((H * H,), jnp.float32)
    inp['be_e2'] = jnp.zeros((H * H,), jnp.float32)
    # NNConv bias
    inp['b_conv'] = jnp.zeros((H,), jnp.float32)
    # GRU(H, H)
    inp['W_ih'] = jax.random.normal(ks[6], (H, 3 * H), dtype=jnp.float32) * s
    inp['W_hh'] = jax.random.normal(ks[7], (H, 3 * H), dtype=jnp.float32) * s
    inp['b_ih'] = jnp.zeros((3 * H,), jnp.float32)
    inp['b_hh'] = jnp.zeros((3 * H,), jnp.float32)
    # predict: LinearBn(16,16) + ReLU + Linear(16,1)
    inp['W_p1'] = jax.random.normal(ks[8], (H, H), dtype=jnp.float32) * s
    inp['b_p1'] = jnp.zeros((H,), jnp.float32)
    inp['g_p1'] = jnp.ones((H,), jnp.float32)
    inp['be_p1'] = jnp.zeros((H,), jnp.float32)
    inp['W_p2'] = jax.random.normal(ks[9], (H, 1), dtype=jnp.float32) * s
    inp['b_p2'] = jnp.zeros((1,), jnp.float32)
    return inp

def reference(node_feats, edge_feats, edge_index, W_pre, b_pre, g_pre, be_pre,
              W_e1, b_e1, g_e1, be_e1, W_e2, b_e2, g_e2, be_e2, b_conv,
              W_ih, W_hh, b_ih, b_hh, W_p1, b_p1, g_p1, be_p1, W_p2, b_p2):
    N = node_feats.shape[0]
    src = edge_index[0]
    dst = edge_index[1]
    # preprocess
    h = jax.nn.relu(_bn(node_feats @ W_pre + b_pre, g_pre, be_pre))
    hidden = h
    # edge function (edge_feats is constant across message-passing steps,
    # so the per-edge weight matrices are identical every step)
    ew = jax.nn.relu(_bn(edge_feats @ W_e1 + b_e1, g_e1, be_e1))
    ew = _bn(ew @ W_e2 + b_e2, g_e2, be_e2)
    W_edge = ew.reshape(-1, H, H)
    deg = jax.ops.segment_sum(jnp.ones((src.shape[0],), jnp.float32), dst, num_segments=N)
    denom = jnp.maximum(deg, 1.0)[:, None]
    for _ in range(6):
        x_src = h[src]
        m = jnp.einsum('ei,eio->eo', x_src, W_edge)
        neigh = jax.ops.segment_sum(m, dst, num_segments=N) / denom
        msg = jax.nn.relu(neigh + b_conv)
        # GRU step (input msg, state hidden)
        gi = msg @ W_ih + b_ih
        gh = hidden @ W_hh + b_hh
        r = jax.nn.sigmoid(gi[:, :H] + gh[:, :H])
        z = jax.nn.sigmoid(gi[:, H:2 * H] + gh[:, H:2 * H])
        n = jnp.tanh(gi[:, 2 * H:] + r * gh[:, 2 * H:])
        hidden = (1.0 - z) * n + z * hidden
        h = hidden
    out = jax.nn.relu(_bn(h @ W_p1 + b_p1, g_p1, be_p1))
    return out @ W_p2 + b_p2

if __name__ == "__main__":
    import jax
    _d = setup_inputs()
    print(jax.jit(kernel)(*tuple(_d.values())))

</pallas_src>

<mosaic_0001>
#map = affine_map<(d0, d1) -> (0, 0)>
#map1 = affine_map<(d0, d1) -> (0, 0, 0)>
module attributes {stable_mosaic.version = 14 : i64} {
  func.func @_sc_scatter(%arg0: i32, %arg1: i32, %arg2: memref<163840x16xf32, #tpu.memory_space<hbm>>, %arg3: memref<32x40x128xi32, #tpu.memory_space<hbm>>, %arg4: memref<10240x16xf32, #tpu.memory_space<hbm>>, %arg5: memref<2x10240x16xf32, #tpu.memory_space<hbm>>, %arg6: memref<40x128xi32, #tpu.memory_space<vmem>>, %arg7: memref<5120x16xf32, #tpu.memory_space<vmem>>, %arg8: memref<10240x16xf32, #tpu.memory_space<vmem_shared>>, %arg9: memref<!tpu.dma_semaphore, #tpu.memory_space<semaphore_mem>>) attributes {dimension_semantics = [#tpu.dimension_semantics<core_parallel>, #tpu.dimension_semantics<subcore_parallel>], iteration_bounds = array<i64: 2, 16>, scalar_prefetch = 0 : i64, scratch_operands = 4 : i64, tpu.core_type = #tpu.core_type<sc_vector_subcore>, window_params = [{transform_indices = #map}, {transform_indices = #map1}, {transform_indices = #map}, {transform_indices = #map1}]} {
    %mul3A = arith.constant 2 : i32
    %mul3A_0 = arith.muli %arg1, %mul3A : i32
    %add3A = arith.addi %mul3A_0, %arg0 : i32
    %mul3A_1 = arith.constant 640 : i32
    %mul3A_2 = arith.muli %arg1, %mul3A_1 : i32
    %mul3A_3 = arith.constant 640 : i32
    %mul3A_4 = arith.muli %arg1, %mul3A_3 : i32
    "tpu.region"() ({
      %run_scoped3A = tpu.sem_alloc : memref<!tpu.dma_semaphore, #tpu.memory_space<semaphore_mem>>
      %dma_start3A = arith.constant 0 : i32
      %dma_start3A_23 = tpu.memref_slice %arg8[%mul3A_4, %dma_start3A] : memref<10240x16xf32, #tpu.memory_space<vmem_shared>> -> memref<640x16xf32, #tpu.memory_space<vmem_shared>>
      %dma_start3A_24 = arith.constant 0 : i32
      %dma_start3A_25 = tpu.memref_slice %arg4[%mul3A_2, %dma_start3A_24] : memref<10240x16xf32, #tpu.memory_space<hbm>> -> memref<640x16xf32, #tpu.memory_space<hbm>>
      tpu.enqueue_dma source(%dma_start3A_25 : memref<640x16xf32, #tpu.memory_space<hbm>>) target(%dma_start3A_23 : memref<640x16xf32, #tpu.memory_space<vmem_shared>>) target_semaphore(%run_scoped3A : memref<!tpu.dma_semaphore, #tpu.memory_space<semaphore_mem>>)
      %dma_wait3A = arith.constant 0 : i32
      %dma_wait3A_26 = tpu.memref_slice %arg8[%mul3A_4, %dma_wait3A] : memref<10240x16xf32, #tpu.memory_space<vmem_shared>> -> memref<640x16xf32, #tpu.memory_space<vmem_shared>>
      %dma_wait3A_27 = arith.constant 0 : i32
      %dma_wait3A_28 = tpu.memref_slice %arg4[%mul3A_2, %dma_wait3A_27] : memref<10240x16xf32, #tpu.memory_space<hbm>> -> memref<640x16xf32, #tpu.memory_space<hbm>>
      tpu.wait_dma2 semaphore(%run_scoped3A : memref<!tpu.dma_semaphore, #tpu.memory_space<semaphore_mem>>) src(%dma_wait3A_28 : memref<640x16xf32, #tpu.memory_space<hbm>>) dst(%dma_wait3A_26 : memref<640x16xf32, #tpu.memory_space<vmem_shared>>)
      tpu.yield
    }) : () -> ()
    "tpu.region"() ({
      %run_scoped3A = tpu.sem_alloc : memref<!tpu.dma_semaphore, #tpu.memory_space<semaphore_mem>>
      %dma_start3A = arith.constant 0 : i32
      %dma_start3A_23 = arith.constant 0 : i32
      %dma_start3A_24 = tpu.memref_slice %arg3[%add3A, %dma_start3A, %dma_start3A_23] : memref<32x40x128xi32, #tpu.memory_space<hbm>> -> memref<1x40x128xi32, #tpu.memory_space<hbm>>
      %dma_start3A_25 = tpu.memref_squeeze %dma_start3A_24 : memref<1x40x128xi32, #tpu.memory_space<hbm>> -> memref<40x128xi32, #tpu.memory_space<hbm>>
      %dma_start3A_26 = arith.constant 0 : i32
      %dma_start3A_27 = arith.constant 0 : i32
      %dma_start3A_28 = tpu.memref_slice %arg3[%add3A, %dma_start3A_26, %dma_start3A_27] : memref<32x40x128xi32, #tpu.memory_space<hbm>> -> memref<1x40x128xi32, #tpu.memory_space<hbm>>
      %dma_start3A_29 = tpu.memref_squeeze %dma_start3A_28 : memref<1x40x128xi32, #tpu.memory_space<hbm>> -> memref<40x128xi32, #tpu.memory_space<hbm>>
      tpu.enqueue_dma source(%dma_start3A_29 : memref<40x128xi32, #tpu.memory_space<hbm>>) target(%arg6 : memref<40x128xi32, #tpu.memory_space<vmem>>) target_semaphore(%run_scoped3A : memref<!tpu.dma_semaphore, #tpu.memory_space<semaphore_mem>>)
      %dma_wait3A = arith.constant 0 : i32
      %dma_wait3A_30 = arith.constant 0 : i32
      %dma_wait3A_31 = tpu.memref_slice %arg3[%add3A, %dma_wait3A, %dma_wait3A_30] : memref<32x40x128xi32, #tpu.memory_space<hbm>> -> memref<1x40x128xi32, #tpu.memory_space<hbm>>
      %dma_wait3A_32 = tpu.memref_squeeze %dma_wait3A_31 : memref<1x40x128xi32, #tpu.memory_space<hbm>> -> memref<40x128xi32, #tpu.memory_space<hbm>>
      %dma_wait3A_33 = arith.constant 0 : i32
      %dma_wait3A_34 = arith.constant 0 : i32
      %dma_wait3A_35 = tpu.memref_slice %arg3[%add3A, %dma_wait3A_33, %dma_wait3A_34] : memref<32x40x128xi32, #tpu.memory_space<hbm>> -> memref<1x40x128xi32, #tpu.memory_space<hbm>>
      %dma_wait3A_36 = tpu.memref_squeeze %dma_wait3A_35 : memref<1x40x128xi32, #tpu.memory_space<hbm>> -> memref<40x128xi32, #tpu.memory_space<hbm>>
      tpu.wait_dma2 semaphore(%run_scoped3A : memref<!tpu.dma_semaphore, #tpu.memory_space<semaphore_mem>>) src(%dma_wait3A_36 : memref<40x128xi32, #tpu.memory_space<hbm>>) dst(%arg6 : memref<40x128xi32, #tpu.memory_space<vmem>>)
      tpu.yield
    }) : () -> ()
    %mul3A_5 = arith.constant 5120 : i32
    %mul3A_6 = arith.muli %add3A, %mul3A_5 : i32
    "tpu.region"() ({
      %run_scoped3A = tpu.sem_alloc : memref<!tpu.dma_semaphore, #tpu.memory_space<semaphore_mem>>
      %dma_start3A = arith.constant 0 : i32
      %dma_start3A_23 = tpu.memref_slice %arg2[%mul3A_6, %dma_start3A] : memref<163840x16xf32, #tpu.memory_space<hbm>> -> memref<5120x16xf32, #tpu.memory_space<hbm>>
      %dma_start3A_24 = arith.constant 0 : i32
      %dma_start3A_25 = tpu.memref_slice %arg2[%mul3A_6, %dma_start3A_24] : memref<163840x16xf32, #tpu.memory_space<hbm>> -> memref<5120x16xf32, #tpu.memory_space<hbm>>
      tpu.enqueue_dma source(%dma_start3A_25 : memref<5120x16xf32, #tpu.memory_space<hbm>>) target(%arg7 : memref<5120x16xf32, #tpu.memory_space<vmem>>) target_semaphore(%run_scoped3A : memref<!tpu.dma_semaphore, #tpu.memory_space<semaphore_mem>>)
      %dma_wait3A = arith.constant 0 : i32
      %dma_wait3A_26 = tpu.memref_slice %arg2[%mul3A_6, %dma_wait3A] : memref<163840x16xf32, #tpu.memory_space<hbm>> -> memref<5120x16xf32, #tpu.memory_space<hbm>>
      %dma_wait3A_27 = arith.constant 0 : i32
      %dma_wait3A_28 = tpu.memref_slice %arg2[%mul3A_6, %dma_wait3A_27] : memref<163840x16xf32, #tpu.memory_space<hbm>> -> memref<5120x16xf32, #tpu.memory_space<hbm>>
      tpu.wait_dma2 semaphore(%run_scoped3A : memref<!tpu.dma_semaphore, #tpu.memory_space<semaphore_mem>>) src(%dma_wait3A_28 : memref<5120x16xf32, #tpu.memory_space<hbm>>) dst(%arg7 : memref<5120x16xf32, #tpu.memory_space<vmem>>)
      tpu.yield
    }) : () -> ()
    %barrier3A = arith.constant 0 : index
    tpu.barrier barrier_id(%barrier3A)
    %scan3A = arith.constant 0 : i32
    %scan3A_7 = arith.constant 0 : i32
    %scan3A_8 = arith.constant 40 : i32
    %scan3A_9 = arith.addi %scan3A_7, %scan3A_8 : i32
    %scan3A_10 = arith.constant 1 : i32
    scf.for %scan3A_23 = %scan3A_7 to %scan3A_9 step %scan3A_10  : i32 {
      %mul3A_24 = arith.constant 128 : i32
      %mul3A_25 = arith.muli %scan3A_23, %mul3A_24 : i32
      %dma_start3A = arith.constant 0 : i32
      %dma_start3A_26 = tpu.memref_slice %arg7[%mul3A_25, %dma_start3A] : memref<5120x16xf32, #tpu.memory_space<vmem>> -> memref<128x16xf32, #tpu.memory_space<vmem>>
      %dma_start3A_27 = arith.constant 0 : i32
      %dma_start3A_28 = tpu.memref_slice %arg6[%scan3A_23, %dma_start3A_27] : memref<40x128xi32, #tpu.memory_space<vmem>> -> memref<1x128xi32, #tpu.memory_space<vmem>>
      %dma_start3A_29 = tpu.memref_squeeze %dma_start3A_28 : memref<1x128xi32, #tpu.memory_space<vmem>> -> memref<128xi32, #tpu.memory_space<vmem>>
      %dma_start3A_30 = arith.constant 0 : i32
      %dma_start3A_31 = arith.constant 0 : i32
      %dma_start3A_32 = tpu.memref_slice %arg8[%dma_start3A_30, %dma_start3A_31] : memref<10240x16xf32, #tpu.memory_space<vmem_shared>> -> memref<10240x16xf32, #tpu.memory_space<vmem_shared>>
      tpu.enqueue_indirect_dma source(%dma_start3A_26 : memref<128x16xf32, #tpu.memory_space<vmem>>) target(%dma_start3A_32 : memref<10240x16xf32, #tpu.memory_space<vmem_shared>>) offsets(%dma_start3A_29 : memref<128xi32, #tpu.memory_space<vmem>>) semaphore(%arg9 : memref<!tpu.dma_semaphore, #tpu.memory_space<semaphore_mem>>) {add = true}
    }
    %scan3A_11 = arith.constant 40 : i32
    %scan3A_12 = arith.constant 0 : i32
    %scan3A_13 = arith.constant 0 : i32
    %scan3A_14 = arith.constant 40 : i32
    %scan3A_15 = arith.addi %scan3A_13, %scan3A_14 : i32
    %scan3A_16 = arith.constant 1 : i32
    scf.for %scan3A_23 = %scan3A_13 to %scan3A_15 step %scan3A_16  : i32 {
      %mul3A_24 = arith.constant 128 : i32
      %mul3A_25 = arith.muli %scan3A_23, %mul3A_24 : i32
      %dma_wait3A = arith.constant 0 : i32
      %dma_wait3A_26 = tpu.memref_slice %arg7[%mul3A_25, %dma_wait3A] : memref<5120x16xf32, #tpu.memory_space<vmem>> -> memref<128x16xf32, #tpu.memory_space<vmem>>
      %dma_wait3A_27 = arith.constant 0 : i32
      %dma_wait3A_28 = tpu.memref_slice %arg6[%scan3A_23, %dma_wait3A_27] : memref<40x128xi32, #tpu.memory_space<vmem>> -> memref<1x128xi32, #tpu.memory_space<vmem>>
      %dma_wait3A_29 = tpu.memref_squeeze %dma_wait3A_28 : memref<1x128xi32, #tpu.memory_space<vmem>> -> memref<128xi32, #tpu.memory_space<vmem>>
      %dma_wait3A_30 = arith.constant 0 : i32
      %dma_wait3A_31 = arith.constant 0 : i32
      %dma_wait3A_32 = tpu.memref_slice %arg8[%dma_wait3A_30, %dma_wait3A_31] : memref<10240x16xf32, #tpu.memory_space<vmem_shared>> -> memref<10240x16xf32, #tpu.memory_space<vmem_shared>>
      tpu.wait_indirect_dma semaphore(%arg9 : memref<!tpu.dma_semaphore, #tpu.memory_space<semaphore_mem>>) src(%dma_wait3A_26 : memref<128x16xf32, #tpu.memory_space<vmem>>) dst(%dma_wait3A_32 : memref<10240x16xf32, #tpu.memory_space<vmem_shared>>)
    }
    %scan3A_17 = arith.constant 40 : i32
    %barrier3A_18 = arith.constant 0 : index
    tpu.barrier barrier_id(%barrier3A_18)
    %mul3A_19 = arith.constant 640 : i32
    %mul3A_20 = arith.muli %arg1, %mul3A_19 : i32
    %mul3A_21 = arith.constant 640 : i32
    %mul3A_22 = arith.muli %arg1, %mul3A_21 : i32
    "tpu.region"() ({
      %run_scoped3A = tpu.sem_alloc : memref<!tpu.dma_semaphore, #tpu.memory_space<semaphore_mem>>
      %dma_start3A = arith.constant 0 : i32
      %dma_start3A_23 = tpu.memref_slice %arg5[%arg0, %mul3A_22, %dma_start3A] : memref<2x10240x16xf32, #tpu.memory_space<hbm>> -> memref<1x640x16xf32, #tpu.memory_space<hbm>>
      %dma_start3A_24 = tpu.memref_squeeze %dma_start3A_23 : memref<1x640x16xf32, #tpu.memory_space<hbm>> -> memref<640x16xf32, #tpu.memory_space<hbm>>
      %dma_start3A_25 = arith.constant 0 : i32
      %dma_start3A_26 = tpu.memref_slice %arg8[%mul3A_20, %dma_start3A_25] : memref<10240x16xf32, #tpu.memory_space<vmem_shared>> -> memref<640x16xf32, #tpu.memory_space<vmem_shared>>
      tpu.enqueue_dma source(%dma_start3A_26 : memref<640x16xf32, #tpu.memory_space<vmem_shared>>) target(%dma_start3A_24 : memref<640x16xf32, #tpu.memory_space<hbm>>) target_semaphore(%run_scoped3A : memref<!tpu.dma_semaphore, #tpu.memory_space<semaphore_mem>>)
      %dma_wait3A = arith.constant 0 : i32
      %dma_wait3A_27 = tpu.memref_slice %arg5[%arg0, %mul3A_22, %dma_wait3A] : memref<2x10240x16xf32, #tpu.memory_space<hbm>> -> memref<1x640x16xf32, #tpu.memory_space<hbm>>
      %dma_wait3A_28 = tpu.memref_squeeze %dma_wait3A_27 : memref<1x640x16xf32, #tpu.memory_space<hbm>> -> memref<640x16xf32, #tpu.memory_space<hbm>>
      %dma_wait3A_29 = arith.constant 0 : i32
      %dma_wait3A_30 = tpu.memref_slice %arg8[%mul3A_20, %dma_wait3A_29] : memref<10240x16xf32, #tpu.memory_space<vmem_shared>> -> memref<640x16xf32, #tpu.memory_space<vmem_shared>>
      tpu.wait_dma2 semaphore(%run_scoped3A : memref<!tpu.dma_semaphore, #tpu.memory_space<semaphore_mem>>) src(%dma_wait3A_30 : memref<640x16xf32, #tpu.memory_space<vmem_shared>>) dst(%dma_wait3A_28 : memref<640x16xf32, #tpu.memory_space<hbm>>)
      tpu.yield
    }) : () -> ()
    return
  }
}

#map = affine_map<(d0, d1) -> (0, 0)>
#map1 = affine_map<(d0, d1) -> (0, 0, 0)>
module attributes {stable_mosaic.version = 14 : i64} {
  func.func @_sc_gather(%arg0: i32, %arg1: i32, %arg2: memref<10240x16xf32, #tpu.memory_space<hbm>>, %arg3: memref<32x40x128xi32, #tpu.memory_space<hbm>>, %arg4: memref<163840x16xf32, #tpu.memory_space<hbm>>, %arg5: memref<40x128xi32, #tpu.memory_space<vmem>>, %arg6: memref<5120x16xf32, #tpu.memory_space<vmem>>, %arg7: memref<10240x16xf32, #tpu.memory_space<vmem_shared>>, %arg8: memref<!tpu.dma_semaphore, #tpu.memory_space<semaphore_mem>>) attributes {dimension_semantics = [#tpu.dimension_semantics<core_parallel>, #tpu.dimension_semantics<subcore_parallel>], iteration_bounds = array<i64: 2, 16>, scalar_prefetch = 0 : i64, scratch_operands = 4 : i64, tpu.core_type = #tpu.core_type<sc_vector_subcore>, window_params = [{transform_indices = #map}, {transform_indices = #map1}, {transform_indices = #map}]} {
    %mul3A = arith.constant 2 : i32
    %mul3A_0 = arith.muli %arg1, %mul3A : i32
    %add3A = arith.addi %mul3A_0, %arg0 : i32
    %mul3A_1 = arith.constant 640 : i32
    %mul3A_2 = arith.muli %arg1, %mul3A_1 : i32
    %mul3A_3 = arith.constant 640 : i32
    %mul3A_4 = arith.muli %arg1, %mul3A_3 : i32
    "tpu.region"() ({
      %run_scoped3A = tpu.sem_alloc : memref<!tpu.dma_semaphore, #tpu.memory_space<semaphore_mem>>
      %dma_start3A = arith.constant 0 : i32
      %dma_start3A_18 = tpu.memref_slice %arg7[%mul3A_4, %dma_start3A] : memref<10240x16xf32, #tpu.memory_space<vmem_shared>> -> memref<640x16xf32, #tpu.memory_space<vmem_shared>>
      %dma_start3A_19 = arith.constant 0 : i32
      %dma_start3A_20 = tpu.memref_slice %arg2[%mul3A_2, %dma_start3A_19] : memref<10240x16xf32, #tpu.memory_space<hbm>> -> memref<640x16xf32, #tpu.memory_space<hbm>>
      tpu.enqueue_dma source(%dma_start3A_20 : memref<640x16xf32, #tpu.memory_space<hbm>>) target(%dma_start3A_18 : memref<640x16xf32, #tpu.memory_space<vmem_shared>>) target_semaphore(%run_scoped3A : memref<!tpu.dma_semaphore, #tpu.memory_space<semaphore_mem>>)
      %dma_wait3A = arith.constant 0 : i32
      %dma_wait3A_21 = tpu.memref_slice %arg7[%mul3A_4, %dma_wait3A] : memref<10240x16xf32, #tpu.memory_space<vmem_shared>> -> memref<640x16xf32, #tpu.memory_space<vmem_shared>>
      %dma_wait3A_22 = arith.constant 0 : i32
      %dma_wait3A_23 = tpu.memref_slice %arg2[%mul3A_2, %dma_wait3A_22] : memref<10240x16xf32, #tpu.memory_space<hbm>> -> memref<640x16xf32, #tpu.memory_space<hbm>>
      tpu.wait_dma2 semaphore(%run_scoped3A : memref<!tpu.dma_semaphore, #tpu.memory_space<semaphore_mem>>) src(%dma_wait3A_23 : memref<640x16xf32, #tpu.memory_space<hbm>>) dst(%dma_wait3A_21 : memref<640x16xf32, #tpu.memory_space<vmem_shared>>)
      tpu.yield
    }) : () -> ()
    "tpu.region"() ({
      %run_scoped3A = tpu.sem_alloc : memref<!tpu.dma_semaphore, #tpu.memory_space<semaphore_mem>>
      %dma_start3A = arith.constant 0 : i32
      %dma_start3A_18 = arith.constant 0 : i32
      %dma_start3A_19 = tpu.memref_slice %arg3[%add3A, %dma_start3A, %dma_start3A_18] : memref<32x40x128xi32, #tpu.memory_space<hbm>> -> memref<1x40x128xi32, #tpu.memory_space<hbm>>
      %dma_start3A_20 = tpu.memref_squeeze %dma_start3A_19 : memref<1x40x128xi32, #tpu.memory_space<hbm>> -> memref<40x128xi32, #tpu.memory_space<hbm>>
      %dma_start3A_21 = arith.constant 0 : i32
      %dma_start3A_22 = arith.constant 0 : i32
      %dma_start3A_23 = tpu.memref_slice %arg3[%add3A, %dma_start3A_21, %dma_start3A_22] : memref<32x40x128xi32, #tpu.memory_space<hbm>> -> memref<1x40x128xi32, #tpu.memory_space<hbm>>
      %dma_start3A_24 = tpu.memref_squeeze %dma_start3A_23 : memref<1x40x128xi32, #tpu.memory_space<hbm>> -> memref<40x128xi32, #tpu.memory_space<hbm>>
      tpu.enqueue_dma source(%dma_start3A_24 : memref<40x128xi32, #tpu.memory_space<hbm>>) target(%arg5 : memref<40x128xi32, #tpu.memory_space<vmem>>) target_semaphore(%run_scoped3A : memref<!tpu.dma_semaphore, #tpu.memory_space<semaphore_mem>>)
      %dma_wait3A = arith.constant 0 : i32
      %dma_wait3A_25 = arith.constant 0 : i32
      %dma_wait3A_26 = tpu.memref_slice %arg3[%add3A, %dma_wait3A, %dma_wait3A_25] : memref<32x40x128xi32, #tpu.memory_space<hbm>> -> memref<1x40x128xi32, #tpu.memory_space<hbm>>
      %dma_wait3A_27 = tpu.memref_squeeze %dma_wait3A_26 : memref<1x40x128xi32, #tpu.memory_space<hbm>> -> memref<40x128xi32, #tpu.memory_space<hbm>>
      %dma_wait3A_28 = arith.constant 0 : i32
      %dma_wait3A_29 = arith.constant 0 : i32
      %dma_wait3A_30 = tpu.memref_slice %arg3[%add3A, %dma_wait3A_28, %dma_wait3A_29] : memref<32x40x128xi32, #tpu.memory_space<hbm>> -> memref<1x40x128xi32, #tpu.memory_space<hbm>>
      %dma_wait3A_31 = tpu.memref_squeeze %dma_wait3A_30 : memref<1x40x128xi32, #tpu.memory_space<hbm>> -> memref<40x128xi32, #tpu.memory_space<hbm>>
      tpu.wait_dma2 semaphore(%run_scoped3A : memref<!tpu.dma_semaphore, #tpu.memory_space<semaphore_mem>>) src(%dma_wait3A_31 : memref<40x128xi32, #tpu.memory_space<hbm>>) dst(%arg5 : memref<40x128xi32, #tpu.memory_space<vmem>>)
      tpu.yield
    }) : () -> ()
    %barrier3A = arith.constant 0 : index
    tpu.barrier barrier_id(%barrier3A)
    %scan3A = arith.constant 0 : i32
    %scan3A_5 = arith.constant 0 : i32
    %scan3A_6 = arith.constant 40 : i32
    %scan3A_7 = arith.addi %scan3A_5, %scan3A_6 : i32
    %scan3A_8 = arith.constant 1 : i32
    scf.for %scan3A_18 = %scan3A_5 to %scan3A_7 step %scan3A_8  : i32 {
      %mul3A_19 = arith.constant 128 : i32
      %mul3A_20 = arith.muli %scan3A_18, %mul3A_19 : i32
      %dma_start3A = arith.constant 0 : i32
      %dma_start3A_21 = tpu.memref_slice %arg6[%mul3A_20, %dma_start3A] : memref<5120x16xf32, #tpu.memory_space<vmem>> -> memref<128x16xf32, #tpu.memory_space<vmem>>
      %dma_start3A_22 = arith.constant 0 : i32
      %dma_start3A_23 = tpu.memref_slice %arg5[%scan3A_18, %dma_start3A_22] : memref<40x128xi32, #tpu.memory_space<vmem>> -> memref<1x128xi32, #tpu.memory_space<vmem>>
      %dma_start3A_24 = tpu.memref_squeeze %dma_start3A_23 : memref<1x128xi32, #tpu.memory_space<vmem>> -> memref<128xi32, #tpu.memory_space<vmem>>
      %dma_start3A_25 = arith.constant 0 : i32
      %dma_start3A_26 = arith.constant 0 : i32
      %dma_start3A_27 = tpu.memref_slice %arg7[%dma_start3A_25, %dma_start3A_26] : memref<10240x16xf32, #tpu.memory_space<vmem_shared>> -> memref<10240x16xf32, #tpu.memory_space<vmem_shared>>
      tpu.enqueue_indirect_dma source(%dma_start3A_27 : memref<10240x16xf32, #tpu.memory_space<vmem_shared>>) target(%dma_start3A_21 : memref<128x16xf32, #tpu.memory_space<vmem>>) offsets(%dma_start3A_24 : memref<128xi32, #tpu.memory_space<vmem>>) semaphore(%arg8 : memref<!tpu.dma_semaphore, #tpu.memory_space<semaphore_mem>>)
    }
    %scan3A_9 = arith.constant 40 : i32
    %scan3A_10 = arith.constant 0 : i32
    %scan3A_11 = arith.constant 0 : i32
    %scan3A_12 = arith.constant 40 : i32
    %scan3A_13 = arith.addi %scan3A_11, %scan3A_12 : i32
    %scan3A_14 = arith.constant 1 : i32
    scf.for %scan3A_18 = %scan3A_11 to %scan3A_13 step %scan3A_14  : i32 {
      %mul3A_19 = arith.constant 128 : i32
      %mul3A_20 = arith.muli %scan3A_18, %mul3A_19 : i32
      %dma_wait3A = arith.constant 0 : i32
      %dma_wait3A_21 = tpu.memref_slice %arg6[%mul3A_20, %dma_wait3A] : memref<5120x16xf32, #tpu.memory_space<vmem>> -> memref<128x16xf32, #tpu.memory_space<vmem>>
      %dma_wait3A_22 = arith.constant 0 : i32
      %dma_wait3A_23 = tpu.memref_slice %arg5[%scan3A_18, %dma_wait3A_22] : memref<40x128xi32, #tpu.memory_space<vmem>> -> memref<1x128xi32, #tpu.memory_space<vmem>>
      %dma_wait3A_24 = tpu.memref_squeeze %dma_wait3A_23 : memref<1x128xi32, #tpu.memory_space<vmem>> -> memref<128xi32, #tpu.memory_space<vmem>>
      %dma_wait3A_25 = arith.constant 0 : i32
      %dma_wait3A_26 = arith.constant 0 : i32
      %dma_wait3A_27 = tpu.memref_slice %arg7[%dma_wait3A_25, %dma_wait3A_26] : memref<10240x16xf32, #tpu.memory_space<vmem_shared>> -> memref<10240x16xf32, #tpu.memory_space<vmem_shared>>
      tpu.wait_indirect_dma semaphore(%arg8 : memref<!tpu.dma_semaphore, #tpu.memory_space<semaphore_mem>>) src(%dma_wait3A_27 : memref<10240x16xf32, #tpu.memory_space<vmem_shared>>) dst(%dma_wait3A_21 : memref<128x16xf32, #tpu.memory_space<vmem>>)
    }
    %scan3A_15 = arith.constant 40 : i32
    %mul3A_16 = arith.constant 5120 : i32
    %mul3A_17 = arith.muli %add3A, %mul3A_16 : i32
    "tpu.region"() ({
      %run_scoped3A = tpu.sem_alloc : memref<!tpu.dma_semaphore, #tpu.memory_space<semaphore_mem>>
      %dma_start3A = arith.constant 0 : i32
      %dma_start3A_18 = tpu.memref_slice %arg4[%mul3A_17, %dma_start3A] : memref<163840x16xf32, #tpu.memory_space<hbm>> -> memref<5120x16xf32, #tpu.memory_space<hbm>>
      %dma_start3A_19 = arith.constant 0 : i32
      %dma_start3A_20 = tpu.memref_slice %arg4[%mul3A_17, %dma_start3A_19] : memref<163840x16xf32, #tpu.memory_space<hbm>> -> memref<5120x16xf32, #tpu.memory_space<hbm>>
      tpu.enqueue_dma source(%arg6 : memref<5120x16xf32, #tpu.memory_space<vmem>>) target(%dma_start3A_20 : memref<5120x16xf32, #tpu.memory_space<hbm>>) target_semaphore(%run_scoped3A : memref<!tpu.dma_semaphore, #tpu.memory_space<semaphore_mem>>)
      %dma_wait3A = arith.constant 0 : i32
      %dma_wait3A_21 = tpu.memref_slice %arg4[%mul3A_17, %dma_wait3A] : memref<163840x16xf32, #tpu.memory_space<hbm>> -> memref<5120x16xf32, #tpu.memory_space<hbm>>
      %dma_wait3A_22 = arith.constant 0 : i32
      %dma_wait3A_23 = tpu.memref_slice %arg4[%mul3A_17, %dma_wait3A_22] : memref<163840x16xf32, #tpu.memory_space<hbm>> -> memref<5120x16xf32, #tpu.memory_space<hbm>>
      tpu.wait_dma2 semaphore(%run_scoped3A : memref<!tpu.dma_semaphore, #tpu.memory_space<semaphore_mem>>) src(%arg6 : memref<5120x16xf32, #tpu.memory_space<vmem>>) dst(%dma_wait3A_23 : memref<5120x16xf32, #tpu.memory_space<hbm>>)
      tpu.yield
    }) : () -> ()
    return
  }
}

#map = affine_map<(d0, d1) -> (0, 0)>
#map1 = affine_map<(d0, d1) -> (0, 0, 0)>
module attributes {stable_mosaic.version = 14 : i64} {
  func.func @_sc_degree(%arg0: i32, %arg1: i32, %arg2: memref<128x16xf32, #tpu.memory_space<hbm>>, %arg3: memref<32x40x128xi32, #tpu.memory_space<hbm>>, %arg4: memref<10240x16xf32, #tpu.memory_space<hbm>>, %arg5: memref<2x10240x16xf32, #tpu.memory_space<hbm>>, %arg6: memref<40x128xi32, #tpu.memory_space<vmem>>, %arg7: memref<128x16xf32, #tpu.memory_space<vmem>>, %arg8: memref<10240x16xf32, #tpu.memory_space<vmem_shared>>) attributes {dimension_semantics = [#tpu.dimension_semantics<core_parallel>, #tpu.dimension_semantics<subcore_parallel>], iteration_bounds = array<i64: 2, 16>, scalar_prefetch = 0 : i64, scratch_operands = 3 : i64, tpu.core_type = #tpu.core_type<sc_vector_subcore>, window_params = [{transform_indices = #map}, {transform_indices = #map1}, {transform_indices = #map}, {transform_indices = #map1}]} {
    %mul3A = arith.constant 2 : i32
    %mul3A_0 = arith.muli %arg1, %mul3A : i32
    %add3A = arith.addi %mul3A_0, %arg0 : i32
    %mul3A_1 = arith.constant 640 : i32
    %mul3A_2 = arith.muli %arg1, %mul3A_1 : i32
    %mul3A_3 = arith.constant 640 : i32
    %mul3A_4 = arith.muli %arg1, %mul3A_3 : i32
    "tpu.region"() ({
      %run_scoped3A = tpu.sem_alloc : memref<!tpu.dma_semaphore, #tpu.memory_space<semaphore_mem>>
      %dma_start3A = arith.constant 0 : i32
      %dma_start3A_15 = tpu.memref_slice %arg8[%mul3A_4, %dma_start3A] : memref<10240x16xf32, #tpu.memory_space<vmem_shared>> -> memref<640x16xf32, #tpu.memory_space<vmem_shared>>
      %dma_start3A_16 = arith.constant 0 : i32
      %dma_start3A_17 = tpu.memref_slice %arg4[%mul3A_2, %dma_start3A_16] : memref<10240x16xf32, #tpu.memory_space<hbm>> -> memref<640x16xf32, #tpu.memory_space<hbm>>
      tpu.enqueue_dma source(%dma_start3A_17 : memref<640x16xf32, #tpu.memory_space<hbm>>) target(%dma_start3A_15 : memref<640x16xf32, #tpu.memory_space<vmem_shared>>) target_semaphore(%run_scoped3A : memref<!tpu.dma_semaphore, #tpu.memory_space<semaphore_mem>>)
      %dma_wait3A = arith.constant 0 : i32
      %dma_wait3A_18 = tpu.memref_slice %arg8[%mul3A_4, %dma_wait3A] : memref<10240x16xf32, #tpu.memory_space<vmem_shared>> -> memref<640x16xf32, #tpu.memory_space<vmem_shared>>
      %dma_wait3A_19 = arith.constant 0 : i32
      %dma_wait3A_20 = tpu.memref_slice %arg4[%mul3A_2, %dma_wait3A_19] : memref<10240x16xf32, #tpu.memory_space<hbm>> -> memref<640x16xf32, #tpu.memory_space<hbm>>
      tpu.wait_dma2 semaphore(%run_scoped3A : memref<!tpu.dma_semaphore, #tpu.memory_space<semaphore_mem>>) src(%dma_wait3A_20 : memref<640x16xf32, #tpu.memory_space<hbm>>) dst(%dma_wait3A_18 : memref<640x16xf32, #tpu.memory_space<vmem_shared>>)
      tpu.yield
    }) : () -> ()
    "tpu.region"() ({
      %run_scoped3A = tpu.sem_alloc : memref<!tpu.dma_semaphore, #tpu.memory_space<semaphore_mem>>
      %dma_start3A = arith.constant 0 : i32
      %dma_start3A_15 = arith.constant 0 : i32
      %dma_start3A_16 = tpu.memref_slice %arg3[%add3A, %dma_start3A, %dma_start3A_15] : memref<32x40x128xi32, #tpu.memory_space<hbm>> -> memref<1x40x128xi32, #tpu.memory_space<hbm>>
      %dma_start3A_17 = tpu.memref_squeeze %dma_start3A_16 : memref<1x40x128xi32, #tpu.memory_space<hbm>> -> memref<40x128xi32, #tpu.memory_space<hbm>>
      %dma_start3A_18 = arith.constant 0 : i32
      %dma_start3A_19 = arith.constant 0 : i32
      %dma_start3A_20 = tpu.memref_slice %arg3[%add3A, %dma_start3A_18, %dma_start3A_19] : memref<32x40x128xi32, #tpu.memory_space<hbm>> -> memref<1x40x128xi32, #tpu.memory_space<hbm>>
      %dma_start3A_21 = tpu.memref_squeeze %dma_start3A_20 : memref<1x40x128xi32, #tpu.memory_space<hbm>> -> memref<40x128xi32, #tpu.memory_space<hbm>>
      tpu.enqueue_dma source(%dma_start3A_21 : memref<40x128xi32, #tpu.memory_space<hbm>>) target(%arg6 : memref<40x128xi32, #tpu.memory_space<vmem>>) target_semaphore(%run_scoped3A : memref<!tpu.dma_semaphore, #tpu.memory_space<semaphore_mem>>)
      %dma_wait3A = arith.constant 0 : i32
      %dma_wait3A_22 = arith.constant 0 : i32
      %dma_wait3A_23 = tpu.memref_slice %arg3[%add3A, %dma_wait3A, %dma_wait3A_22] : memref<32x40x128xi32, #tpu.memory_space<hbm>> -> memref<1x40x128xi32, #tpu.memory_space<hbm>>
      %dma_wait3A_24 = tpu.memref_squeeze %dma_wait3A_23 : memref<1x40x128xi32, #tpu.memory_space<hbm>> -> memref<40x128xi32, #tpu.memory_space<hbm>>
      %dma_wait3A_25 = arith.constant 0 : i32
      %dma_wait3A_26 = arith.constant 0 : i32
      %dma_wait3A_27 = tpu.memref_slice %arg3[%add3A, %dma_wait3A_25, %dma_wait3A_26] : memref<32x40x128xi32, #tpu.memory_space<hbm>> -> memref<1x40x128xi32, #tpu.memory_space<hbm>>
      %dma_wait3A_28 = tpu.memref_squeeze %dma_wait3A_27 : memref<1x40x128xi32, #tpu.memory_space<hbm>> -> memref<40x128xi32, #tpu.memory_space<hbm>>
      tpu.wait_dma2 semaphore(%run_scoped3A : memref<!tpu.dma_semaphore, #tpu.memory_space<semaphore_mem>>) src(%dma_wait3A_28 : memref<40x128xi32, #tpu.memory_space<hbm>>) dst(%arg6 : memref<40x128xi32, #tpu.memory_space<vmem>>)
      tpu.yield
    }) : () -> ()
    "tpu.region"() ({
      %run_scoped3A = tpu.sem_alloc : memref<!tpu.dma_semaphore, #tpu.memory_space<semaphore_mem>>
      tpu.enqueue_dma source(%arg2 : memref<128x16xf32, #tpu.memory_space<hbm>>) target(%arg7 : memref<128x16xf32, #tpu.memory_space<vmem>>) target_semaphore(%run_scoped3A : memref<!tpu.dma_semaphore, #tpu.memory_space<semaphore_mem>>)
      tpu.wait_dma2 semaphore(%run_scoped3A : memref<!tpu.dma_semaphore, #tpu.memory_space<semaphore_mem>>) src(%arg2 : memref<128x16xf32, #tpu.memory_space<hbm>>) dst(%arg7 : memref<128x16xf32, #tpu.memory_space<vmem>>)
      tpu.yield
    }) : () -> ()
    %barrier3A = arith.constant 0 : index
    tpu.barrier barrier_id(%barrier3A)
    %scan3A = arith.constant 0 : i32
    %scan3A_5 = arith.constant 0 : i32
    %scan3A_6 = arith.constant 40 : i32
    %scan3A_7 = arith.addi %scan3A_5, %scan3A_6 : i32
    %scan3A_8 = arith.constant 1 : i32
    scf.for %scan3A_15 = %scan3A_5 to %scan3A_7 step %scan3A_8  : i32 {
      "tpu.region"() ({
        %run_scoped3A = tpu.sem_alloc : memref<!tpu.dma_semaphore, #tpu.memory_space<semaphore_mem>>
        %dma_start3A = arith.constant 0 : i32
        %dma_start3A_16 = tpu.memref_slice %arg6[%scan3A_15, %dma_start3A] : memref<40x128xi32, #tpu.memory_space<vmem>> -> memref<1x128xi32, #tpu.memory_space<vmem>>
        %dma_start3A_17 = tpu.memref_squeeze %dma_start3A_16 : memref<1x128xi32, #tpu.memory_space<vmem>> -> memref<128xi32, #tpu.memory_space<vmem>>
        %dma_start3A_18 = arith.constant 0 : i32
        %dma_start3A_19 = arith.constant 0 : i32
        %dma_start3A_20 = tpu.memref_slice %arg8[%dma_start3A_18, %dma_start3A_19] : memref<10240x16xf32, #tpu.memory_space<vmem_shared>> -> memref<10240x16xf32, #tpu.memory_space<vmem_shared>>
        tpu.enqueue_indirect_dma source(%arg7 : memref<128x16xf32, #tpu.memory_space<vmem>>) target(%dma_start3A_20 : memref<10240x16xf32, #tpu.memory_space<vmem_shared>>) offsets(%dma_start3A_17 : memref<128xi32, #tpu.memory_space<vmem>>) semaphore(%run_scoped3A : memref<!tpu.dma_semaphore, #tpu.memory_space<semaphore_mem>>) {add = true}
        %dma_wait3A = arith.constant 0 : i32
        %dma_wait3A_21 = tpu.memref_slice %arg6[%scan3A_15, %dma_wait3A] : memref<40x128xi32, #tpu.memory_space<vmem>> -> memref<1x128xi32, #tpu.memory_space<vmem>>
        %dma_wait3A_22 = tpu.memref_squeeze %dma_wait3A_21 : memref<1x128xi32, #tpu.memory_space<vmem>> -> memref<128xi32, #tpu.memory_space<vmem>>
        %dma_wait3A_23 = arith.constant 0 : i32
        %dma_wait3A_24 = arith.constant 0 : i32
        %dma_wait3A_25 = tpu.memref_slice %arg8[%dma_wait3A_23, %dma_wait3A_24] : memref<10240x16xf32, #tpu.memory_space<vmem_shared>> -> memref<10240x16xf32, #tpu.memory_space<vmem_shared>>
        tpu.wait_indirect_dma semaphore(%run_scoped3A : memref<!tpu.dma_semaphore, #tpu.memory_space<semaphore_mem>>) src(%arg7 : memref<128x16xf32, #tpu.memory_space<vmem>>) dst(%dma_wait3A_25 : memref<10240x16xf32, #tpu.memory_space<vmem_shared>>)
        tpu.yield
      }) : () -> ()
    }
    %scan3A_9 = arith.constant 40 : i32
    %barrier3A_10 = arith.constant 0 : index
    tpu.barrier barrier_id(%barrier3A_10)
    %mul3A_11 = arith.constant 640 : i32
    %mul3A_12 = arith.muli %arg1, %mul3A_11 : i32
    %mul3A_13 = arith.constant 640 : i32
    %mul3A_14 = arith.muli %arg1, %mul3A_13 : i32
    "tpu.region"() ({
      %run_scoped3A = tpu.sem_alloc : memref<!tpu.dma_semaphore, #tpu.memory_space<semaphore_mem>>
      %dma_start3A = arith.constant 0 : i32
      %dma_start3A_15 = tpu.memref_slice %arg5[%arg0, %mul3A_14, %dma_start3A] : memref<2x10240x16xf32, #tpu.memory_space<hbm>> -> memref<1x640x16xf32, #tpu.memory_space<hbm>>
      %dma_start3A_16 = tpu.memref_squeeze %dma_start3A_15 : memref<1x640x16xf32, #tpu.memory_space<hbm>> -> memref<640x16xf32, #tpu.memory_space<hbm>>
      %dma_start3A_17 = arith.constant 0 : i32
      %dma_start3A_18 = tpu.memref_slice %arg8[%mul3A_12, %dma_start3A_17] : memref<10240x16xf32, #tpu.memory_space<vmem_shared>> -> memref<640x16xf32, #tpu.memory_space<vmem_shared>>
      tpu.enqueue_dma source(%dma_start3A_18 : memref<640x16xf32, #tpu.memory_space<vmem_shared>>) target(%dma_start3A_16 : memref<640x16xf32, #tpu.memory_space<hbm>>) target_semaphore(%run_scoped3A : memref<!tpu.dma_semaphore, #tpu.memory_space<semaphore_mem>>)
      %dma_wait3A = arith.constant 0 : i32
      %dma_wait3A_19 = tpu.memref_slice %arg5[%arg0, %mul3A_14, %dma_wait3A] : memref<2x10240x16xf32, #tpu.memory_space<hbm>> -> memref<1x640x16xf32, #tpu.memory_space<hbm>>
      %dma_wait3A_20 = tpu.memref_squeeze %dma_wait3A_19 : memref<1x640x16xf32, #tpu.memory_space<hbm>> -> memref<640x16xf32, #tpu.memory_space<hbm>>
      %dma_wait3A_21 = arith.constant 0 : i32
      %dma_wait3A_22 = tpu.memref_slice %arg8[%mul3A_12, %dma_wait3A_21] : memref<10240x16xf32, #tpu.memory_space<vmem_shared>> -> memref<640x16xf32, #tpu.memory_space<vmem_shared>>
      tpu.wait_dma2 semaphore(%run_scoped3A : memref<!tpu.dma_semaphore, #tpu.memory_space<semaphore_mem>>) src(%dma_wait3A_22 : memref<640x16xf32, #tpu.memory_space<vmem_shared>>) dst(%dma_wait3A_20 : memref<640x16xf32, #tpu.memory_space<hbm>>)
      tpu.yield
    }) : () -> ()
    return
  }
}

#map = affine_map<(d0, d1) -> (0, 0)>
#map1 = affine_map<(d0, d1) -> (0, 0, 0)>
module attributes {stable_mosaic.version = 14 : i64} {
  func.func @_sc_gather(%arg0: i32, %arg1: i32, %arg2: memref<10240x16xf32, #tpu.memory_space<hbm>>, %arg3: memref<32x40x128xi32, #tpu.memory_space<hbm>>, %arg4: memref<163840x16xf32, #tpu.memory_space<hbm>>, %arg5: memref<40x128xi32, #tpu.memory_space<vmem>>, %arg6: memref<5120x16xf32, #tpu.memory_space<vmem>>, %arg7: memref<10240x16xf32, #tpu.memory_space<vmem_shared>>, %arg8: memref<!tpu.dma_semaphore, #tpu.memory_space<semaphore_mem>>) attributes {dimension_semantics = [#tpu.dimension_semantics<core_parallel>, #tpu.dimension_semantics<subcore_parallel>], iteration_bounds = array<i64: 2, 16>, scalar_prefetch = 0 : i64, scratch_operands = 4 : i64, tpu.core_type = #tpu.core_type<sc_vector_subcore>, window_params = [{transform_indices = #map}, {transform_indices = #map1}, {transform_indices = #map}]} {
    %mul3A = arith.constant 2 : i32
    %mul3A_0 = arith.muli %arg1, %mul3A : i32
    %add3A = arith.addi %mul3A_0, %arg0 : i32
    %mul3A_1 = arith.constant 640 : i32
    %mul3A_2 = arith.muli %arg1, %mul3A_1 : i32
    %mul3A_3 = arith.constant 640 : i32
    %mul3A_4 = arith.muli %arg1, %mul3A_3 : i32
    "tpu.region"() ({
      %run_scoped3A = tpu.sem_alloc : memref<!tpu.dma_semaphore, #tpu.memory_space<semaphore_mem>>
      %dma_start3A = arith.constant 0 : i32
      %dma_start3A_18 = tpu.memref_slice %arg7[%mul3A_4, %dma_start3A] : memref<10240x16xf32, #tpu.memory_space<vmem_shared>> -> memref<640x16xf32, #tpu.memory_space<vmem_shared>>
      %dma_start3A_19 = arith.constant 0 : i32
      %dma_start3A_20 = tpu.memref_slice %arg2[%mul3A_2, %dma_start3A_19] : memref<10240x16xf32, #tpu.memory_space<hbm>> -> memref<640x16xf32, #tpu.memory_space<hbm>>
      tpu.enqueue_dma source(%dma_start3A_20 : memref<640x16xf32, #tpu.memory_space<hbm>>) target(%dma_start3A_18 : memref<640x16xf32, #tpu.memory_space<vmem_shared>>) target_semaphore(%run_scoped3A : memref<!tpu.dma_semaphore, #tpu.memory_space<semaphore_mem>>)
      %dma_wait3A = arith.constant 0 : i32
      %dma_wait3A_21 = tpu.memref_slice %arg7[%mul3A_4, %dma_wait3A] : memref<10240x16xf32, #tpu.memory_space<vmem_shared>> -> memref<640x16xf32, #tpu.memory_space<vmem_shared>>
      %dma_wait3A_22 = arith.constant 0 : i32
      %dma_wait3A_23 = tpu.memref_slice %arg2[%mul3A_2, %dma_wait3A_22] : memref<10240x16xf32, #tpu.memory_space<hbm>> -> memref<640x16xf32, #tpu.memory_space<hbm>>
      tpu.wait_dma2 semaphore(%run_scoped3A : memref<!tpu.dma_semaphore, #tpu.memory_space<semaphore_mem>>) src(%dma_wait3A_23 : memref<640x16xf32, #tpu.memory_space<hbm>>) dst(%dma_wait3A_21 : memref<640x16xf32, #tpu.memory_space<vmem_shared>>)
      tpu.yield
    }) : () -> ()
    "tpu.region"() ({
      %run_scoped3A = tpu.sem_alloc : memref<!tpu.dma_semaphore, #tpu.memory_space<semaphore_mem>>
      %dma_start3A = arith.constant 0 : i32
      %dma_start3A_18 = arith.constant 0 : i32
      %dma_start3A_19 = tpu.memref_slice %arg3[%add3A, %dma_start3A, %dma_start3A_18] : memref<32x40x128xi32, #tpu.memory_space<hbm>> -> memref<1x40x128xi32, #tpu.memory_space<hbm>>
      %dma_start3A_20 = tpu.memref_squeeze %dma_start3A_19 : memref<1x40x128xi32, #tpu.memory_space<hbm>> -> memref<40x128xi32, #tpu.memory_space<hbm>>
      %dma_start3A_21 = arith.constant 0 : i32
      %dma_start3A_22 = arith.constant 0 : i32
      %dma_start3A_23 = tpu.memref_slice %arg3[%add3A, %dma_start3A_21, %dma_start3A_22] : memref<32x40x128xi32, #tpu.memory_space<hbm>> -> memref<1x40x128xi32, #tpu.memory_space<hbm>>
      %dma_start3A_24 = tpu.memref_squeeze %dma_start3A_23 : memref<1x40x128xi32, #tpu.memory_space<hbm>> -> memref<40x128xi32, #tpu.memory_space<hbm>>
      tpu.enqueue_dma source(%dma_start3A_24 : memref<40x128xi32, #tpu.memory_space<hbm>>) target(%arg5 : memref<40x128xi32, #tpu.memory_space<vmem>>) target_semaphore(%run_scoped3A : memref<!tpu.dma_semaphore, #tpu.memory_space<semaphore_mem>>)
      %dma_wait3A = arith.constant 0 : i32
      %dma_wait3A_25 = arith.constant 0 : i32
      %dma_wait3A_26 = tpu.memref_slice %arg3[%add3A, %dma_wait3A, %dma_wait3A_25] : memref<32x40x128xi32, #tpu.memory_space<hbm>> -> memref<1x40x128xi32, #tpu.memory_space<hbm>>
      %dma_wait3A_27 = tpu.memref_squeeze %dma_wait3A_26 : memref<1x40x128xi32, #tpu.memory_space<hbm>> -> memref<40x128xi32, #tpu.memory_space<hbm>>
      %dma_wait3A_28 = arith.constant 0 : i32
      %dma_wait3A_29 = arith.constant 0 : i32
      %dma_wait3A_30 = tpu.memref_slice %arg3[%add3A, %dma_wait3A_28, %dma_wait3A_29] : memref<32x40x128xi32, #tpu.memory_space<hbm>> -> memref<1x40x128xi32, #tpu.memory_space<hbm>>
      %dma_wait3A_31 = tpu.memref_squeeze %dma_wait3A_30 : memref<1x40x128xi32, #tpu.memory_space<hbm>> -> memref<40x128xi32, #tpu.memory_space<hbm>>
      tpu.wait_dma2 semaphore(%run_scoped3A : memref<!tpu.dma_semaphore, #tpu.memory_space<semaphore_mem>>) src(%dma_wait3A_31 : memref<40x128xi32, #tpu.memory_space<hbm>>) dst(%arg5 : memref<40x128xi32, #tpu.memory_space<vmem>>)
      tpu.yield
    }) : () -> ()
    %barrier3A = arith.constant 0 : index
    tpu.barrier barrier_id(%barrier3A)
    %scan3A = arith.constant 0 : i32
    %scan3A_5 = arith.constant 0 : i32
    %scan3A_6 = arith.constant 40 : i32
    %scan3A_7 = arith.addi %scan3A_5, %scan3A_6 : i32
    %scan3A_8 = arith.constant 1 : i32
    scf.for %scan3A_18 = %scan3A_5 to %scan3A_7 step %scan3A_8  : i32 {
      %mul3A_19 = arith.constant 128 : i32
      %mul3A_20 = arith.muli %scan3A_18, %mul3A_19 : i32
      %dma_start3A = arith.constant 0 : i32
      %dma_start3A_21 = tpu.memref_slice %arg6[%mul3A_20, %dma_start3A] : memref<5120x16xf32, #tpu.memory_space<vmem>> -> memref<128x16xf32, #tpu.memory_space<vmem>>
      %dma_start3A_22 = arith.constant 0 : i32
      %dma_start3A_23 = tpu.memref_slice %arg5[%scan3A_18, %dma_start3A_22] : memref<40x128xi32, #tpu.memory_space<vmem>> -> memref<1x128xi32, #tpu.memory_space<vmem>>
      %dma_start3A_24 = tpu.memref_squeeze %dma_start3A_23 : memref<1x128xi32, #tpu.memory_space<vmem>> -> memref<128xi32, #tpu.memory_space<vmem>>
      %dma_start3A_25 = arith.constant 0 : i32
      %dma_start3A_26 = arith.constant 0 : i32
      %dma_start3A_27 = tpu.memref_slice %arg7[%dma_start3A_25, %dma_start3A_26] : memref<10240x16xf32, #tpu.memory_space<vmem_shared>> -> memref<10240x16xf32, #tpu.memory_space<vmem_shared>>
      tpu.enqueue_indirect_dma source(%dma_start3A_27 : memref<10240x16xf32, #tpu.memory_space<vmem_shared>>) target(%dma_start3A_21 : memref<128x16xf32, #tpu.memory_space<vmem>>) offsets(%dma_start3A_24 : memref<128xi32, #tpu.memory_space<vmem>>) semaphore(%arg8 : memref<!tpu.dma_semaphore, #tpu.memory_space<semaphore_mem>>)
    }
    %scan3A_9 = arith.constant 40 : i32
    %scan3A_10 = arith.constant 0 : i32
    %scan3A_11 = arith.constant 0 : i32
    %scan3A_12 = arith.constant 40 : i32
    %scan3A_13 = arith.addi %scan3A_11, %scan3A_12 : i32
    %scan3A_14 = arith.constant 1 : i32
    scf.for %scan3A_18 = %scan3A_11 to %scan3A_13 step %scan3A_14  : i32 {
      %mul3A_19 = arith.constant 128 : i32
      %mul3A_20 = arith.muli %scan3A_18, %mul3A_19 : i32
      %dma_wait3A = arith.constant 0 : i32
      %dma_wait3A_21 = tpu.memref_slice %arg6[%mul3A_20, %dma_wait3A] : memref<5120x16xf32, #tpu.memory_space<vmem>> -> memref<128x16xf32, #tpu.memory_space<vmem>>
      %dma_wait3A_22 = arith.constant 0 : i32
      %dma_wait3A_23 = tpu.memref_slice %arg5[%scan3A_18, %dma_wait3A_22] : memref<40x128xi32, #tpu.memory_space<vmem>> -> memref<1x128xi32, #tpu.memory_space<vmem>>
      %dma_wait3A_24 = tpu.memref_squeeze %dma_wait3A_23 : memref<1x128xi32, #tpu.memory_space<vmem>> -> memref<128xi32, #tpu.memory_space<vmem>>
      %dma_wait3A_25 = arith.constant 0 : i32
      %dma_wait3A_26 = arith.constant 0 : i32
      %dma_wait3A_27 = tpu.memref_slice %arg7[%dma_wait3A_25, %dma_wait3A_26] : memref<10240x16xf32, #tpu.memory_space<vmem_shared>> -> memref<10240x16xf32, #tpu.memory_space<vmem_shared>>
      tpu.wait_indirect_dma semaphore(%arg8 : memref<!tpu.dma_semaphore, #tpu.memory_space<semaphore_mem>>) src(%dma_wait3A_27 : memref<10240x16xf32, #tpu.memory_space<vmem_shared>>) dst(%dma_wait3A_21 : memref<128x16xf32, #tpu.memory_space<vmem>>)
    }
    %scan3A_15 = arith.constant 40 : i32
    %mul3A_16 = arith.constant 5120 : i32
    %mul3A_17 = arith.muli %add3A, %mul3A_16 : i32
    "tpu.region"() ({
      %run_scoped3A = tpu.sem_alloc : memref<!tpu.dma_semaphore, #tpu.memory_space<semaphore_mem>>
      %dma_start3A = arith.constant 0 : i32
      %dma_start3A_18 = tpu.memref_slice %arg4[%mul3A_17, %dma_start3A] : memref<163840x16xf32, #tpu.memory_space<hbm>> -> memref<5120x16xf32, #tpu.memory_space<hbm>>
      %dma_start3A_19 = arith.constant 0 : i32
      %dma_start3A_20 = tpu.memref_slice %arg4[%mul3A_17, %dma_start3A_19] : memref<163840x16xf32, #tpu.memory_space<hbm>> -> memref<5120x16xf32, #tpu.memory_space<hbm>>
      tpu.enqueue_dma source(%arg6 : memref<5120x16xf32, #tpu.memory_space<vmem>>) target(%dma_start3A_20 : memref<5120x16xf32, #tpu.memory_space<hbm>>) target_semaphore(%run_scoped3A : memref<!tpu.dma_semaphore, #tpu.memory_space<semaphore_mem>>)
      %dma_wait3A = arith.constant 0 : i32
      %dma_wait3A_21 = tpu.memref_slice %arg4[%mul3A_17, %dma_wait3A] : memref<163840x16xf32, #tpu.memory_space<hbm>> -> memref<5120x16xf32, #tpu.memory_space<hbm>>
      %dma_wait3A_22 = arith.constant 0 : i32
      %dma_wait3A_23 = tpu.memref_slice %arg4[%mul3A_17, %dma_wait3A_22] : memref<163840x16xf32, #tpu.memory_space<hbm>> -> memref<5120x16xf32, #tpu.memory_space<hbm>>
      tpu.wait_dma2 semaphore(%run_scoped3A : memref<!tpu.dma_semaphore, #tpu.memory_space<semaphore_mem>>) src(%arg6 : memref<5120x16xf32, #tpu.memory_space<vmem>>) dst(%dma_wait3A_23 : memref<5120x16xf32, #tpu.memory_space<hbm>>)
      tpu.yield
    }) : () -> ()
    return
  }
}

#map = affine_map<(d0, d1) -> (0, 0)>
#map1 = affine_map<(d0, d1) -> (0, 0, 0)>
module attributes {stable_mosaic.version = 14 : i64} {
  func.func @_sc_scatter(%arg0: i32, %arg1: i32, %arg2: memref<163840x16xf32, #tpu.memory_space<hbm>>, %arg3: memref<32x40x128xi32, #tpu.memory_space<hbm>>, %arg4: memref<10240x16xf32, #tpu.memory_space<hbm>>, %arg5: memref<2x10240x16xf32, #tpu.memory_space<hbm>>, %arg6: memref<40x128xi32, #tpu.memory_space<vmem>>, %arg7: memref<5120x16xf32, #tpu.memory_space<vmem>>, %arg8: memref<10240x16xf32, #tpu.memory_space<vmem_shared>>, %arg9: memref<!tpu.dma_semaphore, #tpu.memory_space<semaphore_mem>>) attributes {dimension_semantics = [#tpu.dimension_semantics<core_parallel>, #tpu.dimension_semantics<subcore_parallel>], iteration_bounds = array<i64: 2, 16>, scalar_prefetch = 0 : i64, scratch_operands = 4 : i64, tpu.core_type = #tpu.core_type<sc_vector_subcore>, window_params = [{transform_indices = #map}, {transform_indices = #map1}, {transform_indices = #map}, {transform_indices = #map1}]} {
    %mul3A = arith.constant 2 : i32
    %mul3A_0 = arith.muli %arg1, %mul3A : i32
    %add3A = arith.addi %mul3A_0, %arg0 : i32
    %mul3A_1 = arith.constant 640 : i32
    %mul3A_2 = arith.muli %arg1, %mul3A_1 : i32
    %mul3A_3 = arith.constant 640 : i32
    %mul3A_4 = arith.muli %arg1, %mul3A_3 : i32
    "tpu.region"() ({
      %run_scoped3A = tpu.sem_alloc : memref<!tpu.dma_semaphore, #tpu.memory_space<semaphore_mem>>
      %dma_start3A = arith.constant 0 : i32
      %dma_start3A_23 = tpu.memref_slice %arg8[%mul3A_4, %dma_start3A] : memref<10240x16xf32, #tpu.memory_space<vmem_shared>> -> memref<640x16xf32, #tpu.memory_space<vmem_shared>>
      %dma_start3A_24 = arith.constant 0 : i32
      %dma_start3A_25 = tpu.memref_slice %arg4[%mul3A_2, %dma_start3A_24] : memref<10240x16xf32, #tpu.memory_space<hbm>> -> memref<640x16xf32, #tpu.memory_space<hbm>>
      tpu.enqueue_dma source(%dma_start3A_25 : memref<640x16xf32, #tpu.memory_space<hbm>>) target(%dma_start3A_23 : memref<640x16xf32, #tpu.memory_space<vmem_shared>>) target_semaphore(%run_scoped3A : memref<!tpu.dma_semaphore, #tpu.memory_space<semaphore_mem>>)
      %dma_wait3A = arith.constant 0 : i32
      %dma_wait3A_26 = tpu.memref_slice %arg8[%mul3A_4, %dma_wait3A] : memref<10240x16xf32, #tpu.memory_space<vmem_shared>> -> memref<640x16xf32, #tpu.memory_space<vmem_shared>>
      %dma_wait3A_27 = arith.constant 0 : i32
      %dma_wait3A_28 = tpu.memref_slice %arg4[%mul3A_2, %dma_wait3A_27] : memref<10240x16xf32, #tpu.memory_space<hbm>> -> memref<640x16xf32, #tpu.memory_space<hbm>>
      tpu.wait_dma2 semaphore(%run_scoped3A : memref<!tpu.dma_semaphore, #tpu.memory_space<semaphore_mem>>) src(%dma_wait3A_28 : memref<640x16xf32, #tpu.memory_space<hbm>>) dst(%dma_wait3A_26 : memref<640x16xf32, #tpu.memory_space<vmem_shared>>)
      tpu.yield
    }) : () -> ()
    "tpu.region"() ({
      %run_scoped3A = tpu.sem_alloc : memref<!tpu.dma_semaphore, #tpu.memory_space<semaphore_mem>>
      %dma_start3A = arith.constant 0 : i32
      %dma_start3A_23 = arith.constant 0 : i32
      %dma_start3A_24 = tpu.memref_slice %arg3[%add3A, %dma_start3A, %dma_start3A_23] : memref<32x40x128xi32, #tpu.memory_space<hbm>> -> memref<1x40x128xi32, #tpu.memory_space<hbm>>
      %dma_start3A_25 = tpu.memref_squeeze %dma_start3A_24 : memref<1x40x128xi32, #tpu.memory_space<hbm>> -> memref<40x128xi32, #tpu.memory_space<hbm>>
      %dma_start3A_26 = arith.constant 0 : i32
      %dma_start3A_27 = arith.constant 0 : i32
      %dma_start3A_28 = tpu.memref_slice %arg3[%add3A, %dma_start3A_26, %dma_start3A_27] : memref<32x40x128xi32, #tpu.memory_space<hbm>> -> memref<1x40x128xi32, #tpu.memory_space<hbm>>
      %dma_start3A_29 = tpu.memref_squeeze %dma_start3A_28 : memref<1x40x128xi32, #tpu.memory_space<hbm>> -> memref<40x128xi32, #tpu.memory_space<hbm>>
      tpu.enqueue_dma source(%dma_start3A_29 : memref<40x128xi32, #tpu.memory_space<hbm>>) target(%arg6 : memref<40x128xi32, #tpu.memory_space<vmem>>) target_semaphore(%run_scoped3A : memref<!tpu.dma_semaphore, #tpu.memory_space<semaphore_mem>>)
      %dma_wait3A = arith.constant 0 : i32
      %dma_wait3A_30 = arith.constant 0 : i32
      %dma_wait3A_31 = tpu.memref_slice %arg3[%add3A, %dma_wait3A, %dma_wait3A_30] : memref<32x40x128xi32, #tpu.memory_space<hbm>> -> memref<1x40x128xi32, #tpu.memory_space<hbm>>
      %dma_wait3A_32 = tpu.memref_squeeze %dma_wait3A_31 : memref<1x40x128xi32, #tpu.memory_space<hbm>> -> memref<40x128xi32, #tpu.memory_space<hbm>>
      %dma_wait3A_33 = arith.constant 0 : i32
      %dma_wait3A_34 = arith.constant 0 : i32
      %dma_wait3A_35 = tpu.memref_slice %arg3[%add3A, %dma_wait3A_33, %dma_wait3A_34] : memref<32x40x128xi32, #tpu.memory_space<hbm>> -> memref<1x40x128xi32, #tpu.memory_space<hbm>>
      %dma_wait3A_36 = tpu.memref_squeeze %dma_wait3A_35 : memref<1x40x128xi32, #tpu.memory_space<hbm>> -> memref<40x128xi32, #tpu.memory_space<hbm>>
      tpu.wait_dma2 semaphore(%run_scoped3A : memref<!tpu.dma_semaphore, #tpu.memory_space<semaphore_mem>>) src(%dma_wait3A_36 : memref<40x128xi32, #tpu.memory_space<hbm>>) dst(%arg6 : memref<40x128xi32, #tpu.memory_space<vmem>>)
      tpu.yield
    }) : () -> ()
    %mul3A_5 = arith.constant 5120 : i32
    %mul3A_6 = arith.muli %add3A, %mul3A_5 : i32
    "tpu.region"() ({
      %run_scoped3A = tpu.sem_alloc : memref<!tpu.dma_semaphore, #tpu.memory_space<semaphore_mem>>
      %dma_start3A = arith.constant 0 : i32
      %dma_start3A_23 = tpu.memref_slice %arg2[%mul3A_6, %dma_start3A] : memref<163840x16xf32, #tpu.memory_space<hbm>> -> memref<5120x16xf32, #tpu.memory_space<hbm>>
      %dma_start3A_24 = arith.constant 0 : i32
      %dma_start3A_25 = tpu.memref_slice %arg2[%mul3A_6, %dma_start3A_24] : memref<163840x16xf32, #tpu.memory_space<hbm>> -> memref<5120x16xf32, #tpu.memory_space<hbm>>
      tpu.enqueue_dma source(%dma_start3A_25 : memref<5120x16xf32, #tpu.memory_space<hbm>>) target(%arg7 : memref<5120x16xf32, #tpu.memory_space<vmem>>) target_semaphore(%run_scoped3A : memref<!tpu.dma_semaphore, #tpu.memory_space<semaphore_mem>>)
      %dma_wait3A = arith.constant 0 : i32
      %dma_wait3A_26 = tpu.memref_slice %arg2[%mul3A_6, %dma_wait3A] : memref<163840x16xf32, #tpu.memory_space<hbm>> -> memref<5120x16xf32, #tpu.memory_space<hbm>>
      %dma_wait3A_27 = arith.constant 0 : i32
      %dma_wait3A_28 = tpu.memref_slice %arg2[%mul3A_6, %dma_wait3A_27] : memref<163840x16xf32, #tpu.memory_space<hbm>> -> memref<5120x16xf32, #tpu.memory_space<hbm>>
      tpu.wait_dma2 semaphore(%run_scoped3A : memref<!tpu.dma_semaphore, #tpu.memory_space<semaphore_mem>>) src(%dma_wait3A_28 : memref<5120x16xf32, #tpu.memory_space<hbm>>) dst(%arg7 : memref<5120x16xf32, #tpu.memory_space<vmem>>)
      tpu.yield
    }) : () -> ()
    %barrier3A = arith.constant 0 : index
    tpu.barrier barrier_id(%barrier3A)
    %scan3A = arith.constant 0 : i32
    %scan3A_7 = arith.constant 0 : i32
    %scan3A_8 = arith.constant 40 : i32
    %scan3A_9 = arith.addi %scan3A_7, %scan3A_8 : i32
    %scan3A_10 = arith.constant 1 : i32
    scf.for %scan3A_23 = %scan3A_7 to %scan3A_9 step %scan3A_10  : i32 {
      %mul3A_24 = arith.constant 128 : i32
      %mul3A_25 = arith.muli %scan3A_23, %mul3A_24 : i32
      %dma_start3A = arith.constant 0 : i32
      %dma_start3A_26 = tpu.memref_slice %arg7[%mul3A_25, %dma_start3A] : memref<5120x16xf32, #tpu.memory_space<vmem>> -> memref<128x16xf32, #tpu.memory_space<vmem>>
      %dma_start3A_27 = arith.constant 0 : i32
      %dma_start3A_28 = tpu.memref_slice %arg6[%scan3A_23, %dma_start3A_27] : memref<40x128xi32, #tpu.memory_space<vmem>> -> memref<1x128xi32, #tpu.memory_space<vmem>>
      %dma_start3A_29 = tpu.memref_squeeze %dma_start3A_28 : memref<1x128xi32, #tpu.memory_space<vmem>> -> memref<128xi32, #tpu.memory_space<vmem>>
      %dma_start3A_30 = arith.constant 0 : i32
      %dma_start3A_31 = arith.constant 0 : i32
      %dma_start3A_32 = tpu.memref_slice %arg8[%dma_start3A_30, %dma_start3A_31] : memref<10240x16xf32, #tpu.memory_space<vmem_shared>> -> memref<10240x16xf32, #tpu.memory_space<vmem_shared>>
      tpu.enqueue_indirect_dma source(%dma_start3A_26 : memref<128x16xf32, #tpu.memory_space<vmem>>) target(%dma_start3A_32 : memref<10240x16xf32, #tpu.memory_space<vmem_shared>>) offsets(%dma_start3A_29 : memref<128xi32, #tpu.memory_space<vmem>>) semaphore(%arg9 : memref<!tpu.dma_semaphore, #tpu.memory_space<semaphore_mem>>) {add = true}
    }
    %scan3A_11 = arith.constant 40 : i32
    %scan3A_12 = arith.constant 0 : i32
    %scan3A_13 = arith.constant 0 : i32
    %scan3A_14 = arith.constant 40 : i32
    %scan3A_15 = arith.addi %scan3A_13, %scan3A_14 : i32
    %scan3A_16 = arith.constant 1 : i32
    scf.for %scan3A_23 = %scan3A_13 to %scan3A_15 step %scan3A_16  : i32 {
      %mul3A_24 = arith.constant 128 : i32
      %mul3A_25 = arith.muli %scan3A_23, %mul3A_24 : i32
      %dma_wait3A = arith.constant 0 : i32
      %dma_wait3A_26 = tpu.memref_slice %arg7[%mul3A_25, %dma_wait3A] : memref<5120x16xf32, #tpu.memory_space<vmem>> -> memref<128x16xf32, #tpu.memory_space<vmem>>
      %dma_wait3A_27 = arith.constant 0 : i32
      %dma_wait3A_28 = tpu.memref_slice %arg6[%scan3A_23, %dma_wait3A_27] : memref<40x128xi32, #tpu.memory_space<vmem>> -> memref<1x128xi32, #tpu.memory_space<vmem>>
      %dma_wait3A_29 = tpu.memref_squeeze %dma_wait3A_28 : memref<1x128xi32, #tpu.memory_space<vmem>> -> memref<128xi32, #tpu.memory_space<vmem>>
      %dma_wait3A_30 = arith.constant 0 : i32
      %dma_wait3A_31 = arith.constant 0 : i32
      %dma_wait3A_32 = tpu.memref_slice %arg8[%dma_wait3A_30, %dma_wait3A_31] : memref<10240x16xf32, #tpu.memory_space<vmem_shared>> -> memref<10240x16xf32, #tpu.memory_space<vmem_shared>>
      tpu.wait_indirect_dma semaphore(%arg9 : memref<!tpu.dma_semaphore, #tpu.memory_space<semaphore_mem>>) src(%dma_wait3A_26 : memref<128x16xf32, #tpu.memory_space<vmem>>) dst(%dma_wait3A_32 : memref<10240x16xf32, #tpu.memory_space<vmem_shared>>)
    }
    %scan3A_17 = arith.constant 40 : i32
    %barrier3A_18 = arith.constant 0 : index
    tpu.barrier barrier_id(%barrier3A_18)
    %mul3A_19 = arith.constant 640 : i32
    %mul3A_20 = arith.muli %arg1, %mul3A_19 : i32
    %mul3A_21 = arith.constant 640 : i32
    %mul3A_22 = arith.muli %arg1, %mul3A_21 : i32
    "tpu.region"() ({
      %run_scoped3A = tpu.sem_alloc : memref<!tpu.dma_semaphore, #tpu.memory_space<semaphore_mem>>
      %dma_start3A = arith.constant 0 : i32
      %dma_start3A_23 = tpu.memref_slice %arg5[%arg0, %mul3A_22, %dma_start3A] : memref<2x10240x16xf32, #tpu.memory_space<hbm>> -> memref<1x640x16xf32, #tpu.memory_space<hbm>>
      %dma_start3A_24 = tpu.memref_squeeze %dma_start3A_23 : memref<1x640x16xf32, #tpu.memory_space<hbm>> -> memref<640x16xf32, #tpu.memory_space<hbm>>
      %dma_start3A_25 = arith.constant 0 : i32
      %dma_start3A_26 = tpu.memref_slice %arg8[%mul3A_20, %dma_start3A_25] : memref<10240x16xf32, #tpu.memory_space<vmem_shared>> -> memref<640x16xf32, #tpu.memory_space<vmem_shared>>
      tpu.enqueue_dma source(%dma_start3A_26 : memref<640x16xf32, #tpu.memory_space<vmem_shared>>) target(%dma_start3A_24 : memref<640x16xf32, #tpu.memory_space<hbm>>) target_semaphore(%run_scoped3A : memref<!tpu.dma_semaphore, #tpu.memory_space<semaphore_mem>>)
      %dma_wait3A = arith.constant 0 : i32
      %dma_wait3A_27 = tpu.memref_slice %arg5[%arg0, %mul3A_22, %dma_wait3A] : memref<2x10240x16xf32, #tpu.memory_space<hbm>> -> memref<1x640x16xf32, #tpu.memory_space<hbm>>
      %dma_wait3A_28 = tpu.memref_squeeze %dma_wait3A_27 : memref<1x640x16xf32, #tpu.memory_space<hbm>> -> memref<640x16xf32, #tpu.memory_space<hbm>>
      %dma_wait3A_29 = arith.constant 0 : i32
      %dma_wait3A_30 = tpu.memref_slice %arg8[%mul3A_20, %dma_wait3A_29] : memref<10240x16xf32, #tpu.memory_space<vmem_shared>> -> memref<640x16xf32, #tpu.memory_space<vmem_shared>>
      tpu.wait_dma2 semaphore(%run_scoped3A : memref<!tpu.dma_semaphore, #tpu.memory_space<semaphore_mem>>) src(%dma_wait3A_30 : memref<640x16xf32, #tpu.memory_space<vmem_shared>>) dst(%dma_wait3A_28 : memref<640x16xf32, #tpu.memory_space<hbm>>)
      tpu.yield
    }) : () -> ()
    return
  }
}

#map = affine_map<(d0, d1) -> (0, 0)>
#map1 = affine_map<(d0, d1) -> (0, 0, 0)>
module attributes {stable_mosaic.version = 14 : i64} {
  func.func @_sc_gather(%arg0: i32, %arg1: i32, %arg2: memref<10240x16xf32, #tpu.memory_space<hbm>>, %arg3: memref<32x40x128xi32, #tpu.memory_space<hbm>>, %arg4: memref<163840x16xf32, #tpu.memory_space<hbm>>, %arg5: memref<40x128xi32, #tpu.memory_space<vmem>>, %arg6: memref<5120x16xf32, #tpu.memory_space<vmem>>, %arg7: memref<10240x16xf32, #tpu.memory_space<vmem_shared>>, %arg8: memref<!tpu.dma_semaphore, #tpu.memory_space<semaphore_mem>>) attributes {dimension_semantics = [#tpu.dimension_semantics<core_parallel>, #tpu.dimension_semantics<subcore_parallel>], iteration_bounds = array<i64: 2, 16>, scalar_prefetch = 0 : i64, scratch_operands = 4 : i64, tpu.core_type = #tpu.core_type<sc_vector_subcore>, window_params = [{transform_indices = #map}, {transform_indices = #map1}, {transform_indices = #map}]} {
    %mul3A = arith.constant 2 : i32
    %mul3A_0 = arith.muli %arg1, %mul3A : i32
    %add3A = arith.addi %mul3A_0, %arg0 : i32
    %mul3A_1 = arith.constant 640 : i32
    %mul3A_2 = arith.muli %arg1, %mul3A_1 : i32
    %mul3A_3 = arith.constant 640 : i32
    %mul3A_4 = arith.muli %arg1, %mul3A_3 : i32
    "tpu.region"() ({
      %run_scoped3A = tpu.sem_alloc : memref<!tpu.dma_semaphore, #tpu.memory_space<semaphore_mem>>
      %dma_start3A = arith.constant 0 : i32
      %dma_start3A_18 = tpu.memref_slice %arg7[%mul3A_4, %dma_start3A] : memref<10240x16xf32, #tpu.memory_space<vmem_shared>> -> memref<640x16xf32, #tpu.memory_space<vmem_shared>>
      %dma_start3A_19 = arith.constant 0 : i32
      %dma_start3A_20 = tpu.memref_slice %arg2[%mul3A_2, %dma_start3A_19] : memref<10240x16xf32, #tpu.memory_space<hbm>> -> memref<640x16xf32, #tpu.memory_space<hbm>>
      tpu.enqueue_dma source(%dma_start3A_20 : memref<640x16xf32, #tpu.memory_space<hbm>>) target(%dma_start3A_18 : memref<640x16xf32, #tpu.memory_space<vmem_shared>>) target_semaphore(%run_scoped3A : memref<!tpu.dma_semaphore, #tpu.memory_space<semaphore_mem>>)
      %dma_wait3A = arith.constant 0 : i32
      %dma_wait3A_21 = tpu.memref_slice %arg7[%mul3A_4, %dma_wait3A] : memref<10240x16xf32, #tpu.memory_space<vmem_shared>> -> memref<640x16xf32, #tpu.memory_space<vmem_shared>>
      %dma_wait3A_22 = arith.constant 0 : i32
      %dma_wait3A_23 = tpu.memref_slice %arg2[%mul3A_2, %dma_wait3A_22] : memref<10240x16xf32, #tpu.memory_space<hbm>> -> memref<640x16xf32, #tpu.memory_space<hbm>>
      tpu.wait_dma2 semaphore(%run_scoped3A : memref<!tpu.dma_semaphore, #tpu.memory_space<semaphore_mem>>) src(%dma_wait3A_23 : memref<640x16xf32, #tpu.memory_space<hbm>>) dst(%dma_wait3A_21 : memref<640x16xf32, #tpu.memory_space<vmem_shared>>)
      tpu.yield
    }) : () -> ()
    "tpu.region"() ({
      %run_scoped3A = tpu.sem_alloc : memref<!tpu.dma_semaphore, #tpu.memory_space<semaphore_mem>>
      %dma_start3A = arith.constant 0 : i32
      %dma_start3A_18 = arith.constant 0 : i32
      %dma_start3A_19 = tpu.memref_slice %arg3[%add3A, %dma_start3A, %dma_start3A_18] : memref<32x40x128xi32, #tpu.memory_space<hbm>> -> memref<1x40x128xi32, #tpu.memory_space<hbm>>
      %dma_start3A_20 = tpu.memref_squeeze %dma_start3A_19 : memref<1x40x128xi32, #tpu.memory_space<hbm>> -> memref<40x128xi32, #tpu.memory_space<hbm>>
      %dma_start3A_21 = arith.constant 0 : i32
      %dma_start3A_22 = arith.constant 0 : i32
      %dma_start3A_23 = tpu.memref_slice %arg3[%add3A, %dma_start3A_21, %dma_start3A_22] : memref<32x40x128xi32, #tpu.memory_space<hbm>> -> memref<1x40x128xi32, #tpu.memory_space<hbm>>
      %dma_start3A_24 = tpu.memref_squeeze %dma_start3A_23 : memref<1x40x128xi32, #tpu.memory_space<hbm>> -> memref<40x128xi32, #tpu.memory_space<hbm>>
      tpu.enqueue_dma source(%dma_start3A_24 : memref<40x128xi32, #tpu.memory_space<hbm>>) target(%arg5 : memref<40x128xi32, #tpu.memory_space<vmem>>) target_semaphore(%run_scoped3A : memref<!tpu.dma_semaphore, #tpu.memory_space<semaphore_mem>>)
      %dma_wait3A = arith.constant 0 : i32
      %dma_wait3A_25 = arith.constant 0 : i32
      %dma_wait3A_26 = tpu.memref_slice %arg3[%add3A, %dma_wait3A, %dma_wait3A_25] : memref<32x40x128xi32, #tpu.memory_space<hbm>> -> memref<1x40x128xi32, #tpu.memory_space<hbm>>
      %dma_wait3A_27 = tpu.memref_squeeze %dma_wait3A_26 : memref<1x40x128xi32, #tpu.memory_space<hbm>> -> memref<40x128xi32, #tpu.memory_space<hbm>>
      %dma_wait3A_28 = arith.constant 0 : i32
      %dma_wait3A_29 = arith.constant 0 : i32
      %dma_wait3A_30 = tpu.memref_slice %arg3[%add3A, %dma_wait3A_28, %dma_wait3A_29] : memref<32x40x128xi32, #tpu.memory_space<hbm>> -> memref<1x40x128xi32, #tpu.memory_space<hbm>>
      %dma_wait3A_31 = tpu.memref_squeeze %dma_wait3A_30 : memref<1x40x128xi32, #tpu.memory_space<hbm>> -> memref<40x128xi32, #tpu.memory_space<hbm>>
      tpu.wait_dma2 semaphore(%run_scoped3A : memref<!tpu.dma_semaphore, #tpu.memory_space<semaphore_mem>>) src(%dma_wait3A_31 : memref<40x128xi32, #tpu.memory_space<hbm>>) dst(%arg5 : memref<40x128xi32, #tpu.memory_space<vmem>>)
      tpu.yield
    }) : () -> ()
    %barrier3A = arith.constant 0 : index
    tpu.barrier barrier_id(%barrier3A)
    %scan3A = arith.constant 0 : i32
    %scan3A_5 = arith.constant 0 : i32
    %scan3A_6 = arith.constant 40 : i32
    %scan3A_7 = arith.addi %scan3A_5, %scan3A_6 : i32
    %scan3A_8 = arith.constant 1 : i32
    scf.for %scan3A_18 = %scan3A_5 to %scan3A_7 step %scan3A_8  : i32 {
      %mul3A_19 = arith.constant 128 : i32
      %mul3A_20 = arith.muli %scan3A_18, %mul3A_19 : i32
      %dma_start3A = arith.constant 0 : i32
      %dma_start3A_21 = tpu.memref_slice %arg6[%mul3A_20, %dma_start3A] : memref<5120x16xf32, #tpu.memory_space<vmem>> -> memref<128x16xf32, #tpu.memory_space<vmem>>
      %dma_start3A_22 = arith.constant 0 : i32
      %dma_start3A_23 = tpu.memref_slice %arg5[%scan3A_18, %dma_start3A_22] : memref<40x128xi32, #tpu.memory_space<vmem>> -> memref<1x128xi32, #tpu.memory_space<vmem>>
      %dma_start3A_24 = tpu.memref_squeeze %dma_start3A_23 : memref<1x128xi32, #tpu.memory_space<vmem>> -> memref<128xi32, #tpu.memory_space<vmem>>
      %dma_start3A_25 = arith.constant 0 : i32
      %dma_start3A_26 = arith.constant 0 : i32
      %dma_start3A_27 = tpu.memref_slice %arg7[%dma_start3A_25, %dma_start3A_26] : memref<10240x16xf32, #tpu.memory_space<vmem_shared>> -> memref<10240x16xf32, #tpu.memory_space<vmem_shared>>
      tpu.enqueue_indirect_dma source(%dma_start3A_27 : memref<10240x16xf32, #tpu.memory_space<vmem_shared>>) target(%dma_start3A_21 : memref<128x16xf32, #tpu.memory_space<vmem>>) offsets(%dma_start3A_24 : memref<128xi32, #tpu.memory_space<vmem>>) semaphore(%arg8 : memref<!tpu.dma_semaphore, #tpu.memory_space<semaphore_mem>>)
    }
    %scan3A_9 = arith.constant 40 : i32
    %scan3A_10 = arith.constant 0 : i32
    %scan3A_11 = arith.constant 0 : i32
    %scan3A_12 = arith.constant 40 : i32
    %scan3A_13 = arith.addi %scan3A_11, %scan3A_12 : i32
    %scan3A_14 = arith.constant 1 : i32
    scf.for %scan3A_18 = %scan3A_11 to %scan3A_13 step %scan3A_14  : i32 {
      %mul3A_19 = arith.constant 128 : i32
      %mul3A_20 = arith.muli %scan3A_18, %mul3A_19 : i32
      %dma_wait3A = arith.constant 0 : i32
      %dma_wait3A_21 = tpu.memref_slice %arg6[%mul3A_20, %dma_wait3A] : memref<5120x16xf32, #tpu.memory_space<vmem>> -> memref<128x16xf32, #tpu.memory_space<vmem>>
      %dma_wait3A_22 = arith.constant 0 : i32
      %dma_wait3A_23 = tpu.memref_slice %arg5[%scan3A_18, %dma_wait3A_22] : memref<40x128xi32, #tpu.memory_space<vmem>> -> memref<1x128xi32, #tpu.memory_space<vmem>>
      %dma_wait3A_24 = tpu.memref_squeeze %dma_wait3A_23 : memref<1x128xi32, #tpu.memory_space<vmem>> -> memref<128xi32, #tpu.memory_space<vmem>>
      %dma_wait3A_25 = arith.constant 0 : i32
      %dma_wait3A_26 = arith.constant 0 : i32
      %dma_wait3A_27 = tpu.memref_slice %arg7[%dma_wait3A_25, %dma_wait3A_26] : memref<10240x16xf32, #tpu.memory_space<vmem_shared>> -> memref<10240x16xf32, #tpu.memory_space<vmem_shared>>
      tpu.wait_indirect_dma semaphore(%arg8 : memref<!tpu.dma_semaphore, #tpu.memory_space<semaphore_mem>>) src(%dma_wait3A_27 : memref<10240x16xf32, #tpu.memory_space<vmem_shared>>) dst(%dma_wait3A_21 : memref<128x16xf32, #tpu.memory_space<vmem>>)
    }
    %scan3A_15 = arith.constant 40 : i32
    %mul3A_16 = arith.constant 5120 : i32
    %mul3A_17 = arith.muli %add3A, %mul3A_16 : i32
    "tpu.region"() ({
      %run_scoped3A = tpu.sem_alloc : memref<!tpu.dma_semaphore, #tpu.memory_space<semaphore_mem>>
      %dma_start3A = arith.constant 0 : i32
      %dma_start3A_18 = tpu.memref_slice %arg4[%mul3A_17, %dma_start3A] : memref<163840x16xf32, #tpu.memory_space<hbm>> -> memref<5120x16xf32, #tpu.memory_space<hbm>>
      %dma_start3A_19 = arith.constant 0 : i32
      %dma_start3A_20 = tpu.memref_slice %arg4[%mul3A_17, %dma_start3A_19] : memref<163840x16xf32, #tpu.memory_space<hbm>> -> memref<5120x16xf32, #tpu.memory_space<hbm>>
      tpu.enqueue_dma source(%arg6 : memref<5120x16xf32, #tpu.memory_space<vmem>>) target(%dma_start3A_20 : memref<5120x16xf32, #tpu.memory_space<hbm>>) target_semaphore(%run_scoped3A : memref<!tpu.dma_semaphore, #tpu.memory_space<semaphore_mem>>)
      %dma_wait3A = arith.constant 0 : i32
      %dma_wait3A_21 = tpu.memref_slice %arg4[%mul3A_17, %dma_wait3A] : memref<163840x16xf32, #tpu.memory_space<hbm>> -> memref<5120x16xf32, #tpu.memory_space<hbm>>
      %dma_wait3A_22 = arith.constant 0 : i32
      %dma_wait3A_23 = tpu.memref_slice %arg4[%mul3A_17, %dma_wait3A_22] : memref<163840x16xf32, #tpu.memory_space<hbm>> -> memref<5120x16xf32, #tpu.memory_space<hbm>>
      tpu.wait_dma2 semaphore(%run_scoped3A : memref<!tpu.dma_semaphore, #tpu.memory_space<semaphore_mem>>) src(%arg6 : memref<5120x16xf32, #tpu.memory_space<vmem>>) dst(%dma_wait3A_23 : memref<5120x16xf32, #tpu.memory_space<hbm>>)
      tpu.yield
    }) : () -> ()
    return
  }
}

#map = affine_map<(d0, d1) -> (0, 0)>
#map1 = affine_map<(d0, d1) -> (0, 0, 0)>
module attributes {stable_mosaic.version = 14 : i64} {
  func.func @_sc_scatter(%arg0: i32, %arg1: i32, %arg2: memref<163840x16xf32, #tpu.memory_space<hbm>>, %arg3: memref<32x40x128xi32, #tpu.memory_space<hbm>>, %arg4: memref<10240x16xf32, #tpu.memory_space<hbm>>, %arg5: memref<2x10240x16xf32, #tpu.memory_space<hbm>>, %arg6: memref<40x128xi32, #tpu.memory_space<vmem>>, %arg7: memref<5120x16xf32, #tpu.memory_space<vmem>>, %arg8: memref<10240x16xf32, #tpu.memory_space<vmem_shared>>, %arg9: memref<!tpu.dma_semaphore, #tpu.memory_space<semaphore_mem>>) attributes {dimension_semantics = [#tpu.dimension_semantics<core_parallel>, #tpu.dimension_semantics<subcore_parallel>], iteration_bounds = array<i64: 2, 16>, scalar_prefetch = 0 : i64, scratch_operands = 4 : i64, tpu.core_type = #tpu.core_type<sc_vector_subcore>, window_params = [{transform_indices = #map}, {transform_indices = #map1}, {transform_indices = #map}, {transform_indices = #map1}]} {
    %mul3A = arith.constant 2 : i32
    %mul3A_0 = arith.muli %arg1, %mul3A : i32
    %add3A = arith.addi %mul3A_0, %arg0 : i32
    %mul3A_1 = arith.constant 640 : i32
    %mul3A_2 = arith.muli %arg1, %mul3A_1 : i32
    %mul3A_3 = arith.constant 640 : i32
    %mul3A_4 = arith.muli %arg1, %mul3A_3 : i32
    "tpu.region"() ({
      %run_scoped3A = tpu.sem_alloc : memref<!tpu.dma_semaphore, #tpu.memory_space<semaphore_mem>>
      %dma_start3A = arith.constant 0 : i32
      %dma_start3A_23 = tpu.memref_slice %arg8[%mul3A_4, %dma_start3A] : memref<10240x16xf32, #tpu.memory_space<vmem_shared>> -> memref<640x16xf32, #tpu.memory_space<vmem_shared>>
      %dma_start3A_24 = arith.constant 0 : i32
      %dma_start3A_25 = tpu.memref_slice %arg4[%mul3A_2, %dma_start3A_24] : memref<10240x16xf32, #tpu.memory_space<hbm>> -> memref<640x16xf32, #tpu.memory_space<hbm>>
      tpu.enqueue_dma source(%dma_start3A_25 : memref<640x16xf32, #tpu.memory_space<hbm>>) target(%dma_start3A_23 : memref<640x16xf32, #tpu.memory_space<vmem_shared>>) target_semaphore(%run_scoped3A : memref<!tpu.dma_semaphore, #tpu.memory_space<semaphore_mem>>)
      %dma_wait3A = arith.constant 0 : i32
      %dma_wait3A_26 = tpu.memref_slice %arg8[%mul3A_4, %dma_wait3A] : memref<10240x16xf32, #tpu.memory_space<vmem_shared>> -> memref<640x16xf32, #tpu.memory_space<vmem_shared>>
      %dma_wait3A_27 = arith.constant 0 : i32
      %dma_wait3A_28 = tpu.memref_slice %arg4[%mul3A_2, %dma_wait3A_27] : memref<10240x16xf32, #tpu.memory_space<hbm>> -> memref<640x16xf32, #tpu.memory_space<hbm>>
      tpu.wait_dma2 semaphore(%run_scoped3A : memref<!tpu.dma_semaphore, #tpu.memory_space<semaphore_mem>>) src(%dma_wait3A_28 : memref<640x16xf32, #tpu.memory_space<hbm>>) dst(%dma_wait3A_26 : memref<640x16xf32, #tpu.memory_space<vmem_shared>>)
      tpu.yield
    }) : () -> ()
    "tpu.region"() ({
      %run_scoped3A = tpu.sem_alloc : memref<!tpu.dma_semaphore, #tpu.memory_space<semaphore_mem>>
      %dma_start3A = arith.constant 0 : i32
      %dma_start3A_23 = arith.constant 0 : i32
      %dma_start3A_24 = tpu.memref_slice %arg3[%add3A, %dma_start3A, %dma_start3A_23] : memref<32x40x128xi32, #tpu.memory_space<hbm>> -> memref<1x40x128xi32, #tpu.memory_space<hbm>>
      %dma_start3A_25 = tpu.memref_squeeze %dma_start3A_24 : memref<1x40x128xi32, #tpu.memory_space<hbm>> -> memref<40x128xi32, #tpu.memory_space<hbm>>
      %dma_start3A_26 = arith.constant 0 : i32
      %dma_start3A_27 = arith.constant 0 : i32
      %dma_start3A_28 = tpu.memref_slice %arg3[%add3A, %dma_start3A_26, %dma_start3A_27] : memref<32x40x128xi32, #tpu.memory_space<hbm>> -> memref<1x40x128xi32, #tpu.memory_space<hbm>>
      %dma_start3A_29 = tpu.memref_squeeze %dma_start3A_28 : memref<1x40x128xi32, #tpu.memory_space<hbm>> -> memref<40x128xi32, #tpu.memory_space<hbm>>
      tpu.enqueue_dma source(%dma_start3A_29 : memref<40x128xi32, #tpu.memory_space<hbm>>) target(%arg6 : memref<40x128xi32, #tpu.memory_space<vmem>>) target_semaphore(%run_scoped3A : memref<!tpu.dma_semaphore, #tpu.memory_space<semaphore_mem>>)
      %dma_wait3A = arith.constant 0 : i32
      %dma_wait3A_30 = arith.constant 0 : i32
      %dma_wait3A_31 = tpu.memref_slice %arg3[%add3A, %dma_wait3A, %dma_wait3A_30] : memref<32x40x128xi32, #tpu.memory_space<hbm>> -> memref<1x40x128xi32, #tpu.memory_space<hbm>>
      %dma_wait3A_32 = tpu.memref_squeeze %dma_wait3A_31 : memref<1x40x128xi32, #tpu.memory_space<hbm>> -> memref<40x128xi32, #tpu.memory_space<hbm>>
      %dma_wait3A_33 = arith.constant 0 : i32
      %dma_wait3A_34 = arith.constant 0 : i32
      %dma_wait3A_35 = tpu.memref_slice %arg3[%add3A, %dma_wait3A_33, %dma_wait3A_34] : memref<32x40x128xi32, #tpu.memory_space<hbm>> -> memref<1x40x128xi32, #tpu.memory_space<hbm>>
      %dma_wait3A_36 = tpu.memref_squeeze %dma_wait3A_35 : memref<1x40x128xi32, #tpu.memory_space<hbm>> -> memref<40x128xi32, #tpu.memory_space<hbm>>
      tpu.wait_dma2 semaphore(%run_scoped3A : memref<!tpu.dma_semaphore, #tpu.memory_space<semaphore_mem>>) src(%dma_wait3A_36 : memref<40x128xi32, #tpu.memory_space<hbm>>) dst(%arg6 : memref<40x128xi32, #tpu.memory_space<vmem>>)
      tpu.yield
    }) : () -> ()
    %mul3A_5 = arith.constant 5120 : i32
    %mul3A_6 = arith.muli %add3A, %mul3A_5 : i32
    "tpu.region"() ({
      %run_scoped3A = tpu.sem_alloc : memref<!tpu.dma_semaphore, #tpu.memory_space<semaphore_mem>>
      %dma_start3A = arith.constant 0 : i32
      %dma_start3A_23 = tpu.memref_slice %arg2[%mul3A_6, %dma_start3A] : memref<163840x16xf32, #tpu.memory_space<hbm>> -> memref<5120x16xf32, #tpu.memory_space<hbm>>
      %dma_start3A_24 = arith.constant 0 : i32
      %dma_start3A_25 = tpu.memref_slice %arg2[%mul3A_6, %dma_start3A_24] : memref<163840x16xf32, #tpu.memory_space<hbm>> -> memref<5120x16xf32, #tpu.memory_space<hbm>>
      tpu.enqueue_dma source(%dma_start3A_25 : memref<5120x16xf32, #tpu.memory_space<hbm>>) target(%arg7 : memref<5120x16xf32, #tpu.memory_space<vmem>>) target_semaphore(%run_scoped3A : memref<!tpu.dma_semaphore, #tpu.memory_space<semaphore_mem>>)
      %dma_wait3A = arith.constant 0 : i32
      %dma_wait3A_26 = tpu.memref_slice %arg2[%mul3A_6, %dma_wait3A] : memref<163840x16xf32, #tpu.memory_space<hbm>> -> memref<5120x16xf32, #tpu.memory_space<hbm>>
      %dma_wait3A_27 = arith.constant 0 : i32
      %dma_wait3A_28 = tpu.memref_slice %arg2[%mul3A_6, %dma_wait3A_27] : memref<163840x16xf32, #tpu.memory_space<hbm>> -> memref<5120x16xf32, #tpu.memory_space<hbm>>
      tpu.wait_dma2 semaphore(%run_scoped3A : memref<!tpu.dma_semaphore, #tpu.memory_space<semaphore_mem>>) src(%dma_wait3A_28 : memref<5120x16xf32, #tpu.memory_space<hbm>>) dst(%arg7 : memref<5120x16xf32, #tpu.memory_space<vmem>>)
      tpu.yield
    }) : () -> ()
    %barrier3A = arith.constant 0 : index
    tpu.barrier barrier_id(%barrier3A)
    %scan3A = arith.constant 0 : i32
    %scan3A_7 = arith.constant 0 : i32
    %scan3A_8 = arith.constant 40 : i32
    %scan3A_9 = arith.addi %scan3A_7, %scan3A_8 : i32
    %scan3A_10 = arith.constant 1 : i32
    scf.for %scan3A_23 = %scan3A_7 to %scan3A_9 step %scan3A_10  : i32 {
      %mul3A_24 = arith.constant 128 : i32
      %mul3A_25 = arith.muli %scan3A_23, %mul3A_24 : i32
      %dma_start3A = arith.constant 0 : i32
      %dma_start3A_26 = tpu.memref_slice %arg7[%mul3A_25, %dma_start3A] : memref<5120x16xf32, #tpu.memory_space<vmem>> -> memref<128x16xf32, #tpu.memory_space<vmem>>
      %dma_start3A_27 = arith.constant 0 : i32
      %dma_start3A_28 = tpu.memref_slice %arg6[%scan3A_23, %dma_start3A_27] : memref<40x128xi32, #tpu.memory_space<vmem>> -> memref<1x128xi32, #tpu.memory_space<vmem>>
      %dma_start3A_29 = tpu.memref_squeeze %dma_start3A_28 : memref<1x128xi32, #tpu.memory_space<vmem>> -> memref<128xi32, #tpu.memory_space<vmem>>
      %dma_start3A_30 = arith.constant 0 : i32
      %dma_start3A_31 = arith.constant 0 : i32
      %dma_start3A_32 = tpu.memref_slice %arg8[%dma_start3A_30, %dma_start3A_31] : memref<10240x16xf32, #tpu.memory_space<vmem_shared>> -> memref<10240x16xf32, #tpu.memory_space<vmem_shared>>
      tpu.enqueue_indirect_dma source(%dma_start3A_26 : memref<128x16xf32, #tpu.memory_space<vmem>>) target(%dma_start3A_32 : memref<10240x16xf32, #tpu.memory_space<vmem_shared>>) offsets(%dma_start3A_29 : memref<128xi32, #tpu.memory_space<vmem>>) semaphore(%arg9 : memref<!tpu.dma_semaphore, #tpu.memory_space<semaphore_mem>>) {add = true}
    }
    %scan3A_11 = arith.constant 40 : i32
    %scan3A_12 = arith.constant 0 : i32
    %scan3A_13 = arith.constant 0 : i32
    %scan3A_14 = arith.constant 40 : i32
    %scan3A_15 = arith.addi %scan3A_13, %scan3A_14 : i32
    %scan3A_16 = arith.constant 1 : i32
    scf.for %scan3A_23 = %scan3A_13 to %scan3A_15 step %scan3A_16  : i32 {
      %mul3A_24 = arith.constant 128 : i32
      %mul3A_25 = arith.muli %scan3A_23, %mul3A_24 : i32
      %dma_wait3A = arith.constant 0 : i32
      %dma_wait3A_26 = tpu.memref_slice %arg7[%mul3A_25, %dma_wait3A] : memref<5120x16xf32, #tpu.memory_space<vmem>> -> memref<128x16xf32, #tpu.memory_space<vmem>>
      %dma_wait3A_27 = arith.constant 0 : i32
      %dma_wait3A_28 = tpu.memref_slice %arg6[%scan3A_23, %dma_wait3A_27] : memref<40x128xi32, #tpu.memory_space<vmem>> -> memref<1x128xi32, #tpu.memory_space<vmem>>
      %dma_wait3A_29 = tpu.memref_squeeze %dma_wait3A_28 : memref<1x128xi32, #tpu.memory_space<vmem>> -> memref<128xi32, #tpu.memory_space<vmem>>
      %dma_wait3A_30 = arith.constant 0 : i32
      %dma_wait3A_31 = arith.constant 0 : i32
      %dma_wait3A_32 = tpu.memref_slice %arg8[%dma_wait3A_30, %dma_wait3A_31] : memref<10240x16xf32, #tpu.memory_space<vmem_shared>> -> memref<10240x16xf32, #tpu.memory_space<vmem_shared>>
      tpu.wait_indirect_dma semaphore(%arg9 : memref<!tpu.dma_semaphore, #tpu.memory_space<semaphore_mem>>) src(%dma_wait3A_26 : memref<128x16xf32, #tpu.memory_space<vmem>>) dst(%dma_wait3A_32 : memref<10240x16xf32, #tpu.memory_space<vmem_shared>>)
    }
    %scan3A_17 = arith.constant 40 : i32
    %barrier3A_18 = arith.constant 0 : index
    tpu.barrier barrier_id(%barrier3A_18)
    %mul3A_19 = arith.constant 640 : i32
    %mul3A_20 = arith.muli %arg1, %mul3A_19 : i32
    %mul3A_21 = arith.constant 640 : i32
    %mul3A_22 = arith.muli %arg1, %mul3A_21 : i32
    "tpu.region"() ({
      %run_scoped3A = tpu.sem_alloc : memref<!tpu.dma_semaphore, #tpu.memory_space<semaphore_mem>>
      %dma_start3A = arith.constant 0 : i32
      %dma_start3A_23 = tpu.memref_slice %arg5[%arg0, %mul3A_22, %dma_start3A] : memref<2x10240x16xf32, #tpu.memory_space<hbm>> -> memref<1x640x16xf32, #tpu.memory_space<hbm>>
      %dma_start3A_24 = tpu.memref_squeeze %dma_start3A_23 : memref<1x640x16xf32, #tpu.memory_space<hbm>> -> memref<640x16xf32, #tpu.memory_space<hbm>>
      %dma_start3A_25 = arith.constant 0 : i32
      %dma_start3A_26 = tpu.memref_slice %arg8[%mul3A_20, %dma_start3A_25] : memref<10240x16xf32, #tpu.memory_space<vmem_shared>> -> memref<640x16xf32, #tpu.memory_space<vmem_shared>>
      tpu.enqueue_dma source(%dma_start3A_26 : memref<640x16xf32, #tpu.memory_space<vmem_shared>>) target(%dma_start3A_24 : memref<640x16xf32, #tpu.memory_space<hbm>>) target_semaphore(%run_scoped3A : memref<!tpu.dma_semaphore, #tpu.memory_space<semaphore_mem>>)
      %dma_wait3A = arith.constant 0 : i32
      %dma_wait3A_27 = tpu.memref_slice %arg5[%arg0, %mul3A_22, %dma_wait3A] : memref<2x10240x16xf32, #tpu.memory_space<hbm>> -> memref<1x640x16xf32, #tpu.memory_space<hbm>>
      %dma_wait3A_28 = tpu.memref_squeeze %dma_wait3A_27 : memref<1x640x16xf32, #tpu.memory_space<hbm>> -> memref<640x16xf32, #tpu.memory_space<hbm>>
      %dma_wait3A_29 = arith.constant 0 : i32
      %dma_wait3A_30 = tpu.memref_slice %arg8[%mul3A_20, %dma_wait3A_29] : memref<10240x16xf32, #tpu.memory_space<vmem_shared>> -> memref<640x16xf32, #tpu.memory_space<vmem_shared>>
      tpu.wait_dma2 semaphore(%run_scoped3A : memref<!tpu.dma_semaphore, #tpu.memory_space<semaphore_mem>>) src(%dma_wait3A_30 : memref<640x16xf32, #tpu.memory_space<vmem_shared>>) dst(%dma_wait3A_28 : memref<640x16xf32, #tpu.memory_space<hbm>>)
      tpu.yield
    }) : () -> ()
    return
  }
}

#map = affine_map<(d0, d1) -> (0, 0)>
#map1 = affine_map<(d0, d1) -> (0, 0, 0)>
module attributes {stable_mosaic.version = 14 : i64} {
  func.func @_sc_scatter(%arg0: i32, %arg1: i32, %arg2: memref<163840x16xf32, #tpu.memory_space<hbm>>, %arg3: memref<32x40x128xi32, #tpu.memory_space<hbm>>, %arg4: memref<10240x16xf32, #tpu.memory_space<hbm>>, %arg5: memref<2x10240x16xf32, #tpu.memory_space<hbm>>, %arg6: memref<40x128xi32, #tpu.memory_space<vmem>>, %arg7: memref<5120x16xf32, #tpu.memory_space<vmem>>, %arg8: memref<10240x16xf32, #tpu.memory_space<vmem_shared>>, %arg9: memref<!tpu.dma_semaphore, #tpu.memory_space<semaphore_mem>>) attributes {dimension_semantics = [#tpu.dimension_semantics<core_parallel>, #tpu.dimension_semantics<subcore_parallel>], iteration_bounds = array<i64: 2, 16>, scalar_prefetch = 0 : i64, scratch_operands = 4 : i64, tpu.core_type = #tpu.core_type<sc_vector_subcore>, window_params = [{transform_indices = #map}, {transform_indices = #map1}, {transform_indices = #map}, {transform_indices = #map1}]} {
    %mul3A = arith.constant 2 : i32
    %mul3A_0 = arith.muli %arg1, %mul3A : i32
    %add3A = arith.addi %mul3A_0, %arg0 : i32
    %mul3A_1 = arith.constant 640 : i32
    %mul3A_2 = arith.muli %arg1, %mul3A_1 : i32
    %mul3A_3 = arith.constant 640 : i32
    %mul3A_4 = arith.muli %arg1, %mul3A_3 : i32
    "tpu.region"() ({
      %run_scoped3A = tpu.sem_alloc : memref<!tpu.dma_semaphore, #tpu.memory_space<semaphore_mem>>
      %dma_start3A = arith.constant 0 : i32
      %dma_start3A_23 = tpu.memref_slice %arg8[%mul3A_4, %dma_start3A] : memref<10240x16xf32, #tpu.memory_space<vmem_shared>> -> memref<640x16xf32, #tpu.memory_space<vmem_shared>>
      %dma_start3A_24 = arith.constant 0 : i32
      %dma_start3A_25 = tpu.memref_slice %arg4[%mul3A_2, %dma_start3A_24] : memref<10240x16xf32, #tpu.memory_space<hbm>> -> memref<640x16xf32, #tpu.memory_space<hbm>>
      tpu.enqueue_dma source(%dma_start3A_25 : memref<640x16xf32, #tpu.memory_space<hbm>>) target(%dma_start3A_23 : memref<640x16xf32, #tpu.memory_space<vmem_shared>>) target_semaphore(%run_scoped3A : memref<!tpu.dma_semaphore, #tpu.memory_space<semaphore_mem>>)
      %dma_wait3A = arith.constant 0 : i32
      %dma_wait3A_26 = tpu.memref_slice %arg8[%mul3A_4, %dma_wait3A] : memref<10240x16xf32, #tpu.memory_space<vmem_shared>> -> memref<640x16xf32, #tpu.memory_space<vmem_shared>>
      %dma_wait3A_27 = arith.constant 0 : i32
      %dma_wait3A_28 = tpu.memref_slice %arg4[%mul3A_2, %dma_wait3A_27] : memref<10240x16xf32, #tpu.memory_space<hbm>> -> memref<640x16xf32, #tpu.memory_space<hbm>>
      tpu.wait_dma2 semaphore(%run_scoped3A : memref<!tpu.dma_semaphore, #tpu.memory_space<semaphore_mem>>) src(%dma_wait3A_28 : memref<640x16xf32, #tpu.memory_space<hbm>>) dst(%dma_wait3A_26 : memref<640x16xf32, #tpu.memory_space<vmem_shared>>)
      tpu.yield
    }) : () -> ()
    "tpu.region"() ({
      %run_scoped3A = tpu.sem_alloc : memref<!tpu.dma_semaphore, #tpu.memory_space<semaphore_mem>>
      %dma_start3A = arith.constant 0 : i32
      %dma_start3A_23 = arith.constant 0 : i32
      %dma_start3A_24 = tpu.memref_slice %arg3[%add3A, %dma_start3A, %dma_start3A_23] : memref<32x40x128xi32, #tpu.memory_space<hbm>> -> memref<1x40x128xi32, #tpu.memory_space<hbm>>
      %dma_start3A_25 = tpu.memref_squeeze %dma_start3A_24 : memref<1x40x128xi32, #tpu.memory_space<hbm>> -> memref<40x128xi32, #tpu.memory_space<hbm>>
      %dma_start3A_26 = arith.constant 0 : i32
      %dma_start3A_27 = arith.constant 0 : i32
      %dma_start3A_28 = tpu.memref_slice %arg3[%add3A, %dma_start3A_26, %dma_start3A_27] : memref<32x40x128xi32, #tpu.memory_space<hbm>> -> memref<1x40x128xi32, #tpu.memory_space<hbm>>
      %dma_start3A_29 = tpu.memref_squeeze %dma_start3A_28 : memref<1x40x128xi32, #tpu.memory_space<hbm>> -> memref<40x128xi32, #tpu.memory_space<hbm>>
      tpu.enqueue_dma source(%dma_start3A_29 : memref<40x128xi32, #tpu.memory_space<hbm>>) target(%arg6 : memref<40x128xi32, #tpu.memory_space<vmem>>) target_semaphore(%run_scoped3A : memref<!tpu.dma_semaphore, #tpu.memory_space<semaphore_mem>>)
      %dma_wait3A = arith.constant 0 : i32
      %dma_wait3A_30 = arith.constant 0 : i32
      %dma_wait3A_31 = tpu.memref_slice %arg3[%add3A, %dma_wait3A, %dma_wait3A_30] : memref<32x40x128xi32, #tpu.memory_space<hbm>> -> memref<1x40x128xi32, #tpu.memory_space<hbm>>
      %dma_wait3A_32 = tpu.memref_squeeze %dma_wait3A_31 : memref<1x40x128xi32, #tpu.memory_space<hbm>> -> memref<40x128xi32, #tpu.memory_space<hbm>>
      %dma_wait3A_33 = arith.constant 0 : i32
      %dma_wait3A_34 = arith.constant 0 : i32
      %dma_wait3A_35 = tpu.memref_slice %arg3[%add3A, %dma_wait3A_33, %dma_wait3A_34] : memref<32x40x128xi32, #tpu.memory_space<hbm>> -> memref<1x40x128xi32, #tpu.memory_space<hbm>>
      %dma_wait3A_36 = tpu.memref_squeeze %dma_wait3A_35 : memref<1x40x128xi32, #tpu.memory_space<hbm>> -> memref<40x128xi32, #tpu.memory_space<hbm>>
      tpu.wait_dma2 semaphore(%run_scoped3A : memref<!tpu.dma_semaphore, #tpu.memory_space<semaphore_mem>>) src(%dma_wait3A_36 : memref<40x128xi32, #tpu.memory_space<hbm>>) dst(%arg6 : memref<40x128xi32, #tpu.memory_space<vmem>>)
      tpu.yield
    }) : () -> ()
    %mul3A_5 = arith.constant 5120 : i32
    %mul3A_6 = arith.muli %add3A, %mul3A_5 : i32
    "tpu.region"() ({
      %run_scoped3A = tpu.sem_alloc : memref<!tpu.dma_semaphore, #tpu.memory_space<semaphore_mem>>
      %dma_start3A = arith.constant 0 : i32
      %dma_start3A_23 = tpu.memref_slice %arg2[%mul3A_6, %dma_start3A] : memref<163840x16xf32, #tpu.memory_space<hbm>> -> memref<5120x16xf32, #tpu.memory_space<hbm>>
      %dma_start3A_24 = arith.constant 0 : i32
      %dma_start3A_25 = tpu.memref_slice %arg2[%mul3A_6, %dma_start3A_24] : memref<163840x16xf32, #tpu.memory_space<hbm>> -> memref<5120x16xf32, #tpu.memory_space<hbm>>
      tpu.enqueue_dma source(%dma_start3A_25 : memref<5120x16xf32, #tpu.memory_space<hbm>>) target(%arg7 : memref<5120x16xf32, #tpu.memory_space<vmem>>) target_semaphore(%run_scoped3A : memref<!tpu.dma_semaphore, #tpu.memory_space<semaphore_mem>>)
      %dma_wait3A = arith.constant 0 : i32
      %dma_wait3A_26 = tpu.memref_slice %arg2[%mul3A_6, %dma_wait3A] : memref<163840x16xf32, #tpu.memory_space<hbm>> -> memref<5120x16xf32, #tpu.memory_space<hbm>>
      %dma_wait3A_27 = arith.constant 0 : i32
      %dma_wait3A_28 = tpu.memref_slice %arg2[%mul3A_6, %dma_wait3A_27] : memref<163840x16xf32, #tpu.memory_space<hbm>> -> memref<5120x16xf32, #tpu.memory_space<hbm>>
      tpu.wait_dma2 semaphore(%run_scoped3A : memref<!tpu.dma_semaphore, #tpu.memory_space<semaphore_mem>>) src(%dma_wait3A_28 : memref<5120x16xf32, #tpu.memory_space<hbm>>) dst(%arg7 : memref<5120x16xf32, #tpu.memory_space<vmem>>)
      tpu.yield
    }) : () -> ()
    %barrier3A = arith.constant 0 : index
    tpu.barrier barrier_id(%barrier3A)
    %scan3A = arith.constant 0 : i32
    %scan3A_7 = arith.constant 0 : i32
    %scan3A_8 = arith.constant 40 : i32
    %scan3A_9 = arith.addi %scan3A_7, %scan3A_8 : i32
    %scan3A_10 = arith.constant 1 : i32
    scf.for %scan3A_23 = %scan3A_7 to %scan3A_9 step %scan3A_10  : i32 {
      %mul3A_24 = arith.constant 128 : i32
      %mul3A_25 = arith.muli %scan3A_23, %mul3A_24 : i32
      %dma_start3A = arith.constant 0 : i32
      %dma_start3A_26 = tpu.memref_slice %arg7[%mul3A_25, %dma_start3A] : memref<5120x16xf32, #tpu.memory_space<vmem>> -> memref<128x16xf32, #tpu.memory_space<vmem>>
      %dma_start3A_27 = arith.constant 0 : i32
      %dma_start3A_28 = tpu.memref_slice %arg6[%scan3A_23, %dma_start3A_27] : memref<40x128xi32, #tpu.memory_space<vmem>> -> memref<1x128xi32, #tpu.memory_space<vmem>>
      %dma_start3A_29 = tpu.memref_squeeze %dma_start3A_28 : memref<1x128xi32, #tpu.memory_space<vmem>> -> memref<128xi32, #tpu.memory_space<vmem>>
      %dma_start3A_30 = arith.constant 0 : i32
      %dma_start3A_31 = arith.constant 0 : i32
      %dma_start3A_32 = tpu.memref_slice %arg8[%dma_start3A_30, %dma_start3A_31] : memref<10240x16xf32, #tpu.memory_space<vmem_shared>> -> memref<10240x16xf32, #tpu.memory_space<vmem_shared>>
      tpu.enqueue_indirect_dma source(%dma_start3A_26 : memref<128x16xf32, #tpu.memory_space<vmem>>) target(%dma_start3A_32 : memref<10240x16xf32, #tpu.memory_space<vmem_shared>>) offsets(%dma_start3A_29 : memref<128xi32, #tpu.memory_space<vmem>>) semaphore(%arg9 : memref<!tpu.dma_semaphore, #tpu.memory_space<semaphore_mem>>) {add = true}
    }
    %scan3A_11 = arith.constant 40 : i32
    %scan3A_12 = arith.constant 0 : i32
    %scan3A_13 = arith.constant 0 : i32
    %scan3A_14 = arith.constant 40 : i32
    %scan3A_15 = arith.addi %scan3A_13, %scan3A_14 : i32
    %scan3A_16 = arith.constant 1 : i32
    scf.for %scan3A_23 = %scan3A_13 to %scan3A_15 step %scan3A_16  : i32 {
      %mul3A_24 = arith.constant 128 : i32
      %mul3A_25 = arith.muli %scan3A_23, %mul3A_24 : i32
      %dma_wait3A = arith.constant 0 : i32
      %dma_wait3A_26 = tpu.memref_slice %arg7[%mul3A_25, %dma_wait3A] : memref<5120x16xf32, #tpu.memory_space<vmem>> -> memref<128x16xf32, #tpu.memory_space<vmem>>
      %dma_wait3A_27 = arith.constant 0 : i32
      %dma_wait3A_28 = tpu.memref_slice %arg6[%scan3A_23, %dma_wait3A_27] : memref<40x128xi32, #tpu.memory_space<vmem>> -> memref<1x128xi32, #tpu.memory_space<vmem>>
      %dma_wait3A_29 = tpu.memref_squeeze %dma_wait3A_28 : memref<1x128xi32, #tpu.memory_space<vmem>> -> memref<128xi32, #tpu.memory_space<vmem>>
      %dma_wait3A_30 = arith.constant 0 : i32
      %dma_wait3A_31 = arith.constant 0 : i32
      %dma_wait3A_32 = tpu.memref_slice %arg8[%dma_wait3A_30, %dma_wait3A_31] : memref<10240x16xf32, #tpu.memory_space<vmem_shared>> -> memref<10240x16xf32, #tpu.memory_space<vmem_shared>>
      tpu.wait_indirect_dma semaphore(%arg9 : memref<!tpu.dma_semaphore, #tpu.memory_space<semaphore_mem>>) src(%dma_wait3A_26 : memref<128x16xf32, #tpu.memory_space<vmem>>) dst(%dma_wait3A_32 : memref<10240x16xf32, #tpu.memory_space<vmem_shared>>)
    }
    %scan3A_17 = arith.constant 40 : i32
    %barrier3A_18 = arith.constant 0 : index
    tpu.barrier barrier_id(%barrier3A_18)
    %mul3A_19 = arith.constant 640 : i32
    %mul3A_20 = arith.muli %arg1, %mul3A_19 : i32
    %mul3A_21 = arith.constant 640 : i32
    %mul3A_22 = arith.muli %arg1, %mul3A_21 : i32
    "tpu.region"() ({
      %run_scoped3A = tpu.sem_alloc : memref<!tpu.dma_semaphore, #tpu.memory_space<semaphore_mem>>
      %dma_start3A = arith.constant 0 : i32
      %dma_start3A_23 = tpu.memref_slice %arg5[%arg0, %mul3A_22, %dma_start3A] : memref<2x10240x16xf32, #tpu.memory_space<hbm>> -> memref<1x640x16xf32, #tpu.memory_space<hbm>>
      %dma_start3A_24 = tpu.memref_squeeze %dma_start3A_23 : memref<1x640x16xf32, #tpu.memory_space<hbm>> -> memref<640x16xf32, #tpu.memory_space<hbm>>
      %dma_start3A_25 = arith.constant 0 : i32
      %dma_start3A_26 = tpu.memref_slice %arg8[%mul3A_20, %dma_start3A_25] : memref<10240x16xf32, #tpu.memory_space<vmem_shared>> -> memref<640x16xf32, #tpu.memory_space<vmem_shared>>
      tpu.enqueue_dma source(%dma_start3A_26 : memref<640x16xf32, #tpu.memory_space<vmem_shared>>) target(%dma_start3A_24 : memref<640x16xf32, #tpu.memory_space<hbm>>) target_semaphore(%run_scoped3A : memref<!tpu.dma_semaphore, #tpu.memory_space<semaphore_mem>>)
      %dma_wait3A = arith.constant 0 : i32
      %dma_wait3A_27 = tpu.memref_slice %arg5[%arg0, %mul3A_22, %dma_wait3A] : memref<2x10240x16xf32, #tpu.memory_space<hbm>> -> memref<1x640x16xf32, #tpu.memory_space<hbm>>
      %dma_wait3A_28 = tpu.memref_squeeze %dma_wait3A_27 : memref<1x640x16xf32, #tpu.memory_space<hbm>> -> memref<640x16xf32, #tpu.memory_space<hbm>>
      %dma_wait3A_29 = arith.constant 0 : i32
      %dma_wait3A_30 = tpu.memref_slice %arg8[%mul3A_20, %dma_wait3A_29] : memref<10240x16xf32, #tpu.memory_space<vmem_shared>> -> memref<640x16xf32, #tpu.memory_space<vmem_shared>>
      tpu.wait_dma2 semaphore(%run_scoped3A : memref<!tpu.dma_semaphore, #tpu.memory_space<semaphore_mem>>) src(%dma_wait3A_30 : memref<640x16xf32, #tpu.memory_space<vmem_shared>>) dst(%dma_wait3A_28 : memref<640x16xf32, #tpu.memory_space<hbm>>)
      tpu.yield
    }) : () -> ()
    return
  }
}

#map = affine_map<(d0, d1) -> (0, 0)>
#map1 = affine_map<(d0, d1) -> (0, 0, 0)>
module attributes {stable_mosaic.version = 14 : i64} {
  func.func @_sc_gather(%arg0: i32, %arg1: i32, %arg2: memref<10240x16xf32, #tpu.memory_space<hbm>>, %arg3: memref<32x40x128xi32, #tpu.memory_space<hbm>>, %arg4: memref<163840x16xf32, #tpu.memory_space<hbm>>, %arg5: memref<40x128xi32, #tpu.memory_space<vmem>>, %arg6: memref<5120x16xf32, #tpu.memory_space<vmem>>, %arg7: memref<10240x16xf32, #tpu.memory_space<vmem_shared>>, %arg8: memref<!tpu.dma_semaphore, #tpu.memory_space<semaphore_mem>>) attributes {dimension_semantics = [#tpu.dimension_semantics<core_parallel>, #tpu.dimension_semantics<subcore_parallel>], iteration_bounds = array<i64: 2, 16>, scalar_prefetch = 0 : i64, scratch_operands = 4 : i64, tpu.core_type = #tpu.core_type<sc_vector_subcore>, window_params = [{transform_indices = #map}, {transform_indices = #map1}, {transform_indices = #map}]} {
    %mul3A = arith.constant 2 : i32
    %mul3A_0 = arith.muli %arg1, %mul3A : i32
    %add3A = arith.addi %mul3A_0, %arg0 : i32
    %mul3A_1 = arith.constant 640 : i32
    %mul3A_2 = arith.muli %arg1, %mul3A_1 : i32
    %mul3A_3 = arith.constant 640 : i32
    %mul3A_4 = arith.muli %arg1, %mul3A_3 : i32
    "tpu.region"() ({
      %run_scoped3A = tpu.sem_alloc : memref<!tpu.dma_semaphore, #tpu.memory_space<semaphore_mem>>
      %dma_start3A = arith.constant 0 : i32
      %dma_start3A_18 = tpu.memref_slice %arg7[%mul3A_4, %dma_start3A] : memref<10240x16xf32, #tpu.memory_space<vmem_shared>> -> memref<640x16xf32, #tpu.memory_space<vmem_shared>>
      %dma_start3A_19 = arith.constant 0 : i32
      %dma_start3A_20 = tpu.memref_slice %arg2[%mul3A_2, %dma_start3A_19] : memref<10240x16xf32, #tpu.memory_space<hbm>> -> memref<640x16xf32, #tpu.memory_space<hbm>>
      tpu.enqueue_dma source(%dma_start3A_20 : memref<640x16xf32, #tpu.memory_space<hbm>>) target(%dma_start3A_18 : memref<640x16xf32, #tpu.memory_space<vmem_shared>>) target_semaphore(%run_scoped3A : memref<!tpu.dma_semaphore, #tpu.memory_space<semaphore_mem>>)
      %dma_wait3A = arith.constant 0 : i32
      %dma_wait3A_21 = tpu.memref_slice %arg7[%mul3A_4, %dma_wait3A] : memref<10240x16xf32, #tpu.memory_space<vmem_shared>> -> memref<640x16xf32, #tpu.memory_space<vmem_shared>>
      %dma_wait3A_22 = arith.constant 0 : i32
      %dma_wait3A_23 = tpu.memref_slice %arg2[%mul3A_2, %dma_wait3A_22] : memref<10240x16xf32, #tpu.memory_space<hbm>> -> memref<640x16xf32, #tpu.memory_space<hbm>>
      tpu.wait_dma2 semaphore(%run_scoped3A : memref<!tpu.dma_semaphore, #tpu.memory_space<semaphore_mem>>) src(%dma_wait3A_23 : memref<640x16xf32, #tpu.memory_space<hbm>>) dst(%dma_wait3A_21 : memref<640x16xf32, #tpu.memory_space<vmem_shared>>)
      tpu.yield
    }) : () -> ()
    "tpu.region"() ({
      %run_scoped3A = tpu.sem_alloc : memref<!tpu.dma_semaphore, #tpu.memory_space<semaphore_mem>>
      %dma_start3A = arith.constant 0 : i32
      %dma_start3A_18 = arith.constant 0 : i32
      %dma_start3A_19 = tpu.memref_slice %arg3[%add3A, %dma_start3A, %dma_start3A_18] : memref<32x40x128xi32, #tpu.memory_space<hbm>> -> memref<1x40x128xi32, #tpu.memory_space<hbm>>
      %dma_start3A_20 = tpu.memref_squeeze %dma_start3A_19 : memref<1x40x128xi32, #tpu.memory_space<hbm>> -> memref<40x128xi32, #tpu.memory_space<hbm>>
      %dma_start3A_21 = arith.constant 0 : i32
      %dma_start3A_22 = arith.constant 0 : i32
      %dma_start3A_23 = tpu.memref_slice %arg3[%add3A, %dma_start3A_21, %dma_start3A_22] : memref<32x40x128xi32, #tpu.memory_space<hbm>> -> memref<1x40x128xi32, #tpu.memory_space<hbm>>
      %dma_start3A_24 = tpu.memref_squeeze %dma_start3A_23 : memref<1x40x128xi32, #tpu.memory_space<hbm>> -> memref<40x128xi32, #tpu.memory_space<hbm>>
      tpu.enqueue_dma source(%dma_start3A_24 : memref<40x128xi32, #tpu.memory_space<hbm>>) target(%arg5 : memref<40x128xi32, #tpu.memory_space<vmem>>) target_semaphore(%run_scoped3A : memref<!tpu.dma_semaphore, #tpu.memory_space<semaphore_mem>>)
      %dma_wait3A = arith.constant 0 : i32
      %dma_wait3A_25 = arith.constant 0 : i32
      %dma_wait3A_26 = tpu.memref_slice %arg3[%add3A, %dma_wait3A, %dma_wait3A_25] : memref<32x40x128xi32, #tpu.memory_space<hbm>> -> memref<1x40x128xi32, #tpu.memory_space<hbm>>
      %dma_wait3A_27 = tpu.memref_squeeze %dma_wait3A_26 : memref<1x40x128xi32, #tpu.memory_space<hbm>> -> memref<40x128xi32, #tpu.memory_space<hbm>>
      %dma_wait3A_28 = arith.constant 0 : i32
      %dma_wait3A_29 = arith.constant 0 : i32
      %dma_wait3A_30 = tpu.memref_slice %arg3[%add3A, %dma_wait3A_28, %dma_wait3A_29] : memref<32x40x128xi32, #tpu.memory_space<hbm>> -> memref<1x40x128xi32, #tpu.memory_space<hbm>>
      %dma_wait3A_31 = tpu.memref_squeeze %dma_wait3A_30 : memref<1x40x128xi32, #tpu.memory_space<hbm>> -> memref<40x128xi32, #tpu.memory_space<hbm>>
      tpu.wait_dma2 semaphore(%run_scoped3A : memref<!tpu.dma_semaphore, #tpu.memory_space<semaphore_mem>>) src(%dma_wait3A_31 : memref<40x128xi32, #tpu.memory_space<hbm>>) dst(%arg5 : memref<40x128xi32, #tpu.memory_space<vmem>>)
      tpu.yield
    }) : () -> ()
    %barrier3A = arith.constant 0 : index
    tpu.barrier barrier_id(%barrier3A)
    %scan3A = arith.constant 0 : i32
    %scan3A_5 = arith.constant 0 : i32
    %scan3A_6 = arith.constant 40 : i32
    %scan3A_7 = arith.addi %scan3A_5, %scan3A_6 : i32
    %scan3A_8 = arith.constant 1 : i32
    scf.for %scan3A_18 = %scan3A_5 to %scan3A_7 step %scan3A_8  : i32 {
      %mul3A_19 = arith.constant 128 : i32
      %mul3A_20 = arith.muli %scan3A_18, %mul3A_19 : i32
      %dma_start3A = arith.constant 0 : i32
      %dma_start3A_21 = tpu.memref_slice %arg6[%mul3A_20, %dma_start3A] : memref<5120x16xf32, #tpu.memory_space<vmem>> -> memref<128x16xf32, #tpu.memory_space<vmem>>
      %dma_start3A_22 = arith.constant 0 : i32
      %dma_start3A_23 = tpu.memref_slice %arg5[%scan3A_18, %dma_start3A_22] : memref<40x128xi32, #tpu.memory_space<vmem>> -> memref<1x128xi32, #tpu.memory_space<vmem>>
      %dma_start3A_24 = tpu.memref_squeeze %dma_start3A_23 : memref<1x128xi32, #tpu.memory_space<vmem>> -> memref<128xi32, #tpu.memory_space<vmem>>
      %dma_start3A_25 = arith.constant 0 : i32
      %dma_start3A_26 = arith.constant 0 : i32
      %dma_start3A_27 = tpu.memref_slice %arg7[%dma_start3A_25, %dma_start3A_26] : memref<10240x16xf32, #tpu.memory_space<vmem_shared>> -> memref<10240x16xf32, #tpu.memory_space<vmem_shared>>
      tpu.enqueue_indirect_dma source(%dma_start3A_27 : memref<10240x16xf32, #tpu.memory_space<vmem_shared>>) target(%dma_start3A_21 : memref<128x16xf32, #tpu.memory_space<vmem>>) offsets(%dma_start3A_24 : memref<128xi32, #tpu.memory_space<vmem>>) semaphore(%arg8 : memref<!tpu.dma_semaphore, #tpu.memory_space<semaphore_mem>>)
    }
    %scan3A_9 = arith.constant 40 : i32
    %scan3A_10 = arith.constant 0 : i32
    %scan3A_11 = arith.constant 0 : i32
    %scan3A_12 = arith.constant 40 : i32
    %scan3A_13 = arith.addi %scan3A_11, %scan3A_12 : i32
    %scan3A_14 = arith.constant 1 : i32
    scf.for %scan3A_18 = %scan3A_11 to %scan3A_13 step %scan3A_14  : i32 {
      %mul3A_19 = arith.constant 128 : i32
      %mul3A_20 = arith.muli %scan3A_18, %mul3A_19 : i32
      %dma_wait3A = arith.constant 0 : i32
      %dma_wait3A_21 = tpu.memref_slice %arg6[%mul3A_20, %dma_wait3A] : memref<5120x16xf32, #tpu.memory_space<vmem>> -> memref<128x16xf32, #tpu.memory_space<vmem>>
      %dma_wait3A_22 = arith.constant 0 : i32
      %dma_wait3A_23 = tpu.memref_slice %arg5[%scan3A_18, %dma_wait3A_22] : memref<40x128xi32, #tpu.memory_space<vmem>> -> memref<1x128xi32, #tpu.memory_space<vmem>>
      %dma_wait3A_24 = tpu.memref_squeeze %dma_wait3A_23 : memref<1x128xi32, #tpu.memory_space<vmem>> -> memref<128xi32, #tpu.memory_space<vmem>>
      %dma_wait3A_25 = arith.constant 0 : i32
      %dma_wait3A_26 = arith.constant 0 : i32
      %dma_wait3A_27 = tpu.memref_slice %arg7[%dma_wait3A_25, %dma_wait3A_26] : memref<10240x16xf32, #tpu.memory_space<vmem_shared>> -> memref<10240x16xf32, #tpu.memory_space<vmem_shared>>
      tpu.wait_indirect_dma semaphore(%arg8 : memref<!tpu.dma_semaphore, #tpu.memory_space<semaphore_mem>>) src(%dma_wait3A_27 : memref<10240x16xf32, #tpu.memory_space<vmem_shared>>) dst(%dma_wait3A_21 : memref<128x16xf32, #tpu.memory_space<vmem>>)
    }
    %scan3A_15 = arith.constant 40 : i32
    %mul3A_16 = arith.constant 5120 : i32
    %mul3A_17 = arith.muli %add3A, %mul3A_16 : i32
    "tpu.region"() ({
      %run_scoped3A = tpu.sem_alloc : memref<!tpu.dma_semaphore, #tpu.memory_space<semaphore_mem>>
      %dma_start3A = arith.constant 0 : i32
      %dma_start3A_18 = tpu.memref_slice %arg4[%mul3A_17, %dma_start3A] : memref<163840x16xf32, #tpu.memory_space<hbm>> -> memref<5120x16xf32, #tpu.memory_space<hbm>>
      %dma_start3A_19 = arith.constant 0 : i32
      %dma_start3A_20 = tpu.memref_slice %arg4[%mul3A_17, %dma_start3A_19] : memref<163840x16xf32, #tpu.memory_space<hbm>> -> memref<5120x16xf32, #tpu.memory_space<hbm>>
      tpu.enqueue_dma source(%arg6 : memref<5120x16xf32, #tpu.memory_space<vmem>>) target(%dma_start3A_20 : memref<5120x16xf32, #tpu.memory_space<hbm>>) target_semaphore(%run_scoped3A : memref<!tpu.dma_semaphore, #tpu.memory_space<semaphore_mem>>)
      %dma_wait3A = arith.constant 0 : i32
      %dma_wait3A_21 = tpu.memref_slice %arg4[%mul3A_17, %dma_wait3A] : memref<163840x16xf32, #tpu.memory_space<hbm>> -> memref<5120x16xf32, #tpu.memory_space<hbm>>
      %dma_wait3A_22 = arith.constant 0 : i32
      %dma_wait3A_23 = tpu.memref_slice %arg4[%mul3A_17, %dma_wait3A_22] : memref<163840x16xf32, #tpu.memory_space<hbm>> -> memref<5120x16xf32, #tpu.memory_space<hbm>>
      tpu.wait_dma2 semaphore(%run_scoped3A : memref<!tpu.dma_semaphore, #tpu.memory_space<semaphore_mem>>) src(%arg6 : memref<5120x16xf32, #tpu.memory_space<vmem>>) dst(%dma_wait3A_23 : memref<5120x16xf32, #tpu.memory_space<hbm>>)
      tpu.yield
    }) : () -> ()
    return
  }
}

#map = affine_map<(d0, d1) -> (0, 0)>
#map1 = affine_map<(d0, d1) -> (0, 0, 0)>
module attributes {stable_mosaic.version = 14 : i64} {
  func.func @_sc_gather(%arg0: i32, %arg1: i32, %arg2: memref<10240x16xf32, #tpu.memory_space<hbm>>, %arg3: memref<32x40x128xi32, #tpu.memory_space<hbm>>, %arg4: memref<163840x16xf32, #tpu.memory_space<hbm>>, %arg5: memref<40x128xi32, #tpu.memory_space<vmem>>, %arg6: memref<5120x16xf32, #tpu.memory_space<vmem>>, %arg7: memref<10240x16xf32, #tpu.memory_space<vmem_shared>>, %arg8: memref<!tpu.dma_semaphore, #tpu.memory_space<semaphore_mem>>) attributes {dimension_semantics = [#tpu.dimension_semantics<core_parallel>, #tpu.dimension_semantics<subcore_parallel>], iteration_bounds = array<i64: 2, 16>, scalar_prefetch = 0 : i64, scratch_operands = 4 : i64, tpu.core_type = #tpu.core_type<sc_vector_subcore>, window_params = [{transform_indices = #map}, {transform_indices = #map1}, {transform_indices = #map}]} {
    %mul3A = arith.constant 2 : i32
    %mul3A_0 = arith.muli %arg1, %mul3A : i32
    %add3A = arith.addi %mul3A_0, %arg0 : i32
    %mul3A_1 = arith.constant 640 : i32
    %mul3A_2 = arith.muli %arg1, %mul3A_1 : i32
    %mul3A_3 = arith.constant 640 : i32
    %mul3A_4 = arith.muli %arg1, %mul3A_3 : i32
    "tpu.region"() ({
      %run_scoped3A = tpu.sem_alloc : memref<!tpu.dma_semaphore, #tpu.memory_space<semaphore_mem>>
      %dma_start3A = arith.constant 0 : i32
      %dma_start3A_18 = tpu.memref_slice %arg7[%mul3A_4, %dma_start3A] : memref<10240x16xf32, #tpu.memory_space<vmem_shared>> -> memref<640x16xf32, #tpu.memory_space<vmem_shared>>
      %dma_start3A_19 = arith.constant 0 : i32
      %dma_start3A_20 = tpu.memref_slice %arg2[%mul3A_2, %dma_start3A_19] : memref<10240x16xf32, #tpu.memory_space<hbm>> -> memref<640x16xf32, #tpu.memory_space<hbm>>
      tpu.enqueue_dma source(%dma_start3A_20 : memref<640x16xf32, #tpu.memory_space<hbm>>) target(%dma_start3A_18 : memref<640x16xf32, #tpu.memory_space<vmem_shared>>) target_semaphore(%run_scoped3A : memref<!tpu.dma_semaphore, #tpu.memory_space<semaphore_mem>>)
      %dma_wait3A = arith.constant 0 : i32
      %dma_wait3A_21 = tpu.memref_slice %arg7[%mul3A_4, %dma_wait3A] : memref<10240x16xf32, #tpu.memory_space<vmem_shared>> -> memref<640x16xf32, #tpu.memory_space<vmem_shared>>
      %dma_wait3A_22 = arith.constant 0 : i32
      %dma_wait3A_23 = tpu.memref_slice %arg2[%mul3A_2, %dma_wait3A_22] : memref<10240x16xf32, #tpu.memory_space<hbm>> -> memref<640x16xf32, #tpu.memory_space<hbm>>
      tpu.wait_dma2 semaphore(%run_scoped3A : memref<!tpu.dma_semaphore, #tpu.memory_space<semaphore_mem>>) src(%dma_wait3A_23 : memref<640x16xf32, #tpu.memory_space<hbm>>) dst(%dma_wait3A_21 : memref<640x16xf32, #tpu.memory_space<vmem_shared>>)
      tpu.yield
    }) : () -> ()
    "tpu.region"() ({
      %run_scoped3A = tpu.sem_alloc : memref<!tpu.dma_semaphore, #tpu.memory_space<semaphore_mem>>
      %dma_start3A = arith.constant 0 : i32
      %dma_start3A_18 = arith.constant 0 : i32
      %dma_start3A_19 = tpu.memref_slice %arg3[%add3A, %dma_start3A, %dma_start3A_18] : memref<32x40x128xi32, #tpu.memory_space<hbm>> -> memref<1x40x128xi32, #tpu.memory_space<hbm>>
      %dma_start3A_20 = tpu.memref_squeeze %dma_start3A_19 : memref<1x40x128xi32, #tpu.memory_space<hbm>> -> memref<40x128xi32, #tpu.memory_space<hbm>>
      %dma_start3A_21 = arith.constant 0 : i32
      %dma_start3A_22 = arith.constant 0 : i32
      %dma_start3A_23 = tpu.memref_slice %arg3[%add3A, %dma_start3A_21, %dma_start3A_22] : memref<32x40x128xi32, #tpu.memory_space<hbm>> -> memref<1x40x128xi32, #tpu.memory_space<hbm>>
      %dma_start3A_24 = tpu.memref_squeeze %dma_start3A_23 : memref<1x40x128xi32, #tpu.memory_space<hbm>> -> memref<40x128xi32, #tpu.memory_space<hbm>>
      tpu.enqueue_dma source(%dma_start3A_24 : memref<40x128xi32, #tpu.memory_space<hbm>>) target(%arg5 : memref<40x128xi32, #tpu.memory_space<vmem>>) target_semaphore(%run_scoped3A : memref<!tpu.dma_semaphore, #tpu.memory_space<semaphore_mem>>)
      %dma_wait3A = arith.constant 0 : i32
      %dma_wait3A_25 = arith.constant 0 : i32
      %dma_wait3A_26 = tpu.memref_slice %arg3[%add3A, %dma_wait3A, %dma_wait3A_25] : memref<32x40x128xi32, #tpu.memory_space<hbm>> -> memref<1x40x128xi32, #tpu.memory_space<hbm>>
      %dma_wait3A_27 = tpu.memref_squeeze %dma_wait3A_26 : memref<1x40x128xi32, #tpu.memory_space<hbm>> -> memref<40x128xi32, #tpu.memory_space<hbm>>
      %dma_wait3A_28 = arith.constant 0 : i32
      %dma_wait3A_29 = arith.constant 0 : i32
      %dma_wait3A_30 = tpu.memref_slice %arg3[%add3A, %dma_wait3A_28, %dma_wait3A_29] : memref<32x40x128xi32, #tpu.memory_space<hbm>> -> memref<1x40x128xi32, #tpu.memory_space<hbm>>
      %dma_wait3A_31 = tpu.memref_squeeze %dma_wait3A_30 : memref<1x40x128xi32, #tpu.memory_space<hbm>> -> memref<40x128xi32, #tpu.memory_space<hbm>>
      tpu.wait_dma2 semaphore(%run_scoped3A : memref<!tpu.dma_semaphore, #tpu.memory_space<semaphore_mem>>) src(%dma_wait3A_31 : memref<40x128xi32, #tpu.memory_space<hbm>>) dst(%arg5 : memref<40x128xi32, #tpu.memory_space<vmem>>)
      tpu.yield
    }) : () -> ()
    %barrier3A = arith.constant 0 : index
    tpu.barrier barrier_id(%barrier3A)
    %scan3A = arith.constant 0 : i32
    %scan3A_5 = arith.constant 0 : i32
    %scan3A_6 = arith.constant 40 : i32
    %scan3A_7 = arith.addi %scan3A_5, %scan3A_6 : i32
    %scan3A_8 = arith.constant 1 : i32
    scf.for %scan3A_18 = %scan3A_5 to %scan3A_7 step %scan3A_8  : i32 {
      %mul3A_19 = arith.constant 128 : i32
      %mul3A_20 = arith.muli %scan3A_18, %mul3A_19 : i32
      %dma_start3A = arith.constant 0 : i32
      %dma_start3A_21 = tpu.memref_slice %arg6[%mul3A_20, %dma_start3A] : memref<5120x16xf32, #tpu.memory_space<vmem>> -> memref<128x16xf32, #tpu.memory_space<vmem>>
      %dma_start3A_22 = arith.constant 0 : i32
      %dma_start3A_23 = tpu.memref_slice %arg5[%scan3A_18, %dma_start3A_22] : memref<40x128xi32, #tpu.memory_space<vmem>> -> memref<1x128xi32, #tpu.memory_space<vmem>>
      %dma_start3A_24 = tpu.memref_squeeze %dma_start3A_23 : memref<1x128xi32, #tpu.memory_space<vmem>> -> memref<128xi32, #tpu.memory_space<vmem>>
      %dma_start3A_25 = arith.constant 0 : i32
      %dma_start3A_26 = arith.constant 0 : i32
      %dma_start3A_27 = tpu.memref_slice %arg7[%dma_start3A_25, %dma_start3A_26] : memref<10240x16xf32, #tpu.memory_space<vmem_shared>> -> memref<10240x16xf32, #tpu.memory_space<vmem_shared>>
      tpu.enqueue_indirect_dma source(%dma_start3A_27 : memref<10240x16xf32, #tpu.memory_space<vmem_shared>>) target(%dma_start3A_21 : memref<128x16xf32, #tpu.memory_space<vmem>>) offsets(%dma_start3A_24 : memref<128xi32, #tpu.memory_space<vmem>>) semaphore(%arg8 : memref<!tpu.dma_semaphore, #tpu.memory_space<semaphore_mem>>)
    }
    %scan3A_9 = arith.constant 40 : i32
    %scan3A_10 = arith.constant 0 : i32
    %scan3A_11 = arith.constant 0 : i32
    %scan3A_12 = arith.constant 40 : i32
    %scan3A_13 = arith.addi %scan3A_11, %scan3A_12 : i32
    %scan3A_14 = arith.constant 1 : i32
    scf.for %scan3A_18 = %scan3A_11 to %scan3A_13 step %scan3A_14  : i32 {
      %mul3A_19 = arith.constant 128 : i32
      %mul3A_20 = arith.muli %scan3A_18, %mul3A_19 : i32
      %dma_wait3A = arith.constant 0 : i32
      %dma_wait3A_21 = tpu.memref_slice %arg6[%mul3A_20, %dma_wait3A] : memref<5120x16xf32, #tpu.memory_space<vmem>> -> memref<128x16xf32, #tpu.memory_space<vmem>>
      %dma_wait3A_22 = arith.constant 0 : i32
      %dma_wait3A_23 = tpu.memref_slice %arg5[%scan3A_18, %dma_wait3A_22] : memref<40x128xi32, #tpu.memory_space<vmem>> -> memref<1x128xi32, #tpu.memory_space<vmem>>
      %dma_wait3A_24 = tpu.memref_squeeze %dma_wait3A_23 : memref<1x128xi32, #tpu.memory_space<vmem>> -> memref<128xi32, #tpu.memory_space<vmem>>
      %dma_wait3A_25 = arith.constant 0 : i32
      %dma_wait3A_26 = arith.constant 0 : i32
      %dma_wait3A_27 = tpu.memref_slice %arg7[%dma_wait3A_25, %dma_wait3A_26] : memref<10240x16xf32, #tpu.memory_space<vmem_shared>> -> memref<10240x16xf32, #tpu.memory_space<vmem_shared>>
      tpu.wait_indirect_dma semaphore(%arg8 : memref<!tpu.dma_semaphore, #tpu.memory_space<semaphore_mem>>) src(%dma_wait3A_27 : memref<10240x16xf32, #tpu.memory_space<vmem_shared>>) dst(%dma_wait3A_21 : memref<128x16xf32, #tpu.memory_space<vmem>>)
    }
    %scan3A_15 = arith.constant 40 : i32
    %mul3A_16 = arith.constant 5120 : i32
    %mul3A_17 = arith.muli %add3A, %mul3A_16 : i32
    "tpu.region"() ({
      %run_scoped3A = tpu.sem_alloc : memref<!tpu.dma_semaphore, #tpu.memory_space<semaphore_mem>>
      %dma_start3A = arith.constant 0 : i32
      %dma_start3A_18 = tpu.memref_slice %arg4[%mul3A_17, %dma_start3A] : memref<163840x16xf32, #tpu.memory_space<hbm>> -> memref<5120x16xf32, #tpu.memory_space<hbm>>
      %dma_start3A_19 = arith.constant 0 : i32
      %dma_start3A_20 = tpu.memref_slice %arg4[%mul3A_17, %dma_start3A_19] : memref<163840x16xf32, #tpu.memory_space<hbm>> -> memref<5120x16xf32, #tpu.memory_space<hbm>>
      tpu.enqueue_dma source(%arg6 : memref<5120x16xf32, #tpu.memory_space<vmem>>) target(%dma_start3A_20 : memref<5120x16xf32, #tpu.memory_space<hbm>>) target_semaphore(%run_scoped3A : memref<!tpu.dma_semaphore, #tpu.memory_space<semaphore_mem>>)
      %dma_wait3A = arith.constant 0 : i32
      %dma_wait3A_21 = tpu.memref_slice %arg4[%mul3A_17, %dma_wait3A] : memref<163840x16xf32, #tpu.memory_space<hbm>> -> memref<5120x16xf32, #tpu.memory_space<hbm>>
      %dma_wait3A_22 = arith.constant 0 : i32
      %dma_wait3A_23 = tpu.memref_slice %arg4[%mul3A_17, %dma_wait3A_22] : memref<163840x16xf32, #tpu.memory_space<hbm>> -> memref<5120x16xf32, #tpu.memory_space<hbm>>
      tpu.wait_dma2 semaphore(%run_scoped3A : memref<!tpu.dma_semaphore, #tpu.memory_space<semaphore_mem>>) src(%arg6 : memref<5120x16xf32, #tpu.memory_space<vmem>>) dst(%dma_wait3A_23 : memref<5120x16xf32, #tpu.memory_space<hbm>>)
      tpu.yield
    }) : () -> ()
    return
  }
}

#map = affine_map<(d0, d1) -> (0, 0)>
#map1 = affine_map<(d0, d1) -> (0, 0, 0)>
module attributes {stable_mosaic.version = 14 : i64} {
  func.func @_sc_scatter(%arg0: i32, %arg1: i32, %arg2: memref<163840x16xf32, #tpu.memory_space<hbm>>, %arg3: memref<32x40x128xi32, #tpu.memory_space<hbm>>, %arg4: memref<10240x16xf32, #tpu.memory_space<hbm>>, %arg5: memref<2x10240x16xf32, #tpu.memory_space<hbm>>, %arg6: memref<40x128xi32, #tpu.memory_space<vmem>>, %arg7: memref<5120x16xf32, #tpu.memory_space<vmem>>, %arg8: memref<10240x16xf32, #tpu.memory_space<vmem_shared>>, %arg9: memref<!tpu.dma_semaphore, #tpu.memory_space<semaphore_mem>>) attributes {dimension_semantics = [#tpu.dimension_semantics<core_parallel>, #tpu.dimension_semantics<subcore_parallel>], iteration_bounds = array<i64: 2, 16>, scalar_prefetch = 0 : i64, scratch_operands = 4 : i64, tpu.core_type = #tpu.core_type<sc_vector_subcore>, window_params = [{transform_indices = #map}, {transform_indices = #map1}, {transform_indices = #map}, {transform_indices = #map1}]} {
    %mul3A = arith.constant 2 : i32
    %mul3A_0 = arith.muli %arg1, %mul3A : i32
    %add3A = arith.addi %mul3A_0, %arg0 : i32
    %mul3A_1 = arith.constant 640 : i32
    %mul3A_2 = arith.muli %arg1, %mul3A_1 : i32
    %mul3A_3 = arith.constant 640 : i32
    %mul3A_4 = arith.muli %arg1, %mul3A_3 : i32
    "tpu.region"() ({
      %run_scoped3A = tpu.sem_alloc : memref<!tpu.dma_semaphore, #tpu.memory_space<semaphore_mem>>
      %dma_start3A = arith.constant 0 : i32
      %dma_start3A_23 = tpu.memref_slice %arg8[%mul3A_4, %dma_start3A] : memref<10240x16xf32, #tpu.memory_space<vmem_shared>> -> memref<640x16xf32, #tpu.memory_space<vmem_shared>>
      %dma_start3A_24 = arith.constant 0 : i32
      %dma_start3A_25 = tpu.memref_slice %arg4[%mul3A_2, %dma_start3A_24] : memref<10240x16xf32, #tpu.memory_space<hbm>> -> memref<640x16xf32, #tpu.memory_space<hbm>>
      tpu.enqueue_dma source(%dma_start3A_25 : memref<640x16xf32, #tpu.memory_space<hbm>>) target(%dma_start3A_23 : memref<640x16xf32, #tpu.memory_space<vmem_shared>>) target_semaphore(%run_scoped3A : memref<!tpu.dma_semaphore, #tpu.memory_space<semaphore_mem>>)
      %dma_wait3A = arith.constant 0 : i32
      %dma_wait3A_26 = tpu.memref_slice %arg8[%mul3A_4, %dma_wait3A] : memref<10240x16xf32, #tpu.memory_space<vmem_shared>> -> memref<640x16xf32, #tpu.memory_space<vmem_shared>>
      %dma_wait3A_27 = arith.constant 0 : i32
      %dma_wait3A_28 = tpu.memref_slice %arg4[%mul3A_2, %dma_wait3A_27] : memref<10240x16xf32, #tpu.memory_space<hbm>> -> memref<640x16xf32, #tpu.memory_space<hbm>>
      tpu.wait_dma2 semaphore(%run_scoped3A : memref<!tpu.dma_semaphore, #tpu.memory_space<semaphore_mem>>) src(%dma_wait3A_28 : memref<640x16xf32, #tpu.memory_space<hbm>>) dst(%dma_wait3A_26 : memref<640x16xf32, #tpu.memory_space<vmem_shared>>)
      tpu.yield
    }) : () -> ()
    "tpu.region"() ({
      %run_scoped3A = tpu.sem_alloc : memref<!tpu.dma_semaphore, #tpu.memory_space<semaphore_mem>>
      %dma_start3A = arith.constant 0 : i32
      %dma_start3A_23 = arith.constant 0 : i32
      %dma_start3A_24 = tpu.memref_slice %arg3[%add3A, %dma_start3A, %dma_start3A_23] : memref<32x40x128xi32, #tpu.memory_space<hbm>> -> memref<1x40x128xi32, #tpu.memory_space<hbm>>
      %dma_start3A_25 = tpu.memref_squeeze %dma_start3A_24 : memref<1x40x128xi32, #tpu.memory_space<hbm>> -> memref<40x128xi32, #tpu.memory_space<hbm>>
      %dma_start3A_26 = arith.constant 0 : i32
      %dma_start3A_27 = arith.constant 0 : i32
      %dma_start3A_28 = tpu.memref_slice %arg3[%add3A, %dma_start3A_26, %dma_start3A_27] : memref<32x40x128xi32, #tpu.memory_space<hbm>> -> memref<1x40x128xi32, #tpu.memory_space<hbm>>
      %dma_start3A_29 = tpu.memref_squeeze %dma_start3A_28 : memref<1x40x128xi32, #tpu.memory_space<hbm>> -> memref<40x128xi32, #tpu.memory_space<hbm>>
      tpu.enqueue_dma source(%dma_start3A_29 : memref<40x128xi32, #tpu.memory_space<hbm>>) target(%arg6 : memref<40x128xi32, #tpu.memory_space<vmem>>) target_semaphore(%run_scoped3A : memref<!tpu.dma_semaphore, #tpu.memory_space<semaphore_mem>>)
      %dma_wait3A = arith.constant 0 : i32
      %dma_wait3A_30 = arith.constant 0 : i32
      %dma_wait3A_31 = tpu.memref_slice %arg3[%add3A, %dma_wait3A, %dma_wait3A_30] : memref<32x40x128xi32, #tpu.memory_space<hbm>> -> memref<1x40x128xi32, #tpu.memory_space<hbm>>
      %dma_wait3A_32 = tpu.memref_squeeze %dma_wait3A_31 : memref<1x40x128xi32, #tpu.memory_space<hbm>> -> memref<40x128xi32, #tpu.memory_space<hbm>>
      %dma_wait3A_33 = arith.constant 0 : i32
      %dma_wait3A_34 = arith.constant 0 : i32
      %dma_wait3A_35 = tpu.memref_slice %arg3[%add3A, %dma_wait3A_33, %dma_wait3A_34] : memref<32x40x128xi32, #tpu.memory_space<hbm>> -> memref<1x40x128xi32, #tpu.memory_space<hbm>>
      %dma_wait3A_36 = tpu.memref_squeeze %dma_wait3A_35 : memref<1x40x128xi32, #tpu.memory_space<hbm>> -> memref<40x128xi32, #tpu.memory_space<hbm>>
      tpu.wait_dma2 semaphore(%run_scoped3A : memref<!tpu.dma_semaphore, #tpu.memory_space<semaphore_mem>>) src(%dma_wait3A_36 : memref<40x128xi32, #tpu.memory_space<hbm>>) dst(%arg6 : memref<40x128xi32, #tpu.memory_space<vmem>>)
      tpu.yield
    }) : () -> ()
    %mul3A_5 = arith.constant 5120 : i32
    %mul3A_6 = arith.muli %add3A, %mul3A_5 : i32
    "tpu.region"() ({
      %run_scoped3A = tpu.sem_alloc : memref<!tpu.dma_semaphore, #tpu.memory_space<semaphore_mem>>
      %dma_start3A = arith.constant 0 : i32
      %dma_start3A_23 = tpu.memref_slice %arg2[%mul3A_6, %dma_start3A] : memref<163840x16xf32, #tpu.memory_space<hbm>> -> memref<5120x16xf32, #tpu.memory_space<hbm>>
      %dma_start3A_24 = arith.constant 0 : i32
      %dma_start3A_25 = tpu.memref_slice %arg2[%mul3A_6, %dma_start3A_24] : memref<163840x16xf32, #tpu.memory_space<hbm>> -> memref<5120x16xf32, #tpu.memory_space<hbm>>
      tpu.enqueue_dma source(%dma_start3A_25 : memref<5120x16xf32, #tpu.memory_space<hbm>>) target(%arg7 : memref<5120x16xf32, #tpu.memory_space<vmem>>) target_semaphore(%run_scoped3A : memref<!tpu.dma_semaphore, #tpu.memory_space<semaphore_mem>>)
      %dma_wait3A = arith.constant 0 : i32
      %dma_wait3A_26 = tpu.memref_slice %arg2[%mul3A_6, %dma_wait3A] : memref<163840x16xf32, #tpu.memory_space<hbm>> -> memref<5120x16xf32, #tpu.memory_space<hbm>>
      %dma_wait3A_27 = arith.constant 0 : i32
      %dma_wait3A_28 = tpu.memref_slice %arg2[%mul3A_6, %dma_wait3A_27] : memref<163840x16xf32, #tpu.memory_space<hbm>> -> memref<5120x16xf32, #tpu.memory_space<hbm>>
      tpu.wait_dma2 semaphore(%run_scoped3A : memref<!tpu.dma_semaphore, #tpu.memory_space<semaphore_mem>>) src(%dma_wait3A_28 : memref<5120x16xf32, #tpu.memory_space<hbm>>) dst(%arg7 : memref<5120x16xf32, #tpu.memory_space<vmem>>)
      tpu.yield
    }) : () -> ()
    %barrier3A = arith.constant 0 : index
    tpu.barrier barrier_id(%barrier3A)
    %scan3A = arith.constant 0 : i32
    %scan3A_7 = arith.constant 0 : i32
    %scan3A_8 = arith.constant 40 : i32
    %scan3A_9 = arith.addi %scan3A_7, %scan3A_8 : i32
    %scan3A_10 = arith.constant 1 : i32
    scf.for %scan3A_23 = %scan3A_7 to %scan3A_9 step %scan3A_10  : i32 {
      %mul3A_24 = arith.constant 128 : i32
      %mul3A_25 = arith.muli %scan3A_23, %mul3A_24 : i32
      %dma_start3A = arith.constant 0 : i32
      %dma_start3A_26 = tpu.memref_slice %arg7[%mul3A_25, %dma_start3A] : memref<5120x16xf32, #tpu.memory_space<vmem>> -> memref<128x16xf32, #tpu.memory_space<vmem>>
      %dma_start3A_27 = arith.constant 0 : i32
      %dma_start3A_28 = tpu.memref_slice %arg6[%scan3A_23, %dma_start3A_27] : memref<40x128xi32, #tpu.memory_space<vmem>> -> memref<1x128xi32, #tpu.memory_space<vmem>>
      %dma_start3A_29 = tpu.memref_squeeze %dma_start3A_28 : memref<1x128xi32, #tpu.memory_space<vmem>> -> memref<128xi32, #tpu.memory_space<vmem>>
      %dma_start3A_30 = arith.constant 0 : i32
      %dma_start3A_31 = arith.constant 0 : i32
      %dma_start3A_32 = tpu.memref_slice %arg8[%dma_start3A_30, %dma_start3A_31] : memref<10240x16xf32, #tpu.memory_space<vmem_shared>> -> memref<10240x16xf32, #tpu.memory_space<vmem_shared>>
      tpu.enqueue_indirect_dma source(%dma_start3A_26 : memref<128x16xf32, #tpu.memory_space<vmem>>) target(%dma_start3A_32 : memref<10240x16xf32, #tpu.memory_space<vmem_shared>>) offsets(%dma_start3A_29 : memref<128xi32, #tpu.memory_space<vmem>>) semaphore(%arg9 : memref<!tpu.dma_semaphore, #tpu.memory_space<semaphore_mem>>) {add = true}
    }
    %scan3A_11 = arith.constant 40 : i32
    %scan3A_12 = arith.constant 0 : i32
    %scan3A_13 = arith.constant 0 : i32
    %scan3A_14 = arith.constant 40 : i32
    %scan3A_15 = arith.addi %scan3A_13, %scan3A_14 : i32
    %scan3A_16 = arith.constant 1 : i32
    scf.for %scan3A_23 = %scan3A_13 to %scan3A_15 step %scan3A_16  : i32 {
      %mul3A_24 = arith.constant 128 : i32
      %mul3A_25 = arith.muli %scan3A_23, %mul3A_24 : i32
      %dma_wait3A = arith.constant 0 : i32
      %dma_wait3A_26 = tpu.memref_slice %arg7[%mul3A_25, %dma_wait3A] : memref<5120x16xf32, #tpu.memory_space<vmem>> -> memref<128x16xf32, #tpu.memory_space<vmem>>
      %dma_wait3A_27 = arith.constant 0 : i32
      %dma_wait3A_28 = tpu.memref_slice %arg6[%scan3A_23, %dma_wait3A_27] : memref<40x128xi32, #tpu.memory_space<vmem>> -> memref<1x128xi32, #tpu.memory_space<vmem>>
      %dma_wait3A_29 = tpu.memref_squeeze %dma_wait3A_28 : memref<1x128xi32, #tpu.memory_space<vmem>> -> memref<128xi32, #tpu.memory_space<vmem>>
      %dma_wait3A_30 = arith.constant 0 : i32
      %dma_wait3A_31 = arith.constant 0 : i32
      %dma_wait3A_32 = tpu.memref_slice %arg8[%dma_wait3A_30, %dma_wait3A_31] : memref<10240x16xf32, #tpu.memory_space<vmem_shared>> -> memref<10240x16xf32, #tpu.memory_space<vmem_shared>>
      tpu.wait_indirect_dma semaphore(%arg9 : memref<!tpu.dma_semaphore, #tpu.memory_space<semaphore_mem>>) src(%dma_wait3A_26 : memref<128x16xf32, #tpu.memory_space<vmem>>) dst(%dma_wait3A_32 : memref<10240x16xf32, #tpu.memory_space<vmem_shared>>)
    }
    %scan3A_17 = arith.constant 40 : i32
    %barrier3A_18 = arith.constant 0 : index
    tpu.barrier barrier_id(%barrier3A_18)
    %mul3A_19 = arith.constant 640 : i32
    %mul3A_20 = arith.muli %arg1, %mul3A_19 : i32
    %mul3A_21 = arith.constant 640 : i32
    %mul3A_22 = arith.muli %arg1, %mul3A_21 : i32
    "tpu.region"() ({
      %run_scoped3A = tpu.sem_alloc : memref<!tpu.dma_semaphore, #tpu.memory_space<semaphore_mem>>
      %dma_start3A = arith.constant 0 : i32
      %dma_start3A_23 = tpu.memref_slice %arg5[%arg0, %mul3A_22, %dma_start3A] : memref<2x10240x16xf32, #tpu.memory_space<hbm>> -> memref<1x640x16xf32, #tpu.memory_space<hbm>>
      %dma_start3A_24 = tpu.memref_squeeze %dma_start3A_23 : memref<1x640x16xf32, #tpu.memory_space<hbm>> -> memref<640x16xf32, #tpu.memory_space<hbm>>
      %dma_start3A_25 = arith.constant 0 : i32
      %dma_start3A_26 = tpu.memref_slice %arg8[%mul3A_20, %dma_start3A_25] : memref<10240x16xf32, #tpu.memory_space<vmem_shared>> -> memref<640x16xf32, #tpu.memory_space<vmem_shared>>
      tpu.enqueue_dma source(%dma_start3A_26 : memref<640x16xf32, #tpu.memory_space<vmem_shared>>) target(%dma_start3A_24 : memref<640x16xf32, #tpu.memory_space<hbm>>) target_semaphore(%run_scoped3A : memref<!tpu.dma_semaphore, #tpu.memory_space<semaphore_mem>>)
      %dma_wait3A = arith.constant 0 : i32
      %dma_wait3A_27 = tpu.memref_slice %arg5[%arg0, %mul3A_22, %dma_wait3A] : memref<2x10240x16xf32, #tpu.memory_space<hbm>> -> memref<1x640x16xf32, #tpu.memory_space<hbm>>
      %dma_wait3A_28 = tpu.memref_squeeze %dma_wait3A_27 : memref<1x640x16xf32, #tpu.memory_space<hbm>> -> memref<640x16xf32, #tpu.memory_space<hbm>>
      %dma_wait3A_29 = arith.constant 0 : i32
      %dma_wait3A_30 = tpu.memref_slice %arg8[%mul3A_20, %dma_wait3A_29] : memref<10240x16xf32, #tpu.memory_space<vmem_shared>> -> memref<640x16xf32, #tpu.memory_space<vmem_shared>>
      tpu.wait_dma2 semaphore(%run_scoped3A : memref<!tpu.dma_semaphore, #tpu.memory_space<semaphore_mem>>) src(%dma_wait3A_30 : memref<640x16xf32, #tpu.memory_space<vmem_shared>>) dst(%dma_wait3A_28 : memref<640x16xf32, #tpu.memory_space<hbm>>)
      tpu.yield
    }) : () -> ()
    return
  }
}

#map = affine_map<(d0, d1) -> (0, 0)>
#map1 = affine_map<(d0, d1) -> (0, 0, 0)>
module attributes {stable_mosaic.version = 14 : i64} {
  func.func @_sc_gather(%arg0: i32, %arg1: i32, %arg2: memref<10240x16xf32, #tpu.memory_space<hbm>>, %arg3: memref<32x40x128xi32, #tpu.memory_space<hbm>>, %arg4: memref<163840x16xf32, #tpu.memory_space<hbm>>, %arg5: memref<40x128xi32, #tpu.memory_space<vmem>>, %arg6: memref<5120x16xf32, #tpu.memory_space<vmem>>, %arg7: memref<10240x16xf32, #tpu.memory_space<vmem_shared>>, %arg8: memref<!tpu.dma_semaphore, #tpu.memory_space<semaphore_mem>>) attributes {dimension_semantics = [#tpu.dimension_semantics<core_parallel>, #tpu.dimension_semantics<subcore_parallel>], iteration_bounds = array<i64: 2, 16>, scalar_prefetch = 0 : i64, scratch_operands = 4 : i64, tpu.core_type = #tpu.core_type<sc_vector_subcore>, window_params = [{transform_indices = #map}, {transform_indices = #map1}, {transform_indices = #map}]} {
    %mul3A = arith.constant 2 : i32
    %mul3A_0 = arith.muli %arg1, %mul3A : i32
    %add3A = arith.addi %mul3A_0, %arg0 : i32
    %mul3A_1 = arith.constant 640 : i32
    %mul3A_2 = arith.muli %arg1, %mul3A_1 : i32
    %mul3A_3 = arith.constant 640 : i32
    %mul3A_4 = arith.muli %arg1, %mul3A_3 : i32
    "tpu.region"() ({
      %run_scoped3A = tpu.sem_alloc : memref<!tpu.dma_semaphore, #tpu.memory_space<semaphore_mem>>
      %dma_start3A = arith.constant 0 : i32
      %dma_start3A_18 = tpu.memref_slice %arg7[%mul3A_4, %dma_start3A] : memref<10240x16xf32, #tpu.memory_space<vmem_shared>> -> memref<640x16xf32, #tpu.memory_space<vmem_shared>>
      %dma_start3A_19 = arith.constant 0 : i32
      %dma_start3A_20 = tpu.memref_slice %arg2[%mul3A_2, %dma_start3A_19] : memref<10240x16xf32, #tpu.memory_space<hbm>> -> memref<640x16xf32, #tpu.memory_space<hbm>>
      tpu.enqueue_dma source(%dma_start3A_20 : memref<640x16xf32, #tpu.memory_space<hbm>>) target(%dma_start3A_18 : memref<640x16xf32, #tpu.memory_space<vmem_shared>>) target_semaphore(%run_scoped3A : memref<!tpu.dma_semaphore, #tpu.memory_space<semaphore_mem>>)
      %dma_wait3A = arith.constant 0 : i32
      %dma_wait3A_21 = tpu.memref_slice %arg7[%mul3A_4, %dma_wait3A] : memref<10240x16xf32, #tpu.memory_space<vmem_shared>> -> memref<640x16xf32, #tpu.memory_space<vmem_shared>>
      %dma_wait3A_22 = arith.constant 0 : i32
      %dma_wait3A_23 = tpu.memref_slice %arg2[%mul3A_2, %dma_wait3A_22] : memref<10240x16xf32, #tpu.memory_space<hbm>> -> memref<640x16xf32, #tpu.memory_space<hbm>>
      tpu.wait_dma2 semaphore(%run_scoped3A : memref<!tpu.dma_semaphore, #tpu.memory_space<semaphore_mem>>) src(%dma_wait3A_23 : memref<640x16xf32, #tpu.memory_space<hbm>>) dst(%dma_wait3A_21 : memref<640x16xf32, #tpu.memory_space<vmem_shared>>)
      tpu.yield
    }) : () -> ()
    "tpu.region"() ({
      %run_scoped3A = tpu.sem_alloc : memref<!tpu.dma_semaphore, #tpu.memory_space<semaphore_mem>>
      %dma_start3A = arith.constant 0 : i32
      %dma_start3A_18 = arith.constant 0 : i32
      %dma_start3A_19 = tpu.memref_slice %arg3[%add3A, %dma_start3A, %dma_start3A_18] : memref<32x40x128xi32, #tpu.memory_space<hbm>> -> memref<1x40x128xi32, #tpu.memory_space<hbm>>
      %dma_start3A_20 = tpu.memref_squeeze %dma_start3A_19 : memref<1x40x128xi32, #tpu.memory_space<hbm>> -> memref<40x128xi32, #tpu.memory_space<hbm>>
      %dma_start3A_21 = arith.constant 0 : i32
      %dma_start3A_22 = arith.constant 0 : i32
      %dma_start3A_23 = tpu.memref_slice %arg3[%add3A, %dma_start3A_21, %dma_start3A_22] : memref<32x40x128xi32, #tpu.memory_space<hbm>> -> memref<1x40x128xi32, #tpu.memory_space<hbm>>
      %dma_start3A_24 = tpu.memref_squeeze %dma_start3A_23 : memref<1x40x128xi32, #tpu.memory_space<hbm>> -> memref<40x128xi32, #tpu.memory_space<hbm>>
      tpu.enqueue_dma source(%dma_start3A_24 : memref<40x128xi32, #tpu.memory_space<hbm>>) target(%arg5 : memref<40x128xi32, #tpu.memory_space<vmem>>) target_semaphore(%run_scoped3A : memref<!tpu.dma_semaphore, #tpu.memory_space<semaphore_mem>>)
      %dma_wait3A = arith.constant 0 : i32
      %dma_wait3A_25 = arith.constant 0 : i32
      %dma_wait3A_26 = tpu.memref_slice %arg3[%add3A, %dma_wait3A, %dma_wait3A_25] : memref<32x40x128xi32, #tpu.memory_space<hbm>> -> memref<1x40x128xi32, #tpu.memory_space<hbm>>
      %dma_wait3A_27 = tpu.memref_squeeze %dma_wait3A_26 : memref<1x40x128xi32, #tpu.memory_space<hbm>> -> memref<40x128xi32, #tpu.memory_space<hbm>>
      %dma_wait3A_28 = arith.constant 0 : i32
      %dma_wait3A_29 = arith.constant 0 : i32
      %dma_wait3A_30 = tpu.memref_slice %arg3[%add3A, %dma_wait3A_28, %dma_wait3A_29] : memref<32x40x128xi32, #tpu.memory_space<hbm>> -> memref<1x40x128xi32, #tpu.memory_space<hbm>>
      %dma_wait3A_31 = tpu.memref_squeeze %dma_wait3A_30 : memref<1x40x128xi32, #tpu.memory_space<hbm>> -> memref<40x128xi32, #tpu.memory_space<hbm>>
      tpu.wait_dma2 semaphore(%run_scoped3A : memref<!tpu.dma_semaphore, #tpu.memory_space<semaphore_mem>>) src(%dma_wait3A_31 : memref<40x128xi32, #tpu.memory_space<hbm>>) dst(%arg5 : memref<40x128xi32, #tpu.memory_space<vmem>>)
      tpu.yield
    }) : () -> ()
    %barrier3A = arith.constant 0 : index
    tpu.barrier barrier_id(%barrier3A)
    %scan3A = arith.constant 0 : i32
    %scan3A_5 = arith.constant 0 : i32
    %scan3A_6 = arith.constant 40 : i32
    %scan3A_7 = arith.addi %scan3A_5, %scan3A_6 : i32
    %scan3A_8 = arith.constant 1 : i32
    scf.for %scan3A_18 = %scan3A_5 to %scan3A_7 step %scan3A_8  : i32 {
      %mul3A_19 = arith.constant 128 : i32
      %mul3A_20 = arith.muli %scan3A_18, %mul3A_19 : i32
      %dma_start3A = arith.constant 0 : i32
      %dma_start3A_21 = tpu.memref_slice %arg6[%mul3A_20, %dma_start3A] : memref<5120x16xf32, #tpu.memory_space<vmem>> -> memref<128x16xf32, #tpu.memory_space<vmem>>
      %dma_start3A_22 = arith.constant 0 : i32
      %dma_start3A_23 = tpu.memref_slice %arg5[%scan3A_18, %dma_start3A_22] : memref<40x128xi32, #tpu.memory_space<vmem>> -> memref<1x128xi32, #tpu.memory_space<vmem>>
      %dma_start3A_24 = tpu.memref_squeeze %dma_start3A_23 : memref<1x128xi32, #tpu.memory_space<vmem>> -> memref<128xi32, #tpu.memory_space<vmem>>
      %dma_start3A_25 = arith.constant 0 : i32
      %dma_start3A_26 = arith.constant 0 : i32
      %dma_start3A_27 = tpu.memref_slice %arg7[%dma_start3A_25, %dma_start3A_26] : memref<10240x16xf32, #tpu.memory_space<vmem_shared>> -> memref<10240x16xf32, #tpu.memory_space<vmem_shared>>
      tpu.enqueue_indirect_dma source(%dma_start3A_27 : memref<10240x16xf32, #tpu.memory_space<vmem_shared>>) target(%dma_start3A_21 : memref<128x16xf32, #tpu.memory_space<vmem>>) offsets(%dma_start3A_24 : memref<128xi32, #tpu.memory_space<vmem>>) semaphore(%arg8 : memref<!tpu.dma_semaphore, #tpu.memory_space<semaphore_mem>>)
    }
    %scan3A_9 = arith.constant 40 : i32
    %scan3A_10 = arith.constant 0 : i32
    %scan3A_11 = arith.constant 0 : i32
    %scan3A_12 = arith.constant 40 : i32
    %scan3A_13 = arith.addi %scan3A_11, %scan3A_12 : i32
    %scan3A_14 = arith.constant 1 : i32
    scf.for %scan3A_18 = %scan3A_11 to %scan3A_13 step %scan3A_14  : i32 {
      %mul3A_19 = arith.constant 128 : i32
      %mul3A_20 = arith.muli %scan3A_18, %mul3A_19 : i32
      %dma_wait3A = arith.constant 0 : i32
      %dma_wait3A_21 = tpu.memref_slice %arg6[%mul3A_20, %dma_wait3A] : memref<5120x16xf32, #tpu.memory_space<vmem>> -> memref<128x16xf32, #tpu.memory_space<vmem>>
      %dma_wait3A_22 = arith.constant 0 : i32
      %dma_wait3A_23 = tpu.memref_slice %arg5[%scan3A_18, %dma_wait3A_22] : memref<40x128xi32, #tpu.memory_space<vmem>> -> memref<1x128xi32, #tpu.memory_space<vmem>>
      %dma_wait3A_24 = tpu.memref_squeeze %dma_wait3A_23 : memref<1x128xi32, #tpu.memory_space<vmem>> -> memref<128xi32, #tpu.memory_space<vmem>>
      %dma_wait3A_25 = arith.constant 0 : i32
      %dma_wait3A_26 = arith.constant 0 : i32
      %dma_wait3A_27 = tpu.memref_slice %arg7[%dma_wait3A_25, %dma_wait3A_26] : memref<10240x16xf32, #tpu.memory_space<vmem_shared>> -> memref<10240x16xf32, #tpu.memory_space<vmem_shared>>
      tpu.wait_indirect_dma semaphore(%arg8 : memref<!tpu.dma_semaphore, #tpu.memory_space<semaphore_mem>>) src(%dma_wait3A_27 : memref<10240x16xf32, #tpu.memory_space<vmem_shared>>) dst(%dma_wait3A_21 : memref<128x16xf32, #tpu.memory_space<vmem>>)
    }
    %scan3A_15 = arith.constant 40 : i32
    %mul3A_16 = arith.constant 5120 : i32
    %mul3A_17 = arith.muli %add3A, %mul3A_16 : i32
    "tpu.region"() ({
      %run_scoped3A = tpu.sem_alloc : memref<!tpu.dma_semaphore, #tpu.memory_space<semaphore_mem>>
      %dma_start3A = arith.constant 0 : i32
      %dma_start3A_18 = tpu.memref_slice %arg4[%mul3A_17, %dma_start3A] : memref<163840x16xf32, #tpu.memory_space<hbm>> -> memref<5120x16xf32, #tpu.memory_space<hbm>>
      %dma_start3A_19 = arith.constant 0 : i32
      %dma_start3A_20 = tpu.memref_slice %arg4[%mul3A_17, %dma_start3A_19] : memref<163840x16xf32, #tpu.memory_space<hbm>> -> memref<5120x16xf32, #tpu.memory_space<hbm>>
      tpu.enqueue_dma source(%arg6 : memref<5120x16xf32, #tpu.memory_space<vmem>>) target(%dma_start3A_20 : memref<5120x16xf32, #tpu.memory_space<hbm>>) target_semaphore(%run_scoped3A : memref<!tpu.dma_semaphore, #tpu.memory_space<semaphore_mem>>)
      %dma_wait3A = arith.constant 0 : i32
      %dma_wait3A_21 = tpu.memref_slice %arg4[%mul3A_17, %dma_wait3A] : memref<163840x16xf32, #tpu.memory_space<hbm>> -> memref<5120x16xf32, #tpu.memory_space<hbm>>
      %dma_wait3A_22 = arith.constant 0 : i32
      %dma_wait3A_23 = tpu.memref_slice %arg4[%mul3A_17, %dma_wait3A_22] : memref<163840x16xf32, #tpu.memory_space<hbm>> -> memref<5120x16xf32, #tpu.memory_space<hbm>>
      tpu.wait_dma2 semaphore(%run_scoped3A : memref<!tpu.dma_semaphore, #tpu.memory_space<semaphore_mem>>) src(%arg6 : memref<5120x16xf32, #tpu.memory_space<vmem>>) dst(%dma_wait3A_23 : memref<5120x16xf32, #tpu.memory_space<hbm>>)
      tpu.yield
    }) : () -> ()
    return
  }
}

#map = affine_map<(d0, d1) -> (0, 0)>
#map1 = affine_map<(d0, d1) -> (0, 0, 0)>
module attributes {stable_mosaic.version = 14 : i64} {
  func.func @_sc_scatter(%arg0: i32, %arg1: i32, %arg2: memref<163840x16xf32, #tpu.memory_space<hbm>>, %arg3: memref<32x40x128xi32, #tpu.memory_space<hbm>>, %arg4: memref<10240x16xf32, #tpu.memory_space<hbm>>, %arg5: memref<2x10240x16xf32, #tpu.memory_space<hbm>>, %arg6: memref<40x128xi32, #tpu.memory_space<vmem>>, %arg7: memref<5120x16xf32, #tpu.memory_space<vmem>>, %arg8: memref<10240x16xf32, #tpu.memory_space<vmem_shared>>, %arg9: memref<!tpu.dma_semaphore, #tpu.memory_space<semaphore_mem>>) attributes {dimension_semantics = [#tpu.dimension_semantics<core_parallel>, #tpu.dimension_semantics<subcore_parallel>], iteration_bounds = array<i64: 2, 16>, scalar_prefetch = 0 : i64, scratch_operands = 4 : i64, tpu.core_type = #tpu.core_type<sc_vector_subcore>, window_params = [{transform_indices = #map}, {transform_indices = #map1}, {transform_indices = #map}, {transform_indices = #map1}]} {
    %mul3A = arith.constant 2 : i32
    %mul3A_0 = arith.muli %arg1, %mul3A : i32
    %add3A = arith.addi %mul3A_0, %arg0 : i32
    %mul3A_1 = arith.constant 640 : i32
    %mul3A_2 = arith.muli %arg1, %mul3A_1 : i32
    %mul3A_3 = arith.constant 640 : i32
    %mul3A_4 = arith.muli %arg1, %mul3A_3 : i32
    "tpu.region"() ({
      %run_scoped3A = tpu.sem_alloc : memref<!tpu.dma_semaphore, #tpu.memory_space<semaphore_mem>>
      %dma_start3A = arith.constant 0 : i32
      %dma_start3A_23 = tpu.memref_slice %arg8[%mul3A_4, %dma_start3A] : memref<10240x16xf32, #tpu.memory_space<vmem_shared>> -> memref<640x16xf32, #tpu.memory_space<vmem_shared>>
      %dma_start3A_24 = arith.constant 0 : i32
      %dma_start3A_25 = tpu.memref_slice %arg4[%mul3A_2, %dma_start3A_24] : memref<10240x16xf32, #tpu.memory_space<hbm>> -> memref<640x16xf32, #tpu.memory_space<hbm>>
      tpu.enqueue_dma source(%dma_start3A_25 : memref<640x16xf32, #tpu.memory_space<hbm>>) target(%dma_start3A_23 : memref<640x16xf32, #tpu.memory_space<vmem_shared>>) target_semaphore(%run_scoped3A : memref<!tpu.dma_semaphore, #tpu.memory_space<semaphore_mem>>)
      %dma_wait3A = arith.constant 0 : i32
      %dma_wait3A_26 = tpu.memref_slice %arg8[%mul3A_4, %dma_wait3A] : memref<10240x16xf32, #tpu.memory_space<vmem_shared>> -> memref<640x16xf32, #tpu.memory_space<vmem_shared>>
      %dma_wait3A_27 = arith.constant 0 : i32
      %dma_wait3A_28 = tpu.memref_slice %arg4[%mul3A_2, %dma_wait3A_27] : memref<10240x16xf32, #tpu.memory_space<hbm>> -> memref<640x16xf32, #tpu.memory_space<hbm>>
      tpu.wait_dma2 semaphore(%run_scoped3A : memref<!tpu.dma_semaphore, #tpu.memory_space<semaphore_mem>>) src(%dma_wait3A_28 : memref<640x16xf32, #tpu.memory_space<hbm>>) dst(%dma_wait3A_26 : memref<640x16xf32, #tpu.memory_space<vmem_shared>>)
      tpu.yield
    }) : () -> ()
    "tpu.region"() ({
      %run_scoped3A = tpu.sem_alloc : memref<!tpu.dma_semaphore, #tpu.memory_space<semaphore_mem>>
      %dma_start3A = arith.constant 0 : i32
      %dma_start3A_23 = arith.constant 0 : i32
      %dma_start3A_24 = tpu.memref_slice %arg3[%add3A, %dma_start3A, %dma_start3A_23] : memref<32x40x128xi32, #tpu.memory_space<hbm>> -> memref<1x40x128xi32, #tpu.memory_space<hbm>>
      %dma_start3A_25 = tpu.memref_squeeze %dma_start3A_24 : memref<1x40x128xi32, #tpu.memory_space<hbm>> -> memref<40x128xi32, #tpu.memory_space<hbm>>
      %dma_start3A_26 = arith.constant 0 : i32
      %dma_start3A_27 = arith.constant 0 : i32
      %dma_start3A_28 = tpu.memref_slice %arg3[%add3A, %dma_start3A_26, %dma_start3A_27] : memref<32x40x128xi32, #tpu.memory_space<hbm>> -> memref<1x40x128xi32, #tpu.memory_space<hbm>>
      %dma_start3A_29 = tpu.memref_squeeze %dma_start3A_28 : memref<1x40x128xi32, #tpu.memory_space<hbm>> -> memref<40x128xi32, #tpu.memory_space<hbm>>
      tpu.enqueue_dma source(%dma_start3A_29 : memref<40x128xi32, #tpu.memory_space<hbm>>) target(%arg6 : memref<40x128xi32, #tpu.memory_space<vmem>>) target_semaphore(%run_scoped3A : memref<!tpu.dma_semaphore, #tpu.memory_space<semaphore_mem>>)
      %dma_wait3A = arith.constant 0 : i32
      %dma_wait3A_30 = arith.constant 0 : i32
      %dma_wait3A_31 = tpu.memref_slice %arg3[%add3A, %dma_wait3A, %dma_wait3A_30] : memref<32x40x128xi32, #tpu.memory_space<hbm>> -> memref<1x40x128xi32, #tpu.memory_space<hbm>>
      %dma_wait3A_32 = tpu.memref_squeeze %dma_wait3A_31 : memref<1x40x128xi32, #tpu.memory_space<hbm>> -> memref<40x128xi32, #tpu.memory_space<hbm>>
      %dma_wait3A_33 = arith.constant 0 : i32
      %dma_wait3A_34 = arith.constant 0 : i32
      %dma_wait3A_35 = tpu.memref_slice %arg3[%add3A, %dma_wait3A_33, %dma_wait3A_34] : memref<32x40x128xi32, #tpu.memory_space<hbm>> -> memref<1x40x128xi32, #tpu.memory_space<hbm>>
      %dma_wait3A_36 = tpu.memref_squeeze %dma_wait3A_35 : memref<1x40x128xi32, #tpu.memory_space<hbm>> -> memref<40x128xi32, #tpu.memory_space<hbm>>
      tpu.wait_dma2 semaphore(%run_scoped3A : memref<!tpu.dma_semaphore, #tpu.memory_space<semaphore_mem>>) src(%dma_wait3A_36 : memref<40x128xi32, #tpu.memory_space<hbm>>) dst(%arg6 : memref<40x128xi32, #tpu.memory_space<vmem>>)
      tpu.yield
    }) : () -> ()
    %mul3A_5 = arith.constant 5120 : i32
    %mul3A_6 = arith.muli %add3A, %mul3A_5 : i32
    "tpu.region"() ({
      %run_scoped3A = tpu.sem_alloc : memref<!tpu.dma_semaphore, #tpu.memory_space<semaphore_mem>>
      %dma_start3A = arith.constant 0 : i32
      %dma_start3A_23 = tpu.memref_slice %arg2[%mul3A_6, %dma_start3A] : memref<163840x16xf32, #tpu.memory_space<hbm>> -> memref<5120x16xf32, #tpu.memory_space<hbm>>
      %dma_start3A_24 = arith.constant 0 : i32
      %dma_start3A_25 = tpu.memref_slice %arg2[%mul3A_6, %dma_start3A_24] : memref<163840x16xf32, #tpu.memory_space<hbm>> -> memref<5120x16xf32, #tpu.memory_space<hbm>>
      tpu.enqueue_dma source(%dma_start3A_25 : memref<5120x16xf32, #tpu.memory_space<hbm>>) target(%arg7 : memref<5120x16xf32, #tpu.memory_space<vmem>>) target_semaphore(%run_scoped3A : memref<!tpu.dma_semaphore, #tpu.memory_space<semaphore_mem>>)
      %dma_wait3A = arith.constant 0 : i32
      %dma_wait3A_26 = tpu.memref_slice %arg2[%mul3A_6, %dma_wait3A] : memref<163840x16xf32, #tpu.memory_space<hbm>> -> memref<5120x16xf32, #tpu.memory_space<hbm>>
      %dma_wait3A_27 = arith.constant 0 : i32
      %dma_wait3A_28 = tpu.memref_slice %arg2[%mul3A_6, %dma_wait3A_27] : memref<163840x16xf32, #tpu.memory_space<hbm>> -> memref<5120x16xf32, #tpu.memory_space<hbm>>
      tpu.wait_dma2 semaphore(%run_scoped3A : memref<!tpu.dma_semaphore, #tpu.memory_space<semaphore_mem>>) src(%dma_wait3A_28 : memref<5120x16xf32, #tpu.memory_space<hbm>>) dst(%arg7 : memref<5120x16xf32, #tpu.memory_space<vmem>>)
      tpu.yield
    }) : () -> ()
    %barrier3A = arith.constant 0 : index
    tpu.barrier barrier_id(%barrier3A)
    %scan3A = arith.constant 0 : i32
    %scan3A_7 = arith.constant 0 : i32
    %scan3A_8 = arith.constant 40 : i32
    %scan3A_9 = arith.addi %scan3A_7, %scan3A_8 : i32
    %scan3A_10 = arith.constant 1 : i32
    scf.for %scan3A_23 = %scan3A_7 to %scan3A_9 step %scan3A_10  : i32 {
      %mul3A_24 = arith.constant 128 : i32
      %mul3A_25 = arith.muli %scan3A_23, %mul3A_24 : i32
      %dma_start3A = arith.constant 0 : i32
      %dma_start3A_26 = tpu.memref_slice %arg7[%mul3A_25, %dma_start3A] : memref<5120x16xf32, #tpu.memory_space<vmem>> -> memref<128x16xf32, #tpu.memory_space<vmem>>
      %dma_start3A_27 = arith.constant 0 : i32
      %dma_start3A_28 = tpu.memref_slice %arg6[%scan3A_23, %dma_start3A_27] : memref<40x128xi32, #tpu.memory_space<vmem>> -> memref<1x128xi32, #tpu.memory_space<vmem>>
      %dma_start3A_29 = tpu.memref_squeeze %dma_start3A_28 : memref<1x128xi32, #tpu.memory_space<vmem>> -> memref<128xi32, #tpu.memory_space<vmem>>
      %dma_start3A_30 = arith.constant 0 : i32
      %dma_start3A_31 = arith.constant 0 : i32
      %dma_start3A_32 = tpu.memref_slice %arg8[%dma_start3A_30, %dma_start3A_31] : memref<10240x16xf32, #tpu.memory_space<vmem_shared>> -> memref<10240x16xf32, #tpu.memory_space<vmem_shared>>
      tpu.enqueue_indirect_dma source(%dma_start3A_26 : memref<128x16xf32, #tpu.memory_space<vmem>>) target(%dma_start3A_32 : memref<10240x16xf32, #tpu.memory_space<vmem_shared>>) offsets(%dma_start3A_29 : memref<128xi32, #tpu.memory_space<vmem>>) semaphore(%arg9 : memref<!tpu.dma_semaphore, #tpu.memory_space<semaphore_mem>>) {add = true}
    }
    %scan3A_11 = arith.constant 40 : i32
    %scan3A_12 = arith.constant 0 : i32
    %scan3A_13 = arith.constant 0 : i32
    %scan3A_14 = arith.constant 40 : i32
    %scan3A_15 = arith.addi %scan3A_13, %scan3A_14 : i32
    %scan3A_16 = arith.constant 1 : i32
    scf.for %scan3A_23 = %scan3A_13 to %scan3A_15 step %scan3A_16  : i32 {
      %mul3A_24 = arith.constant 128 : i32
      %mul3A_25 = arith.muli %scan3A_23, %mul3A_24 : i32
      %dma_wait3A = arith.constant 0 : i32
      %dma_wait3A_26 = tpu.memref_slice %arg7[%mul3A_25, %dma_wait3A] : memref<5120x16xf32, #tpu.memory_space<vmem>> -> memref<128x16xf32, #tpu.memory_space<vmem>>
      %dma_wait3A_27 = arith.constant 0 : i32
      %dma_wait3A_28 = tpu.memref_slice %arg6[%scan3A_23, %dma_wait3A_27] : memref<40x128xi32, #tpu.memory_space<vmem>> -> memref<1x128xi32, #tpu.memory_space<vmem>>
      %dma_wait3A_29 = tpu.memref_squeeze %dma_wait3A_28 : memref<1x128xi32, #tpu.memory_space<vmem>> -> memref<128xi32, #tpu.memory_space<vmem>>
      %dma_wait3A_30 = arith.constant 0 : i32
      %dma_wait3A_31 = arith.constant 0 : i32
      %dma_wait3A_32 = tpu.memref_slice %arg8[%dma_wait3A_30, %dma_wait3A_31] : memref<10240x16xf32, #tpu.memory_space<vmem_shared>> -> memref<10240x16xf32, #tpu.memory_space<vmem_shared>>
      tpu.wait_indirect_dma semaphore(%arg9 : memref<!tpu.dma_semaphore, #tpu.memory_space<semaphore_mem>>) src(%dma_wait3A_26 : memref<128x16xf32, #tpu.memory_space<vmem>>) dst(%dma_wait3A_32 : memref<10240x16xf32, #tpu.memory_space<vmem_shared>>)
    }
    %scan3A_17 = arith.constant 40 : i32
    %barrier3A_18 = arith.constant 0 : index
    tpu.barrier barrier_id(%barrier3A_18)
    %mul3A_19 = arith.constant 640 : i32
    %mul3A_20 = arith.muli %arg1, %mul3A_19 : i32
    %mul3A_21 = arith.constant 640 : i32
    %mul3A_22 = arith.muli %arg1, %mul3A_21 : i32
    "tpu.region"() ({
      %run_scoped3A = tpu.sem_alloc : memref<!tpu.dma_semaphore, #tpu.memory_space<semaphore_mem>>
      %dma_start3A = arith.constant 0 : i32
      %dma_start3A_23 = tpu.memref_slice %arg5[%arg0, %mul3A_22, %dma_start3A] : memref<2x10240x16xf32, #tpu.memory_space<hbm>> -> memref<1x640x16xf32, #tpu.memory_space<hbm>>
      %dma_start3A_24 = tpu.memref_squeeze %dma_start3A_23 : memref<1x640x16xf32, #tpu.memory_space<hbm>> -> memref<640x16xf32, #tpu.memory_space<hbm>>
      %dma_start3A_25 = arith.constant 0 : i32
      %dma_start3A_26 = tpu.memref_slice %arg8[%mul3A_20, %dma_start3A_25] : memref<10240x16xf32, #tpu.memory_space<vmem_shared>> -> memref<640x16xf32, #tpu.memory_space<vmem_shared>>
      tpu.enqueue_dma source(%dma_start3A_26 : memref<640x16xf32, #tpu.memory_space<vmem_shared>>) target(%dma_start3A_24 : memref<640x16xf32, #tpu.memory_space<hbm>>) target_semaphore(%run_scoped3A : memref<!tpu.dma_semaphore, #tpu.memory_space<semaphore_mem>>)
      %dma_wait3A = arith.constant 0 : i32
      %dma_wait3A_27 = tpu.memref_slice %arg5[%arg0, %mul3A_22, %dma_wait3A] : memref<2x10240x16xf32, #tpu.memory_space<hbm>> -> memref<1x640x16xf32, #tpu.memory_space<hbm>>
      %dma_wait3A_28 = tpu.memref_squeeze %dma_wait3A_27 : memref<1x640x16xf32, #tpu.memory_space<hbm>> -> memref<640x16xf32, #tpu.memory_space<hbm>>
      %dma_wait3A_29 = arith.constant 0 : i32
      %dma_wait3A_30 = tpu.memref_slice %arg8[%mul3A_20, %dma_wait3A_29] : memref<10240x16xf32, #tpu.memory_space<vmem_shared>> -> memref<640x16xf32, #tpu.memory_space<vmem_shared>>
      tpu.wait_dma2 semaphore(%run_scoped3A : memref<!tpu.dma_semaphore, #tpu.memory_space<semaphore_mem>>) src(%dma_wait3A_30 : memref<640x16xf32, #tpu.memory_space<vmem_shared>>) dst(%dma_wait3A_28 : memref<640x16xf32, #tpu.memory_space<hbm>>)
      tpu.yield
    }) : () -> ()
    return
  }
}

module attributes {stable_mosaic.version = 14 : i64} {
  func.func @_pre_body(%arg0: memref<10000x128xf32, #tpu.memory_space<vmem>>, %arg1: memref<128x16xf32, #tpu.memory_space<vmem>>, %arg2: memref<1x16xf32, #tpu.memory_space<vmem>>, %arg3: memref<1x16xf32, #tpu.memory_space<vmem>>, %arg4: memref<1x16xf32, #tpu.memory_space<vmem>>, %arg5: memref<10240x16xf32, #tpu.memory_space<vmem>>) attributes {dimension_semantics = [], scalar_prefetch = 0 : i64, scratch_operands = 0 : i64, tpu.core_type = #tpu.core_type<tc>} {
    %get3A = arith.constant 0 : index
    %get3A_0 = arith.constant 0 : index
    %get3A_1 = vector.load %arg0[%get3A, %get3A_0] : memref<10000x128xf32, #tpu.memory_space<vmem>>, vector<10000x128xf32>
    %get3A_2 = arith.constant 0 : index
    %get3A_3 = arith.constant 0 : index
    %get3A_4 = vector.load %arg1[%get3A_2, %get3A_3] : memref<128x16xf32, #tpu.memory_space<vmem>>, vector<128x16xf32>
    %dot_general3A = arith.constant dense<0.000000e+00> : vector<10000x16xf32>
    %dot_general3A_5 = tpu.matmul %get3A_1, %get3A_4, %dot_general3A {dimension_numbers = #tpu.dot_dimension_numbers<[1], [0], [0], [1], [0, 0, 1, 1], [], []>, transpose_lhs_hint = false} : vector<10000x128xf32>, vector<128x16xf32>, vector<10000x16xf32> -> vector<10000x16xf32>
    %get3A_6 = arith.constant 0 : index
    %get3A_7 = arith.constant 0 : index
    %get3A_8 = vector.load %arg2[%get3A_6, %get3A_7] : memref<1x16xf32, #tpu.memory_space<vmem>>, vector<1x16xf32>
    %add3A = vector.broadcast %get3A_8 : vector<1x16xf32> to vector<10000x16xf32>
    %add3A_9 = arith.addf %dot_general3A_5, %add3A : vector<10000x16xf32>
    %reduce_sum3A = arith.constant dense<0.000000e+00> : vector<16xf32>
    %reduce_sum3A_10 = vector.multi_reduction <add>, %add3A_9, %reduce_sum3A [0] : vector<10000x16xf32> to vector<16xf32>
    %broadcast_in_dim3A = vector.shape_cast %reduce_sum3A_10 : vector<16xf32> to vector<1x16xf32>
    %div3A = arith.constant 1.000000e+04 : f32
    %div3A_11 = vector.broadcast %div3A : f32 to vector<1x16xf32>
    %div3A_12 = arith.divf %broadcast_in_dim3A, %div3A_11 : vector<1x16xf32>
    %sub3A = vector.broadcast %div3A_12 : vector<1x16xf32> to vector<10000x16xf32>
    %sub3A_13 = arith.subf %add3A_9, %sub3A : vector<10000x16xf32>
    %sub3A_14 = vector.broadcast %div3A_12 : vector<1x16xf32> to vector<10000x16xf32>
    %sub3A_15 = arith.subf %add3A_9, %sub3A_14 : vector<10000x16xf32>
    %mul3A = arith.mulf %sub3A_13, %sub3A_15 : vector<10000x16xf32>
    %reduce_sum3A_16 = arith.constant dense<0.000000e+00> : vector<16xf32>
    %reduce_sum3A_17 = vector.multi_reduction <add>, %mul3A, %reduce_sum3A_16 [0] : vector<10000x16xf32> to vector<16xf32>
    %broadcast_in_dim3A_18 = vector.shape_cast %reduce_sum3A_17 : vector<16xf32> to vector<1x16xf32>
    %div3A_19 = arith.constant 1.000000e+04 : f32
    %div3A_20 = vector.broadcast %div3A_19 : f32 to vector<1x16xf32>
    %div3A_21 = arith.divf %broadcast_in_dim3A_18, %div3A_20 : vector<1x16xf32>
    %sub3A_22 = vector.broadcast %div3A_12 : vector<1x16xf32> to vector<10000x16xf32>
    %sub3A_23 = arith.subf %add3A_9, %sub3A_22 : vector<10000x16xf32>
    %add3A_24 = arith.constant 9.99999974E-6 : f32
    %add3A_25 = vector.broadcast %add3A_24 : f32 to vector<1x16xf32>
    %add3A_26 = arith.addf %div3A_21, %add3A_25 : vector<1x16xf32>
    %rsqrt3A = math.rsqrt %add3A_26 : vector<1x16xf32>
    %mul3A_27 = vector.broadcast %rsqrt3A : vector<1x16xf32> to vector<10000x16xf32>
    %mul3A_28 = arith.mulf %sub3A_23, %mul3A_27 : vector<10000x16xf32>
    %get3A_29 = arith.constant 0 : index
    %get3A_30 = arith.constant 0 : index
    %get3A_31 = vector.load %arg3[%get3A_29, %get3A_30] : memref<1x16xf32, #tpu.memory_space<vmem>>, vector<1x16xf32>
    %mul3A_32 = vector.broadcast %get3A_31 : vector<1x16xf32> to vector<10000x16xf32>
    %mul3A_33 = arith.mulf %mul3A_28, %mul3A_32 : vector<10000x16xf32>
    %get3A_34 = arith.constant 0 : index
    %get3A_35 = arith.constant 0 : index
    %get3A_36 = vector.load %arg4[%get3A_34, %get3A_35] : memref<1x16xf32, #tpu.memory_space<vmem>>, vector<1x16xf32>
    %add3A_37 = vector.broadcast %get3A_36 : vector<1x16xf32> to vector<10000x16xf32>
    %add3A_38 = arith.addf %mul3A_33, %add3A_37 : vector<10000x16xf32>
    %max3A = arith.constant 0.000000e+00 : f32
    %max3A_39 = vector.broadcast %max3A : f32 to vector<10000x16xf32>
    %max3A_40 = arith.maximumf %add3A_38, %max3A_39 : vector<10000x16xf32>
    %broadcast_in_dim3A_41 = arith.constant 0.000000e+00 : f32
    %broadcast_in_dim3A_42 = vector.broadcast %broadcast_in_dim3A_41 : f32 to vector<240x16xf32>
    %concatenate3A = tpu.concatenate %max3A_40, %broadcast_in_dim3A_42 in 0 : vector<10000x16xf32>, vector<240x16xf32> -> vector<10240x16xf32>
    %swap3A = arith.constant 0 : index
    %swap3A_43 = arith.constant 0 : index
    %swap3A_44 = vector.load %arg5[%swap3A, %swap3A_43] : memref<10240x16xf32, #tpu.memory_space<vmem>>, vector<10240x16xf32>
    tpu.vector_store %arg5[%swap3A, %swap3A_43], %concatenate3A {strides = array<i32>} : memref<10240x16xf32, #tpu.memory_space<vmem>>, vector<10240x16xf32>,
    return
  }
}

module attributes {stable_mosaic.version = 14 : i64} {
  func.func @_z_body(%arg0: i32, %arg1: memref<512x128xf32, #tpu.memory_space<vmem>>, %arg2: memref<16x32xf32, #tpu.memory_space<vmem>>, %arg3: memref<1x32xf32, #tpu.memory_space<vmem>>, %arg4: memref<512x256xf32, #tpu.memory_space<vmem>>, %arg5: memref<8x32xf32, #tpu.memory_space<vmem>>, %arg6: memref<8x32xf32, #tpu.memory_space<vmem>>) attributes {dimension_semantics = [#tpu.dimension_semantics<arbitrary>], iteration_bounds = array<i64: 40>, scalar_prefetch = 0 : i64, scratch_operands = 0 : i64, tpu.core_type = #tpu.core_type<tc>, window_params = [{transform_indices = @transform_0, window_bounds = array<i64: 512, 128>}, {pipeline_mode = #tpu.pipeline_mode<synchronous>, transform_indices = @transform_1, window_bounds = array<i64: 16, 32>}, {pipeline_mode = #tpu.pipeline_mode<synchronous>, transform_indices = @transform_2, window_bounds = array<i64: 1, 32>}, {transform_indices = @transform_3, window_bounds = array<i64: 512, 256>}, {pipeline_mode = #tpu.pipeline_mode<synchronous>, transform_indices = @transform_4, window_bounds = array<i64: 8, 32>}, {pipeline_mode = #tpu.pipeline_mode<synchronous>, transform_indices = @transform_5, window_bounds = array<i64: 8, 32>}]} {
    %eq3A = arith.constant 0 : i32
    %eq3A_0 = arith.cmpi eq, %arg0, %eq3A : i32
    %convert_element_type3A = arith.extui %eq3A_0 : i1 to i32
    %cond3A = arith.constant 0 : i32
    %cond3A_1 = arith.cmpi ne, %convert_element_type3A, %cond3A : i32
    scf.if %cond3A_1 {
      %broadcast_in_dim3A = arith.constant 0.000000e+00 : f32
      %broadcast_in_dim3A_106 = vector.broadcast %broadcast_in_dim3A : f32 to vector<8x32xf32>
      %swap3A_107 = arith.constant 0 : index
      %swap3A_108 = arith.constant 0 : index
      %swap3A_109 = vector.load %arg5[%swap3A_107, %swap3A_108] : memref<8x32xf32, #tpu.memory_space<vmem>>, vector<8x32xf32>
      tpu.vector_store %arg5[%swap3A_107, %swap3A_108], %broadcast_in_dim3A_106 {strides = array<i32>} : memref<8x32xf32, #tpu.memory_space<vmem>>, vector<8x32xf32>,
      %broadcast_in_dim3A_110 = arith.constant 0.000000e+00 : f32
      %broadcast_in_dim3A_111 = vector.broadcast %broadcast_in_dim3A_110 : f32 to vector<8x32xf32>
      %swap3A_112 = arith.constant 0 : index
      %swap3A_113 = arith.constant 0 : index
      %swap3A_114 = vector.load %arg6[%swap3A_112, %swap3A_113] : memref<8x32xf32, #tpu.memory_space<vmem>>, vector<8x32xf32>
      tpu.vector_store %arg6[%swap3A_112, %swap3A_113], %broadcast_in_dim3A_111 {strides = array<i32>} : memref<8x32xf32, #tpu.memory_space<vmem>>, vector<8x32xf32>,
    } else {
    }
    %get3A = arith.constant 0 : index
    %get3A_2 = arith.constant 0 : index
    %get3A_3 = vector.load %arg1[%get3A, %get3A_2] : memref<512x128xf32, #tpu.memory_space<vmem>>, vector<512x128xf32>
    %slice3A = vector.extract_strided_slice %get3A_3 {offsets = [0, 0], sizes = [512, 16], strides = [1, 1]} : vector<512x128xf32> to vector<512x16xf32>
    %slice3A_4 = vector.extract_strided_slice %get3A_3 {offsets = [0, 16], sizes = [512, 16], strides = [1, 1]} : vector<512x128xf32> to vector<512x16xf32>
    %slice3A_5 = vector.extract_strided_slice %get3A_3 {offsets = [0, 32], sizes = [512, 16], strides = [1, 1]} : vector<512x128xf32> to vector<512x16xf32>
    %slice3A_6 = vector.extract_strided_slice %get3A_3 {offsets = [0, 48], sizes = [512, 16], strides = [1, 1]} : vector<512x128xf32> to vector<512x16xf32>
    %slice3A_7 = vector.extract_strided_slice %get3A_3 {offsets = [0, 64], sizes = [512, 16], strides = [1, 1]} : vector<512x128xf32> to vector<512x16xf32>
    %slice3A_8 = vector.extract_strided_slice %get3A_3 {offsets = [0, 80], sizes = [512, 16], strides = [1, 1]} : vector<512x128xf32> to vector<512x16xf32>
    %slice3A_9 = vector.extract_strided_slice %get3A_3 {offsets = [0, 96], sizes = [512, 16], strides = [1, 1]} : vector<512x128xf32> to vector<512x16xf32>
    %slice3A_10 = vector.extract_strided_slice %get3A_3 {offsets = [0, 112], sizes = [512, 16], strides = [1, 1]} : vector<512x128xf32> to vector<512x16xf32>
    %concatenate3A = tpu.concatenate %slice3A, %slice3A_4, %slice3A_5, %slice3A_6, %slice3A_7, %slice3A_8, %slice3A_9, %slice3A_10 in 0 : vector<512x16xf32>, vector<512x16xf32>, vector<512x16xf32>, vector<512x16xf32>, vector<512x16xf32>, vector<512x16xf32>, vector<512x16xf32>, vector<512x16xf32> -> vector<4096x16xf32>
    %get3A_11 = arith.constant 0 : index
    %get3A_12 = arith.constant 0 : index
    %get3A_13 = vector.load %arg2[%get3A_11, %get3A_12] : memref<16x32xf32, #tpu.memory_space<vmem>>, vector<16x32xf32>
    %dot_general3A = arith.constant dense<0.000000e+00> : vector<4096x32xf32>
    %dot_general3A_14 = tpu.matmul %concatenate3A, %get3A_13, %dot_general3A {dimension_numbers = #tpu.dot_dimension_numbers<[1], [0], [0], [1], [0, 0, 1, 1], [], []>, transpose_lhs_hint = false} : vector<4096x16xf32>, vector<16x32xf32>, vector<4096x32xf32> -> vector<4096x32xf32>
    %get3A_15 = arith.constant 0 : index
    %get3A_16 = arith.constant 0 : index
    %get3A_17 = vector.load %arg3[%get3A_15, %get3A_16] : memref<1x32xf32, #tpu.memory_space<vmem>>, vector<1x32xf32>
    %add3A = vector.broadcast %get3A_17 : vector<1x32xf32> to vector<4096x32xf32>
    %add3A_18 = arith.addf %dot_general3A_14, %add3A : vector<4096x32xf32>
    %slice3A_19 = vector.extract_strided_slice %add3A_18 {offsets = [0, 0], sizes = [512, 32], strides = [1, 1]} : vector<4096x32xf32> to vector<512x32xf32>
    %slice3A_20 = vector.extract_strided_slice %add3A_18 {offsets = [512, 0], sizes = [512, 32], strides = [1, 1]} : vector<4096x32xf32> to vector<512x32xf32>
    %slice3A_21 = vector.extract_strided_slice %add3A_18 {offsets = [1024, 0], sizes = [512, 32], strides = [1, 1]} : vector<4096x32xf32> to vector<512x32xf32>
    %slice3A_22 = vector.extract_strided_slice %add3A_18 {offsets = [1536, 0], sizes = [512, 32], strides = [1, 1]} : vector<4096x32xf32> to vector<512x32xf32>
    %slice3A_23 = vector.extract_strided_slice %add3A_18 {offsets = [2048, 0], sizes = [512, 32], strides = [1, 1]} : vector<4096x32xf32> to vector<512x32xf32>
    %slice3A_24 = vector.extract_strided_slice %add3A_18 {offsets = [2560, 0], sizes = [512, 32], strides = [1, 1]} : vector<4096x32xf32> to vector<512x32xf32>
    %slice3A_25 = vector.extract_strided_slice %add3A_18 {offsets = [3072, 0], sizes = [512, 32], strides = [1, 1]} : vector<4096x32xf32> to vector<512x32xf32>
    %slice3A_26 = vector.extract_strided_slice %add3A_18 {offsets = [3584, 0], sizes = [512, 32], strides = [1, 1]} : vector<4096x32xf32> to vector<512x32xf32>
    %concatenate3A_27 = tpu.concatenate %slice3A_19, %slice3A_20, %slice3A_21, %slice3A_22, %slice3A_23, %slice3A_24, %slice3A_25, %slice3A_26 in 1 : vector<512x32xf32>, vector<512x32xf32>, vector<512x32xf32>, vector<512x32xf32>, vector<512x32xf32>, vector<512x32xf32>, vector<512x32xf32>, vector<512x32xf32> -> vector<512x256xf32>
    %swap3A = arith.constant 0 : index
    %swap3A_28 = arith.constant 0 : index
    %swap3A_29 = vector.load %arg4[%swap3A, %swap3A_28] : memref<512x256xf32, #tpu.memory_space<vmem>>, vector<512x256xf32>
    tpu.vector_store %arg4[%swap3A, %swap3A_28], %concatenate3A_27 {strides = array<i32>} : memref<512x256xf32, #tpu.memory_space<vmem>>, vector<512x256xf32>,
    %iota3A = tpu.iota {dimensions = array<i32: 0>} : vector<4096x1xi32>
    %jit3A = arith.constant 512 : i32
    %eq3A_30 = arith.constant 0 : i32
    %eq3A_31 = arith.cmpi eq, %jit3A, %eq3A_30 : i32
    %jit3A_32 = arith.constant 1 : i32
    %select_n3A = arith.select %eq3A_31, %jit3A_32, %jit3A : i32
    %rem3A = vector.broadcast %select_n3A : i32 to vector<4096x1xi32>
    %rem3A_33 = arith.remsi %iota3A, %rem3A : vector<4096x1xi32>
    %ne3A = arith.constant 0 : i32
    %ne3A_34 = vector.broadcast %ne3A : i32 to vector<4096x1xi32>
    %ne3A_35 = arith.cmpi ne, %rem3A_33, %ne3A_34 : vector<4096x1xi32>
    %lt3A = arith.constant 0 : i32
    %lt3A_36 = vector.broadcast %lt3A : i32 to vector<4096x1xi32>
    %lt3A_37 = arith.cmpi slt, %rem3A_33, %lt3A_36 : vector<4096x1xi32>
    %lt3A_38 = arith.constant 0 : i32
    %lt3A_39 = arith.cmpi slt, %select_n3A, %lt3A_38 : i32
    %ne3A_40 = vector.broadcast %lt3A_39 : i1 to vector<4096x1xi1>
    %ne3A_41 = vector.broadcast %ne3A_40 : vector<4096x1xi1> to vector<4096x1xi1>
    %ne3A_42 = arith.xori %lt3A_37, %ne3A_41 : vector<4096x1xi1>
    %and3A = arith.andi %ne3A_42, %ne3A_35 : vector<4096x1xi1>
    %add3A_43 = vector.broadcast %select_n3A : i32 to vector<4096x1xi32>
    %add3A_44 = arith.addi %rem3A_33, %add3A_43 : vector<4096x1xi32>
    %select_n3A_45 = arith.select %and3A, %add3A_44, %rem3A_33 : vector<4096x1xi1>, vector<4096x1xi32>
    %mul3A = arith.constant 8 : i32
    %mul3A_46 = vector.broadcast %mul3A : i32 to vector<4096x1xi32>
    %mul3A_47 = arith.muli %mul3A_46, %select_n3A_45 : vector<4096x1xi32>
    %jit3A_48 = arith.constant 512 : i32
    %div3A = vector.broadcast %jit3A_48 : i32 to vector<4096x1xi32>
    %div3A_49 = arith.divsi %iota3A, %div3A : vector<4096x1xi32>
    %sign3A = arith.constant 0 : i32
    %sign3A_50 = vector.broadcast %sign3A : i32 to vector<4096x1xi32>
    %sign3A_51 = arith.cmpi sgt, %iota3A, %sign3A_50 : vector<4096x1xi32>
    %sign3A_52 = arith.extui %sign3A_51 : vector<4096x1xi1> to vector<4096x1xi32>
    %sign3A_53 = arith.constant 0 : i32
    %sign3A_54 = vector.broadcast %sign3A_53 : i32 to vector<4096x1xi32>
    %sign3A_55 = arith.cmpi slt, %iota3A, %sign3A_54 : vector<4096x1xi32>
    %sign3A_56 = arith.extui %sign3A_55 : vector<4096x1xi1> to vector<4096x1xi32>
    %sign3A_57 = arith.subi %sign3A_52, %sign3A_56 : vector<4096x1xi32>
    %sign3A_58 = arith.constant 0 : i32
    %sign3A_59 = arith.cmpi sgt, %jit3A_48, %sign3A_58 : i32
    %sign3A_60 = arith.extui %sign3A_59 : i1 to i32
    %sign3A_61 = arith.constant 0 : i32
    %sign3A_62 = arith.cmpi slt, %jit3A_48, %sign3A_61 : i32
    %sign3A_63 = arith.extui %sign3A_62 : i1 to i32
    %sign3A_64 = arith.subi %sign3A_60, %sign3A_63 : i32
    %ne3A_65 = vector.broadcast %sign3A_64 : i32 to vector<4096x1xi32>
    %ne3A_66 = arith.cmpi ne, %sign3A_57, %ne3A_65 : vector<4096x1xi32>
    %rem3A_67 = vector.broadcast %jit3A_48 : i32 to vector<4096x1xi32>
    %rem3A_68 = arith.remsi %iota3A, %rem3A_67 : vector<4096x1xi32>
    %ne3A_69 = arith.constant 0 : i32
    %ne3A_70 = vector.broadcast %ne3A_69 : i32 to vector<4096x1xi32>
    %ne3A_71 = arith.cmpi ne, %rem3A_68, %ne3A_70 : vector<4096x1xi32>
    %and3A_72 = arith.andi %ne3A_66, %ne3A_71 : vector<4096x1xi1>
    %sub3A = arith.constant 1 : i32
    %sub3A_73 = vector.broadcast %sub3A : i32 to vector<4096x1xi32>
    %sub3A_74 = arith.subi %div3A_49, %sub3A_73 : vector<4096x1xi32>
    %select_n3A_75 = arith.select %and3A_72, %sub3A_74, %div3A_49 : vector<4096x1xi1>, vector<4096x1xi32>
    %add3A_76 = arith.addi %mul3A_47, %select_n3A_75 : vector<4096x1xi32>
    %mul3A_77 = arith.constant 4096 : i32
    %mul3A_78 = arith.muli %arg0, %mul3A_77 : i32
    %add3A_79 = vector.broadcast %mul3A_78 : i32 to vector<4096x1xi32>
    %add3A_80 = arith.addi %add3A_79, %add3A_76 : vector<4096x1xi32>
    %lt3A_81 = arith.constant 160000 : i32
    %lt3A_82 = vector.broadcast %lt3A_81 : i32 to vector<4096x1xi32>
    %lt3A_83 = arith.cmpi slt, %add3A_80, %lt3A_82 : vector<4096x1xi32>
    %convert_element_type3A_84 = arith.extui %lt3A_83 : vector<4096x1xi1> to vector<4096x1xi32>
    %convert_element_type3A_85 = arith.sitofp %convert_element_type3A_84 : vector<4096x1xi32> to vector<4096x1xf32>
    %mul3A_86 = vector.broadcast %convert_element_type3A_85 : vector<4096x1xf32> to vector<4096x32xf32>
    %mul3A_87 = arith.mulf %add3A_18, %mul3A_86 : vector<4096x32xf32>
    %reshape3A = vector.shape_cast %mul3A_87 : vector<4096x32xf32> to vector<8x512x32xf32>
    %get3A_88 = arith.constant 0 : index
    %get3A_89 = arith.constant 0 : index
    %get3A_90 = vector.load %arg5[%get3A_88, %get3A_89] : memref<8x32xf32, #tpu.memory_space<vmem>>, vector<8x32xf32>
    %reduce_sum3A = arith.constant dense<0.000000e+00> : vector<8x32xf32>
    %reduce_sum3A_91 = vector.multi_reduction <add>, %reshape3A, %reduce_sum3A [1] : vector<8x512x32xf32> to vector<8x32xf32>
    %add3A_92 = arith.addf %get3A_90, %reduce_sum3A_91 : vector<8x32xf32>
    %swap3A_93 = arith.constant 0 : index
    %swap3A_94 = arith.constant 0 : index
    %swap3A_95 = vector.load %arg5[%swap3A_93, %swap3A_94] : memref<8x32xf32, #tpu.memory_space<vmem>>, vector<8x32xf32>
    tpu.vector_store %arg5[%swap3A_93, %swap3A_94], %add3A_92 {strides = array<i32>} : memref<8x32xf32, #tpu.memory_space<vmem>>, vector<8x32xf32>,
    %get3A_96 = arith.constant 0 : index
    %get3A_97 = arith.constant 0 : index
    %get3A_98 = vector.load %arg6[%get3A_96, %get3A_97] : memref<8x32xf32, #tpu.memory_space<vmem>>, vector<8x32xf32>
    %mul3A_99 = arith.mulf %reshape3A, %reshape3A : vector<8x512x32xf32>
    %reduce_sum3A_100 = arith.constant dense<0.000000e+00> : vector<8x32xf32>
    %reduce_sum3A_101 = vector.multi_reduction <add>, %mul3A_99, %reduce_sum3A_100 [1] : vector<8x512x32xf32> to vector<8x32xf32>
    %add3A_102 = arith.addf %get3A_98, %reduce_sum3A_101 : vector<8x32xf32>
    %swap3A_103 = arith.constant 0 : index
    %swap3A_104 = arith.constant 0 : index
    %swap3A_105 = vector.load %arg6[%swap3A_103, %swap3A_104] : memref<8x32xf32, #tpu.memory_space<vmem>>, vector<8x32xf32>
    tpu.vector_store %arg6[%swap3A_103, %swap3A_104], %add3A_102 {strides = array<i32>} : memref<8x32xf32, #tpu.memory_space<vmem>>, vector<8x32xf32>,
    return
  }
  func.func @transform_0(%arg0: i32) -> (i32, i32) {
    %c0_i32 = arith.constant 0 : i32
    %c0_i32_0 = arith.constant 0 : i32
    return %arg0, %c0_i32 : i32, i32
  }
  func.func @transform_1(%arg0: i32) -> (i32, i32) {
    %c0_i32 = arith.constant 0 : i32
    %c0_i32_0 = arith.constant 0 : i32
    %c0_i32_1 = arith.constant 0 : i32
    return %c0_i32, %c0_i32_0 : i32, i32
  }
  func.func @transform_2(%arg0: i32) -> (i32, i32) {
    %c0_i32 = arith.constant 0 : i32
    %c0_i32_0 = arith.constant 0 : i32
    %c0_i32_1 = arith.constant 0 : i32
    return %c0_i32, %c0_i32_0 : i32, i32
  }
  func.func @transform_3(%arg0: i32) -> (i32, i32) {
    %c0_i32 = arith.constant 0 : i32
    %c0_i32_0 = arith.constant 0 : i32
    return %arg0, %c0_i32 : i32, i32
  }
  func.func @transform_4(%arg0: i32) -> (i32, i32) {
    %c0_i32 = arith.constant 0 : i32
    %c0_i32_0 = arith.constant 0 : i32
    %c0_i32_1 = arith.constant 0 : i32
    return %c0_i32, %c0_i32_0 : i32, i32
  }
  func.func @transform_5(%arg0: i32) -> (i32, i32) {
    %c0_i32 = arith.constant 0 : i32
    %c0_i32_0 = arith.constant 0 : i32
    %c0_i32_1 = arith.constant 0 : i32
    return %c0_i32, %c0_i32_0 : i32, i32
  }
}

module attributes {stable_mosaic.version = 14 : i64} {
  func.func @_a_body(%arg0: i32, %arg1: memref<512x256xf32, #tpu.memory_space<vmem>>, %arg2: memref<1x32xf32, #tpu.memory_space<vmem>>, %arg3: memref<1x32xf32, #tpu.memory_space<vmem>>, %arg4: memref<512x256xf32, #tpu.memory_space<vmem>>, %arg5: memref<8x32xf32, #tpu.memory_space<vmem>>, %arg6: memref<32x32xf32, #tpu.memory_space<vmem>>) attributes {dimension_semantics = [#tpu.dimension_semantics<arbitrary>], iteration_bounds = array<i64: 40>, scalar_prefetch = 0 : i64, scratch_operands = 0 : i64, tpu.core_type = #tpu.core_type<tc>, window_params = [{transform_indices = @transform_0, window_bounds = array<i64: 512, 256>}, {pipeline_mode = #tpu.pipeline_mode<synchronous>, transform_indices = @transform_1, window_bounds = array<i64: 1, 32>}, {pipeline_mode = #tpu.pipeline_mode<synchronous>, transform_indices = @transform_2, window_bounds = array<i64: 1, 32>}, {transform_indices = @transform_3, window_bounds = array<i64: 512, 256>}, {pipeline_mode = #tpu.pipeline_mode<synchronous>, transform_indices = @transform_4, window_bounds = array<i64: 8, 32>}, {pipeline_mode = #tpu.pipeline_mode<synchronous>, transform_indices = @transform_5, window_bounds = array<i64: 32, 32>}]} {
    %eq3A = arith.constant 0 : i32
    %eq3A_0 = arith.cmpi eq, %arg0, %eq3A : i32
    %convert_element_type3A = arith.extui %eq3A_0 : i1 to i32
    %cond3A = arith.constant 0 : i32
    %cond3A_1 = arith.cmpi ne, %convert_element_type3A, %cond3A : i32
    scf.if %cond3A_1 {
      %broadcast_in_dim3A = arith.constant 0.000000e+00 : f32
      %broadcast_in_dim3A_107 = vector.broadcast %broadcast_in_dim3A : f32 to vector<8x32xf32>
      %swap3A_108 = arith.constant 0 : index
      %swap3A_109 = arith.constant 0 : index
      %swap3A_110 = vector.load %arg5[%swap3A_108, %swap3A_109] : memref<8x32xf32, #tpu.memory_space<vmem>>, vector<8x32xf32>
      tpu.vector_store %arg5[%swap3A_108, %swap3A_109], %broadcast_in_dim3A_107 {strides = array<i32>} : memref<8x32xf32, #tpu.memory_space<vmem>>, vector<8x32xf32>,
      %broadcast_in_dim3A_111 = arith.constant 0.000000e+00 : f32
      %broadcast_in_dim3A_112 = vector.broadcast %broadcast_in_dim3A_111 : f32 to vector<32x32xf32>
      %swap3A_113 = arith.constant 0 : index
      %swap3A_114 = arith.constant 0 : index
      %swap3A_115 = vector.load %arg6[%swap3A_113, %swap3A_114] : memref<32x32xf32, #tpu.memory_space<vmem>>, vector<32x32xf32>
      tpu.vector_store %arg6[%swap3A_113, %swap3A_114], %broadcast_in_dim3A_112 {strides = array<i32>} : memref<32x32xf32, #tpu.memory_space<vmem>>, vector<32x32xf32>,
    } else {
    }
    %get3A = arith.constant 0 : index
    %get3A_2 = arith.constant 0 : index
    %get3A_3 = vector.load %arg1[%get3A, %get3A_2] : memref<512x256xf32, #tpu.memory_space<vmem>>, vector<512x256xf32>
    %slice3A = vector.extract_strided_slice %get3A_3 {offsets = [0, 0], sizes = [512, 32], strides = [1, 1]} : vector<512x256xf32> to vector<512x32xf32>
    %slice3A_4 = vector.extract_strided_slice %get3A_3 {offsets = [0, 32], sizes = [512, 32], strides = [1, 1]} : vector<512x256xf32> to vector<512x32xf32>
    %slice3A_5 = vector.extract_strided_slice %get3A_3 {offsets = [0, 64], sizes = [512, 32], strides = [1, 1]} : vector<512x256xf32> to vector<512x32xf32>
    %slice3A_6 = vector.extract_strided_slice %get3A_3 {offsets = [0, 96], sizes = [512, 32], strides = [1, 1]} : vector<512x256xf32> to vector<512x32xf32>
    %slice3A_7 = vector.extract_strided_slice %get3A_3 {offsets = [0, 128], sizes = [512, 32], strides = [1, 1]} : vector<512x256xf32> to vector<512x32xf32>
    %slice3A_8 = vector.extract_strided_slice %get3A_3 {offsets = [0, 160], sizes = [512, 32], strides = [1, 1]} : vector<512x256xf32> to vector<512x32xf32>
    %slice3A_9 = vector.extract_strided_slice %get3A_3 {offsets = [0, 192], sizes = [512, 32], strides = [1, 1]} : vector<512x256xf32> to vector<512x32xf32>
    %slice3A_10 = vector.extract_strided_slice %get3A_3 {offsets = [0, 224], sizes = [512, 32], strides = [1, 1]} : vector<512x256xf32> to vector<512x32xf32>
    %concatenate3A = tpu.concatenate %slice3A, %slice3A_4, %slice3A_5, %slice3A_6, %slice3A_7, %slice3A_8, %slice3A_9, %slice3A_10 in 0 : vector<512x32xf32>, vector<512x32xf32>, vector<512x32xf32>, vector<512x32xf32>, vector<512x32xf32>, vector<512x32xf32>, vector<512x32xf32>, vector<512x32xf32> -> vector<4096x32xf32>
    %get3A_11 = arith.constant 0 : index
    %get3A_12 = arith.constant 0 : index
    %get3A_13 = vector.load %arg2[%get3A_11, %get3A_12] : memref<1x32xf32, #tpu.memory_space<vmem>>, vector<1x32xf32>
    %mul3A = vector.broadcast %get3A_13 : vector<1x32xf32> to vector<4096x32xf32>
    %mul3A_14 = arith.mulf %concatenate3A, %mul3A : vector<4096x32xf32>
    %get3A_15 = arith.constant 0 : index
    %get3A_16 = arith.constant 0 : index
    %get3A_17 = vector.load %arg3[%get3A_15, %get3A_16] : memref<1x32xf32, #tpu.memory_space<vmem>>, vector<1x32xf32>
    %add3A = vector.broadcast %get3A_17 : vector<1x32xf32> to vector<4096x32xf32>
    %add3A_18 = arith.addf %mul3A_14, %add3A : vector<4096x32xf32>
    %max3A = arith.constant 0.000000e+00 : f32
    %max3A_19 = vector.broadcast %max3A : f32 to vector<4096x32xf32>
    %max3A_20 = arith.maximumf %add3A_18, %max3A_19 : vector<4096x32xf32>
    %slice3A_21 = vector.extract_strided_slice %max3A_20 {offsets = [0, 0], sizes = [512, 32], strides = [1, 1]} : vector<4096x32xf32> to vector<512x32xf32>
    %slice3A_22 = vector.extract_strided_slice %max3A_20 {offsets = [512, 0], sizes = [512, 32], strides = [1, 1]} : vector<4096x32xf32> to vector<512x32xf32>
    %slice3A_23 = vector.extract_strided_slice %max3A_20 {offsets = [1024, 0], sizes = [512, 32], strides = [1, 1]} : vector<4096x32xf32> to vector<512x32xf32>
    %slice3A_24 = vector.extract_strided_slice %max3A_20 {offsets = [1536, 0], sizes = [512, 32], strides = [1, 1]} : vector<4096x32xf32> to vector<512x32xf32>
    %slice3A_25 = vector.extract_strided_slice %max3A_20 {offsets = [2048, 0], sizes = [512, 32], strides = [1, 1]} : vector<4096x32xf32> to vector<512x32xf32>
    %slice3A_26 = vector.extract_strided_slice %max3A_20 {offsets = [2560, 0], sizes = [512, 32], strides = [1, 1]} : vector<4096x32xf32> to vector<512x32xf32>
    %slice3A_27 = vector.extract_strided_slice %max3A_20 {offsets = [3072, 0], sizes = [512, 32], strides = [1, 1]} : vector<4096x32xf32> to vector<512x32xf32>
    %slice3A_28 = vector.extract_strided_slice %max3A_20 {offsets = [3584, 0], sizes = [512, 32], strides = [1, 1]} : vector<4096x32xf32> to vector<512x32xf32>
    %concatenate3A_29 = tpu.concatenate %slice3A_21, %slice3A_22, %slice3A_23, %slice3A_24, %slice3A_25, %slice3A_26, %slice3A_27, %slice3A_28 in 1 : vector<512x32xf32>, vector<512x32xf32>, vector<512x32xf32>, vector<512x32xf32>, vector<512x32xf32>, vector<512x32xf32>, vector<512x32xf32>, vector<512x32xf32> -> vector<512x256xf32>
    %swap3A = arith.constant 0 : index
    %swap3A_30 = arith.constant 0 : index
    %swap3A_31 = vector.load %arg4[%swap3A, %swap3A_30] : memref<512x256xf32, #tpu.memory_space<vmem>>, vector<512x256xf32>
    tpu.vector_store %arg4[%swap3A, %swap3A_30], %concatenate3A_29 {strides = array<i32>} : memref<512x256xf32, #tpu.memory_space<vmem>>, vector<512x256xf32>,
    %iota3A = tpu.iota {dimensions = array<i32: 0>} : vector<4096x1xi32>
    %jit3A = arith.constant 512 : i32
    %eq3A_32 = arith.constant 0 : i32
    %eq3A_33 = arith.cmpi eq, %jit3A, %eq3A_32 : i32
    %jit3A_34 = arith.constant 1 : i32
    %select_n3A = arith.select %eq3A_33, %jit3A_34, %jit3A : i32
    %rem3A = vector.broadcast %select_n3A : i32 to vector<4096x1xi32>
    %rem3A_35 = arith.remsi %iota3A, %rem3A : vector<4096x1xi32>
    %ne3A = arith.constant 0 : i32
    %ne3A_36 = vector.broadcast %ne3A : i32 to vector<4096x1xi32>
    %ne3A_37 = arith.cmpi ne, %rem3A_35, %ne3A_36 : vector<4096x1xi32>
    %lt3A = arith.constant 0 : i32
    %lt3A_38 = vector.broadcast %lt3A : i32 to vector<4096x1xi32>
    %lt3A_39 = arith.cmpi slt, %rem3A_35, %lt3A_38 : vector<4096x1xi32>
    %lt3A_40 = arith.constant 0 : i32
    %lt3A_41 = arith.cmpi slt, %select_n3A, %lt3A_40 : i32
    %ne3A_42 = vector.broadcast %lt3A_41 : i1 to vector<4096x1xi1>
    %ne3A_43 = vector.broadcast %ne3A_42 : vector<4096x1xi1> to vector<4096x1xi1>
    %ne3A_44 = arith.xori %lt3A_39, %ne3A_43 : vector<4096x1xi1>
    %and3A = arith.andi %ne3A_44, %ne3A_37 : vector<4096x1xi1>
    %add3A_45 = vector.broadcast %select_n3A : i32 to vector<4096x1xi32>
    %add3A_46 = arith.addi %rem3A_35, %add3A_45 : vector<4096x1xi32>
    %select_n3A_47 = arith.select %and3A, %add3A_46, %rem3A_35 : vector<4096x1xi1>, vector<4096x1xi32>
    %mul3A_48 = arith.constant 8 : i32
    %mul3A_49 = vector.broadcast %mul3A_48 : i32 to vector<4096x1xi32>
    %mul3A_50 = arith.muli %mul3A_49, %select_n3A_47 : vector<4096x1xi32>
    %jit3A_51 = arith.constant 512 : i32
    %div3A = vector.broadcast %jit3A_51 : i32 to vector<4096x1xi32>
    %div3A_52 = arith.divsi %iota3A, %div3A : vector<4096x1xi32>
    %sign3A = arith.constant 0 : i32
    %sign3A_53 = vector.broadcast %sign3A : i32 to vector<4096x1xi32>
    %sign3A_54 = arith.cmpi sgt, %iota3A, %sign3A_53 : vector<4096x1xi32>
    %sign3A_55 = arith.extui %sign3A_54 : vector<4096x1xi1> to vector<4096x1xi32>
    %sign3A_56 = arith.constant 0 : i32
    %sign3A_57 = vector.broadcast %sign3A_56 : i32 to vector<4096x1xi32>
    %sign3A_58 = arith.cmpi slt, %iota3A, %sign3A_57 : vector<4096x1xi32>
    %sign3A_59 = arith.extui %sign3A_58 : vector<4096x1xi1> to vector<4096x1xi32>
    %sign3A_60 = arith.subi %sign3A_55, %sign3A_59 : vector<4096x1xi32>
    %sign3A_61 = arith.constant 0 : i32
    %sign3A_62 = arith.cmpi sgt, %jit3A_51, %sign3A_61 : i32
    %sign3A_63 = arith.extui %sign3A_62 : i1 to i32
    %sign3A_64 = arith.constant 0 : i32
    %sign3A_65 = arith.cmpi slt, %jit3A_51, %sign3A_64 : i32
    %sign3A_66 = arith.extui %sign3A_65 : i1 to i32
    %sign3A_67 = arith.subi %sign3A_63, %sign3A_66 : i32
    %ne3A_68 = vector.broadcast %sign3A_67 : i32 to vector<4096x1xi32>
    %ne3A_69 = arith.cmpi ne, %sign3A_60, %ne3A_68 : vector<4096x1xi32>
    %rem3A_70 = vector.broadcast %jit3A_51 : i32 to vector<4096x1xi32>
    %rem3A_71 = arith.remsi %iota3A, %rem3A_70 : vector<4096x1xi32>
    %ne3A_72 = arith.constant 0 : i32
    %ne3A_73 = vector.broadcast %ne3A_72 : i32 to vector<4096x1xi32>
    %ne3A_74 = arith.cmpi ne, %rem3A_71, %ne3A_73 : vector<4096x1xi32>
    %and3A_75 = arith.andi %ne3A_69, %ne3A_74 : vector<4096x1xi1>
    %sub3A = arith.constant 1 : i32
    %sub3A_76 = vector.broadcast %sub3A : i32 to vector<4096x1xi32>
    %sub3A_77 = arith.subi %div3A_52, %sub3A_76 : vector<4096x1xi32>
    %select_n3A_78 = arith.select %and3A_75, %sub3A_77, %div3A_52 : vector<4096x1xi1>, vector<4096x1xi32>
    %add3A_79 = arith.addi %mul3A_50, %select_n3A_78 : vector<4096x1xi32>
    %mul3A_80 = arith.constant 4096 : i32
    %mul3A_81 = arith.muli %arg0, %mul3A_80 : i32
    %add3A_82 = vector.broadcast %mul3A_81 : i32 to vector<4096x1xi32>
    %add3A_83 = arith.addi %add3A_82, %add3A_79 : vector<4096x1xi32>
    %lt3A_84 = arith.constant 160000 : i32
    %lt3A_85 = vector.broadcast %lt3A_84 : i32 to vector<4096x1xi32>
    %lt3A_86 = arith.cmpi slt, %add3A_83, %lt3A_85 : vector<4096x1xi32>
    %convert_element_type3A_87 = arith.extui %lt3A_86 : vector<4096x1xi1> to vector<4096x1xi32>
    %convert_element_type3A_88 = arith.sitofp %convert_element_type3A_87 : vector<4096x1xi32> to vector<4096x1xf32>
    %mul3A_89 = vector.broadcast %convert_element_type3A_88 : vector<4096x1xf32> to vector<4096x32xf32>
    %mul3A_90 = arith.mulf %max3A_20, %mul3A_89 : vector<4096x32xf32>
    %reshape3A = vector.shape_cast %mul3A_90 : vector<4096x32xf32> to vector<8x512x32xf32>
    %get3A_91 = arith.constant 0 : index
    %get3A_92 = arith.constant 0 : index
    %get3A_93 = vector.load %arg5[%get3A_91, %get3A_92] : memref<8x32xf32, #tpu.memory_space<vmem>>, vector<8x32xf32>
    %reduce_sum3A = arith.constant dense<0.000000e+00> : vector<8x32xf32>
    %reduce_sum3A_94 = vector.multi_reduction <add>, %reshape3A, %reduce_sum3A [1] : vector<8x512x32xf32> to vector<8x32xf32>
    %add3A_95 = arith.addf %get3A_93, %reduce_sum3A_94 : vector<8x32xf32>
    %swap3A_96 = arith.constant 0 : index
    %swap3A_97 = arith.constant 0 : index
    %swap3A_98 = vector.load %arg5[%swap3A_96, %swap3A_97] : memref<8x32xf32, #tpu.memory_space<vmem>>, vector<8x32xf32>
    tpu.vector_store %arg5[%swap3A_96, %swap3A_97], %add3A_95 {strides = array<i32>} : memref<8x32xf32, #tpu.memory_space<vmem>>, vector<8x32xf32>,
    %get3A_99 = arith.constant 0 : index
    %get3A_100 = arith.constant 0 : index
    %get3A_101 = vector.load %arg6[%get3A_99, %get3A_100] : memref<32x32xf32, #tpu.memory_space<vmem>>, vector<32x32xf32>
    %transpose3A = tpu.transpose %mul3A_90, [1, 0] : vector<4096x32xf32> -> vector<32x4096xf32>
    %dot_general3A = arith.constant dense<0.000000e+00> : vector<32x32xf32>
    %dot_general3A_102 = tpu.matmul %transpose3A, %mul3A_90, %dot_general3A {dimension_numbers = #tpu.dot_dimension_numbers<[1], [0], [0], [1], [0, 0, 1, 1], [], []>, transpose_lhs_hint = false} : vector<32x4096xf32>, vector<4096x32xf32>, vector<32x32xf32> -> vector<32x32xf32>
    %add3A_103 = arith.addf %get3A_101, %dot_general3A_102 : vector<32x32xf32>
    %swap3A_104 = arith.constant 0 : index
    %swap3A_105 = arith.constant 0 : index
    %swap3A_106 = vector.load %arg6[%swap3A_104, %swap3A_105] : memref<32x32xf32, #tpu.memory_space<vmem>>, vector<32x32xf32>
    tpu.vector_store %arg6[%swap3A_104, %swap3A_105], %add3A_103 {strides = array<i32>} : memref<32x32xf32, #tpu.memory_space<vmem>>, vector<32x32xf32>,
    return
  }
  func.func @transform_0(%arg0: i32) -> (i32, i32) {
    %c0_i32 = arith.constant 0 : i32
    %c0_i32_0 = arith.constant 0 : i32
    return %arg0, %c0_i32 : i32, i32
  }
  func.func @transform_1(%arg0: i32) -> (i32, i32) {
    %c0_i32 = arith.constant 0 : i32
    %c0_i32_0 = arith.constant 0 : i32
    %c0_i32_1 = arith.constant 0 : i32
    return %c0_i32, %c0_i32_0 : i32, i32
  }
  func.func @transform_2(%arg0: i32) -> (i32, i32) {
    %c0_i32 = arith.constant 0 : i32
    %c0_i32_0 = arith.constant 0 : i32
    %c0_i32_1 = arith.constant 0 : i32
    return %c0_i32, %c0_i32_0 : i32, i32
  }
  func.func @transform_3(%arg0: i32) -> (i32, i32) {
    %c0_i32 = arith.constant 0 : i32
    %c0_i32_0 = arith.constant 0 : i32
    return %arg0, %c0_i32 : i32, i32
  }
  func.func @transform_4(%arg0: i32) -> (i32, i32) {
    %c0_i32 = arith.constant 0 : i32
    %c0_i32_0 = arith.constant 0 : i32
    %c0_i32_1 = arith.constant 0 : i32
    return %c0_i32, %c0_i32_0 : i32, i32
  }
  func.func @transform_5(%arg0: i32) -> (i32, i32) {
    %c0_i32 = arith.constant 0 : i32
    %c0_i32_0 = arith.constant 0 : i32
    %c0_i32_1 = arith.constant 0 : i32
    return %c0_i32, %c0_i32_0 : i32, i32
  }
}

module attributes {stable_mosaic.version = 14 : i64} {
  func.func @_msg_body(%arg0: i32, %arg1: memref<1024x128xf32, #tpu.memory_space<vmem>>, %arg2: memref<1024x256xf32, #tpu.memory_space<vmem>>, %arg3: memref<16x528xf32, #tpu.memory_space<vmem>>, %arg4: memref<512x16xf32, #tpu.memory_space<vmem>>, %arg5: memref<1024x128xf32, #tpu.memory_space<vmem>>) attributes {dimension_semantics = [#tpu.dimension_semantics<arbitrary>], iteration_bounds = array<i64: 20>, scalar_prefetch = 0 : i64, scratch_operands = 0 : i64, tpu.core_type = #tpu.core_type<tc>, window_params = [{transform_indices = @transform_0, window_bounds = array<i64: 1024, 128>}, {transform_indices = @transform_1, window_bounds = array<i64: 1024, 256>}, {pipeline_mode = #tpu.pipeline_mode<synchronous>, transform_indices = @transform_2, window_bounds = array<i64: 16, 528>}, {pipeline_mode = #tpu.pipeline_mode<synchronous>, transform_indices = @transform_3, window_bounds = array<i64: 512, 16>}, {transform_indices = @transform_4, window_bounds = array<i64: 1024, 128>}]} {
    %get3A = arith.constant 0 : index
    %get3A_0 = arith.constant 0 : index
    %get3A_1 = vector.load %arg1[%get3A, %get3A_0] : memref<1024x128xf32, #tpu.memory_space<vmem>>, vector<1024x128xf32>
    %slice3A = vector.extract_strided_slice %get3A_1 {offsets = [0, 0], sizes = [1024, 16], strides = [1, 1]} : vector<1024x128xf32> to vector<1024x16xf32>
    %slice3A_2 = vector.extract_strided_slice %get3A_1 {offsets = [0, 16], sizes = [1024, 16], strides = [1, 1]} : vector<1024x128xf32> to vector<1024x16xf32>
    %slice3A_3 = vector.extract_strided_slice %get3A_1 {offsets = [0, 32], sizes = [1024, 16], strides = [1, 1]} : vector<1024x128xf32> to vector<1024x16xf32>
    %slice3A_4 = vector.extract_strided_slice %get3A_1 {offsets = [0, 48], sizes = [1024, 16], strides = [1, 1]} : vector<1024x128xf32> to vector<1024x16xf32>
    %slice3A_5 = vector.extract_strided_slice %get3A_1 {offsets = [0, 64], sizes = [1024, 16], strides = [1, 1]} : vector<1024x128xf32> to vector<1024x16xf32>
    %slice3A_6 = vector.extract_strided_slice %get3A_1 {offsets = [0, 80], sizes = [1024, 16], strides = [1, 1]} : vector<1024x128xf32> to vector<1024x16xf32>
    %slice3A_7 = vector.extract_strided_slice %get3A_1 {offsets = [0, 96], sizes = [1024, 16], strides = [1, 1]} : vector<1024x128xf32> to vector<1024x16xf32>
    %slice3A_8 = vector.extract_strided_slice %get3A_1 {offsets = [0, 112], sizes = [1024, 16], strides = [1, 1]} : vector<1024x128xf32> to vector<1024x16xf32>
    %concatenate3A = tpu.concatenate %slice3A, %slice3A_2, %slice3A_3, %slice3A_4, %slice3A_5, %slice3A_6, %slice3A_7, %slice3A_8 in 0 : vector<1024x16xf32>, vector<1024x16xf32>, vector<1024x16xf32>, vector<1024x16xf32>, vector<1024x16xf32>, vector<1024x16xf32>, vector<1024x16xf32>, vector<1024x16xf32> -> vector<8192x16xf32>
    %get3A_9 = arith.constant 0 : index
    %get3A_10 = arith.constant 0 : index
    %get3A_11 = vector.load %arg3[%get3A_9, %get3A_10] : memref<16x528xf32, #tpu.memory_space<vmem>>, vector<16x528xf32>
    %dot_general3A = arith.constant dense<0.000000e+00> : vector<8192x528xf32>
    %dot_general3A_12 = tpu.matmul %concatenate3A, %get3A_11, %dot_general3A {dimension_numbers = #tpu.dot_dimension_numbers<[1], [0], [0], [1], [0, 0, 1, 1], [], []>, transpose_lhs_hint = false} : vector<8192x16xf32>, vector<16x528xf32>, vector<8192x528xf32> -> vector<8192x528xf32>
    %get3A_13 = arith.constant 0 : index
    %get3A_14 = arith.constant 0 : index
    %get3A_15 = vector.load %arg2[%get3A_13, %get3A_14] : memref<1024x256xf32, #tpu.memory_space<vmem>>, vector<1024x256xf32>
    %slice3A_16 = vector.extract_strided_slice %get3A_15 {offsets = [0, 0], sizes = [1024, 32], strides = [1, 1]} : vector<1024x256xf32> to vector<1024x32xf32>
    %slice3A_17 = vector.extract_strided_slice %get3A_15 {offsets = [0, 32], sizes = [1024, 32], strides = [1, 1]} : vector<1024x256xf32> to vector<1024x32xf32>
    %slice3A_18 = vector.extract_strided_slice %get3A_15 {offsets = [0, 64], sizes = [1024, 32], strides = [1, 1]} : vector<1024x256xf32> to vector<1024x32xf32>
    %slice3A_19 = vector.extract_strided_slice %get3A_15 {offsets = [0, 96], sizes = [1024, 32], strides = [1, 1]} : vector<1024x256xf32> to vector<1024x32xf32>
    %slice3A_20 = vector.extract_strided_slice %get3A_15 {offsets = [0, 128], sizes = [1024, 32], strides = [1, 1]} : vector<1024x256xf32> to vector<1024x32xf32>
    %slice3A_21 = vector.extract_strided_slice %get3A_15 {offsets = [0, 160], sizes = [1024, 32], strides = [1, 1]} : vector<1024x256xf32> to vector<1024x32xf32>
    %slice3A_22 = vector.extract_strided_slice %get3A_15 {offsets = [0, 192], sizes = [1024, 32], strides = [1, 1]} : vector<1024x256xf32> to vector<1024x32xf32>
    %slice3A_23 = vector.extract_strided_slice %get3A_15 {offsets = [0, 224], sizes = [1024, 32], strides = [1, 1]} : vector<1024x256xf32> to vector<1024x32xf32>
    %concatenate3A_24 = tpu.concatenate %slice3A_16, %slice3A_17, %slice3A_18, %slice3A_19, %slice3A_20, %slice3A_21, %slice3A_22, %slice3A_23 in 0 : vector<1024x32xf32>, vector<1024x32xf32>, vector<1024x32xf32>, vector<1024x32xf32>, vector<1024x32xf32>, vector<1024x32xf32>, vector<1024x32xf32>, vector<1024x32xf32> -> vector<8192x32xf32>
    %concatenate3A_25 = tpu.concatenate %concatenate3A_24, %concatenate3A_24, %concatenate3A_24, %concatenate3A_24, %concatenate3A_24, %concatenate3A_24, %concatenate3A_24, %concatenate3A_24, %concatenate3A_24, %concatenate3A_24, %concatenate3A_24, %concatenate3A_24, %concatenate3A_24, %concatenate3A_24, %concatenate3A_24, %concatenate3A_24 in 1 : vector<8192x32xf32>, vector<8192x32xf32>, vector<8192x32xf32>, vector<8192x32xf32>, vector<8192x32xf32>, vector<8192x32xf32>, vector<8192x32xf32>, vector<8192x32xf32>, vector<8192x32xf32>, vector<8192x32xf32>, vector<8192x32xf32>, vector<8192x32xf32>, vector<8192x32xf32>, vector<8192x32xf32>, vector<8192x32xf32>, vector<8192x32xf32> -> vector<8192x512xf32>
    %slice3A_26 = vector.extract_strided_slice %dot_general3A_12 {offsets = [0, 0], sizes = [8192, 512], strides = [1, 1]} : vector<8192x528xf32> to vector<8192x512xf32>
    %mul3A = arith.mulf %slice3A_26, %concatenate3A_25 : vector<8192x512xf32>
    %get3A_27 = arith.constant 0 : index
    %get3A_28 = arith.constant 0 : index
    %get3A_29 = vector.load %arg4[%get3A_27, %get3A_28] : memref<512x16xf32, #tpu.memory_space<vmem>>, vector<512x16xf32>
    %dot_general3A_30 = arith.constant dense<0.000000e+00> : vector<8192x16xf32>
    %dot_general3A_31 = tpu.matmul %mul3A, %get3A_29, %dot_general3A_30 {dimension_numbers = #tpu.dot_dimension_numbers<[1], [0], [0], [1], [0, 0, 1, 1], [], []>, transpose_lhs_hint = false} : vector<8192x512xf32>, vector<512x16xf32>, vector<8192x16xf32> -> vector<8192x16xf32>
    %slice3A_32 = vector.extract_strided_slice %dot_general3A_12 {offsets = [0, 512], sizes = [8192, 16], strides = [1, 1]} : vector<8192x528xf32> to vector<8192x16xf32>
    %add3A = arith.addf %dot_general3A_31, %slice3A_32 : vector<8192x16xf32>
    %slice3A_33 = vector.extract_strided_slice %add3A {offsets = [0, 0], sizes = [1024, 16], strides = [1, 1]} : vector<8192x16xf32> to vector<1024x16xf32>
    %slice3A_34 = vector.extract_strided_slice %add3A {offsets = [1024, 0], sizes = [1024, 16], strides = [1, 1]} : vector<8192x16xf32> to vector<1024x16xf32>
    %slice3A_35 = vector.extract_strided_slice %add3A {offsets = [2048, 0], sizes = [1024, 16], strides = [1, 1]} : vector<8192x16xf32> to vector<1024x16xf32>
    %slice3A_36 = vector.extract_strided_slice %add3A {offsets = [3072, 0], sizes = [1024, 16], strides = [1, 1]} : vector<8192x16xf32> to vector<1024x16xf32>
    %slice3A_37 = vector.extract_strided_slice %add3A {offsets = [4096, 0], sizes = [1024, 16], strides = [1, 1]} : vector<8192x16xf32> to vector<1024x16xf32>
    %slice3A_38 = vector.extract_strided_slice %add3A {offsets = [5120, 0], sizes = [1024, 16], strides = [1, 1]} : vector<8192x16xf32> to vector<1024x16xf32>
    %slice3A_39 = vector.extract_strided_slice %add3A {offsets = [6144, 0], sizes = [1024, 16], strides = [1, 1]} : vector<8192x16xf32> to vector<1024x16xf32>
    %slice3A_40 = vector.extract_strided_slice %add3A {offsets = [7168, 0], sizes = [1024, 16], strides = [1, 1]} : vector<8192x16xf32> to vector<1024x16xf32>
    %concatenate3A_41 = tpu.concatenate %slice3A_33, %slice3A_34, %slice3A_35, %slice3A_36, %slice3A_37, %slice3A_38, %slice3A_39, %slice3A_40 in 1 : vector<1024x16xf32>, vector<1024x16xf32>, vector<1024x16xf32>, vector<1024x16xf32>, vector<1024x16xf32>, vector<1024x16xf32>, vector<1024x16xf32>, vector<1024x16xf32> -> vector<1024x128xf32>
    %swap3A = arith.constant 0 : index
    %swap3A_42 = arith.constant 0 : index
    %swap3A_43 = vector.load %arg5[%swap3A, %swap3A_42] : memref<1024x128xf32, #tpu.memory_space<vmem>>, vector<1024x128xf32>
    tpu.vector_store %arg5[%swap3A, %swap3A_42], %concatenate3A_41 {strides = array<i32>} : memref<1024x128xf32, #tpu.memory_space<vmem>>, vector<1024x128xf32>,
    return
  }
  func.func @transform_0(%arg0: i32) -> (i32, i32) {
    %c0_i32 = arith.constant 0 : i32
    %c0_i32_0 = arith.constant 0 : i32
    return %arg0, %c0_i32 : i32, i32
  }
  func.func @transform_1(%arg0: i32) -> (i32, i32) {
    %c0_i32 = arith.constant 0 : i32
    %c0_i32_0 = arith.constant 0 : i32
    return %arg0, %c0_i32 : i32, i32
  }
  func.func @transform_2(%arg0: i32) -> (i32, i32) {
    %c0_i32 = arith.constant 0 : i32
    %c0_i32_0 = arith.constant 0 : i32
    %c0_i32_1 = arith.constant 0 : i32
    return %c0_i32, %c0_i32_0 : i32, i32
  }
  func.func @transform_3(%arg0: i32) -> (i32, i32) {
    %c0_i32 = arith.constant 0 : i32
    %c0_i32_0 = arith.constant 0 : i32
    %c0_i32_1 = arith.constant 0 : i32
    return %c0_i32, %c0_i32_0 : i32, i32
  }
  func.func @transform_4(%arg0: i32) -> (i32, i32) {
    %c0_i32 = arith.constant 0 : i32
    %c0_i32_0 = arith.constant 0 : i32
    return %arg0, %c0_i32 : i32, i32
  }
}

module attributes {stable_mosaic.version = 14 : i64} {
  func.func @_gru_body(%arg0: memref<1280x128xf32, #tpu.memory_space<vmem>>, %arg1: memref<1280x128xf32, #tpu.memory_space<vmem>>, %arg2: memref<1280x128xf32, #tpu.memory_space<vmem>>, %arg3: memref<1280x128xf32, #tpu.memory_space<vmem>>, %arg4: memref<1280x128xf32, #tpu.memory_space<vmem>>, %arg5: memref<1x16xf32, #tpu.memory_space<vmem>>, %arg6: memref<16x16xf32, #tpu.memory_space<vmem>>, %arg7: memref<16x16xf32, #tpu.memory_space<vmem>>, %arg8: memref<16x16xf32, #tpu.memory_space<vmem>>, %arg9: memref<16x16xf32, #tpu.memory_space<vmem>>, %arg10: memref<16x16xf32, #tpu.memory_space<vmem>>, %arg11: memref<16x16xf32, #tpu.memory_space<vmem>>, %arg12: memref<1x16xf32, #tpu.memory_space<vmem>>, %arg13: memref<1x16xf32, #tpu.memory_space<vmem>>, %arg14: memref<1x16xf32, #tpu.memory_space<vmem>>, %arg15: memref<1x16xf32, #tpu.memory_space<vmem>>, %arg16: memref<1x16xf32, #tpu.memory_space<vmem>>, %arg17: memref<1x16xf32, #tpu.memory_space<vmem>>, %arg18: memref<1280x128xf32, #tpu.memory_space<vmem>>) attributes {dimension_semantics = [], scalar_prefetch = 0 : i64, scratch_operands = 0 : i64, tpu.core_type = #tpu.core_type<tc>} {
    %get3A = arith.constant 0 : index
    %get3A_0 = arith.constant 0 : index
    %get3A_1 = vector.load %arg2[%get3A, %get3A_0] : memref<1280x128xf32, #tpu.memory_space<vmem>>, vector<1280x128xf32>
    %slice3A = vector.extract_strided_slice %get3A_1 {offsets = [0, 0], sizes = [1280, 16], strides = [1, 1]} : vector<1280x128xf32> to vector<1280x16xf32>
    %slice3A_2 = vector.extract_strided_slice %get3A_1 {offsets = [0, 16], sizes = [1280, 16], strides = [1, 1]} : vector<1280x128xf32> to vector<1280x16xf32>
    %slice3A_3 = vector.extract_strided_slice %get3A_1 {offsets = [0, 32], sizes = [1280, 16], strides = [1, 1]} : vector<1280x128xf32> to vector<1280x16xf32>
    %slice3A_4 = vector.extract_strided_slice %get3A_1 {offsets = [0, 48], sizes = [1280, 16], strides = [1, 1]} : vector<1280x128xf32> to vector<1280x16xf32>
    %slice3A_5 = vector.extract_strided_slice %get3A_1 {offsets = [0, 64], sizes = [1280, 16], strides = [1, 1]} : vector<1280x128xf32> to vector<1280x16xf32>
    %slice3A_6 = vector.extract_strided_slice %get3A_1 {offsets = [0, 80], sizes = [1280, 16], strides = [1, 1]} : vector<1280x128xf32> to vector<1280x16xf32>
    %slice3A_7 = vector.extract_strided_slice %get3A_1 {offsets = [0, 96], sizes = [1280, 16], strides = [1, 1]} : vector<1280x128xf32> to vector<1280x16xf32>
    %slice3A_8 = vector.extract_strided_slice %get3A_1 {offsets = [0, 112], sizes = [1280, 16], strides = [1, 1]} : vector<1280x128xf32> to vector<1280x16xf32>
    %concatenate3A = tpu.concatenate %slice3A, %slice3A_2, %slice3A_3, %slice3A_4, %slice3A_5, %slice3A_6, %slice3A_7, %slice3A_8 in 0 : vector<1280x16xf32>, vector<1280x16xf32>, vector<1280x16xf32>, vector<1280x16xf32>, vector<1280x16xf32>, vector<1280x16xf32>, vector<1280x16xf32>, vector<1280x16xf32> -> vector<10240x16xf32>
    %get3A_9 = arith.constant 0 : index
    %get3A_10 = arith.constant 0 : index
    %get3A_11 = vector.load %arg3[%get3A_9, %get3A_10] : memref<1280x128xf32, #tpu.memory_space<vmem>>, vector<1280x128xf32>
    %slice3A_12 = vector.extract_strided_slice %get3A_11 {offsets = [0, 0], sizes = [1280, 16], strides = [1, 1]} : vector<1280x128xf32> to vector<1280x16xf32>
    %slice3A_13 = vector.extract_strided_slice %get3A_11 {offsets = [0, 16], sizes = [1280, 16], strides = [1, 1]} : vector<1280x128xf32> to vector<1280x16xf32>
    %slice3A_14 = vector.extract_strided_slice %get3A_11 {offsets = [0, 32], sizes = [1280, 16], strides = [1, 1]} : vector<1280x128xf32> to vector<1280x16xf32>
    %slice3A_15 = vector.extract_strided_slice %get3A_11 {offsets = [0, 48], sizes = [1280, 16], strides = [1, 1]} : vector<1280x128xf32> to vector<1280x16xf32>
    %slice3A_16 = vector.extract_strided_slice %get3A_11 {offsets = [0, 64], sizes = [1280, 16], strides = [1, 1]} : vector<1280x128xf32> to vector<1280x16xf32>
    %slice3A_17 = vector.extract_strided_slice %get3A_11 {offsets = [0, 80], sizes = [1280, 16], strides = [1, 1]} : vector<1280x128xf32> to vector<1280x16xf32>
    %slice3A_18 = vector.extract_strided_slice %get3A_11 {offsets = [0, 96], sizes = [1280, 16], strides = [1, 1]} : vector<1280x128xf32> to vector<1280x16xf32>
    %slice3A_19 = vector.extract_strided_slice %get3A_11 {offsets = [0, 112], sizes = [1280, 16], strides = [1, 1]} : vector<1280x128xf32> to vector<1280x16xf32>
    %concatenate3A_20 = tpu.concatenate %slice3A_12, %slice3A_13, %slice3A_14, %slice3A_15, %slice3A_16, %slice3A_17, %slice3A_18, %slice3A_19 in 0 : vector<1280x16xf32>, vector<1280x16xf32>, vector<1280x16xf32>, vector<1280x16xf32>, vector<1280x16xf32>, vector<1280x16xf32>, vector<1280x16xf32>, vector<1280x16xf32> -> vector<10240x16xf32>
    %add3A = arith.addf %concatenate3A, %concatenate3A_20 : vector<10240x16xf32>
    %max3A = arith.constant 1.000000e+00 : f32
    %max3A_21 = vector.broadcast %max3A : f32 to vector<10240x16xf32>
    %max3A_22 = arith.maximumf %add3A, %max3A_21 : vector<10240x16xf32>
    %div3A = arith.constant 1.000000e+00 : f32
    %div3A_23 = vector.broadcast %div3A : f32 to vector<10240x16xf32>
    %div3A_24 = arith.divf %div3A_23, %max3A_22 : vector<10240x16xf32>
    %get3A_25 = arith.constant 0 : index
    %get3A_26 = arith.constant 0 : index
    %get3A_27 = vector.load %arg0[%get3A_25, %get3A_26] : memref<1280x128xf32, #tpu.memory_space<vmem>>, vector<1280x128xf32>
    %slice3A_28 = vector.extract_strided_slice %get3A_27 {offsets = [0, 0], sizes = [1280, 16], strides = [1, 1]} : vector<1280x128xf32> to vector<1280x16xf32>
    %slice3A_29 = vector.extract_strided_slice %get3A_27 {offsets = [0, 16], sizes = [1280, 16], strides = [1, 1]} : vector<1280x128xf32> to vector<1280x16xf32>
    %slice3A_30 = vector.extract_strided_slice %get3A_27 {offsets = [0, 32], sizes = [1280, 16], strides = [1, 1]} : vector<1280x128xf32> to vector<1280x16xf32>
    %slice3A_31 = vector.extract_strided_slice %get3A_27 {offsets = [0, 48], sizes = [1280, 16], strides = [1, 1]} : vector<1280x128xf32> to vector<1280x16xf32>
    %slice3A_32 = vector.extract_strided_slice %get3A_27 {offsets = [0, 64], sizes = [1280, 16], strides = [1, 1]} : vector<1280x128xf32> to vector<1280x16xf32>
    %slice3A_33 = vector.extract_strided_slice %get3A_27 {offsets = [0, 80], sizes = [1280, 16], strides = [1, 1]} : vector<1280x128xf32> to vector<1280x16xf32>
    %slice3A_34 = vector.extract_strided_slice %get3A_27 {offsets = [0, 96], sizes = [1280, 16], strides = [1, 1]} : vector<1280x128xf32> to vector<1280x16xf32>
    %slice3A_35 = vector.extract_strided_slice %get3A_27 {offsets = [0, 112], sizes = [1280, 16], strides = [1, 1]} : vector<1280x128xf32> to vector<1280x16xf32>
    %concatenate3A_36 = tpu.concatenate %slice3A_28, %slice3A_29, %slice3A_30, %slice3A_31, %slice3A_32, %slice3A_33, %slice3A_34, %slice3A_35 in 0 : vector<1280x16xf32>, vector<1280x16xf32>, vector<1280x16xf32>, vector<1280x16xf32>, vector<1280x16xf32>, vector<1280x16xf32>, vector<1280x16xf32>, vector<1280x16xf32> -> vector<10240x16xf32>
    %get3A_37 = arith.constant 0 : index
    %get3A_38 = arith.constant 0 : index
    %get3A_39 = vector.load %arg1[%get3A_37, %get3A_38] : memref<1280x128xf32, #tpu.memory_space<vmem>>, vector<1280x128xf32>
    %slice3A_40 = vector.extract_strided_slice %get3A_39 {offsets = [0, 0], sizes = [1280, 16], strides = [1, 1]} : vector<1280x128xf32> to vector<1280x16xf32>
    %slice3A_41 = vector.extract_strided_slice %get3A_39 {offsets = [0, 16], sizes = [1280, 16], strides = [1, 1]} : vector<1280x128xf32> to vector<1280x16xf32>
    %slice3A_42 = vector.extract_strided_slice %get3A_39 {offsets = [0, 32], sizes = [1280, 16], strides = [1, 1]} : vector<1280x128xf32> to vector<1280x16xf32>
    %slice3A_43 = vector.extract_strided_slice %get3A_39 {offsets = [0, 48], sizes = [1280, 16], strides = [1, 1]} : vector<1280x128xf32> to vector<1280x16xf32>
    %slice3A_44 = vector.extract_strided_slice %get3A_39 {offsets = [0, 64], sizes = [1280, 16], strides = [1, 1]} : vector<1280x128xf32> to vector<1280x16xf32>
    %slice3A_45 = vector.extract_strided_slice %get3A_39 {offsets = [0, 80], sizes = [1280, 16], strides = [1, 1]} : vector<1280x128xf32> to vector<1280x16xf32>
    %slice3A_46 = vector.extract_strided_slice %get3A_39 {offsets = [0, 96], sizes = [1280, 16], strides = [1, 1]} : vector<1280x128xf32> to vector<1280x16xf32>
    %slice3A_47 = vector.extract_strided_slice %get3A_39 {offsets = [0, 112], sizes = [1280, 16], strides = [1, 1]} : vector<1280x128xf32> to vector<1280x16xf32>
    %concatenate3A_48 = tpu.concatenate %slice3A_40, %slice3A_41, %slice3A_42, %slice3A_43, %slice3A_44, %slice3A_45, %slice3A_46, %slice3A_47 in 0 : vector<1280x16xf32>, vector<1280x16xf32>, vector<1280x16xf32>, vector<1280x16xf32>, vector<1280x16xf32>, vector<1280x16xf32>, vector<1280x16xf32>, vector<1280x16xf32> -> vector<10240x16xf32>
    %add3A_49 = arith.addf %concatenate3A_36, %concatenate3A_48 : vector<10240x16xf32>
    %mul3A = arith.mulf %add3A_49, %div3A_24 : vector<10240x16xf32>
    %get3A_50 = arith.constant 0 : index
    %get3A_51 = arith.constant 0 : index
    %get3A_52 = vector.load %arg5[%get3A_50, %get3A_51] : memref<1x16xf32, #tpu.memory_space<vmem>>, vector<1x16xf32>
    %add3A_53 = vector.broadcast %get3A_52 : vector<1x16xf32> to vector<10240x16xf32>
    %add3A_54 = arith.addf %mul3A, %add3A_53 : vector<10240x16xf32>
    %max3A_55 = arith.constant 0.000000e+00 : f32
    %max3A_56 = vector.broadcast %max3A_55 : f32 to vector<10240x16xf32>
    %max3A_57 = arith.maximumf %add3A_54, %max3A_56 : vector<10240x16xf32>
    %get3A_58 = arith.constant 0 : index
    %get3A_59 = arith.constant 0 : index
    %get3A_60 = vector.load %arg4[%get3A_58, %get3A_59] : memref<1280x128xf32, #tpu.memory_space<vmem>>, vector<1280x128xf32>
    %slice3A_61 = vector.extract_strided_slice %get3A_60 {offsets = [0, 0], sizes = [1280, 16], strides = [1, 1]} : vector<1280x128xf32> to vector<1280x16xf32>
    %slice3A_62 = vector.extract_strided_slice %get3A_60 {offsets = [0, 16], sizes = [1280, 16], strides = [1, 1]} : vector<1280x128xf32> to vector<1280x16xf32>
    %slice3A_63 = vector.extract_strided_slice %get3A_60 {offsets = [0, 32], sizes = [1280, 16], strides = [1, 1]} : vector<1280x128xf32> to vector<1280x16xf32>
    %slice3A_64 = vector.extract_strided_slice %get3A_60 {offsets = [0, 48], sizes = [1280, 16], strides = [1, 1]} : vector<1280x128xf32> to vector<1280x16xf32>
    %slice3A_65 = vector.extract_strided_slice %get3A_60 {offsets = [0, 64], sizes = [1280, 16], strides = [1, 1]} : vector<1280x128xf32> to vector<1280x16xf32>
    %slice3A_66 = vector.extract_strided_slice %get3A_60 {offsets = [0, 80], sizes = [1280, 16], strides = [1, 1]} : vector<1280x128xf32> to vector<1280x16xf32>
    %slice3A_67 = vector.extract_strided_slice %get3A_60 {offsets = [0, 96], sizes = [1280, 16], strides = [1, 1]} : vector<1280x128xf32> to vector<1280x16xf32>
    %slice3A_68 = vector.extract_strided_slice %get3A_60 {offsets = [0, 112], sizes = [1280, 16], strides = [1, 1]} : vector<1280x128xf32> to vector<1280x16xf32>
    %concatenate3A_69 = tpu.concatenate %slice3A_61, %slice3A_62, %slice3A_63, %slice3A_64, %slice3A_65, %slice3A_66, %slice3A_67, %slice3A_68 in 0 : vector<1280x16xf32>, vector<1280x16xf32>, vector<1280x16xf32>, vector<1280x16xf32>, vector<1280x16xf32>, vector<1280x16xf32>, vector<1280x16xf32>, vector<1280x16xf32> -> vector<10240x16xf32>
    %get3A_70 = arith.constant 0 : index
    %get3A_71 = arith.constant 0 : index
    %get3A_72 = vector.load %arg6[%get3A_70, %get3A_71] : memref<16x16xf32, #tpu.memory_space<vmem>>, vector<16x16xf32>
    %dot_general3A = arith.constant dense<0.000000e+00> : vector<10240x16xf32>
    %dot_general3A_73 = tpu.matmul %max3A_57, %get3A_72, %dot_general3A {dimension_numbers = #tpu.dot_dimension_numbers<[1], [0], [0], [1], [0, 0, 1, 1], [], []>, transpose_lhs_hint = false} : vector<10240x16xf32>, vector<16x16xf32>, vector<10240x16xf32> -> vector<10240x16xf32>
    %get3A_74 = arith.constant 0 : index
    %get3A_75 = arith.constant 0 : index
    %get3A_76 = vector.load %arg12[%get3A_74, %get3A_75] : memref<1x16xf32, #tpu.memory_space<vmem>>, vector<1x16xf32>
    %add3A_77 = vector.broadcast %get3A_76 : vector<1x16xf32> to vector<10240x16xf32>
    %add3A_78 = arith.addf %dot_general3A_73, %add3A_77 : vector<10240x16xf32>
    %get3A_79 = arith.constant 0 : index
    %get3A_80 = arith.constant 0 : index
    %get3A_81 = vector.load %arg9[%get3A_79, %get3A_80] : memref<16x16xf32, #tpu.memory_space<vmem>>, vector<16x16xf32>
    %dot_general3A_82 = arith.constant dense<0.000000e+00> : vector<10240x16xf32>
    %dot_general3A_83 = tpu.matmul %concatenate3A_69, %get3A_81, %dot_general3A_82 {dimension_numbers = #tpu.dot_dimension_numbers<[1], [0], [0], [1], [0, 0, 1, 1], [], []>, transpose_lhs_hint = false} : vector<10240x16xf32>, vector<16x16xf32>, vector<10240x16xf32> -> vector<10240x16xf32>
    %add3A_84 = arith.addf %add3A_78, %dot_general3A_83 : vector<10240x16xf32>
    %get3A_85 = arith.constant 0 : index
    %get3A_86 = arith.constant 0 : index
    %get3A_87 = vector.load %arg15[%get3A_85, %get3A_86] : memref<1x16xf32, #tpu.memory_space<vmem>>, vector<1x16xf32>
    %add3A_88 = vector.broadcast %get3A_87 : vector<1x16xf32> to vector<10240x16xf32>
    %add3A_89 = arith.addf %add3A_84, %add3A_88 : vector<10240x16xf32>
    %logistic3A = arith.negf %add3A_89 : vector<10240x16xf32>
    %logistic3A_90 = math.exp %logistic3A : vector<10240x16xf32>
    %logistic3A_91 = arith.constant 1.000000e+00 : f32
    %logistic3A_92 = vector.broadcast %logistic3A_91 : f32 to vector<10240x16xf32>
    %logistic3A_93 = arith.addf %logistic3A_92, %logistic3A_90 : vector<10240x16xf32>
    %logistic3A_94 = arith.divf %logistic3A_92, %logistic3A_93 : vector<10240x16xf32>
    %get3A_95 = arith.constant 0 : index
    %get3A_96 = arith.constant 0 : index
    %get3A_97 = vector.load %arg7[%get3A_95, %get3A_96] : memref<16x16xf32, #tpu.memory_space<vmem>>, vector<16x16xf32>
    %dot_general3A_98 = arith.constant dense<0.000000e+00> : vector<10240x16xf32>
    %dot_general3A_99 = tpu.matmul %max3A_57, %get3A_97, %dot_general3A_98 {dimension_numbers = #tpu.dot_dimension_numbers<[1], [0], [0], [1], [0, 0, 1, 1], [], []>, transpose_lhs_hint = false} : vector<10240x16xf32>, vector<16x16xf32>, vector<10240x16xf32> -> vector<10240x16xf32>
    %get3A_100 = arith.constant 0 : index
    %get3A_101 = arith.constant 0 : index
    %get3A_102 = vector.load %arg13[%get3A_100, %get3A_101] : memref<1x16xf32, #tpu.memory_space<vmem>>, vector<1x16xf32>
    %add3A_103 = vector.broadcast %get3A_102 : vector<1x16xf32> to vector<10240x16xf32>
    %add3A_104 = arith.addf %dot_general3A_99, %add3A_103 : vector<10240x16xf32>
    %get3A_105 = arith.constant 0 : index
    %get3A_106 = arith.constant 0 : index
    %get3A_107 = vector.load %arg10[%get3A_105, %get3A_106] : memref<16x16xf32, #tpu.memory_space<vmem>>, vector<16x16xf32>
    %dot_general3A_108 = arith.constant dense<0.000000e+00> : vector<10240x16xf32>
    %dot_general3A_109 = tpu.matmul %concatenate3A_69, %get3A_107, %dot_general3A_108 {dimension_numbers = #tpu.dot_dimension_numbers<[1], [0], [0], [1], [0, 0, 1, 1], [], []>, transpose_lhs_hint = false} : vector<10240x16xf32>, vector<16x16xf32>, vector<10240x16xf32> -> vector<10240x16xf32>
    %add3A_110 = arith.addf %add3A_104, %dot_general3A_109 : vector<10240x16xf32>
    %get3A_111 = arith.constant 0 : index
    %get3A_112 = arith.constant 0 : index
    %get3A_113 = vector.load %arg16[%get3A_111, %get3A_112] : memref<1x16xf32, #tpu.memory_space<vmem>>, vector<1x16xf32>
    %add3A_114 = vector.broadcast %get3A_113 : vector<1x16xf32> to vector<10240x16xf32>
    %add3A_115 = arith.addf %add3A_110, %add3A_114 : vector<10240x16xf32>
    %logistic3A_116 = arith.negf %add3A_115 : vector<10240x16xf32>
    %logistic3A_117 = math.exp %logistic3A_116 : vector<10240x16xf32>
    %logistic3A_118 = arith.constant 1.000000e+00 : f32
    %logistic3A_119 = vector.broadcast %logistic3A_118 : f32 to vector<10240x16xf32>
    %logistic3A_120 = arith.addf %logistic3A_119, %logistic3A_117 : vector<10240x16xf32>
    %logistic3A_121 = arith.divf %logistic3A_119, %logistic3A_120 : vector<10240x16xf32>
    %get3A_122 = arith.constant 0 : index
    %get3A_123 = arith.constant 0 : index
    %get3A_124 = vector.load %arg8[%get3A_122, %get3A_123] : memref<16x16xf32, #tpu.memory_space<vmem>>, vector<16x16xf32>
    %dot_general3A_125 = arith.constant dense<0.000000e+00> : vector<10240x16xf32>
    %dot_general3A_126 = tpu.matmul %max3A_57, %get3A_124, %dot_general3A_125 {dimension_numbers = #tpu.dot_dimension_numbers<[1], [0], [0], [1], [0, 0, 1, 1], [], []>, transpose_lhs_hint = false} : vector<10240x16xf32>, vector<16x16xf32>, vector<10240x16xf32> -> vector<10240x16xf32>
    %get3A_127 = arith.constant 0 : index
    %get3A_128 = arith.constant 0 : index
    %get3A_129 = vector.load %arg14[%get3A_127, %get3A_128] : memref<1x16xf32, #tpu.memory_space<vmem>>, vector<1x16xf32>
    %add3A_130 = vector.broadcast %get3A_129 : vector<1x16xf32> to vector<10240x16xf32>
    %add3A_131 = arith.addf %dot_general3A_126, %add3A_130 : vector<10240x16xf32>
    %get3A_132 = arith.constant 0 : index
    %get3A_133 = arith.constant 0 : index
    %get3A_134 = vector.load %arg11[%get3A_132, %get3A_133] : memref<16x16xf32, #tpu.memory_space<vmem>>, vector<16x16xf32>
    %dot_general3A_135 = arith.constant dense<0.000000e+00> : vector<10240x16xf32>
    %dot_general3A_136 = tpu.matmul %concatenate3A_69, %get3A_134, %dot_general3A_135 {dimension_numbers = #tpu.dot_dimension_numbers<[1], [0], [0], [1], [0, 0, 1, 1], [], []>, transpose_lhs_hint = false} : vector<10240x16xf32>, vector<16x16xf32>, vector<10240x16xf32> -> vector<10240x16xf32>
    %get3A_137 = arith.constant 0 : index
    %get3A_138 = arith.constant 0 : index
    %get3A_139 = vector.load %arg17[%get3A_137, %get3A_138] : memref<1x16xf32, #tpu.memory_space<vmem>>, vector<1x16xf32>
    %add3A_140 = vector.broadcast %get3A_139 : vector<1x16xf32> to vector<10240x16xf32>
    %add3A_141 = arith.addf %dot_general3A_136, %add3A_140 : vector<10240x16xf32>
    %mul3A_142 = arith.mulf %logistic3A_94, %add3A_141 : vector<10240x16xf32>
    %add3A_143 = arith.addf %add3A_131, %mul3A_142 : vector<10240x16xf32>
    %tanh3A = math.tanh %add3A_143 : vector<10240x16xf32>
    %sub3A = arith.constant 1.000000e+00 : f32
    %sub3A_144 = vector.broadcast %sub3A : f32 to vector<10240x16xf32>
    %sub3A_145 = arith.subf %sub3A_144, %logistic3A_121 : vector<10240x16xf32>
    %mul3A_146 = arith.mulf %sub3A_145, %tanh3A : vector<10240x16xf32>
    %mul3A_147 = arith.mulf %logistic3A_121, %concatenate3A_69 : vector<10240x16xf32>
    %add3A_148 = arith.addf %mul3A_146, %mul3A_147 : vector<10240x16xf32>
    %slice3A_149 = vector.extract_strided_slice %add3A_148 {offsets = [0, 0], sizes = [1280, 16], strides = [1, 1]} : vector<10240x16xf32> to vector<1280x16xf32>
    %slice3A_150 = vector.extract_strided_slice %add3A_148 {offsets = [1280, 0], sizes = [1280, 16], strides = [1, 1]} : vector<10240x16xf32> to vector<1280x16xf32>
    %slice3A_151 = vector.extract_strided_slice %add3A_148 {offsets = [2560, 0], sizes = [1280, 16], strides = [1, 1]} : vector<10240x16xf32> to vector<1280x16xf32>
    %slice3A_152 = vector.extract_strided_slice %add3A_148 {offsets = [3840, 0], sizes = [1280, 16], strides = [1, 1]} : vector<10240x16xf32> to vector<1280x16xf32>
    %slice3A_153 = vector.extract_strided_slice %add3A_148 {offsets = [5120, 0], sizes = [1280, 16], strides = [1, 1]} : vector<10240x16xf32> to vector<1280x16xf32>
    %slice3A_154 = vector.extract_strided_slice %add3A_148 {offsets = [6400, 0], sizes = [1280, 16], strides = [1, 1]} : vector<10240x16xf32> to vector<1280x16xf32>
    %slice3A_155 = vector.extract_strided_slice %add3A_148 {offsets = [7680, 0], sizes = [1280, 16], strides = [1, 1]} : vector<10240x16xf32> to vector<1280x16xf32>
    %slice3A_156 = vector.extract_strided_slice %add3A_148 {offsets = [8960, 0], sizes = [1280, 16], strides = [1, 1]} : vector<10240x16xf32> to vector<1280x16xf32>
    %concatenate3A_157 = tpu.concatenate %slice3A_149, %slice3A_150, %slice3A_151, %slice3A_152, %slice3A_153, %slice3A_154, %slice3A_155, %slice3A_156 in 1 : vector<1280x16xf32>, vector<1280x16xf32>, vector<1280x16xf32>, vector<1280x16xf32>, vector<1280x16xf32>, vector<1280x16xf32>, vector<1280x16xf32>, vector<1280x16xf32> -> vector<1280x128xf32>
    %swap3A = arith.constant 0 : index
    %swap3A_158 = arith.constant 0 : index
    %swap3A_159 = vector.load %arg18[%swap3A, %swap3A_158] : memref<1280x128xf32, #tpu.memory_space<vmem>>, vector<1280x128xf32>
    tpu.vector_store %arg18[%swap3A, %swap3A_158], %concatenate3A_157 {strides = array<i32>} : memref<1280x128xf32, #tpu.memory_space<vmem>>, vector<1280x128xf32>,
    return
  }
}

module attributes {stable_mosaic.version = 14 : i64} {
  func.func @_predict_body(%arg0: memref<1280x128xf32, #tpu.memory_space<vmem>>, %arg1: memref<16x16xf32, #tpu.memory_space<vmem>>, %arg2: memref<1x16xf32, #tpu.memory_space<vmem>>, %arg3: memref<1x16xf32, #tpu.memory_space<vmem>>, %arg4: memref<1x16xf32, #tpu.memory_space<vmem>>, %arg5: memref<16x1xf32, #tpu.memory_space<vmem>>, %arg6: memref<1x1xf32, #tpu.memory_space<vmem>>, %arg7: memref<10240x1xf32, #tpu.memory_space<vmem>>) attributes {dimension_semantics = [], scalar_prefetch = 0 : i64, scratch_operands = 0 : i64, tpu.core_type = #tpu.core_type<tc>} {
    %get3A = arith.constant 0 : index
    %get3A_0 = arith.constant 0 : index
    %get3A_1 = vector.load %arg0[%get3A, %get3A_0] : memref<1280x128xf32, #tpu.memory_space<vmem>>, vector<1280x128xf32>
    %slice3A = vector.extract_strided_slice %get3A_1 {offsets = [0, 0], sizes = [1280, 16], strides = [1, 1]} : vector<1280x128xf32> to vector<1280x16xf32>
    %slice3A_2 = vector.extract_strided_slice %get3A_1 {offsets = [0, 16], sizes = [1280, 16], strides = [1, 1]} : vector<1280x128xf32> to vector<1280x16xf32>
    %slice3A_3 = vector.extract_strided_slice %get3A_1 {offsets = [0, 32], sizes = [1280, 16], strides = [1, 1]} : vector<1280x128xf32> to vector<1280x16xf32>
    %slice3A_4 = vector.extract_strided_slice %get3A_1 {offsets = [0, 48], sizes = [1280, 16], strides = [1, 1]} : vector<1280x128xf32> to vector<1280x16xf32>
    %slice3A_5 = vector.extract_strided_slice %get3A_1 {offsets = [0, 64], sizes = [1280, 16], strides = [1, 1]} : vector<1280x128xf32> to vector<1280x16xf32>
    %slice3A_6 = vector.extract_strided_slice %get3A_1 {offsets = [0, 80], sizes = [1280, 16], strides = [1, 1]} : vector<1280x128xf32> to vector<1280x16xf32>
    %slice3A_7 = vector.extract_strided_slice %get3A_1 {offsets = [0, 96], sizes = [1280, 16], strides = [1, 1]} : vector<1280x128xf32> to vector<1280x16xf32>
    %slice3A_8 = vector.extract_strided_slice %get3A_1 {offsets = [0, 112], sizes = [1280, 16], strides = [1, 1]} : vector<1280x128xf32> to vector<1280x16xf32>
    %concatenate3A = tpu.concatenate %slice3A, %slice3A_2, %slice3A_3, %slice3A_4, %slice3A_5, %slice3A_6, %slice3A_7, %slice3A_8 in 0 : vector<1280x16xf32>, vector<1280x16xf32>, vector<1280x16xf32>, vector<1280x16xf32>, vector<1280x16xf32>, vector<1280x16xf32>, vector<1280x16xf32>, vector<1280x16xf32> -> vector<10240x16xf32>
    %iota3A = tpu.iota {dimensions = array<i32: 0>} : vector<10240x1xi32>
    %jit3A = arith.constant 1280 : i32
    %eq3A = arith.constant 0 : i32
    %eq3A_9 = arith.cmpi eq, %jit3A, %eq3A : i32
    %jit3A_10 = arith.constant 1 : i32
    %select_n3A = arith.select %eq3A_9, %jit3A_10, %jit3A : i32
    %rem3A = vector.broadcast %select_n3A : i32 to vector<10240x1xi32>
    %rem3A_11 = arith.remsi %iota3A, %rem3A : vector<10240x1xi32>
    %ne3A = arith.constant 0 : i32
    %ne3A_12 = vector.broadcast %ne3A : i32 to vector<10240x1xi32>
    %ne3A_13 = arith.cmpi ne, %rem3A_11, %ne3A_12 : vector<10240x1xi32>
    %lt3A = arith.constant 0 : i32
    %lt3A_14 = vector.broadcast %lt3A : i32 to vector<10240x1xi32>
    %lt3A_15 = arith.cmpi slt, %rem3A_11, %lt3A_14 : vector<10240x1xi32>
    %lt3A_16 = arith.constant 0 : i32
    %lt3A_17 = arith.cmpi slt, %select_n3A, %lt3A_16 : i32
    %ne3A_18 = vector.broadcast %lt3A_17 : i1 to vector<10240x1xi1>
    %ne3A_19 = vector.broadcast %ne3A_18 : vector<10240x1xi1> to vector<10240x1xi1>
    %ne3A_20 = arith.xori %lt3A_15, %ne3A_19 : vector<10240x1xi1>
    %and3A = arith.andi %ne3A_20, %ne3A_13 : vector<10240x1xi1>
    %add3A = vector.broadcast %select_n3A : i32 to vector<10240x1xi32>
    %add3A_21 = arith.addi %rem3A_11, %add3A : vector<10240x1xi32>
    %select_n3A_22 = arith.select %and3A, %add3A_21, %rem3A_11 : vector<10240x1xi1>, vector<10240x1xi32>
    %mul3A = arith.constant 8 : i32
    %mul3A_23 = vector.broadcast %mul3A : i32 to vector<10240x1xi32>
    %mul3A_24 = arith.muli %mul3A_23, %select_n3A_22 : vector<10240x1xi32>
    %jit3A_25 = arith.constant 1280 : i32
    %div3A = vector.broadcast %jit3A_25 : i32 to vector<10240x1xi32>
    %div3A_26 = arith.divsi %iota3A, %div3A : vector<10240x1xi32>
    %sign3A = arith.constant 0 : i32
    %sign3A_27 = vector.broadcast %sign3A : i32 to vector<10240x1xi32>
    %sign3A_28 = arith.cmpi sgt, %iota3A, %sign3A_27 : vector<10240x1xi32>
    %sign3A_29 = arith.extui %sign3A_28 : vector<10240x1xi1> to vector<10240x1xi32>
    %sign3A_30 = arith.constant 0 : i32
    %sign3A_31 = vector.broadcast %sign3A_30 : i32 to vector<10240x1xi32>
    %sign3A_32 = arith.cmpi slt, %iota3A, %sign3A_31 : vector<10240x1xi32>
    %sign3A_33 = arith.extui %sign3A_32 : vector<10240x1xi1> to vector<10240x1xi32>
    %sign3A_34 = arith.subi %sign3A_29, %sign3A_33 : vector<10240x1xi32>
    %sign3A_35 = arith.constant 0 : i32
    %sign3A_36 = arith.cmpi sgt, %jit3A_25, %sign3A_35 : i32
    %sign3A_37 = arith.extui %sign3A_36 : i1 to i32
    %sign3A_38 = arith.constant 0 : i32
    %sign3A_39 = arith.cmpi slt, %jit3A_25, %sign3A_38 : i32
    %sign3A_40 = arith.extui %sign3A_39 : i1 to i32
    %sign3A_41 = arith.subi %sign3A_37, %sign3A_40 : i32
    %ne3A_42 = vector.broadcast %sign3A_41 : i32 to vector<10240x1xi32>
    %ne3A_43 = arith.cmpi ne, %sign3A_34, %ne3A_42 : vector<10240x1xi32>
    %rem3A_44 = vector.broadcast %jit3A_25 : i32 to vector<10240x1xi32>
    %rem3A_45 = arith.remsi %iota3A, %rem3A_44 : vector<10240x1xi32>
    %ne3A_46 = arith.constant 0 : i32
    %ne3A_47 = vector.broadcast %ne3A_46 : i32 to vector<10240x1xi32>
    %ne3A_48 = arith.cmpi ne, %rem3A_45, %ne3A_47 : vector<10240x1xi32>
    %and3A_49 = arith.andi %ne3A_43, %ne3A_48 : vector<10240x1xi1>
    %sub3A = arith.constant 1 : i32
    %sub3A_50 = vector.broadcast %sub3A : i32 to vector<10240x1xi32>
    %sub3A_51 = arith.subi %div3A_26, %sub3A_50 : vector<10240x1xi32>
    %select_n3A_52 = arith.select %and3A_49, %sub3A_51, %div3A_26 : vector<10240x1xi1>, vector<10240x1xi32>
    %add3A_53 = arith.addi %mul3A_24, %select_n3A_52 : vector<10240x1xi32>
    %lt3A_54 = arith.constant 10000 : i32
    %lt3A_55 = vector.broadcast %lt3A_54 : i32 to vector<10240x1xi32>
    %lt3A_56 = arith.cmpi slt, %add3A_53, %lt3A_55 : vector<10240x1xi32>
    %convert_element_type3A = arith.extui %lt3A_56 : vector<10240x1xi1> to vector<10240x1xi32>
    %convert_element_type3A_57 = arith.sitofp %convert_element_type3A : vector<10240x1xi32> to vector<10240x1xf32>
    %get3A_58 = arith.constant 0 : index
    %get3A_59 = arith.constant 0 : index
    %get3A_60 = vector.load %arg1[%get3A_58, %get3A_59] : memref<16x16xf32, #tpu.memory_space<vmem>>, vector<16x16xf32>
    %dot_general3A = arith.constant dense<0.000000e+00> : vector<10240x16xf32>
    %dot_general3A_61 = tpu.matmul %concatenate3A, %get3A_60, %dot_general3A {dimension_numbers = #tpu.dot_dimension_numbers<[1], [0], [0], [1], [0, 0, 1, 1], [], []>, transpose_lhs_hint = false} : vector<10240x16xf32>, vector<16x16xf32>, vector<10240x16xf32> -> vector<10240x16xf32>
    %get3A_62 = arith.constant 0 : index
    %get3A_63 = arith.constant 0 : index
    %get3A_64 = vector.load %arg2[%get3A_62, %get3A_63] : memref<1x16xf32, #tpu.memory_space<vmem>>, vector<1x16xf32>
    %add3A_65 = vector.broadcast %get3A_64 : vector<1x16xf32> to vector<10240x16xf32>
    %add3A_66 = arith.addf %dot_general3A_61, %add3A_65 : vector<10240x16xf32>
    %mul3A_67 = vector.broadcast %convert_element_type3A_57 : vector<10240x1xf32> to vector<10240x16xf32>
    %mul3A_68 = arith.mulf %add3A_66, %mul3A_67 : vector<10240x16xf32>
    %reduce_sum3A = arith.constant dense<0.000000e+00> : vector<16xf32>
    %reduce_sum3A_69 = vector.multi_reduction <add>, %mul3A_68, %reduce_sum3A [0] : vector<10240x16xf32> to vector<16xf32>
    %broadcast_in_dim3A = vector.shape_cast %reduce_sum3A_69 : vector<16xf32> to vector<1x16xf32>
    %div3A_70 = arith.constant 1.000000e+04 : f32
    %div3A_71 = vector.broadcast %div3A_70 : f32 to vector<1x16xf32>
    %div3A_72 = arith.divf %broadcast_in_dim3A, %div3A_71 : vector<1x16xf32>
    %sub3A_73 = vector.broadcast %div3A_72 : vector<1x16xf32> to vector<10240x16xf32>
    %sub3A_74 = arith.subf %add3A_66, %sub3A_73 : vector<10240x16xf32>
    %sub3A_75 = vector.broadcast %div3A_72 : vector<1x16xf32> to vector<10240x16xf32>
    %sub3A_76 = arith.subf %add3A_66, %sub3A_75 : vector<10240x16xf32>
    %mul3A_77 = arith.mulf %sub3A_74, %sub3A_76 : vector<10240x16xf32>
    %mul3A_78 = vector.broadcast %convert_element_type3A_57 : vector<10240x1xf32> to vector<10240x16xf32>
    %mul3A_79 = arith.mulf %mul3A_77, %mul3A_78 : vector<10240x16xf32>
    %reduce_sum3A_80 = arith.constant dense<0.000000e+00> : vector<16xf32>
    %reduce_sum3A_81 = vector.multi_reduction <add>, %mul3A_79, %reduce_sum3A_80 [0] : vector<10240x16xf32> to vector<16xf32>
    %broadcast_in_dim3A_82 = vector.shape_cast %reduce_sum3A_81 : vector<16xf32> to vector<1x16xf32>
    %div3A_83 = arith.constant 1.000000e+04 : f32
    %div3A_84 = vector.broadcast %div3A_83 : f32 to vector<1x16xf32>
    %div3A_85 = arith.divf %broadcast_in_dim3A_82, %div3A_84 : vector<1x16xf32>
    %sub3A_86 = vector.broadcast %div3A_72 : vector<1x16xf32> to vector<10240x16xf32>
    %sub3A_87 = arith.subf %add3A_66, %sub3A_86 : vector<10240x16xf32>
    %add3A_88 = arith.constant 9.99999974E-6 : f32
    %add3A_89 = vector.broadcast %add3A_88 : f32 to vector<1x16xf32>
    %add3A_90 = arith.addf %div3A_85, %add3A_89 : vector<1x16xf32>
    %rsqrt3A = math.rsqrt %add3A_90 : vector<1x16xf32>
    %mul3A_91 = vector.broadcast %rsqrt3A : vector<1x16xf32> to vector<10240x16xf32>
    %mul3A_92 = arith.mulf %sub3A_87, %mul3A_91 : vector<10240x16xf32>
    %get3A_93 = arith.constant 0 : index
    %get3A_94 = arith.constant 0 : index
    %get3A_95 = vector.load %arg3[%get3A_93, %get3A_94] : memref<1x16xf32, #tpu.memory_space<vmem>>, vector<1x16xf32>
    %mul3A_96 = vector.broadcast %get3A_95 : vector<1x16xf32> to vector<10240x16xf32>
    %mul3A_97 = arith.mulf %mul3A_92, %mul3A_96 : vector<10240x16xf32>
    %get3A_98 = arith.constant 0 : index
    %get3A_99 = arith.constant 0 : index
    %get3A_100 = vector.load %arg4[%get3A_98, %get3A_99] : memref<1x16xf32, #tpu.memory_space<vmem>>, vector<1x16xf32>
    %add3A_101 = vector.broadcast %get3A_100 : vector<1x16xf32> to vector<10240x16xf32>
    %add3A_102 = arith.addf %mul3A_97, %add3A_101 : vector<10240x16xf32>
    %max3A = arith.constant 0.000000e+00 : f32
    %max3A_103 = vector.broadcast %max3A : f32 to vector<10240x16xf32>
    %max3A_104 = arith.maximumf %add3A_102, %max3A_103 : vector<10240x16xf32>
    %get3A_105 = arith.constant 0 : index
    %get3A_106 = arith.constant 0 : index
    %get3A_107 = vector.load %arg5[%get3A_105, %get3A_106] : memref<16x1xf32, #tpu.memory_space<vmem>>, vector<16x1xf32>
    %dot_general3A_108 = arith.constant dense<0.000000e+00> : vector<10240x1xf32>
    %dot_general3A_109 = tpu.matmul %max3A_104, %get3A_107, %dot_general3A_108 {dimension_numbers = #tpu.dot_dimension_numbers<[1], [0], [0], [1], [0, 0, 1, 1], [], []>, transpose_lhs_hint = false} : vector<10240x16xf32>, vector<16x1xf32>, vector<10240x1xf32> -> vector<10240x1xf32>
    %get3A_110 = arith.constant 0 : index
    %get3A_111 = arith.constant 0 : index
    %get3A_112 = vector.load %arg6[%get3A_110, %get3A_111] : memref<1x1xf32, #tpu.memory_space<vmem>>, vector<1x1xf32>
    %add3A_113 = vector.broadcast %get3A_112 : vector<1x1xf32> to vector<10240x1xf32>
    %add3A_114 = arith.addf %dot_general3A_109, %add3A_113 : vector<10240x1xf32>
    %swap3A = arith.constant 0 : index
    %swap3A_115 = arith.constant 0 : index
    %swap3A_116 = vector.load %arg7[%swap3A, %swap3A_115] : memref<10240x1xf32, #tpu.memory_space<vmem>>, vector<10240x1xf32>
    tpu.vector_store %arg7[%swap3A, %swap3A_115], %add3A_114 {strides = array<i32>} : memref<10240x1xf32, #tpu.memory_space<vmem>>, vector<10240x1xf32>,
    return
  }
}

</mosaic_0001>

<sc_bundles>
// kernel: kernel.31.cloned.1.call-start
scs
__scs_entry_jumppad:
0x0: {  	(pc) =	sbr.rel $0x88, $3  }
0x1: {  	(tag) =	ssettag $0x0;
	lr =	simm.s32 $0x1  }
0x2: {  	[smem:$0x3F87] =	sst lr;
	_ =	strace $0xD0000000  }
0x3: {  	_ = 	snop  }
0x4: {  	_ = 	snop  }
0x5: {  	_ = 	snop  }
0x6: {  	_ = 	snop  }
0x7: {  	_ = 	snop  }
__scs_overlays_trampoline_lowered:
0x8: {  	[smem:$0x3F96] =	sst s0  }
0x9: {  	[smem:$0x3F97] =	sst s1  }
0xa: {  	[smem:$0x3F98] =	sst s2  }
0xb: {  	[smem:$0x3F99] =	sst s3  }
0xc: {  	[smem:$0x3F9A] =	sst s4  }
0xd: {  	[smem:$0x3F9B] =	sst s5  }
0xe: {  	[smem:$0x3F9C] =	sst s6  }
0xf: {  	[smem:$0x3F9D] =	sst s7  }
0x10: {  	[smem:$0x3F9E] =	sst s8  }
0x11: {  	[smem:$0x3F9F] =	sst s9;
	s0 =	simm.s32 @!p0 $0x0  }
0x12: {  	s1 =	sld [smem:$0x3F85];
	s0 =	simm.s32 @p0 $0x1  }
0x13: {  	[smem:$0x3FA0] =	sst s0;
	s0 =	simm.s32 @!p1 $0x0  }
0x14: {  	s2 =	sld [smem:$0x3F84];
	s0 =	simm.s32 @p1 $0x1  }
0x15: {  	[smem:$0x3FA1] =	sst s0;
	s0 =	simm.s32 @!p2 $0x0  }
0x16: {  	s3 =	sld [smem:$0x3FDB];
	s0 =	simm.s32 @p2 $0x1  }
0x17: {  	s4 =	simm.s32 $0x1BF5;
	[smem:$0x3FA3] =	sst s0  }
0x18: {  	s0 =	sld [smem:$0x3F86];
	_ =	swait.ge [sflag:s4], $0x0  }
0x19: {  	s7 =	sld [smem:$0x3F87]  }
0x1a: {  	s8 =	sadd.s32 $0xFFFFE003, lr  }
0x1b: {  	s9 =	sadd.s32 $0xFFFFFEF7, lr;
	s5 =	simm.s32 $0xFFFFFFFF;
	p2 =	slt.u32 s8, $0xFFFFF086  }
0x1c: {  	p1 =	slt.u32 s9, $0xF7A;
	s5 =	simm.s32 @!p2 $0x0  }
0x1d: {  	s5 =	simm.s32 @p1 $0x1;
	p0 =	seq.s32 s7, s2  }
0x1e: {  	s7 =	smul.u32 @!p0 $0xF7A, s2;
	p2 =	seq.s32 @!p0 s5, $0x0  }
0x1f: {  	s9 =	smul.u32 $0xF7A, s1;
	s8 =	simm.s32 @!p0 $0x1BF5;
	p2 =	por !p2, p0  }
0x20: {  	[sflag:s8] =	ssyncset.s32 @!p0 $0xFFFFF086;
	s6 =	sadd.s32 @!p0 s3, s7;
	s7 =	simm.s32 @!p0 $0x108  }
0x21: {  	s3 =	sadd.s32 s3, s9;
	s6 =	sadd.s32 @!p0 $0x88, s6;
	s7 =	simm.s32 @p2 $0x1082  }
0x22: {  	[simem:s7], [sflag:s8] =	dma.local @!p0 [hbm:s6], $0xF7A  }
0x23: {  	s9 =	sor.u32 $0xD0000000, s2;
	s6 =	simm.s32 $0x108;
	_ =	swait.ge @!p0 [sflag:s8], $0x0  }
0x24: {  	s3 =	sadd.s32 $0x88, s3;
	s6 =	simm.s32 @!p1 $0x1082;
	[sflag:s4] =	ssyncset.s32 $0xFFFFF086  }
0x25: {  	[simem:s6], [sflag:s4] =	dma.local [hbm:s3], $0xF7A  }
0x26: {  	[smem:$0x3F87] =	sst s1;
	(tag) =	ssettag s2;
	_ =	strace s9  }
0x27: {  	s1 =	sld [smem:$0x3F97]  }
0x28: {  	s2 =	sld [smem:$0x3F98]  }
0x29: {  	s4 =	sld [smem:$0x3F9A]  }
0x2a: {  	p0 =	seq.s32 s5, $0x0;
	s5 =	sld [smem:$0x3F9B]  }
0x2b: {  	s6 =	sld [smem:$0x3F9C]  }
0x2c: {  	s7 =	sld [smem:$0x3F9D]  }
0x2d: {  	s3 =	simm.s32 $0x108;
	s8 =	sld [smem:$0x3F9E]  }
0x2e: {  	s3 =	simm.s32 @!p0 $0x1082;
	s9 =	sld [smem:$0x3F9F]  }
0x2f: {  	lr =	sadd.s32 s0, s3;
	s0 =	sld [smem:$0x3F96]  }
0x30: {  	s3 =	sld [smem:$0x3F99]  }
0x31: {  	[smem:$0x3FA2] =	sst s10  }
0x32: {  	s10 =	sld [smem:$0x3FA0];
	_ =	sdelay $0x3  }
0x33: {  	p0 =	seq.s32 s10, $0x1;
	s10 =	sld [smem:$0x3FA2];
	_ =	sdelay $0x3  }
0x34: {  	[smem:$0x3FA2] =	sst s10  }
0x35: {  	s10 =	sld [smem:$0x3FA1];
	_ =	sdelay $0x3  }
0x36: {  	p1 =	seq.s32 s10, $0x1;
	s10 =	sld [smem:$0x3FA2];
	_ =	sdelay $0x3  }
0x37: {  	[smem:$0x3FA2] =	sst s10  }
0x38: {  	s10 =	sld [smem:$0x3FA3]  }
0x39: {  	_ = 	snop;
	(pc) =	sbr.ind lr, $3  }
0x3a: {  	_ = 	snop  }
0x3b: {  	_ = 	snop  }
0x3c: {  	p2 =	seq.s32 s10, $0x1;
	s10 =	sld [smem:$0x3FA2]  }
0x3d: {  	_ =	shalt  }
0x3e: {  	_ =	shalt  }
0x3f: {  	_ =	shalt  }
0x40: {  	_ =	shalt  }
0x41: {  	_ =	shalt  }
0x42: {  	_ =	shalt  }
0x43: {  	_ =	shalt  }
0x44: {  	_ =	shalt  }
0x45: {  	_ =	shalt  }
0x46: {  	_ =	shalt  }
0x47: {  	_ =	shalt  }
0x48: {  	_ =	shalt  }
0x49: {  	_ =	shalt  }
0x4a: {  	_ =	shalt  }
0x4b: {  	_ =	shalt  }
0x4c: {  	_ =	shalt  }
0x4d: {  	_ =	shalt  }
0x4e: {  	_ =	shalt  }
0x4f: {  	_ =	shalt  }
0x50: {  	_ =	shalt  }
0x51: {  	_ =	shalt  }
0x52: {  	_ =	shalt  }
0x53: {  	_ =	shalt  }
0x54: {  	_ =	shalt  }
0x55: {  	_ =	shalt  }
0x56: {  	_ =	shalt  }
0x57: {  	_ =	shalt  }
0x58: {  	_ =	shalt  }
0x59: {  	_ =	shalt  }
0x5a: {  	_ =	shalt  }
0x5b: {  	_ =	shalt  }
0x5c: {  	_ =	shalt  }
0x5d: {  	_ =	shalt  }
0x5e: {  	_ =	shalt  }
0x5f: {  	_ =	shalt  }
0x60: {  	_ =	shalt  }
0x61: {  	_ =	shalt  }
0x62: {  	_ =	shalt  }
0x63: {  	_ =	shalt  }
0x64: {  	_ =	shalt  }
0x65: {  	_ =	shalt  }
0x66: {  	_ =	shalt  }
0x67: {  	_ =	shalt  }
0x68: {  	_ =	shalt  }
0x69: {  	_ =	shalt  }
0x6a: {  	_ =	shalt  }
0x6b: {  	_ =	shalt  }
0x6c: {  	_ =	shalt  }
0x6d: {  	_ =	shalt  }
0x6e: {  	_ =	shalt  }
0x6f: {  	_ =	shalt  }
0x70: {  	_ =	shalt  }
0x71: {  	_ =	shalt  }
0x72: {  	_ =	shalt  }
0x73: {  	_ =	shalt  }
0x74: {  	_ =	shalt  }
0x75: {  	_ =	shalt  }
0x76: {  	_ =	shalt  }
0x77: {  	_ =	shalt  }
0x78: {  	_ =	shalt  }
0x79: {  	_ =	shalt  }
0x7a: {  	_ =	shalt  }
0x7b: {  	_ =	shalt  }
0x7c: {  	_ =	shalt  }
0x7d: {  	_ =	shalt  }
0x7e: {  	_ =	shalt  }
0x7f: {  	_ =	shalt  }
0x80: {  	_ =	shalt  }
0x81: {  	_ =	shalt  }
0x82: {  	_ =	shalt  }
0x83: {  	_ =	shalt  }
0x84: {  	_ =	shalt  }
0x85: {  	_ =	shalt  }
0x86: {  	_ =	shalt  }
0x87: {  	_ =	shalt  }
.Lfunc_end0:
.L_simem_size_0:
called_computation_lowered:
.L_overlay_start_0:
0x88: {  	s2 =	sld [smem:$0x3FD9]  }
0x89: {  	s3 =	sld [smem:$0x3FFE];
	_ =	sdelay $0x1  }
0x8a: {  	s1 =	srdreg.scid  }
0x8b: {  	s0 =	sand.u32 $0x1, s1  }
0x8c: {  	s17 =	sshll.u32 s0, $0xA;
	s2 =	sadd.s32 s3, s2  }
0x8d: {  	s2 =	sadd.s32 s2, s17  }
0x8e: {  	[smem:$0x3FAE] =	sst s2  }
0x8f: {  	_ = 	snop  }
0x90: {  	s18 =	sld [smem:$0x3FD0];
	(tm) =	ssettm $0x1  }
0x91: {  	s19 =	sld [smem:$0x3FFB];
	_ =	sdelay $0x3  }
0x92: {  	_ =	strace s19  }
0x93: {  	s2 =	sld [smem:$0x3FFC];
	_ =	sdelay $0x3  }
0x94: {  	_ =	strace s2  }
0x95: {  	s2 =	sld [smem:$0x3FFD];
	_ =	sdelay $0x3  }
0x96: {  	_ =	strace s2  }
0x97: {  	_ =	strace $0x8FFFFFFF  }
0x98: {  	s20 =	sld [smem:$0x3FDB];
	_ =	sdelay $0x1  }
0x99: {  	s4 =	simm.s32 $_scs_section_size  }
0x9a: {  	s5 =	simm.s32 $_size__tile_overlayer_lowered;
	s6 =	simm.s32 $_tile_overlayer_lowered  }
0x9b: {  	s7 =	simm.s32 $0x1BFF;
	s21 =	sshll.u32 s6, $0x1;
	s4 =	sadd.s32 s4, s20  }
0x9c: {  	s22 =	simm.s32 $0x0;
	s5 =	sshll.u32 s5, $0x1;
	s6 =	sadd.s32 s21, s4  }
0x9d: {  	[timem:s22], [sflag:s7] =	dma.local [hbm:s6], s5  }
0x9e: {  	_ =	swait.ge [sflag:s7], s5  }
0x9f: {  	s5 =	ssub.s32 $0x0, s5;
	[sflag:s7] =	ssyncset.done $0x0  }
0xa0: {  	[sflag:s7] =	ssyncadd.s32 s5;
	_ =	sdelay $0x1  }
0xa1: {  	s23 =	simm.s32 $0x1B8B  }
0xa2: {  	_ =	swait.ge [sflag:s23], $0x1  }
0xa3: {  	[sflag:s23] =	ssyncset.done $0x0  }
0xa4: {  	[sflag:s23] =	ssyncadd.s32 $0xFFFFFFFF  }
0xa5: {  	s5 =	sld [smem:$0x0]  }
0xa6: {  	s6 =	sand.u32 $0xFFFFFFFE, s1  }
0xa7: {  	p0 =	sne.s32 s1, s6  }
0xa8: {  	s6 =	sshll.u32 @p0 s6, $0xE  }
0xa9: {  	s6 =	sadd.s32 @p0 $0x11B8D, s6;
	s7 =	sshll.u32 @p0 s5, $0x11  }
0xaa: {  	s6 =	sor.u32 @p0 s7, s6  }
0xab: {  	[sflag:s6] =	ssyncadd.remote.s32 @p0 $0x1;
	_ =	sdelay $0x1  }
0xac: {  	s6 =	simm.s32 @p0 $0x1B8D  }
0xad: {  	_ =	swait.eq @p0 [sflag:s6], $0x1  }
0xae: {  	[sflag:s6] =	ssyncadd.s32 @p0 $0xFFFFFFFF  }
0xaf: {  	s7 =	sshll.u32 @!p0 s1, $0xE  }
0xb0: {  	s7 =	sor.u32 @!p0 $0x4000, s7;
	s6 =	simm.s32 @!p0 $0x1B8D  }
0xb1: {  	s5 =	sshll.u32 @!p0 s5, $0x11;
	s7 =	sadd.s32 @!p0 $0x11B8D, s7;
	_ =	swait.eq @!p0 [sflag:s6], $0x1  }
0xb2: {  	s5 =	sor.u32 @!p0 s5, s7;
	[sflag:s6] =	ssyncadd.s32 @!p0 $0xFFFFFFFF  }
0xb3: {  	s25 =	simm.s32 $0x1B8E;
	s24 =	sld [smem:$0x3FFE];
	[sflag:s5] =	ssyncadd.remote.s32 @!p0 $0x1  }
0xb4: {  	s26 =	simm.s32 $execute0_lowered;
	[smem:$0x3FD2] =	sst s25  }
0xb5: {  	s6 =	sshll.u32 s26, $0x1;
	_ =	strace $0x80000049;
	[dreg:$0x1] =	wrdreg $0xFFFFFFFF  }
0xb6: {  	s28 =	simm.s32 $_size_execute0_lowered;
	s4 =	sadd.s32 s4, s6;
	[dreg:$0x0] =	wrdreg $0x0  }
0xb7: {  	s6 =	sshll.u32 s28, $0x1;
	[dreg:$0x2] =	wrdreg s4  }
0xb8: {  	[dreg:$0x3] =	wrdreg s6  }
0xb9: {  	[dreg:$0x4] =	wrdreg $0xC0  }
0xba: {  	_ =	task [dreg:s22], $0x5FFFF  }
0xbb: {  	[dreg:$0x1] =	wrdreg $0xFFFFFFFF  }
0xbc: {  	[dreg:$0x0] =	wrdreg $0x60  }
0xbd: {  	[dreg:$0x2] =	wrdreg s18  }
0xbe: {  	[dreg:$0x3] =	wrdreg s24  }
0xbf: {  	[dreg:$0x4] =	wrdreg $0x1C000  }
0xc0: {  	[dreg:$0x5] =	wrdreg $0x9  }
0xc1: {  	_ =	task.clear_ibuf [dreg:s22], $0x6FFFF;
	_ =	strace $0x90000049  }
0xc2: {  	s29 =	simm.s32 $0x9;
	_ =	strace $0x8000004B  }
0xc3: {  	_ =	swait.ge [sflag:s29], $0x1  }
0xc4: {  	[sflag:s29] =	ssyncadd.s32 $0xFFFFFFFF  }
0xc5: {  	_ =	strace $0x9000004B  }
0xc6: {  	_ =	sfence  }
0xc7: {  	s30 =	sld [smem:$0x0];
	_ =	sdelay $0x2  }
0xc8: {  	s31 =	sshll.u32 s1, $0xD;
	s1 =	sshrl.u32 s1, $0x2  }
0xc9: {  	s4 =	sand.u32 $0x4000, s31;
	s1 =	sadd.s32 s1, s30  }
0xca: {  	s0 =	sor.u32 s4, s0;
	s1 =	sshll.u32 s1, $0x11  }
0xcb: {  	s0 =	sor.u32 s1, s0  }
0xcc: {  	s0 =	sadd.s32 $0x8F2B, s0  }
0xcd: {  	[sflag:s0] =	ssyncadd.remote.s32 $0x1  }
0xce: {  	_ =	sfence.sel $0xFFFF  }
0xcf: {  	[dreg:$0x0] =	wrdreg $0xFFFFFFFF;
	(pc) =	sbr.abs _section_cstart, $3  }
0xd0: {  	[dreg:$0x1] =	wrdreg $0xFFFFFFFF  }
0xd1: {  	_ =	task.clear_ibuf [dreg:s22], $0x2FFFF;
	_ =	strace $0x9FFFFFFF  }
0xd2: {  	(tm) =	ssettm $0x7FFFFFFF  }
0xd3: {  	_ =	shalt  }
tec
execute0_lowered:
.L_overlay_start_1:
0x0: {  	(tag) =	ssettag $0x1  }
0x1: {  	s1 =	rddreg [dreg:$0x0]  }
0x2: {  	s2 =	srdreg.scid;
	s6 =	rddreg [dreg:$0x1]  }
0x3: {  	s0 =	stileid.u32;
	s3 =	rddreg [dreg:$0x2];
	s4 =	simm.s32 $0x0  }
0x4: {  	s13 =	simm.s32 $0x80;
	s14 =	simm.s32 $0x0;
	s5 =	sand.u32 $0x1, s2  }
0x5: {  	s30 =	sshll.u32 s0, $0x1;
	s8 =	smul.u32 $0x2800, s0;
	[smem:$0x7FF] =	sst s4  }
0x6: {  	s31 =	sshll.u32 s0, $0x6;
	s2 =	sor.u32 s5, s30;
	s9 =	smul.u32 $0x28000, s5  }
0x7: {  	s5 =	ssub.s32 $0x2, s5;
	s7 =	smul.u32 $0x280, s2;
	s2 =	rddreg [dreg:$0x3]  }
0x8: {  	_ =	strace $0x8000004A;
	s10 =	sshrl.u32 s8, $0x3;
	s11 =	sshrl.u32 s5, $0x1  }
0x9: {  	s12 =	sadd.s32 s8, s3;
	s9 =	sadd.s32 s8, s9;
	s10 =	sadd.s32 s10, s6  }
0xa: {  	s11 =	ssub.s32 s5, s11;
	s7 =	sadd.s32 s7, s6;
	s9 =	sshrl.u32 s9, $0x3  }
0xb: {  	s5 =	sadd.s32 $0x67E00, s10;
	s10 =	sshrl.u32 s12, $0x3;
	s12 =	simm.s32 $0x1400  }
0xc: {  	s9 =	sadd.s32 s9, s6;
	s6 =	sor.u32 $0x1C01, s31;
	s7 =	sadd.s32 $0x62E00, s7  }
0xd: {  	s8 =	sadd.s32 $0x6CE00, s9;
	s9 =	smax.u32 s11, $0x1;
	s11 =	simm.s32 $0x1  }
.LBB2_1:
0xe: {  	[spmem:s10], [sflag:s6] =	dma.local [hbm:s5], $0x500  }
0xf: {  	_ =	swait.ge [sflag:s11], $0x500  }
0x10: {  	[sflag:s11] =	ssyncset.done $0x0  }
0x11: {  	[sflag:s11] =	ssyncadd.s32 $0xFFFFFB00  }
0x12: {  	[tilespmem:s4], [sflag:$0x1] =	stream.linear.gather [hbm4b:s7+s4], $0x1400, $0x38;
	[tilespmem:$0x4400] =	vst v63  }
0x13: {  	_ =	swait.ge [sflag:s11], $0x1400  }
0x14: {  	[sflag:s11] =	ssyncset.done $0x0  }
0x15: {  	[sflag:s11] =	ssyncadd.s32 $0xFFFFEC00  }
0x16: {  	[tilespmem:s12], [sflag:$0x1] =	stream.linear.gather [hbm4b:s1+s4], $0x800, $0x38;
	[tilespmem:$0x4400] =	vst v63  }
0x17: {  	_ =	swait.ge [sflag:s11], $0x800  }
0x18: {  	[sflag:s11] =	ssyncset.done $0x0  }
0x19: {  	[sflag:s11] =	ssyncadd.s32 $0xFFFFF800  }
0x1a: {  	s15 =	simm.s32 $0x0;
	[bflag:$0x0] =	sbarrier.arrive $0xFFFF  }
0x1b: {  	[spmem:s3] =	stream.indirect.scatter.add.f32 [tilespmem:s12], [sflag:$0x1], $0x10, s15, s13, $0xb8;
	[tilespmem:$0x4400] =	vst v63  }
0x1c: {  	_ =	swait.ge [sflag:s11], $0x800  }
0x1d: {  	s15 =	simm.s32 $0x200;
	[sflag:s11] =	ssyncset.done $0x0  }
.LBB2_2:
0x1e: {  	s16 =	sshra.s32 s15, $0x2;
	[sflag:s11] =	ssyncadd.s32 $0xFFFFF800;
	p0 =	sne.s32 s15, $0x4E00  }
0x1f: {  	[spmem:s3] =	stream.indirect.scatter.add.f32 [tilespmem:s12], [sflag:$0x1], $0x10, s16, s13, $0xb8;
	[tilespmem:$0x4400] =	vst v63  }
.Ltmp0:
0x20: {  	_ = 	snop;
	(pc) =	sbr.rel @p0 .LBB2_2-.Ltmp0, $4  }
0x21: {  	_ = 	snop  }
0x22: {  	s15 =	sadd.s32 $0x200, s15  }
0x23: {  	_ =	swait.ge [sflag:s11], $0x800  }
0x24: {  	[sflag:s11] =	ssyncset.done $0x0  }
0x25: {  	s14 =	sadd.s32 $0x1, s14  }
0x26: {  	[sflag:s11] =	ssyncadd.s32 $0xFFFFF800;
	p0 =	sne.s32 s14, s9  }
.Ltmp1:
0x27: {  	[bflag:$0x0] =	sbarrier.arrive $0xFFFF;
	(pc) =	sbr.rel @p0 .LBB2_1-.Ltmp1, $4  }
0x28: {  	[hbm:s8], [sflag:s6] =	dma.local [spmem:s10], $0x500  }
0x29: {  	_ =	swait.ge [sflag:s11], $0x500  }
0x2a: {  	[sflag:s11] =	ssyncset.done $0x0  }
0x2b: {  	[sflag:s11] =	ssyncadd.s32 $0xFFFFFB00  }
0x2c: {  	_ =	sfence.sel $0x180000  }
0x2d: {  	[bflag:$0x0] =	sbarrier.arrive $0xFFFF  }
0x2e: {  	p0 =	sne.s32 s0, $0x0;
	_ =	strace $0x9000004A  }
0x2f: {  	s0 =	sadd.s32 @!p0 $0x100000, s2;
	[bflag:$0x2] =	sbarrier.arrive $0xFFFF  }
0x30: {  	[sflag:s0] =	ssyncadd.tile.s32 @!p0 $0x1;
	_ =	shalt  }
.Lfunc_end2:
_tile_overlayer_lowered:
.L_overlay_start_2:
0x31: {  	(tag) =	ssettag $0x2  }
0x32: {  	s0 =	rddreg [dreg:$0x0];
	s2 =	stileid.u32  }
0x33: {  	s1 =	rddreg [dreg:$0x1];
	p0 =	sne.s32 s2, $0x0  }
0x34: {  	s3 =	rddreg [dreg:$0x2];
	[bflag:$0x3] =	sbarrier.arrive $0xFFFF;
	s2 =	simm.s32 @!p0 $0x1C01  }
0x35: {  	[timem:s3], [sflag:s2] =	dma.local @!p0 [hbm:s0], s1  }
0x36: {  	s0 =	simm.s32 @!p0 $0x1  }
0x37: {  	_ =	swait.ge @!p0 [sflag:s0], s1  }
0x38: {  	s1 =	ssub.s32 @!p0 $0x0, s1;
	[sflag:s0] =	ssyncset.done @!p0 $0x0  }
0x39: {  	[sflag:s0] =	ssyncadd.s32 @!p0 s1  }
0x3a: {  	[bflag:$0x3] =	sbarrier.arrive $0xFFFF  }
0x3b: {  	_ =	shalt  }

// kernel: kernel.34.cloned.1.call-start
scs
__scs_entry_jumppad:
0x0: {  	(pc) =	sbr.rel $0x88, $3  }
0x1: {  	(tag) =	ssettag $0x0;
	lr =	simm.s32 $0x1  }
0x2: {  	[smem:$0x3F87] =	sst lr;
	_ =	strace $0xD0000000  }
0x3: {  	_ = 	snop  }
0x4: {  	_ = 	snop  }
0x5: {  	_ = 	snop  }
0x6: {  	_ = 	snop  }
0x7: {  	_ = 	snop  }
__scs_overlays_trampoline_lowered:
0x8: {  	[smem:$0x3F96] =	sst s0  }
0x9: {  	[smem:$0x3F97] =	sst s1  }
0xa: {  	[smem:$0x3F98] =	sst s2  }
0xb: {  	[smem:$0x3F99] =	sst s3  }
0xc: {  	[smem:$0x3F9A] =	sst s4  }
0xd: {  	[smem:$0x3F9B] =	sst s5  }
0xe: {  	[smem:$0x3F9C] =	sst s6  }
0xf: {  	[smem:$0x3F9D] =	sst s7  }
0x10: {  	[smem:$0x3F9E] =	sst s8  }
0x11: {  	[smem:$0x3F9F] =	sst s9;
	s0 =	simm.s32 @!p0 $0x0  }
0x12: {  	s1 =	sld [smem:$0x3F85];
	s0 =	simm.s32 @p0 $0x1  }
0x13: {  	[smem:$0x3FA0] =	sst s0;
	s0 =	simm.s32 @!p1 $0x0  }
0x14: {  	s2 =	sld [smem:$0x3F84];
	s0 =	simm.s32 @p1 $0x1  }
0x15: {  	[smem:$0x3FA1] =	sst s0;
	s0 =	simm.s32 @!p2 $0x0  }
0x16: {  	s3 =	sld [smem:$0x3FDB];
	s0 =	simm.s32 @p2 $0x1  }
0x17: {  	s4 =	simm.s32 $0x1BF5;
	[smem:$0x3FA3] =	sst s0  }
0x18: {  	s0 =	sld [smem:$0x3F86];
	_ =	swait.ge [sflag:s4], $0x0  }
0x19: {  	s7 =	sld [smem:$0x3F87]  }
0x1a: {  	s8 =	sadd.s32 $0xFFFFE003, lr  }
0x1b: {  	s9 =	sadd.s32 $0xFFFFFEF7, lr;
	s5 =	simm.s32 $0xFFFFFFFF;
	p2 =	slt.u32 s8, $0xFFFFF086  }
0x1c: {  	p1 =	slt.u32 s9, $0xF7A;
	s5 =	simm.s32 @!p2 $0x0  }
0x1d: {  	s5 =	simm.s32 @p1 $0x1;
	p0 =	seq.s32 s7, s2  }
0x1e: {  	s7 =	smul.u32 @!p0 $0xF7A, s2;
	p2 =	seq.s32 @!p0 s5, $0x0  }
0x1f: {  	s9 =	smul.u32 $0xF7A, s1;
	s8 =	simm.s32 @!p0 $0x1BF5;
	p2 =	por !p2, p0  }
0x20: {  	[sflag:s8] =	ssyncset.s32 @!p0 $0xFFFFF086;
	s6 =	sadd.s32 @!p0 s3, s7;
	s7 =	simm.s32 @!p0 $0x108  }
0x21: {  	s3 =	sadd.s32 s3, s9;
	s6 =	sadd.s32 @!p0 $0x88, s6;
	s7 =	simm.s32 @p2 $0x1082  }
0x22: {  	[simem:s7], [sflag:s8] =	dma.local @!p0 [hbm:s6], $0xF7A  }
0x23: {  	s9 =	sor.u32 $0xD0000000, s2;
	s6 =	simm.s32 $0x108;
	_ =	swait.ge @!p0 [sflag:s8], $0x0  }
0x24: {  	s3 =	sadd.s32 $0x88, s3;
	s6 =	simm.s32 @!p1 $0x1082;
	[sflag:s4] =	ssyncset.s32 $0xFFFFF086  }
0x25: {  	[simem:s6], [sflag:s4] =	dma.local [hbm:s3], $0xF7A  }
0x26: {  	[smem:$0x3F87] =	sst s1;
	(tag) =	ssettag s2;
	_ =	strace s9  }
0x27: {  	s1 =	sld [smem:$0x3F97]  }
0x28: {  	s2 =	sld [smem:$0x3F98]  }
0x29: {  	s4 =	sld [smem:$0x3F9A]  }
0x2a: {  	p0 =	seq.s32 s5, $0x0;
	s5 =	sld [smem:$0x3F9B]  }
0x2b: {  	s6 =	sld [smem:$0x3F9C]  }
0x2c: {  	s7 =	sld [smem:$0x3F9D]  }
0x2d: {  	s3 =	simm.s32 $0x108;
	s8 =	sld [smem:$0x3F9E]  }
0x2e: {  	s3 =	simm.s32 @!p0 $0x1082;
	s9 =	sld [smem:$0x3F9F]  }
0x2f: {  	lr =	sadd.s32 s0, s3;
	s0 =	sld [smem:$0x3F96]  }
0x30: {  	s3 =	sld [smem:$0x3F99]  }
0x31: {  	[smem:$0x3FA2] =	sst s10  }
0x32: {  	s10 =	sld [smem:$0x3FA0];
	_ =	sdelay $0x3  }
0x33: {  	p0 =	seq.s32 s10, $0x1;
	s10 =	sld [smem:$0x3FA2];
	_ =	sdelay $0x3  }
0x34: {  	[smem:$0x3FA2] =	sst s10  }
0x35: {  	s10 =	sld [smem:$0x3FA1];
	_ =	sdelay $0x3  }
0x36: {  	p1 =	seq.s32 s10, $0x1;
	s10 =	sld [smem:$0x3FA2];
	_ =	sdelay $0x3  }
0x37: {  	[smem:$0x3FA2] =	sst s10  }
0x38: {  	s10 =	sld [smem:$0x3FA3]  }
0x39: {  	_ = 	snop;
	(pc) =	sbr.ind lr, $3  }
0x3a: {  	_ = 	snop  }
0x3b: {  	_ = 	snop  }
0x3c: {  	p2 =	seq.s32 s10, $0x1;
	s10 =	sld [smem:$0x3FA2]  }
0x3d: {  	_ =	shalt  }
0x3e: {  	_ =	shalt  }
0x3f: {  	_ =	shalt  }
0x40: {  	_ =	shalt  }
0x41: {  	_ =	shalt  }
0x42: {  	_ =	shalt  }
0x43: {  	_ =	shalt  }
0x44: {  	_ =	shalt  }
0x45: {  	_ =	shalt  }
0x46: {  	_ =	shalt  }
0x47: {  	_ =	shalt  }
0x48: {  	_ =	shalt  }
0x49: {  	_ =	shalt  }
0x4a: {  	_ =	shalt  }
0x4b: {  	_ =	shalt  }
0x4c: {  	_ =	shalt  }
0x4d: {  	_ =	shalt  }
0x4e: {  	_ =	shalt  }
0x4f: {  	_ =	shalt  }
0x50: {  	_ =	shalt  }
0x51: {  	_ =	shalt  }
0x52: {  	_ =	shalt  }
0x53: {  	_ =	shalt  }
0x54: {  	_ =	shalt  }
0x55: {  	_ =	shalt  }
0x56: {  	_ =	shalt  }
0x57: {  	_ =	shalt  }
0x58: {  	_ =	shalt  }
0x59: {  	_ =	shalt  }
0x5a: {  	_ =	shalt  }
0x5b: {  	_ =	shalt  }
0x5c: {  	_ =	shalt  }
0x5d: {  	_ =	shalt  }
0x5e: {  	_ =	shalt  }
0x5f: {  	_ =	shalt  }
0x60: {  	_ =	shalt  }
0x61: {  	_ =	shalt  }
0x62: {  	_ =	shalt  }
0x63: {  	_ =	shalt  }
0x64: {  	_ =	shalt  }
0x65: {  	_ =	shalt  }
0x66: {  	_ =	shalt  }
0x67: {  	_ =	shalt  }
0x68: {  	_ =	shalt  }
0x69: {  	_ =	shalt  }
0x6a: {  	_ =	shalt  }
0x6b: {  	_ =	shalt  }
0x6c: {  	_ =	shalt  }
0x6d: {  	_ =	shalt  }
0x6e: {  	_ =	shalt  }
0x6f: {  	_ =	shalt  }
0x70: {  	_ =	shalt  }
0x71: {  	_ =	shalt  }
0x72: {  	_ =	shalt  }
0x73: {  	_ =	shalt  }
0x74: {  	_ =	shalt  }
0x75: {  	_ =	shalt  }
0x76: {  	_ =	shalt  }
0x77: {  	_ =	shalt  }
0x78: {  	_ =	shalt  }
0x79: {  	_ =	shalt  }
0x7a: {  	_ =	shalt  }
0x7b: {  	_ =	shalt  }
0x7c: {  	_ =	shalt  }
0x7d: {  	_ =	shalt  }
0x7e: {  	_ =	shalt  }
0x7f: {  	_ =	shalt  }
0x80: {  	_ =	shalt  }
0x81: {  	_ =	shalt  }
0x82: {  	_ =	shalt  }
0x83: {  	_ =	shalt  }
0x84: {  	_ =	shalt  }
0x85: {  	_ =	shalt  }
0x86: {  	_ =	shalt  }
0x87: {  	_ =	shalt  }
.Lfunc_end0:
.L_simem_size_0:
called_computation.1_lowered:
.L_overlay_start_0:
0x88: {  	s2 =	sld [smem:$0x3FD9]  }
0x89: {  	s3 =	sld [smem:$0x3FFE];
	_ =	sdelay $0x1  }
0x8a: {  	s1 =	srdreg.scid  }
0x8b: {  	s0 =	sand.u32 $0x1, s1  }
0x8c: {  	s16 =	sshll.u32 s0, $0xA;
	s2 =	sadd.s32 s3, s2  }
0x8d: {  	s2 =	sadd.s32 s2, s16  }
0x8e: {  	[smem:$0x3FAE] =	sst s2  }
0x8f: {  	_ = 	snop  }
0x90: {  	(tm) =	ssettm $0x1  }
0x91: {  	s17 =	sld [smem:$0x3FFB];
	_ =	sdelay $0x3  }
0x92: {  	_ =	strace s17  }
0x93: {  	s2 =	sld [smem:$0x3FFC];
	_ =	sdelay $0x3  }
0x94: {  	_ =	strace s2  }
0x95: {  	s2 =	sld [smem:$0x3FFD];
	_ =	sdelay $0x3  }
0x96: {  	_ =	strace s2  }
0x97: {  	_ =	strace $0x8FFFFFFF  }
0x98: {  	s18 =	sld [smem:$0x3FDB];
	_ =	sdelay $0x1  }
0x99: {  	s19 =	simm.s32 $_scs_section_size  }
0x9a: {  	s4 =	simm.s32 $_size__tile_overlayer_lowered;
	s5 =	simm.s32 $_tile_overlayer_lowered  }
0x9b: {  	s22 =	simm.s32 $0x1BFF;
	s21 =	sshll.u32 s5, $0x1;
	s2 =	sadd.s32 s19, s18  }
0x9c: {  	s6 =	simm.s32 $0x0;
	s20 =	sshll.u32 s4, $0x1;
	s4 =	sadd.s32 s21, s2  }
0x9d: {  	[timem:s6], [sflag:s22] =	dma.local [hbm:s4], s20  }
0x9e: {  	_ =	swait.ge [sflag:s22], s20  }
0x9f: {  	s3 =	ssub.s32 $0x0, s20;
	[sflag:s22] =	ssyncset.done $0x0  }
0xa0: {  	[sflag:s22] =	ssyncadd.s32 s3;
	_ =	sdelay $0x1  }
0xa1: {  	s23 =	simm.s32 $0x1B8B  }
0xa2: {  	_ =	swait.ge [sflag:s23], $0x1  }
0xa3: {  	[sflag:s23] =	ssyncset.done $0x0  }
0xa4: {  	s25 =	simm.s32 $0x1B8E;
	s24 =	sld [smem:$0x3FFE];
	[sflag:s23] =	ssyncadd.s32 $0xFFFFFFFF  }
0xa5: {  	s26 =	simm.s32 $execute0_lowered;
	[smem:$0x3FD2] =	sst s25  }
0xa6: {  	s4 =	sshll.u32 s26, $0x1;
	_ =	strace $0x80000046;
	[dreg:$0x1] =	wrdreg $0xFFFFFFFF  }
0xa7: {  	s28 =	simm.s32 $_size_execute0_lowered;
	s2 =	sadd.s32 s2, s4;
	[dreg:$0x0] =	wrdreg $0x0  }
0xa8: {  	s4 =	sshll.u32 s28, $0x1;
	[dreg:$0x2] =	wrdreg s2  }
0xa9: {  	[dreg:$0x3] =	wrdreg s4  }
0xaa: {  	[dreg:$0x4] =	wrdreg $0xC0  }
0xab: {  	_ =	task [dreg:s6], $0x5FFFF  }
0xac: {  	[dreg:$0x1] =	wrdreg $0xFFFFFFFF  }
0xad: {  	[dreg:$0x0] =	wrdreg $0x60  }
0xae: {  	[dreg:$0x2] =	wrdreg s24  }
0xaf: {  	[dreg:$0x3] =	wrdreg $0x154000  }
0xb0: {  	[dreg:$0x4] =	wrdreg $0xA  }
0xb1: {  	_ =	task.clear_ibuf [dreg:s6], $0x5FFFF;
	_ =	strace $0x90000046  }
0xb2: {  	s29 =	simm.s32 $0xA;
	_ =	strace $0x80000048  }
0xb3: {  	_ =	swait.ge [sflag:s29], $0x1  }
0xb4: {  	[sflag:s29] =	ssyncadd.s32 $0xFFFFFFFF  }
0xb5: {  	_ =	strace $0x90000048  }
0xb6: {  	_ =	sfence  }
0xb7: {  	s30 =	sld [smem:$0x0];
	_ =	sdelay $0x2  }
0xb8: {  	s31 =	sshll.u32 s1, $0xD;
	s1 =	sshrl.u32 s1, $0x2  }
0xb9: {  	s3 =	sand.u32 $0x4000, s31;
	s1 =	sadd.s32 s1, s30  }
0xba: {  	s0 =	sor.u32 s3, s0;
	s1 =	sshll.u32 s1, $0x11  }
0xbb: {  	s0 =	sor.u32 s1, s0  }
0xbc: {  	s0 =	sadd.s32 $0x8F2B, s0  }
0xbd: {  	[sflag:s0] =	ssyncadd.remote.s32 $0x1  }
0xbe: {  	_ =	sfence.sel $0xFFFF  }
0xbf: {  	[dreg:$0x0] =	wrdreg $0xFFFFFFFF;
	(pc) =	sbr.abs _section_cstart, $3  }
0xc0: {  	[dreg:$0x1] =	wrdreg $0xFFFFFFFF  }
0xc1: {  	_ =	task.clear_ibuf [dreg:s6], $0x2FFFF;
	_ =	strace $0x9FFFFFFF  }
0xc2: {  	(tm) =	ssettm $0x7FFFFFFF  }
0xc3: {  	_ =	shalt  }
tec
execute0_lowered:
.L_overlay_start_1:
0x0: {  	(tag) =	ssettag $0x1  }
0x1: {  	s4 =	rddreg [dreg:$0x0]  }
0x2: {  	s2 =	rddreg [dreg:$0x1]  }
0x3: {  	s0 =	rddreg [dreg:$0x2];
	s1 =	stileid.u32  }
0x4: {  	s5 =	srdreg.scid;
	s3 =	simm.s32 $0x0;
	s13 =	simm.s32 $0x1400  }
0x5: {  	s14 =	simm.s32 $0x0;
	s5 =	sand.u32 $0x1, s5;
	s6 =	sshll.u32 s1, $0x1  }
0x6: {  	[smem:$0x7FF] =	sst s3;
	s7 =	smul.u32 $0x2800, s1;
	s6 =	sor.u32 s5, s6  }
0x7: {  	s31 =	sshll.u32 s1, $0x6;
	_ =	strace $0x80000047;
	s8 =	smul.u32 $0x280, s6  }
0x8: {  	s5 =	ssub.s32 $0x2, s5;
	s9 =	sshrl.u32 s7, $0x3;
	s6 =	smul.u32 $0x2800, s6  }
0x9: {  	s10 =	sshrl.u32 s5, $0x1;
	s12 =	sadd.s32 s7, s2;
	s9 =	sadd.s32 s9, s4  }
0xa: {  	s10 =	ssub.s32 s5, s10;
	s5 =	sor.u32 $0x1C02, s31;
	s8 =	sadd.s32 s8, s4  }
0xb: {  	s11 =	sadd.s32 s6, s4;
	s4 =	sadd.s32 $0x8E00, s9;
	s9 =	sshrl.u32 s12, $0x3  }
0xc: {  	s12 =	simm.s32 $0x1;
	s6 =	sadd.s32 $0xDE00, s8;
	s7 =	sadd.s32 $0x12E00, s11  }
0xd: {  	s8 =	smax.u32 s10, $0x1;
	s10 =	simm.s32 $0x2;
	s11 =	simm.s32 $0x80  }
.LBB2_1:
0xe: {  	[spmem:s9], [sflag:s5] =	dma.local [hbm:s4], $0x500  }
0xf: {  	_ =	swait.ge [sflag:s10], $0x500  }
0x10: {  	[sflag:s10] =	ssyncset.done $0x0  }
0x11: {  	[sflag:s10] =	ssyncadd.s32 $0xFFFFFB00  }
0x12: {  	[tilespmem:s3], [sflag:$0x2] =	stream.linear.gather [hbm4b:s6+s3], $0x1400, $0x38;
	[tilespmem:$0x17C00] =	vst v63  }
0x13: {  	_ =	swait.ge [sflag:s10], $0x1400  }
0x14: {  	[sflag:s10] =	ssyncset.done $0x0  }
0x15: {  	[sflag:s10] =	ssyncadd.s32 $0xFFFFEC00  }
0x16: {  	s15 =	simm.s32 $0x1400;
	s16 =	simm.s32 $0x0;
	[bflag:$0x0] =	sbarrier.arrive $0xFFFF  }
.LBB2_2:
0x17: {  	p0 =	sne.s32 s16, $0x4E00  }
.Ltmp0:
0x18: {  	_ = 	snop;
	(pc) =	sbr.rel @p0 .LBB2_2-.Ltmp0, $4  }
0x19: {  	_ = 	snop  }
0x1a: {  	s17 =	sshra.s32 s16, $0x2  }
0x1b: {  	[tilespmem:s15], [sflag:$0x1] =	stream.indirect.gather [spmem:s2], $0x10, s17, s11, $0xb8;
	[tilespmem:$0x17C00] =	vst v63  }
0x1c: {  	s16 =	sadd.s32 $0x200, s16;
	s15 =	sadd.s32 $0x800, s15  }
0x1d: {  	_ =	swait.ge [sflag:s12], $0x800  }
0x1e: {  	s15 =	simm.s32 $0x27;
	[sflag:s12] =	ssyncset.done $0x0  }
.LBB2_4:
0x1f: {  	p0 =	sne.s32 s15, $0x1;
	s15 =	sadd.s32 $0xFFFFFFFF, s15;
	[sflag:s12] =	ssyncadd.s32 $0xFFFFF800  }
.Ltmp1:
0x20: {  	(pc) =	sbr.rel @p0 .LBB2_4-.Ltmp1, $3  }
0x21: {  	_ =	sdelay $0x1  }
0x22: {  	_ =	swait.ge [sflag:s12], $0x800  }
0x23: {  	[sflag:s12] =	ssyncset.done $0x0  }
0x24: {  	s14 =	sadd.s32 $0x1, s14  }
0x25: {  	p0 =	sne.s32 s14, s8  }
.Ltmp2:
0x26: {  	[sflag:s12] =	ssyncadd.s32 $0xFFFFF800;
	(pc) =	sbr.rel @p0 .LBB2_1-.Ltmp2, $4  }
0x27: {  	[hbm4b:s7+s3] =	stream.linear.scatter [tilespmem:s13], [sflag:$0x2], $0x14000, $0x38;
	[tilespmem:$0x17C00] =	vst v63  }
0x28: {  	_ =	swait.ge [sflag:s10], $0x14000  }
0x29: {  	[sflag:s10] =	ssyncset.done $0x0  }
0x2a: {  	[sflag:s10] =	ssyncadd.s32 $0xFFFEC000  }
0x2b: {  	_ =	sfence.sel $0x180000  }
0x2c: {  	[bflag:$0x0] =	sbarrier.arrive $0xFFFF  }
0x2d: {  	p0 =	sne.s32 s1, $0x0;
	_ =	strace $0x90000047  }
0x2e: {  	s0 =	sadd.s32 @!p0 $0x100000, s0;
	[bflag:$0x2] =	sbarrier.arrive $0xFFFF  }
0x2f: {  	[sflag:s0] =	ssyncadd.tile.s32 @!p0 $0x1;
	_ =	shalt  }
.Lfunc_end2:
_tile_overlayer_lowered:
.L_overlay_start_2:
0x30: {  	(tag) =	ssettag $0x2  }
0x31: {  	s0 =	rddreg [dreg:$0x0];
	s2 =	stileid.u32  }
0x32: {  	s1 =	rddreg [dreg:$0x1];
	p0 =	sne.s32 s2, $0x0  }
0x33: {  	s3 =	rddreg [dreg:$0x2];
	[bflag:$0x3] =	sbarrier.arrive $0xFFFF;
	s2 =	simm.s32 @!p0 $0x1C02  }
0x34: {  	[timem:s3], [sflag:s2] =	dma.local @!p0 [hbm:s0], s1  }
0x35: {  	s0 =	simm.s32 @!p0 $0x2  }
0x36: {  	_ =	swait.ge @!p0 [sflag:s0], s1  }
0x37: {  	s1 =	ssub.s32 @!p0 $0x0, s1;
	[sflag:s0] =	ssyncset.done @!p0 $0x0  }
0x38: {  	[sflag:s0] =	ssyncadd.s32 @!p0 s1  }
0x39: {  	[bflag:$0x3] =	sbarrier.arrive $0xFFFF  }
0x3a: {  	_ =	shalt  }

// kernel: kernel.37.cloned.1.call-start
scs
__scs_entry_jumppad:
0x0: {  	(pc) =	sbr.rel $0x88, $3  }
0x1: {  	(tag) =	ssettag $0x0;
	lr =	simm.s32 $0x1  }
0x2: {  	[smem:$0x3F87] =	sst lr;
	_ =	strace $0xD0000000  }
0x3: {  	_ = 	snop  }
0x4: {  	_ = 	snop  }
0x5: {  	_ = 	snop  }
0x6: {  	_ = 	snop  }
0x7: {  	_ = 	snop  }
__scs_overlays_trampoline_lowered:
0x8: {  	[smem:$0x3F96] =	sst s0  }
0x9: {  	[smem:$0x3F97] =	sst s1  }
0xa: {  	[smem:$0x3F98] =	sst s2  }
0xb: {  	[smem:$0x3F99] =	sst s3  }
0xc: {  	[smem:$0x3F9A] =	sst s4  }
0xd: {  	[smem:$0x3F9B] =	sst s5  }
0xe: {  	[smem:$0x3F9C] =	sst s6  }
0xf: {  	[smem:$0x3F9D] =	sst s7  }
0x10: {  	[smem:$0x3F9E] =	sst s8  }
0x11: {  	[smem:$0x3F9F] =	sst s9;
	s0 =	simm.s32 @!p0 $0x0  }
0x12: {  	s1 =	sld [smem:$0x3F85];
	s0 =	simm.s32 @p0 $0x1  }
0x13: {  	[smem:$0x3FA0] =	sst s0;
	s0 =	simm.s32 @!p1 $0x0  }
0x14: {  	s2 =	sld [smem:$0x3F84];
	s0 =	simm.s32 @p1 $0x1  }
0x15: {  	[smem:$0x3FA1] =	sst s0;
	s0 =	simm.s32 @!p2 $0x0  }
0x16: {  	s3 =	sld [smem:$0x3FDB];
	s0 =	simm.s32 @p2 $0x1  }
0x17: {  	s4 =	simm.s32 $0x1BF5;
	[smem:$0x3FA3] =	sst s0  }
0x18: {  	s0 =	sld [smem:$0x3F86];
	_ =	swait.ge [sflag:s4], $0x0  }
0x19: {  	s7 =	sld [smem:$0x3F87]  }
0x1a: {  	s8 =	sadd.s32 $0xFFFFE003, lr  }
0x1b: {  	s9 =	sadd.s32 $0xFFFFFEF7, lr;
	s5 =	simm.s32 $0xFFFFFFFF;
	p2 =	slt.u32 s8, $0xFFFFF086  }
0x1c: {  	p1 =	slt.u32 s9, $0xF7A;
	s5 =	simm.s32 @!p2 $0x0  }
0x1d: {  	s5 =	simm.s32 @p1 $0x1;
	p0 =	seq.s32 s7, s2  }
0x1e: {  	s7 =	smul.u32 @!p0 $0xF7A, s2;
	p2 =	seq.s32 @!p0 s5, $0x0  }
0x1f: {  	s9 =	smul.u32 $0xF7A, s1;
	s8 =	simm.s32 @!p0 $0x1BF5;
	p2 =	por !p2, p0  }
0x20: {  	[sflag:s8] =	ssyncset.s32 @!p0 $0xFFFFF086;
	s6 =	sadd.s32 @!p0 s3, s7;
	s7 =	simm.s32 @!p0 $0x108  }
0x21: {  	s3 =	sadd.s32 s3, s9;
	s6 =	sadd.s32 @!p0 $0x88, s6;
	s7 =	simm.s32 @p2 $0x1082  }
0x22: {  	[simem:s7], [sflag:s8] =	dma.local @!p0 [hbm:s6], $0xF7A  }
0x23: {  	s9 =	sor.u32 $0xD0000000, s2;
	s6 =	simm.s32 $0x108;
	_ =	swait.ge @!p0 [sflag:s8], $0x0  }
0x24: {  	s3 =	sadd.s32 $0x88, s3;
	s6 =	simm.s32 @!p1 $0x1082;
	[sflag:s4] =	ssyncset.s32 $0xFFFFF086  }
0x25: {  	[simem:s6], [sflag:s4] =	dma.local [hbm:s3], $0xF7A  }
0x26: {  	[smem:$0x3F87] =	sst s1;
	(tag) =	ssettag s2;
	_ =	strace s9  }
0x27: {  	s1 =	sld [smem:$0x3F97]  }
0x28: {  	s2 =	sld [smem:$0x3F98]  }
0x29: {  	s4 =	sld [smem:$0x3F9A]  }
0x2a: {  	p0 =	seq.s32 s5, $0x0;
	s5 =	sld [smem:$0x3F9B]  }
0x2b: {  	s6 =	sld [smem:$0x3F9C]  }
0x2c: {  	s7 =	sld [smem:$0x3F9D]  }
0x2d: {  	s3 =	simm.s32 $0x108;
	s8 =	sld [smem:$0x3F9E]  }
0x2e: {  	s3 =	simm.s32 @!p0 $0x1082;
	s9 =	sld [smem:$0x3F9F]  }
0x2f: {  	lr =	sadd.s32 s0, s3;
	s0 =	sld [smem:$0x3F96]  }
0x30: {  	s3 =	sld [smem:$0x3F99]  }
0x31: {  	[smem:$0x3FA2] =	sst s10  }
0x32: {  	s10 =	sld [smem:$0x3FA0];
	_ =	sdelay $0x3  }
0x33: {  	p0 =	seq.s32 s10, $0x1;
	s10 =	sld [smem:$0x3FA2];
	_ =	sdelay $0x3  }
0x34: {  	[smem:$0x3FA2] =	sst s10  }
0x35: {  	s10 =	sld [smem:$0x3FA1];
	_ =	sdelay $0x3  }
0x36: {  	p1 =	seq.s32 s10, $0x1;
	s10 =	sld [smem:$0x3FA2];
	_ =	sdelay $0x3  }
0x37: {  	[smem:$0x3FA2] =	sst s10  }
0x38: {  	s10 =	sld [smem:$0x3FA3]  }
0x39: {  	_ = 	snop;
	(pc) =	sbr.ind lr, $3  }
0x3a: {  	_ = 	snop  }
0x3b: {  	_ = 	snop  }
0x3c: {  	p2 =	seq.s32 s10, $0x1;
	s10 =	sld [smem:$0x3FA2]  }
0x3d: {  	_ =	shalt  }
0x3e: {  	_ =	shalt  }
0x3f: {  	_ =	shalt  }
0x40: {  	_ =	shalt  }
0x41: {  	_ =	shalt  }
0x42: {  	_ =	shalt  }
0x43: {  	_ =	shalt  }
0x44: {  	_ =	shalt  }
0x45: {  	_ =	shalt  }
0x46: {  	_ =	shalt  }
0x47: {  	_ =	shalt  }
0x48: {  	_ =	shalt  }
0x49: {  	_ =	shalt  }
0x4a: {  	_ =	shalt  }
0x4b: {  	_ =	shalt  }
0x4c: {  	_ =	shalt  }
0x4d: {  	_ =	shalt  }
0x4e: {  	_ =	shalt  }
0x4f: {  	_ =	shalt  }
0x50: {  	_ =	shalt  }
0x51: {  	_ =	shalt  }
0x52: {  	_ =	shalt  }
0x53: {  	_ =	shalt  }
0x54: {  	_ =	shalt  }
0x55: {  	_ =	shalt  }
0x56: {  	_ =	shalt  }
0x57: {  	_ =	shalt  }
0x58: {  	_ =	shalt  }
0x59: {  	_ =	shalt  }
0x5a: {  	_ =	shalt  }
0x5b: {  	_ =	shalt  }
0x5c: {  	_ =	shalt  }
0x5d: {  	_ =	shalt  }
0x5e: {  	_ =	shalt  }
0x5f: {  	_ =	shalt  }
0x60: {  	_ =	shalt  }
0x61: {  	_ =	shalt  }
0x62: {  	_ =	shalt  }
0x63: {  	_ =	shalt  }
0x64: {  	_ =	shalt  }
0x65: {  	_ =	shalt  }
0x66: {  	_ =	shalt  }
0x67: {  	_ =	shalt  }
0x68: {  	_ =	shalt  }
0x69: {  	_ =	shalt  }
0x6a: {  	_ =	shalt  }
0x6b: {  	_ =	shalt  }
0x6c: {  	_ =	shalt  }
0x6d: {  	_ =	shalt  }
0x6e: {  	_ =	shalt  }
0x6f: {  	_ =	shalt  }
0x70: {  	_ =	shalt  }
0x71: {  	_ =	shalt  }
0x72: {  	_ =	shalt  }
0x73: {  	_ =	shalt  }
0x74: {  	_ =	shalt  }
0x75: {  	_ =	shalt  }
0x76: {  	_ =	shalt  }
0x77: {  	_ =	shalt  }
0x78: {  	_ =	shalt  }
0x79: {  	_ =	shalt  }
0x7a: {  	_ =	shalt  }
0x7b: {  	_ =	shalt  }
0x7c: {  	_ =	shalt  }
0x7d: {  	_ =	shalt  }
0x7e: {  	_ =	shalt  }
0x7f: {  	_ =	shalt  }
0x80: {  	_ =	shalt  }
0x81: {  	_ =	shalt  }
0x82: {  	_ =	shalt  }
0x83: {  	_ =	shalt  }
0x84: {  	_ =	shalt  }
0x85: {  	_ =	shalt  }
0x86: {  	_ =	shalt  }
0x87: {  	_ =	shalt  }
.Lfunc_end0:
.L_simem_size_0:
called_computation.2_lowered:
.L_overlay_start_0:
0x88: {  	s2 =	sld [smem:$0x3FD9]  }
0x89: {  	s3 =	sld [smem:$0x3FFE];
	_ =	sdelay $0x1  }
0x8a: {  	s1 =	srdreg.scid  }
0x8b: {  	s0 =	sand.u32 $0x1, s1  }
0x8c: {  	s17 =	sshll.u32 s0, $0xA;
	s2 =	sadd.s32 s3, s2  }
0x8d: {  	s2 =	sadd.s32 s2, s17  }
0x8e: {  	[smem:$0x3FAE] =	sst s2  }
0x8f: {  	_ = 	snop  }
0x90: {  	(tm) =	ssettm $0x1  }
0x91: {  	s18 =	sld [smem:$0x3FFB];
	_ =	sdelay $0x3  }
0x92: {  	_ =	strace s18  }
0x93: {  	s2 =	sld [smem:$0x3FFC];
	_ =	sdelay $0x3  }
0x94: {  	_ =	strace s2  }
0x95: {  	s2 =	sld [smem:$0x3FFD];
	_ =	sdelay $0x3  }
0x96: {  	_ =	strace s2  }
0x97: {  	_ =	strace $0x8FFFFFFF  }
0x98: {  	s19 =	sld [smem:$0x3FDB];
	_ =	sdelay $0x1  }
0x99: {  	s20 =	simm.s32 $_scs_section_size  }
0x9a: {  	s4 =	simm.s32 $_size__tile_overlayer_lowered;
	s5 =	simm.s32 $_tile_overlayer_lowered  }
0x9b: {  	s6 =	simm.s32 $0x1BFF;
	s21 =	sshll.u32 s5, $0x1;
	s3 =	sadd.s32 s20, s19  }
0x9c: {  	s22 =	simm.s32 $0x0;
	s4 =	sshll.u32 s4, $0x1;
	s5 =	sadd.s32 s21, s3  }
0x9d: {  	[timem:s22], [sflag:s6] =	dma.local [hbm:s5], s4  }
0x9e: {  	_ =	swait.ge [sflag:s6], s4  }
0x9f: {  	s4 =	ssub.s32 $0x0, s4;
	[sflag:s6] =	ssyncset.done $0x0  }
0xa0: {  	[sflag:s6] =	ssyncadd.s32 s4;
	_ =	sdelay $0x1  }
0xa1: {  	s23 =	simm.s32 $0x1B8B  }
0xa2: {  	_ =	swait.ge [sflag:s23], $0x1  }
0xa3: {  	[sflag:s23] =	ssyncset.done $0x0  }
0xa4: {  	[sflag:s23] =	ssyncadd.s32 $0xFFFFFFFF  }
0xa5: {  	s4 =	sld [smem:$0x0]  }
0xa6: {  	s5 =	sand.u32 $0xFFFFFFFE, s1  }
0xa7: {  	p0 =	sne.s32 s1, s5  }
0xa8: {  	s5 =	sshll.u32 @p0 s5, $0xE  }
0xa9: {  	s5 =	sadd.s32 @p0 $0x11B8D, s5;
	s6 =	sshll.u32 @p0 s4, $0x11  }
0xaa: {  	s5 =	sor.u32 @p0 s6, s5  }
0xab: {  	[sflag:s5] =	ssyncadd.remote.s32 @p0 $0x1;
	_ =	sdelay $0x1  }
0xac: {  	s5 =	simm.s32 @p0 $0x1B8D  }
0xad: {  	_ =	swait.eq @p0 [sflag:s5], $0x1  }
0xae: {  	[sflag:s5] =	ssyncadd.s32 @p0 $0xFFFFFFFF  }
0xaf: {  	s6 =	sshll.u32 @!p0 s1, $0xE  }
0xb0: {  	s6 =	sor.u32 @!p0 $0x4000, s6;
	s5 =	simm.s32 @!p0 $0x1B8D  }
0xb1: {  	s4 =	sshll.u32 @!p0 s4, $0x11;
	s6 =	sadd.s32 @!p0 $0x11B8D, s6;
	_ =	swait.eq @!p0 [sflag:s5], $0x1  }
0xb2: {  	s4 =	sor.u32 @!p0 s4, s6;
	[sflag:s5] =	ssyncadd.s32 @!p0 $0xFFFFFFFF  }
0xb3: {  	s25 =	simm.s32 $0x1B8E;
	s24 =	sld [smem:$0x3FFE];
	[sflag:s4] =	ssyncadd.remote.s32 @!p0 $0x1  }
0xb4: {  	s26 =	simm.s32 $execute0_lowered;
	[smem:$0x3FD2] =	sst s25  }
0xb5: {  	s5 =	sshll.u32 s26, $0x1;
	_ =	strace $0x8000004C;
	[dreg:$0x1] =	wrdreg $0xFFFFFFFF  }
0xb6: {  	s28 =	simm.s32 $_size_execute0_lowered;
	s3 =	sadd.s32 s3, s5;
	[dreg:$0x0] =	wrdreg $0x0  }
0xb7: {  	s5 =	sshll.u32 s28, $0x1;
	[dreg:$0x2] =	wrdreg s3  }
0xb8: {  	[dreg:$0x3] =	wrdreg s5  }
0xb9: {  	[dreg:$0x4] =	wrdreg $0xC0  }
0xba: {  	_ =	task [dreg:s22], $0x5FFFF  }
0xbb: {  	[dreg:$0x1] =	wrdreg $0xFFFFFFFF  }
0xbc: {  	[dreg:$0x0] =	wrdreg $0x60  }
0xbd: {  	[dreg:$0x2] =	wrdreg s24  }
0xbe: {  	[dreg:$0x3] =	wrdreg $0x154000  }
0xbf: {  	[dreg:$0x4] =	wrdreg $0xA  }
0xc0: {  	_ =	task.clear_ibuf [dreg:s22], $0x5FFFF;
	_ =	strace $0x9000004C  }
0xc1: {  	s29 =	simm.s32 $0xA;
	_ =	strace $0x8000004E  }
0xc2: {  	_ =	swait.ge [sflag:s29], $0x1  }
0xc3: {  	[sflag:s29] =	ssyncadd.s32 $0xFFFFFFFF  }
0xc4: {  	_ =	strace $0x9000004E  }
0xc5: {  	_ =	sfence  }
0xc6: {  	s30 =	sld [smem:$0x0];
	_ =	sdelay $0x2  }
0xc7: {  	s31 =	sshll.u32 s1, $0xD;
	s1 =	sshrl.u32 s1, $0x2  }
0xc8: {  	s4 =	sand.u32 $0x4000, s31;
	s1 =	sadd.s32 s1, s30  }
0xc9: {  	s0 =	sor.u32 s4, s0;
	s1 =	sshll.u32 s1, $0x11  }
0xca: {  	s0 =	sor.u32 s1, s0  }
0xcb: {  	s0 =	sadd.s32 $0x8F2B, s0  }
0xcc: {  	[sflag:s0] =	ssyncadd.remote.s32 $0x1  }
0xcd: {  	_ =	sfence.sel $0xFFFF  }
0xce: {  	[dreg:$0x0] =	wrdreg $0xFFFFFFFF;
	(pc) =	sbr.abs _section_cstart, $3  }
0xcf: {  	[dreg:$0x1] =	wrdreg $0xFFFFFFFF  }
0xd0: {  	_ =	task.clear_ibuf [dreg:s22], $0x2FFFF;
	_ =	strace $0x9FFFFFFF  }
0xd1: {  	(tm) =	ssettm $0x7FFFFFFF  }
tec
execute0_lowered:
.L_overlay_start_1:
0x0: {  	(tag) =	ssettag $0x1  }
0x1: {  	s1 =	srdreg.scid;
	s5 =	rddreg [dreg:$0x0]  }
0x2: {  	s0 =	stileid.u32;
	s2 =	rddreg [dreg:$0x1];
	s3 =	simm.s32 $0x0  }
0x3: {  	s4 =	sand.u32 $0x1, s1;
	s28 =	sshll.u32 s0, $0x1;
	s8 =	smul.u32 $0x2800, s0  }
0x4: {  	s13 =	simm.s32 $0x1;
	s1 =	sor.u32 s4, s28;
	s9 =	smul.u32 $0x28000, s4  }
0x5: {  	s14 =	simm.s32 $0x0;
	[smem:$0x7FF] =	sst s3;
	s6 =	smul.u32 $0x2800, s1  }
0x6: {  	s31 =	sshll.u32 s0, $0x6;
	s4 =	ssub.s32 $0x2, s4;
	s7 =	smul.u32 $0x280, s1  }
0x7: {  	s1 =	rddreg [dreg:$0x2];
	_ =	strace $0x8000004D;
	s30 =	sshrl.u32 s8, $0x3  }
0x8: {  	s11 =	sshrl.u32 s4, $0x1;
	s12 =	sadd.s32 s8, s2;
	s9 =	sadd.s32 s8, s9  }
0x9: {  	s11 =	ssub.s32 s4, s11;
	s10 =	sadd.s32 s6, s5;
	s9 =	sshrl.u32 s9, $0x3  }
0xa: {  	s29 =	sadd.s32 s7, s5;
	s7 =	sadd.s32 s30, s5;
	s9 =	sadd.s32 s9, s5  }
0xb: {  	s4 =	sadd.s32 $0x67E00, s7;
	s5 =	sor.u32 $0x1C02, s31;
	s6 =	sadd.s32 $0x62E00, s29  }
0xc: {  	s7 =	sadd.s32 $0x12E00, s10;
	s10 =	sshrl.u32 s12, $0x3;
	s12 =	simm.s32 $0x80  }
0xd: {  	s8 =	sadd.s32 $0x116E00, s9;
	s9 =	smax.u32 s11, $0x1;
	s11 =	simm.s32 $0x2  }
.LBB2_1:
0xe: {  	[spmem:s10], [sflag:s5] =	dma.local [hbm:s4], $0x500  }
0xf: {  	_ =	swait.ge [sflag:s11], $0x500  }
0x10: {  	[sflag:s11] =	ssyncset.done $0x0  }
0x11: {  	[sflag:s11] =	ssyncadd.s32 $0xFFFFFB00  }
0x12: {  	[tilespmem:s3], [sflag:$0x2] =	stream.linear.gather [hbm4b:s6+s3], $0x1400, $0x38;
	[tilespmem:$0x17C00] =	vst v63  }
0x13: {  	_ =	swait.ge [sflag:s11], $0x1400  }
0x14: {  	[sflag:s11] =	ssyncset.done $0x0  }
0x15: {  	s15 =	simm.s32 $0x1400;
	[sflag:s11] =	ssyncadd.s32 $0xFFFFEC00  }
0x16: {  	[tilespmem:s15], [sflag:$0x2] =	stream.linear.gather [hbm4b:s7+s3], $0x14000, $0x38;
	[tilespmem:$0x17C00] =	vst v63  }
0x17: {  	_ =	swait.ge [sflag:s11], $0x14000  }
0x18: {  	[sflag:s11] =	ssyncset.done $0x0  }
0x19: {  	[sflag:s11] =	ssyncadd.s32 $0xFFFEC000  }
0x1a: {  	s16 =	simm.s32 $0x0;
	[bflag:$0x0] =	sbarrier.arrive $0xFFFF  }
.LBB2_2:
0x1b: {  	p0 =	sne.s32 s16, $0x4E00  }
.Ltmp0:
0x1c: {  	_ = 	snop;
	(pc) =	sbr.rel @p0 .LBB2_2-.Ltmp0, $4  }
0x1d: {  	_ = 	snop  }
0x1e: {  	s17 =	sshra.s32 s16, $0x2  }
0x1f: {  	[spmem:s2] =	stream.indirect.scatter.add.f32 [tilespmem:s15], [sflag:$0x1], $0x10, s17, s12, $0xb8;
	[tilespmem:$0x17C00] =	vst v63  }
0x20: {  	s16 =	sadd.s32 $0x200, s16;
	s15 =	sadd.s32 $0x800, s15  }
0x21: {  	_ =	swait.ge [sflag:s13], $0x800  }
0x22: {  	s15 =	simm.s32 $0x27;
	[sflag:s13] =	ssyncset.done $0x0  }
.LBB2_4:
0x23: {  	p0 =	sne.s32 s15, $0x1;
	s15 =	sadd.s32 $0xFFFFFFFF, s15;
	[sflag:s13] =	ssyncadd.s32 $0xFFFFF800  }
.Ltmp1:
0x24: {  	(pc) =	sbr.rel @p0 .LBB2_4-.Ltmp1, $3  }
0x25: {  	_ =	sdelay $0x1  }
0x26: {  	_ =	swait.ge [sflag:s13], $0x800  }
0x27: {  	[sflag:s13] =	ssyncset.done $0x0  }
0x28: {  	s14 =	sadd.s32 $0x1, s14  }
0x29: {  	[sflag:s13] =	ssyncadd.s32 $0xFFFFF800;
	p0 =	sne.s32 s14, s9  }
.Ltmp2:
0x2a: {  	[bflag:$0x0] =	sbarrier.arrive $0xFFFF;
	(pc) =	sbr.rel @p0 .LBB2_1-.Ltmp2, $4  }
0x2b: {  	[hbm:s8], [sflag:s5] =	dma.local [spmem:s10], $0x500  }
0x2c: {  	_ =	swait.ge [sflag:s11], $0x500  }
0x2d: {  	[sflag:s11] =	ssyncset.done $0x0  }
0x2e: {  	[sflag:s11] =	ssyncadd.s32 $0xFFFFFB00  }
0x2f: {  	_ =	sfence.sel $0x180000  }
0x30: {  	[bflag:$0x0] =	sbarrier.arrive $0xFFFF  }
0x31: {  	p0 =	sne.s32 s0, $0x0;
	_ =	strace $0x9000004D  }
0x32: {  	s0 =	sadd.s32 @!p0 $0x100000, s1;
	[bflag:$0x2] =	sbarrier.arrive $0xFFFF  }
0x33: {  	[sflag:s0] =	ssyncadd.tile.s32 @!p0 $0x1;
	_ =	shalt  }
.Lfunc_end2:
_tile_overlayer_lowered:
.L_overlay_start_2:
0x34: {  	(tag) =	ssettag $0x2  }
0x35: {  	s0 =	rddreg [dreg:$0x0];
	s2 =	stileid.u32  }
0x36: {  	s1 =	rddreg [dreg:$0x1];
	p0 =	sne.s32 s2, $0x0  }
0x37: {  	s3 =	rddreg [dreg:$0x2];
	[bflag:$0x3] =	sbarrier.arrive $0xFFFF;
	s2 =	simm.s32 @!p0 $0x1C02  }
0x38: {  	[timem:s3], [sflag:s2] =	dma.local @!p0 [hbm:s0], s1  }
0x39: {  	s0 =	simm.s32 @!p0 $0x2  }
0x3a: {  	_ =	swait.ge @!p0 [sflag:s0], s1  }
0x3b: {  	s1 =	ssub.s32 @!p0 $0x0, s1;
	[sflag:s0] =	ssyncset.done @!p0 $0x0  }
0x3c: {  	[sflag:s0] =	ssyncadd.s32 @!p0 s1  }
0x3d: {  	[bflag:$0x3] =	sbarrier.arrive $0xFFFF  }
0x3e: {  	_ =	shalt  }

// kernel: kernel.40.cloned.1.call-start
scs
__scs_entry_jumppad:
0x0: {  	(pc) =	sbr.rel $0x88, $3  }
0x1: {  	(tag) =	ssettag $0x0;
	lr =	simm.s32 $0x1  }
0x2: {  	[smem:$0x3F87] =	sst lr;
	_ =	strace $0xD0000000  }
0x3: {  	_ = 	snop  }
0x4: {  	_ = 	snop  }
0x5: {  	_ = 	snop  }
0x6: {  	_ = 	snop  }
0x7: {  	_ = 	snop  }
__scs_overlays_trampoline_lowered:
0x8: {  	[smem:$0x3F96] =	sst s0  }
0x9: {  	[smem:$0x3F97] =	sst s1  }
0xa: {  	[smem:$0x3F98] =	sst s2  }
0xb: {  	[smem:$0x3F99] =	sst s3  }
0xc: {  	[smem:$0x3F9A] =	sst s4  }
0xd: {  	[smem:$0x3F9B] =	sst s5  }
0xe: {  	[smem:$0x3F9C] =	sst s6  }
0xf: {  	[smem:$0x3F9D] =	sst s7  }
0x10: {  	[smem:$0x3F9E] =	sst s8  }
0x11: {  	[smem:$0x3F9F] =	sst s9;
	s0 =	simm.s32 @!p0 $0x0  }
0x12: {  	s1 =	sld [smem:$0x3F85];
	s0 =	simm.s32 @p0 $0x1  }
0x13: {  	[smem:$0x3FA0] =	sst s0;
	s0 =	simm.s32 @!p1 $0x0  }
0x14: {  	s2 =	sld [smem:$0x3F84];
	s0 =	simm.s32 @p1 $0x1  }
0x15: {  	[smem:$0x3FA1] =	sst s0;
	s0 =	simm.s32 @!p2 $0x0  }
0x16: {  	s3 =	sld [smem:$0x3FDB];
	s0 =	simm.s32 @p2 $0x1  }
0x17: {  	s4 =	simm.s32 $0x1BF5;
	[smem:$0x3FA3] =	sst s0  }
0x18: {  	s0 =	sld [smem:$0x3F86];
	_ =	swait.ge [sflag:s4], $0x0  }
0x19: {  	s7 =	sld [smem:$0x3F87]  }
0x1a: {  	s8 =	sadd.s32 $0xFFFFE003, lr  }
0x1b: {  	s9 =	sadd.s32 $0xFFFFFEF7, lr;
	s5 =	simm.s32 $0xFFFFFFFF;
	p2 =	slt.u32 s8, $0xFFFFF086  }
0x1c: {  	p1 =	slt.u32 s9, $0xF7A;
	s5 =	simm.s32 @!p2 $0x0  }
0x1d: {  	s5 =	simm.s32 @p1 $0x1;
	p0 =	seq.s32 s7, s2  }
0x1e: {  	s7 =	smul.u32 @!p0 $0xF7A, s2;
	p2 =	seq.s32 @!p0 s5, $0x0  }
0x1f: {  	s9 =	smul.u32 $0xF7A, s1;
	s8 =	simm.s32 @!p0 $0x1BF5;
	p2 =	por !p2, p0  }
0x20: {  	[sflag:s8] =	ssyncset.s32 @!p0 $0xFFFFF086;
	s6 =	sadd.s32 @!p0 s3, s7;
	s7 =	simm.s32 @!p0 $0x108  }
0x21: {  	s3 =	sadd.s32 s3, s9;
	s6 =	sadd.s32 @!p0 $0x88, s6;
	s7 =	simm.s32 @p2 $0x1082  }
0x22: {  	[simem:s7], [sflag:s8] =	dma.local @!p0 [hbm:s6], $0xF7A  }
0x23: {  	s9 =	sor.u32 $0xD0000000, s2;
	s6 =	simm.s32 $0x108;
	_ =	swait.ge @!p0 [sflag:s8], $0x0  }
0x24: {  	s3 =	sadd.s32 $0x88, s3;
	s6 =	simm.s32 @!p1 $0x1082;
	[sflag:s4] =	ssyncset.s32 $0xFFFFF086  }
0x25: {  	[simem:s6], [sflag:s4] =	dma.local [hbm:s3], $0xF7A  }
0x26: {  	[smem:$0x3F87] =	sst s1;
	(tag) =	ssettag s2;
	_ =	strace s9  }
0x27: {  	s1 =	sld [smem:$0x3F97]  }
0x28: {  	s2 =	sld [smem:$0x3F98]  }
0x29: {  	s4 =	sld [smem:$0x3F9A]  }
0x2a: {  	p0 =	seq.s32 s5, $0x0;
	s5 =	sld [smem:$0x3F9B]  }
0x2b: {  	s6 =	sld [smem:$0x3F9C]  }
0x2c: {  	s7 =	sld [smem:$0x3F9D]  }
0x2d: {  	s3 =	simm.s32 $0x108;
	s8 =	sld [smem:$0x3F9E]  }
0x2e: {  	s3 =	simm.s32 @!p0 $0x1082;
	s9 =	sld [smem:$0x3F9F]  }
0x2f: {  	lr =	sadd.s32 s0, s3;
	s0 =	sld [smem:$0x3F96]  }
0x30: {  	s3 =	sld [smem:$0x3F99]  }
0x31: {  	[smem:$0x3FA2] =	sst s10  }
0x32: {  	s10 =	sld [smem:$0x3FA0];
	_ =	sdelay $0x3  }
0x33: {  	p0 =	seq.s32 s10, $0x1;
	s10 =	sld [smem:$0x3FA2];
	_ =	sdelay $0x3  }
0x34: {  	[smem:$0x3FA2] =	sst s10  }
0x35: {  	s10 =	sld [smem:$0x3FA1];
	_ =	sdelay $0x3  }
0x36: {  	p1 =	seq.s32 s10, $0x1;
	s10 =	sld [smem:$0x3FA2];
	_ =	sdelay $0x3  }
0x37: {  	[smem:$0x3FA2] =	sst s10  }
0x38: {  	s10 =	sld [smem:$0x3FA3]  }
0x39: {  	_ = 	snop;
	(pc) =	sbr.ind lr, $3  }
0x3a: {  	_ = 	snop  }
0x3b: {  	_ = 	snop  }
0x3c: {  	p2 =	seq.s32 s10, $0x1;
	s10 =	sld [smem:$0x3FA2]  }
0x3d: {  	_ =	shalt  }
0x3e: {  	_ =	shalt  }
0x3f: {  	_ =	shalt  }
0x40: {  	_ =	shalt  }
0x41: {  	_ =	shalt  }
0x42: {  	_ =	shalt  }
0x43: {  	_ =	shalt  }
0x44: {  	_ =	shalt  }
0x45: {  	_ =	shalt  }
0x46: {  	_ =	shalt  }
0x47: {  	_ =	shalt  }
0x48: {  	_ =	shalt  }
0x49: {  	_ =	shalt  }
0x4a: {  	_ =	shalt  }
0x4b: {  	_ =	shalt  }
0x4c: {  	_ =	shalt  }
0x4d: {  	_ =	shalt  }
0x4e: {  	_ =	shalt  }
0x4f: {  	_ =	shalt  }
0x50: {  	_ =	shalt  }
0x51: {  	_ =	shalt  }
0x52: {  	_ =	shalt  }
0x53: {  	_ =	shalt  }
0x54: {  	_ =	shalt  }
0x55: {  	_ =	shalt  }
0x56: {  	_ =	shalt  }
0x57: {  	_ =	shalt  }
0x58: {  	_ =	shalt  }
0x59: {  	_ =	shalt  }
0x5a: {  	_ =	shalt  }
0x5b: {  	_ =	shalt  }
0x5c: {  	_ =	shalt  }
0x5d: {  	_ =	shalt  }
0x5e: {  	_ =	shalt  }
0x5f: {  	_ =	shalt  }
0x60: {  	_ =	shalt  }
0x61: {  	_ =	shalt  }
0x62: {  	_ =	shalt  }
0x63: {  	_ =	shalt  }
0x64: {  	_ =	shalt  }
0x65: {  	_ =	shalt  }
0x66: {  	_ =	shalt  }
0x67: {  	_ =	shalt  }
0x68: {  	_ =	shalt  }
0x69: {  	_ =	shalt  }
0x6a: {  	_ =	shalt  }
0x6b: {  	_ =	shalt  }
0x6c: {  	_ =	shalt  }
0x6d: {  	_ =	shalt  }
0x6e: {  	_ =	shalt  }
0x6f: {  	_ =	shalt  }
0x70: {  	_ =	shalt  }
0x71: {  	_ =	shalt  }
0x72: {  	_ =	shalt  }
0x73: {  	_ =	shalt  }
0x74: {  	_ =	shalt  }
0x75: {  	_ =	shalt  }
0x76: {  	_ =	shalt  }
0x77: {  	_ =	shalt  }
0x78: {  	_ =	shalt  }
0x79: {  	_ =	shalt  }
0x7a: {  	_ =	shalt  }
0x7b: {  	_ =	shalt  }
0x7c: {  	_ =	shalt  }
0x7d: {  	_ =	shalt  }
0x7e: {  	_ =	shalt  }
0x7f: {  	_ =	shalt  }
0x80: {  	_ =	shalt  }
0x81: {  	_ =	shalt  }
0x82: {  	_ =	shalt  }
0x83: {  	_ =	shalt  }
0x84: {  	_ =	shalt  }
0x85: {  	_ =	shalt  }
0x86: {  	_ =	shalt  }
0x87: {  	_ =	shalt  }
.Lfunc_end0:
.L_simem_size_0:
called_computation.3_lowered:
.L_overlay_start_0:
0x88: {  	s2 =	sld [smem:$0x3FD9]  }
0x89: {  	s3 =	sld [smem:$0x3FFE];
	_ =	sdelay $0x1  }
0x8a: {  	s1 =	srdreg.scid  }
0x8b: {  	s0 =	sand.u32 $0x1, s1  }
0x8c: {  	s16 =	sshll.u32 s0, $0xA;
	s2 =	sadd.s32 s3, s2  }
0x8d: {  	s2 =	sadd.s32 s2, s16  }
0x8e: {  	[smem:$0x3FAE] =	sst s2  }
0x8f: {  	_ = 	snop  }
0x90: {  	(tm) =	ssettm $0x1  }
0x91: {  	s17 =	sld [smem:$0x3FFB];
	_ =	sdelay $0x3  }
0x92: {  	_ =	strace s17  }
0x93: {  	s2 =	sld [smem:$0x3FFC];
	_ =	sdelay $0x3  }
0x94: {  	_ =	strace s2  }
0x95: {  	s2 =	sld [smem:$0x3FFD];
	_ =	sdelay $0x3  }
0x96: {  	_ =	strace s2  }
0x97: {  	_ =	strace $0x8FFFFFFF  }
0x98: {  	s18 =	sld [smem:$0x3FDB];
	_ =	sdelay $0x1  }
0x99: {  	s19 =	simm.s32 $_scs_section_size  }
0x9a: {  	s4 =	simm.s32 $_size__tile_overlayer_lowered;
	s5 =	simm.s32 $_tile_overlayer_lowered  }
0x9b: {  	s22 =	simm.s32 $0x1BFF;
	s21 =	sshll.u32 s5, $0x1;
	s2 =	sadd.s32 s19, s18  }
0x9c: {  	s6 =	simm.s32 $0x0;
	s20 =	sshll.u32 s4, $0x1;
	s4 =	sadd.s32 s21, s2  }
0x9d: {  	[timem:s6], [sflag:s22] =	dma.local [hbm:s4], s20  }
0x9e: {  	_ =	swait.ge [sflag:s22], s20  }
0x9f: {  	s3 =	ssub.s32 $0x0, s20;
	[sflag:s22] =	ssyncset.done $0x0  }
0xa0: {  	[sflag:s22] =	ssyncadd.s32 s3;
	_ =	sdelay $0x1  }
0xa1: {  	s23 =	simm.s32 $0x1B8B  }
0xa2: {  	_ =	swait.ge [sflag:s23], $0x1  }
0xa3: {  	[sflag:s23] =	ssyncset.done $0x0  }
0xa4: {  	s25 =	simm.s32 $0x1B8E;
	s24 =	sld [smem:$0x3FFE];
	[sflag:s23] =	ssyncadd.s32 $0xFFFFFFFF  }
0xa5: {  	s26 =	simm.s32 $execute0_lowered;
	[smem:$0x3FD2] =	sst s25  }
0xa6: {  	s4 =	sshll.u32 s26, $0x1;
	_ =	strace $0x8000004F;
	[dreg:$0x1] =	wrdreg $0xFFFFFFFF  }
0xa7: {  	s28 =	simm.s32 $_size_execute0_lowered;
	s2 =	sadd.s32 s2, s4;
	[dreg:$0x0] =	wrdreg $0x0  }
0xa8: {  	s4 =	sshll.u32 s28, $0x1;
	[dreg:$0x2] =	wrdreg s2  }
0xa9: {  	[dreg:$0x3] =	wrdreg s4  }
0xaa: {  	[dreg:$0x4] =	wrdreg $0xC0  }
0xab: {  	_ =	task [dreg:s6], $0x5FFFF  }
0xac: {  	[dreg:$0x1] =	wrdreg $0xFFFFFFFF  }
0xad: {  	[dreg:$0x0] =	wrdreg $0x60  }
0xae: {  	[dreg:$0x2] =	wrdreg s24  }
0xaf: {  	[dreg:$0x3] =	wrdreg $0x154000  }
0xb0: {  	[dreg:$0x4] =	wrdreg $0x9  }
0xb1: {  	_ =	task.clear_ibuf [dreg:s6], $0x5FFFF;
	_ =	strace $0x9000004F  }
0xb2: {  	s29 =	simm.s32 $0x9;
	_ =	strace $0x80000051  }
0xb3: {  	_ =	swait.ge [sflag:s29], $0x1  }
0xb4: {  	[sflag:s29] =	ssyncadd.s32 $0xFFFFFFFF  }
0xb5: {  	_ =	strace $0x90000051  }
0xb6: {  	_ =	sfence  }
0xb7: {  	s30 =	sld [smem:$0x0];
	_ =	sdelay $0x2  }
0xb8: {  	s31 =	sshll.u32 s1, $0xD;
	s1 =	sshrl.u32 s1, $0x2  }
0xb9: {  	s3 =	sand.u32 $0x4000, s31;
	s1 =	sadd.s32 s1, s30  }
0xba: {  	s0 =	sor.u32 s3, s0;
	s1 =	sshll.u32 s1, $0x11  }
0xbb: {  	s0 =	sor.u32 s1, s0  }
0xbc: {  	s0 =	sadd.s32 $0x8F2B, s0  }
0xbd: {  	[sflag:s0] =	ssyncadd.remote.s32 $0x1  }
0xbe: {  	_ =	sfence.sel $0xFFFF  }
0xbf: {  	[dreg:$0x0] =	wrdreg $0xFFFFFFFF;
	(pc) =	sbr.abs _section_cstart, $3  }
0xc0: {  	[dreg:$0x1] =	wrdreg $0xFFFFFFFF  }
0xc1: {  	_ =	task.clear_ibuf [dreg:s6], $0x2FFFF;
	_ =	strace $0x9FFFFFFF  }
0xc2: {  	(tm) =	ssettm $0x7FFFFFFF  }
0xc3: {  	_ =	shalt  }
tec
execute0_lowered:
.L_overlay_start_1:
0x0: {  	(tag) =	ssettag $0x1  }
0x1: {  	s4 =	rddreg [dreg:$0x0]  }
0x2: {  	s2 =	rddreg [dreg:$0x1]  }
0x3: {  	s0 =	rddreg [dreg:$0x2];
	s1 =	stileid.u32  }
0x4: {  	s5 =	srdreg.scid;
	s3 =	simm.s32 $0x0;
	s13 =	simm.s32 $0x1400  }
0x5: {  	s14 =	simm.s32 $0x0;
	s5 =	sand.u32 $0x1, s5;
	s6 =	sshll.u32 s1, $0x1  }
0x6: {  	[smem:$0x7FF] =	sst s3;
	s7 =	smul.u32 $0x2800, s1;
	s6 =	sor.u32 s5, s6  }
0x7: {  	s31 =	sshll.u32 s1, $0x6;
	_ =	strace $0x80000050;
	s8 =	smul.u32 $0x280, s6  }
0x8: {  	s5 =	ssub.s32 $0x2, s5;
	s9 =	sshrl.u32 s7, $0x3;
	s6 =	smul.u32 $0x2800, s6  }
0x9: {  	s10 =	sshrl.u32 s5, $0x1;
	s12 =	sadd.s32 s7, s2;
	s9 =	sadd.s32 s9, s4  }
0xa: {  	s10 =	ssub.s32 s5, s10;
	s5 =	sor.u32 $0x1C02, s31;
	s8 =	sadd.s32 s8, s4  }
0xb: {  	s11 =	sadd.s32 s6, s4;
	s4 =	sadd.s32 $0x8E00, s9;
	s9 =	sshrl.u32 s12, $0x3  }
0xc: {  	s12 =	simm.s32 $0x1;
	s6 =	sadd.s32 $0xDE00, s8;
	s7 =	sadd.s32 $0x12E00, s11  }
0xd: {  	s8 =	smax.u32 s10, $0x1;
	s10 =	simm.s32 $0x2;
	s11 =	simm.s32 $0x80  }
.LBB2_1:
0xe: {  	[spmem:s9], [sflag:s5] =	dma.local [hbm:s4], $0x500  }
0xf: {  	_ =	swait.ge [sflag:s10], $0x500  }
0x10: {  	[sflag:s10] =	ssyncset.done $0x0  }
0x11: {  	[sflag:s10] =	ssyncadd.s32 $0xFFFFFB00  }
0x12: {  	[tilespmem:s3], [sflag:$0x2] =	stream.linear.gather [hbm4b:s6+s3], $0x1400, $0x38;
	[tilespmem:$0x17C00] =	vst v63  }
0x13: {  	_ =	swait.ge [sflag:s10], $0x1400  }
0x14: {  	[sflag:s10] =	ssyncset.done $0x0  }
0x15: {  	[sflag:s10] =	ssyncadd.s32 $0xFFFFEC00  }
0x16: {  	s15 =	simm.s32 $0x1400;
	s16 =	simm.s32 $0x0;
	[bflag:$0x0] =	sbarrier.arrive $0xFFFF  }
.LBB2_2:
0x17: {  	p0 =	sne.s32 s16, $0x4E00  }
.Ltmp0:
0x18: {  	_ = 	snop;
	(pc) =	sbr.rel @p0 .LBB2_2-.Ltmp0, $4  }
0x19: {  	_ = 	snop  }
0x1a: {  	s17 =	sshra.s32 s16, $0x2  }
0x1b: {  	[tilespmem:s15], [sflag:$0x1] =	stream.indirect.gather [spmem:s2], $0x10, s17, s11, $0xb8;
	[tilespmem:$0x17C00] =	vst v63  }
0x1c: {  	s16 =	sadd.s32 $0x200, s16;
	s15 =	sadd.s32 $0x800, s15  }
0x1d: {  	_ =	swait.ge [sflag:s12], $0x800  }
0x1e: {  	s15 =	simm.s32 $0x27;
	[sflag:s12] =	ssyncset.done $0x0  }
.LBB2_4:
0x1f: {  	p0 =	sne.s32 s15, $0x1;
	s15 =	sadd.s32 $0xFFFFFFFF, s15;
	[sflag:s12] =	ssyncadd.s32 $0xFFFFF800  }
.Ltmp1:
0x20: {  	(pc) =	sbr.rel @p0 .LBB2_4-.Ltmp1, $3  }
0x21: {  	_ =	sdelay $0x1  }
0x22: {  	_ =	swait.ge [sflag:s12], $0x800  }
0x23: {  	[sflag:s12] =	ssyncset.done $0x0  }
0x24: {  	s14 =	sadd.s32 $0x1, s14  }
0x25: {  	p0 =	sne.s32 s14, s8  }
.Ltmp2:
0x26: {  	[sflag:s12] =	ssyncadd.s32 $0xFFFFF800;
	(pc) =	sbr.rel @p0 .LBB2_1-.Ltmp2, $4  }
0x27: {  	[hbm4b:s7+s3] =	stream.linear.scatter [tilespmem:s13], [sflag:$0x2], $0x14000, $0x38;
	[tilespmem:$0x17C00] =	vst v63  }
0x28: {  	_ =	swait.ge [sflag:s10], $0x14000  }
0x29: {  	[sflag:s10] =	ssyncset.done $0x0  }
0x2a: {  	[sflag:s10] =	ssyncadd.s32 $0xFFFEC000  }
0x2b: {  	_ =	sfence.sel $0x180000  }
0x2c: {  	[bflag:$0x0] =	sbarrier.arrive $0xFFFF  }
0x2d: {  	p0 =	sne.s32 s1, $0x0;
	_ =	strace $0x90000050  }
0x2e: {  	s0 =	sadd.s32 @!p0 $0x100000, s0;
	[bflag:$0x2] =	sbarrier.arrive $0xFFFF  }
0x2f: {  	[sflag:s0] =	ssyncadd.tile.s32 @!p0 $0x1;
	_ =	shalt  }
.Lfunc_end2:
_tile_overlayer_lowered:
.L_overlay_start_2:
0x30: {  	(tag) =	ssettag $0x2  }
0x31: {  	s0 =	rddreg [dreg:$0x0];
	s2 =	stileid.u32  }
0x32: {  	s1 =	rddreg [dreg:$0x1];
	p0 =	sne.s32 s2, $0x0  }
0x33: {  	s3 =	rddreg [dreg:$0x2];
	[bflag:$0x3] =	sbarrier.arrive $0xFFFF;
	s2 =	simm.s32 @!p0 $0x1C02  }
0x34: {  	[timem:s3], [sflag:s2] =	dma.local @!p0 [hbm:s0], s1  }
0x35: {  	s0 =	simm.s32 @!p0 $0x2  }
0x36: {  	_ =	swait.ge @!p0 [sflag:s0], s1  }
0x37: {  	s1 =	ssub.s32 @!p0 $0x0, s1;
	[sflag:s0] =	ssyncset.done @!p0 $0x0  }
0x38: {  	[sflag:s0] =	ssyncadd.s32 @!p0 s1  }
0x39: {  	[bflag:$0x3] =	sbarrier.arrive $0xFFFF  }
0x3a: {  	_ =	shalt  }

// kernel: kernel.43.cloned.1.call-start
scs
__scs_entry_jumppad:
0x0: {  	(pc) =	sbr.rel $0x88, $3  }
0x1: {  	(tag) =	ssettag $0x0;
	lr =	simm.s32 $0x1  }
0x2: {  	[smem:$0x3F87] =	sst lr;
	_ =	strace $0xD0000000  }
0x3: {  	_ = 	snop  }
0x4: {  	_ = 	snop  }
0x5: {  	_ = 	snop  }
0x6: {  	_ = 	snop  }
0x7: {  	_ = 	snop  }
__scs_overlays_trampoline_lowered:
0x8: {  	[smem:$0x3F96] =	sst s0  }
0x9: {  	[smem:$0x3F97] =	sst s1  }
0xa: {  	[smem:$0x3F98] =	sst s2  }
0xb: {  	[smem:$0x3F99] =	sst s3  }
0xc: {  	[smem:$0x3F9A] =	sst s4  }
0xd: {  	[smem:$0x3F9B] =	sst s5  }
0xe: {  	[smem:$0x3F9C] =	sst s6  }
0xf: {  	[smem:$0x3F9D] =	sst s7  }
0x10: {  	[smem:$0x3F9E] =	sst s8  }
0x11: {  	[smem:$0x3F9F] =	sst s9;
	s0 =	simm.s32 @!p0 $0x0  }
0x12: {  	s1 =	sld [smem:$0x3F85];
	s0 =	simm.s32 @p0 $0x1  }
0x13: {  	[smem:$0x3FA0] =	sst s0;
	s0 =	simm.s32 @!p1 $0x0  }
0x14: {  	s2 =	sld [smem:$0x3F84];
	s0 =	simm.s32 @p1 $0x1  }
0x15: {  	[smem:$0x3FA1] =	sst s0;
	s0 =	simm.s32 @!p2 $0x0  }
0x16: {  	s3 =	sld [smem:$0x3FDB];
	s0 =	simm.s32 @p2 $0x1  }
0x17: {  	s4 =	simm.s32 $0x1BF5;
	[smem:$0x3FA3] =	sst s0  }
0x18: {  	s0 =	sld [smem:$0x3F86];
	_ =	swait.ge [sflag:s4], $0x0  }
0x19: {  	s7 =	sld [smem:$0x3F87]  }
0x1a: {  	s8 =	sadd.s32 $0xFFFFE003, lr  }
0x1b: {  	s9 =	sadd.s32 $0xFFFFFEF7, lr;
	s5 =	simm.s32 $0xFFFFFFFF;
	p2 =	slt.u32 s8, $0xFFFFF086  }
0x1c: {  	p1 =	slt.u32 s9, $0xF7A;
	s5 =	simm.s32 @!p2 $0x0  }
0x1d: {  	s5 =	simm.s32 @p1 $0x1;
	p0 =	seq.s32 s7, s2  }
0x1e: {  	s7 =	smul.u32 @!p0 $0xF7A, s2;
	p2 =	seq.s32 @!p0 s5, $0x0  }
0x1f: {  	s9 =	smul.u32 $0xF7A, s1;
	s8 =	simm.s32 @!p0 $0x1BF5;
	p2 =	por !p2, p0  }
0x20: {  	[sflag:s8] =	ssyncset.s32 @!p0 $0xFFFFF086;
	s6 =	sadd.s32 @!p0 s3, s7;
	s7 =	simm.s32 @!p0 $0x108  }
0x21: {  	s3 =	sadd.s32 s3, s9;
	s6 =	sadd.s32 @!p0 $0x88, s6;
	s7 =	simm.s32 @p2 $0x1082  }
0x22: {  	[simem:s7], [sflag:s8] =	dma.local @!p0 [hbm:s6], $0xF7A  }
0x23: {  	s9 =	sor.u32 $0xD0000000, s2;
	s6 =	simm.s32 $0x108;
	_ =	swait.ge @!p0 [sflag:s8], $0x0  }
0x24: {  	s3 =	sadd.s32 $0x88, s3;
	s6 =	simm.s32 @!p1 $0x1082;
	[sflag:s4] =	ssyncset.s32 $0xFFFFF086  }
0x25: {  	[simem:s6], [sflag:s4] =	dma.local [hbm:s3], $0xF7A  }
0x26: {  	[smem:$0x3F87] =	sst s1;
	(tag) =	ssettag s2;
	_ =	strace s9  }
0x27: {  	s1 =	sld [smem:$0x3F97]  }
0x28: {  	s2 =	sld [smem:$0x3F98]  }
0x29: {  	s4 =	sld [smem:$0x3F9A]  }
0x2a: {  	p0 =	seq.s32 s5, $0x0;
	s5 =	sld [smem:$0x3F9B]  }
0x2b: {  	s6 =	sld [smem:$0x3F9C]  }
0x2c: {  	s7 =	sld [smem:$0x3F9D]  }
0x2d: {  	s3 =	simm.s32 $0x108;
	s8 =	sld [smem:$0x3F9E]  }
0x2e: {  	s3 =	simm.s32 @!p0 $0x1082;
	s9 =	sld [smem:$0x3F9F]  }
0x2f: {  	lr =	sadd.s32 s0, s3;
	s0 =	sld [smem:$0x3F96]  }
0x30: {  	s3 =	sld [smem:$0x3F99]  }
0x31: {  	[smem:$0x3FA2] =	sst s10  }
0x32: {  	s10 =	sld [smem:$0x3FA0];
	_ =	sdelay $0x3  }
0x33: {  	p0 =	seq.s32 s10, $0x1;
	s10 =	sld [smem:$0x3FA2];
	_ =	sdelay $0x3  }
0x34: {  	[smem:$0x3FA2] =	sst s10  }
0x35: {  	s10 =	sld [smem:$0x3FA1];
	_ =	sdelay $0x3  }
0x36: {  	p1 =	seq.s32 s10, $0x1;
	s10 =	sld [smem:$0x3FA2];
	_ =	sdelay $0x3  }
0x37: {  	[smem:$0x3FA2] =	sst s10  }
0x38: {  	s10 =	sld [smem:$0x3FA3]  }
0x39: {  	_ = 	snop;
	(pc) =	sbr.ind lr, $3  }
0x3a: {  	_ = 	snop  }
0x3b: {  	_ = 	snop  }
0x3c: {  	p2 =	seq.s32 s10, $0x1;
	s10 =	sld [smem:$0x3FA2]  }
0x3d: {  	_ =	shalt  }
0x3e: {  	_ =	shalt  }
0x3f: {  	_ =	shalt  }
0x40: {  	_ =	shalt  }
0x41: {  	_ =	shalt  }
0x42: {  	_ =	shalt  }
0x43: {  	_ =	shalt  }
0x44: {  	_ =	shalt  }
0x45: {  	_ =	shalt  }
0x46: {  	_ =	shalt  }
0x47: {  	_ =	shalt  }
0x48: {  	_ =	shalt  }
0x49: {  	_ =	shalt  }
0x4a: {  	_ =	shalt  }
0x4b: {  	_ =	shalt  }
0x4c: {  	_ =	shalt  }
0x4d: {  	_ =	shalt  }
0x4e: {  	_ =	shalt  }
0x4f: {  	_ =	shalt  }
0x50: {  	_ =	shalt  }
0x51: {  	_ =	shalt  }
0x52: {  	_ =	shalt  }
0x53: {  	_ =	shalt  }
0x54: {  	_ =	shalt  }
0x55: {  	_ =	shalt  }
0x56: {  	_ =	shalt  }
0x57: {  	_ =	shalt  }
0x58: {  	_ =	shalt  }
0x59: {  	_ =	shalt  }
0x5a: {  	_ =	shalt  }
0x5b: {  	_ =	shalt  }
0x5c: {  	_ =	shalt  }
0x5d: {  	_ =	shalt  }
0x5e: {  	_ =	shalt  }
0x5f: {  	_ =	shalt  }
0x60: {  	_ =	shalt  }
0x61: {  	_ =	shalt  }
0x62: {  	_ =	shalt  }
0x63: {  	_ =	shalt  }
0x64: {  	_ =	shalt  }
0x65: {  	_ =	shalt  }
0x66: {  	_ =	shalt  }
0x67: {  	_ =	shalt  }
0x68: {  	_ =	shalt  }
0x69: {  	_ =	shalt  }
0x6a: {  	_ =	shalt  }
0x6b: {  	_ =	shalt  }
0x6c: {  	_ =	shalt  }
0x6d: {  	_ =	shalt  }
0x6e: {  	_ =	shalt  }
0x6f: {  	_ =	shalt  }
0x70: {  	_ =	shalt  }
0x71: {  	_ =	shalt  }
0x72: {  	_ =	shalt  }
0x73: {  	_ =	shalt  }
0x74: {  	_ =	shalt  }
0x75: {  	_ =	shalt  }
0x76: {  	_ =	shalt  }
0x77: {  	_ =	shalt  }
0x78: {  	_ =	shalt  }
0x79: {  	_ =	shalt  }
0x7a: {  	_ =	shalt  }
0x7b: {  	_ =	shalt  }
0x7c: {  	_ =	shalt  }
0x7d: {  	_ =	shalt  }
0x7e: {  	_ =	shalt  }
0x7f: {  	_ =	shalt  }
0x80: {  	_ =	shalt  }
0x81: {  	_ =	shalt  }
0x82: {  	_ =	shalt  }
0x83: {  	_ =	shalt  }
0x84: {  	_ =	shalt  }
0x85: {  	_ =	shalt  }
0x86: {  	_ =	shalt  }
0x87: {  	_ =	shalt  }
.Lfunc_end0:
.L_simem_size_0:
called_computation.4_lowered:
.L_overlay_start_0:
0x88: {  	s2 =	sld [smem:$0x3FD9]  }
0x89: {  	s3 =	sld [smem:$0x3FFE];
	_ =	sdelay $0x1  }
0x8a: {  	s1 =	srdreg.scid  }
0x8b: {  	s0 =	sand.u32 $0x1, s1  }
0x8c: {  	s16 =	sshll.u32 s0, $0xA;
	s2 =	sadd.s32 s3, s2  }
0x8d: {  	s2 =	sadd.s32 s2, s16  }
0x8e: {  	[smem:$0x3FAE] =	sst s2  }
0x8f: {  	_ = 	snop  }
0x90: {  	(tm) =	ssettm $0x1  }
0x91: {  	s17 =	sld [smem:$0x3FFB];
	_ =	sdelay $0x3  }
0x92: {  	_ =	strace s17  }
0x93: {  	s2 =	sld [smem:$0x3FFC];
	_ =	sdelay $0x3  }
0x94: {  	_ =	strace s2  }
0x95: {  	s2 =	sld [smem:$0x3FFD];
	_ =	sdelay $0x3  }
0x96: {  	_ =	strace s2  }
0x97: {  	_ =	strace $0x8FFFFFFF  }
0x98: {  	s18 =	sld [smem:$0x3FDB];
	_ =	sdelay $0x1  }
0x99: {  	s19 =	simm.s32 $_scs_section_size  }
0x9a: {  	s4 =	simm.s32 $_size__tile_overlayer_lowered;
	s5 =	simm.s32 $_tile_overlayer_lowered  }
0x9b: {  	s22 =	simm.s32 $0x1BFF;
	s21 =	sshll.u32 s5, $0x1;
	s2 =	sadd.s32 s19, s18  }
0x9c: {  	s6 =	simm.s32 $0x0;
	s20 =	sshll.u32 s4, $0x1;
	s4 =	sadd.s32 s21, s2  }
0x9d: {  	[timem:s6], [sflag:s22] =	dma.local [hbm:s4], s20  }
0x9e: {  	_ =	swait.ge [sflag:s22], s20  }
0x9f: {  	s3 =	ssub.s32 $0x0, s20;
	[sflag:s22] =	ssyncset.done $0x0  }
0xa0: {  	[sflag:s22] =	ssyncadd.s32 s3;
	_ =	sdelay $0x1  }
0xa1: {  	s23 =	simm.s32 $0x1B8B  }
0xa2: {  	_ =	swait.ge [sflag:s23], $0x1  }
0xa3: {  	[sflag:s23] =	ssyncset.done $0x0  }
0xa4: {  	s25 =	simm.s32 $0x1B8E;
	s24 =	sld [smem:$0x3FFE];
	[sflag:s23] =	ssyncadd.s32 $0xFFFFFFFF  }
0xa5: {  	s26 =	simm.s32 $execute0_lowered;
	[smem:$0x3FD2] =	sst s25  }
0xa6: {  	s4 =	sshll.u32 s26, $0x1;
	_ =	strace $0x80000052;
	[dreg:$0x1] =	wrdreg $0xFFFFFFFF  }
0xa7: {  	s28 =	simm.s32 $_size_execute0_lowered;
	s2 =	sadd.s32 s2, s4;
	[dreg:$0x0] =	wrdreg $0x0  }
0xa8: {  	s4 =	sshll.u32 s28, $0x1;
	[dreg:$0x2] =	wrdreg s2  }
0xa9: {  	[dreg:$0x3] =	wrdreg s4  }
0xaa: {  	[dreg:$0x4] =	wrdreg $0xC0  }
0xab: {  	_ =	task [dreg:s6], $0x5FFFF  }
0xac: {  	[dreg:$0x1] =	wrdreg $0xFFFFFFFF  }
0xad: {  	[dreg:$0x0] =	wrdreg $0x60  }
0xae: {  	[dreg:$0x2] =	wrdreg s24  }
0xaf: {  	[dreg:$0x3] =	wrdreg $0x154000  }
0xb0: {  	[dreg:$0x4] =	wrdreg $0x9  }
0xb1: {  	_ =	task.clear_ibuf [dreg:s6], $0x5FFFF;
	_ =	strace $0x90000052  }
0xb2: {  	s29 =	simm.s32 $0x9;
	_ =	strace $0x80000054  }
0xb3: {  	_ =	swait.ge [sflag:s29], $0x1  }
0xb4: {  	[sflag:s29] =	ssyncadd.s32 $0xFFFFFFFF  }
0xb5: {  	_ =	strace $0x90000054  }
0xb6: {  	_ =	sfence  }
0xb7: {  	s30 =	sld [smem:$0x0];
	_ =	sdelay $0x2  }
0xb8: {  	s31 =	sshll.u32 s1, $0xD;
	s1 =	sshrl.u32 s1, $0x2  }
0xb9: {  	s3 =	sand.u32 $0x4000, s31;
	s1 =	sadd.s32 s1, s30  }
0xba: {  	s0 =	sor.u32 s3, s0;
	s1 =	sshll.u32 s1, $0x11  }
0xbb: {  	s0 =	sor.u32 s1, s0  }
0xbc: {  	s0 =	sadd.s32 $0x8F2B, s0  }
0xbd: {  	[sflag:s0] =	ssyncadd.remote.s32 $0x1  }
0xbe: {  	_ =	sfence.sel $0xFFFF  }
0xbf: {  	[dreg:$0x0] =	wrdreg $0xFFFFFFFF;
	(pc) =	sbr.abs _section_cstart, $3  }
0xc0: {  	[dreg:$0x1] =	wrdreg $0xFFFFFFFF  }
0xc1: {  	_ =	task.clear_ibuf [dreg:s6], $0x2FFFF;
	_ =	strace $0x9FFFFFFF  }
0xc2: {  	(tm) =	ssettm $0x7FFFFFFF  }
0xc3: {  	_ =	shalt  }
tec
execute0_lowered:
.L_overlay_start_1:
0x0: {  	(tag) =	ssettag $0x1  }
0x1: {  	s1 =	srdreg.scid;
	s5 =	rddreg [dreg:$0x0]  }
0x2: {  	s0 =	stileid.u32;
	s2 =	rddreg [dreg:$0x1];
	s3 =	simm.s32 $0x0  }
0x3: {  	s4 =	sand.u32 $0x1, s1;
	s28 =	sshll.u32 s0, $0x1;
	s8 =	smul.u32 $0x2800, s0  }
0x4: {  	s13 =	simm.s32 $0x1;
	s1 =	sor.u32 s4, s28;
	s9 =	smul.u32 $0x28000, s4  }
0x5: {  	s14 =	simm.s32 $0x0;
	[smem:$0x7FF] =	sst s3;
	s6 =	smul.u32 $0x2800, s1  }
0x6: {  	s31 =	sshll.u32 s0, $0x6;
	s4 =	ssub.s32 $0x2, s4;
	s7 =	smul.u32 $0x280, s1  }
0x7: {  	s1 =	rddreg [dreg:$0x2];
	_ =	strace $0x80000053;
	s30 =	sshrl.u32 s8, $0x3  }
0x8: {  	s11 =	sshrl.u32 s4, $0x1;
	s12 =	sadd.s32 s8, s2;
	s9 =	sadd.s32 s8, s9  }
0x9: {  	s11 =	ssub.s32 s4, s11;
	s10 =	sadd.s32 s6, s5;
	s9 =	sshrl.u32 s9, $0x3  }
0xa: {  	s29 =	sadd.s32 s7, s5;
	s7 =	sadd.s32 s30, s5;
	s9 =	sadd.s32 s9, s5  }
0xb: {  	s4 =	sadd.s32 $0x67E00, s7;
	s5 =	sor.u32 $0x1C02, s31;
	s6 =	sadd.s32 $0x62E00, s29  }
0xc: {  	s7 =	sadd.s32 $0x12E00, s10;
	s10 =	sshrl.u32 s12, $0x3;
	s12 =	simm.s32 $0x80  }
0xd: {  	s8 =	sadd.s32 $0x6CE00, s9;
	s9 =	smax.u32 s11, $0x1;
	s11 =	simm.s32 $0x2  }
.LBB2_1:
0xe: {  	[spmem:s10], [sflag:s5] =	dma.local [hbm:s4], $0x500  }
0xf: {  	_ =	swait.ge [sflag:s11], $0x500  }
0x10: {  	[sflag:s11] =	ssyncset.done $0x0  }
0x11: {  	[sflag:s11] =	ssyncadd.s32 $0xFFFFFB00  }
0x12: {  	[tilespmem:s3], [sflag:$0x2] =	stream.linear.gather [hbm4b:s6+s3], $0x1400, $0x38;
	[tilespmem:$0x17C00] =	vst v63  }
0x13: {  	_ =	swait.ge [sflag:s11], $0x1400  }
0x14: {  	[sflag:s11] =	ssyncset.done $0x0  }
0x15: {  	s15 =	simm.s32 $0x1400;
	[sflag:s11] =	ssyncadd.s32 $0xFFFFEC00  }
0x16: {  	[tilespmem:s15], [sflag:$0x2] =	stream.linear.gather [hbm4b:s7+s3], $0x14000, $0x38;
	[tilespmem:$0x17C00] =	vst v63  }
0x17: {  	_ =	swait.ge [sflag:s11], $0x14000  }
0x18: {  	[sflag:s11] =	ssyncset.done $0x0  }
0x19: {  	[sflag:s11] =	ssyncadd.s32 $0xFFFEC000  }
0x1a: {  	s16 =	simm.s32 $0x0;
	[bflag:$0x0] =	sbarrier.arrive $0xFFFF  }
.LBB2_2:
0x1b: {  	p0 =	sne.s32 s16, $0x4E00  }
.Ltmp0:
0x1c: {  	_ = 	snop;
	(pc) =	sbr.rel @p0 .LBB2_2-.Ltmp0, $4  }
0x1d: {  	_ = 	snop  }
0x1e: {  	s17 =	sshra.s32 s16, $0x2  }
0x1f: {  	[spmem:s2] =	stream.indirect.scatter.add.f32 [tilespmem:s15], [sflag:$0x1], $0x10, s17, s12, $0xb8;
	[tilespmem:$0x17C00] =	vst v63  }
0x20: {  	s16 =	sadd.s32 $0x200, s16;
	s15 =	sadd.s32 $0x800, s15  }
0x21: {  	_ =	swait.ge [sflag:s13], $0x800  }
0x22: {  	s15 =	simm.s32 $0x27;
	[sflag:s13] =	ssyncset.done $0x0  }
.LBB2_4:
0x23: {  	p0 =	sne.s32 s15, $0x1;
	s15 =	sadd.s32 $0xFFFFFFFF, s15;
	[sflag:s13] =	ssyncadd.s32 $0xFFFFF800  }
.Ltmp1:
0x24: {  	(pc) =	sbr.rel @p0 .LBB2_4-.Ltmp1, $3  }
0x25: {  	_ =	sdelay $0x1  }
0x26: {  	_ =	swait.ge [sflag:s13], $0x800  }
0x27: {  	[sflag:s13] =	ssyncset.done $0x0  }
0x28: {  	s14 =	sadd.s32 $0x1, s14  }
0x29: {  	[sflag:s13] =	ssyncadd.s32 $0xFFFFF800;
	p0 =	sne.s32 s14, s9  }
.Ltmp2:
0x2a: {  	[bflag:$0x0] =	sbarrier.arrive $0xFFFF;
	(pc) =	sbr.rel @p0 .LBB2_1-.Ltmp2, $4  }
0x2b: {  	[hbm:s8], [sflag:s5] =	dma.local [spmem:s10], $0x500  }
0x2c: {  	_ =	swait.ge [sflag:s11], $0x500  }
0x2d: {  	[sflag:s11] =	ssyncset.done $0x0  }
0x2e: {  	[sflag:s11] =	ssyncadd.s32 $0xFFFFFB00  }
0x2f: {  	_ =	sfence.sel $0x180000  }
0x30: {  	[bflag:$0x0] =	sbarrier.arrive $0xFFFF  }
0x31: {  	p0 =	sne.s32 s0, $0x0;
	_ =	strace $0x90000053  }
0x32: {  	s0 =	sadd.s32 @!p0 $0x100000, s1;
	[bflag:$0x2] =	sbarrier.arrive $0xFFFF  }
0x33: {  	[sflag:s0] =	ssyncadd.tile.s32 @!p0 $0x1;
	_ =	shalt  }
.Lfunc_end2:
_tile_overlayer_lowered:
.L_overlay_start_2:
0x34: {  	(tag) =	ssettag $0x2  }
0x35: {  	s0 =	rddreg [dreg:$0x0];
	s2 =	stileid.u32  }
0x36: {  	s1 =	rddreg [dreg:$0x1];
	p0 =	sne.s32 s2, $0x0  }
0x37: {  	s3 =	rddreg [dreg:$0x2];
	[bflag:$0x3] =	sbarrier.arrive $0xFFFF;
	s2 =	simm.s32 @!p0 $0x1C02  }
0x38: {  	[timem:s3], [sflag:s2] =	dma.local @!p0 [hbm:s0], s1  }
0x39: {  	s0 =	simm.s32 @!p0 $0x2  }
0x3a: {  	_ =	swait.ge @!p0 [sflag:s0], s1  }
0x3b: {  	s1 =	ssub.s32 @!p0 $0x0, s1;
	[sflag:s0] =	ssyncset.done @!p0 $0x0  }
0x3c: {  	[sflag:s0] =	ssyncadd.s32 @!p0 s1  }
0x3d: {  	[bflag:$0x3] =	sbarrier.arrive $0xFFFF  }
0x3e: {  	_ =	shalt  }

// kernel: kernel.46.cloned.1.call-start
scs
__scs_entry_jumppad:
0x0: {  	(pc) =	sbr.rel $0x88, $3  }
0x1: {  	(tag) =	ssettag $0x0;
	lr =	simm.s32 $0x1  }
0x2: {  	[smem:$0x3F87] =	sst lr;
	_ =	strace $0xD0000000  }
0x3: {  	_ = 	snop  }
0x4: {  	_ = 	snop  }
0x5: {  	_ = 	snop  }
0x6: {  	_ = 	snop  }
0x7: {  	_ = 	snop  }
__scs_overlays_trampoline_lowered:
0x8: {  	[smem:$0x3F96] =	sst s0  }
0x9: {  	[smem:$0x3F97] =	sst s1  }
0xa: {  	[smem:$0x3F98] =	sst s2  }
0xb: {  	[smem:$0x3F99] =	sst s3  }
0xc: {  	[smem:$0x3F9A] =	sst s4  }
0xd: {  	[smem:$0x3F9B] =	sst s5  }
0xe: {  	[smem:$0x3F9C] =	sst s6  }
0xf: {  	[smem:$0x3F9D] =	sst s7  }
0x10: {  	[smem:$0x3F9E] =	sst s8  }
0x11: {  	[smem:$0x3F9F] =	sst s9;
	s0 =	simm.s32 @!p0 $0x0  }
0x12: {  	s1 =	sld [smem:$0x3F85];
	s0 =	simm.s32 @p0 $0x1  }
0x13: {  	[smem:$0x3FA0] =	sst s0;
	s0 =	simm.s32 @!p1 $0x0  }
0x14: {  	s2 =	sld [smem:$0x3F84];
	s0 =	simm.s32 @p1 $0x1  }
0x15: {  	[smem:$0x3FA1] =	sst s0;
	s0 =	simm.s32 @!p2 $0x0  }
0x16: {  	s3 =	sld [smem:$0x3FDB];
	s0 =	simm.s32 @p2 $0x1  }
0x17: {  	s4 =	simm.s32 $0x1BF5;
	[smem:$0x3FA3] =	sst s0  }
0x18: {  	s0 =	sld [smem:$0x3F86];
	_ =	swait.ge [sflag:s4], $0x0  }
0x19: {  	s7 =	sld [smem:$0x3F87]  }
0x1a: {  	s8 =	sadd.s32 $0xFFFFE003, lr  }
0x1b: {  	s9 =	sadd.s32 $0xFFFFFEF7, lr;
	s5 =	simm.s32 $0xFFFFFFFF;
	p2 =	slt.u32 s8, $0xFFFFF086  }
0x1c: {  	p1 =	slt.u32 s9, $0xF7A;
	s5 =	simm.s32 @!p2 $0x0  }
0x1d: {  	s5 =	simm.s32 @p1 $0x1;
	p0 =	seq.s32 s7, s2  }
0x1e: {  	s7 =	smul.u32 @!p0 $0xF7A, s2;
	p2 =	seq.s32 @!p0 s5, $0x0  }
0x1f: {  	s9 =	smul.u32 $0xF7A, s1;
	s8 =	simm.s32 @!p0 $0x1BF5;
	p2 =	por !p2, p0  }
0x20: {  	[sflag:s8] =	ssyncset.s32 @!p0 $0xFFFFF086;
	s6 =	sadd.s32 @!p0 s3, s7;
	s7 =	simm.s32 @!p0 $0x108  }
0x21: {  	s3 =	sadd.s32 s3, s9;
	s6 =	sadd.s32 @!p0 $0x88, s6;
	s7 =	simm.s32 @p2 $0x1082  }
0x22: {  	[simem:s7], [sflag:s8] =	dma.local @!p0 [hbm:s6], $0xF7A  }
0x23: {  	s9 =	sor.u32 $0xD0000000, s2;
	s6 =	simm.s32 $0x108;
	_ =	swait.ge @!p0 [sflag:s8], $0x0  }
0x24: {  	s3 =	sadd.s32 $0x88, s3;
	s6 =	simm.s32 @!p1 $0x1082;
	[sflag:s4] =	ssyncset.s32 $0xFFFFF086  }
0x25: {  	[simem:s6], [sflag:s4] =	dma.local [hbm:s3], $0xF7A  }
0x26: {  	[smem:$0x3F87] =	sst s1;
	(tag) =	ssettag s2;
	_ =	strace s9  }
0x27: {  	s1 =	sld [smem:$0x3F97]  }
0x28: {  	s2 =	sld [smem:$0x3F98]  }
0x29: {  	s4 =	sld [smem:$0x3F9A]  }
0x2a: {  	p0 =	seq.s32 s5, $0x0;
	s5 =	sld [smem:$0x3F9B]  }
0x2b: {  	s6 =	sld [smem:$0x3F9C]  }
0x2c: {  	s7 =	sld [smem:$0x3F9D]  }
0x2d: {  	s3 =	simm.s32 $0x108;
	s8 =	sld [smem:$0x3F9E]  }
0x2e: {  	s3 =	simm.s32 @!p0 $0x1082;
	s9 =	sld [smem:$0x3F9F]  }
0x2f: {  	lr =	sadd.s32 s0, s3;
	s0 =	sld [smem:$0x3F96]  }
0x30: {  	s3 =	sld [smem:$0x3F99]  }
0x31: {  	[smem:$0x3FA2] =	sst s10  }
0x32: {  	s10 =	sld [smem:$0x3FA0];
	_ =	sdelay $0x3  }
0x33: {  	p0 =	seq.s32 s10, $0x1;
	s10 =	sld [smem:$0x3FA2];
	_ =	sdelay $0x3  }
0x34: {  	[smem:$0x3FA2] =	sst s10  }
0x35: {  	s10 =	sld [smem:$0x3FA1];
	_ =	sdelay $0x3  }
0x36: {  	p1 =	seq.s32 s10, $0x1;
	s10 =	sld [smem:$0x3FA2];
	_ =	sdelay $0x3  }
0x37: {  	[smem:$0x3FA2] =	sst s10  }
0x38: {  	s10 =	sld [smem:$0x3FA3]  }
0x39: {  	_ = 	snop;
	(pc) =	sbr.ind lr, $3  }
0x3a: {  	_ = 	snop  }
0x3b: {  	_ = 	snop  }
0x3c: {  	p2 =	seq.s32 s10, $0x1;
	s10 =	sld [smem:$0x3FA2]  }
0x3d: {  	_ =	shalt  }
0x3e: {  	_ =	shalt  }
0x3f: {  	_ =	shalt  }
0x40: {  	_ =	shalt  }
0x41: {  	_ =	shalt  }
0x42: {  	_ =	shalt  }
0x43: {  	_ =	shalt  }
0x44: {  	_ =	shalt  }
0x45: {  	_ =	shalt  }
0x46: {  	_ =	shalt  }
0x47: {  	_ =	shalt  }
0x48: {  	_ =	shalt  }
0x49: {  	_ =	shalt  }
0x4a: {  	_ =	shalt  }
0x4b: {  	_ =	shalt  }
0x4c: {  	_ =	shalt  }
0x4d: {  	_ =	shalt  }
0x4e: {  	_ =	shalt  }
0x4f: {  	_ =	shalt  }
0x50: {  	_ =	shalt  }
0x51: {  	_ =	shalt  }
0x52: {  	_ =	shalt  }
0x53: {  	_ =	shalt  }
0x54: {  	_ =	shalt  }
0x55: {  	_ =	shalt  }
0x56: {  	_ =	shalt  }
0x57: {  	_ =	shalt  }
0x58: {  	_ =	shalt  }
0x59: {  	_ =	shalt  }
0x5a: {  	_ =	shalt  }
0x5b: {  	_ =	shalt  }
0x5c: {  	_ =	shalt  }
0x5d: {  	_ =	shalt  }
0x5e: {  	_ =	shalt  }
0x5f: {  	_ =	shalt  }
0x60: {  	_ =	shalt  }
0x61: {  	_ =	shalt  }
0x62: {  	_ =	shalt  }
0x63: {  	_ =	shalt  }
0x64: {  	_ =	shalt  }
0x65: {  	_ =	shalt  }
0x66: {  	_ =	shalt  }
0x67: {  	_ =	shalt  }
0x68: {  	_ =	shalt  }
0x69: {  	_ =	shalt  }
0x6a: {  	_ =	shalt  }
0x6b: {  	_ =	shalt  }
0x6c: {  	_ =	shalt  }
0x6d: {  	_ =	shalt  }
0x6e: {  	_ =	shalt  }
0x6f: {  	_ =	shalt  }
0x70: {  	_ =	shalt  }
0x71: {  	_ =	shalt  }
0x72: {  	_ =	shalt  }
0x73: {  	_ =	shalt  }
0x74: {  	_ =	shalt  }
0x75: {  	_ =	shalt  }
0x76: {  	_ =	shalt  }
0x77: {  	_ =	shalt  }
0x78: {  	_ =	shalt  }
0x79: {  	_ =	shalt  }
0x7a: {  	_ =	shalt  }
0x7b: {  	_ =	shalt  }
0x7c: {  	_ =	shalt  }
0x7d: {  	_ =	shalt  }
0x7e: {  	_ =	shalt  }
0x7f: {  	_ =	shalt  }
0x80: {  	_ =	shalt  }
0x81: {  	_ =	shalt  }
0x82: {  	_ =	shalt  }
0x83: {  	_ =	shalt  }
0x84: {  	_ =	shalt  }
0x85: {  	_ =	shalt  }
0x86: {  	_ =	shalt  }
0x87: {  	_ =	shalt  }
.Lfunc_end0:
.L_simem_size_0:
called_computation.5_lowered:
.L_overlay_start_0:
0x88: {  	s2 =	sld [smem:$0x3FD9]  }
0x89: {  	s3 =	sld [smem:$0x3FFE];
	_ =	sdelay $0x1  }
0x8a: {  	s1 =	srdreg.scid  }
0x8b: {  	s0 =	sand.u32 $0x1, s1  }
0x8c: {  	s16 =	sshll.u32 s0, $0xA;
	s2 =	sadd.s32 s3, s2  }
0x8d: {  	s2 =	sadd.s32 s2, s16  }
0x8e: {  	[smem:$0x3FAE] =	sst s2  }
0x8f: {  	_ = 	snop  }
0x90: {  	(tm) =	ssettm $0x1  }
0x91: {  	s17 =	sld [smem:$0x3FFB];
	_ =	sdelay $0x3  }
0x92: {  	_ =	strace s17  }
0x93: {  	s2 =	sld [smem:$0x3FFC];
	_ =	sdelay $0x3  }
0x94: {  	_ =	strace s2  }
0x95: {  	s2 =	sld [smem:$0x3FFD];
	_ =	sdelay $0x3  }
0x96: {  	_ =	strace s2  }
0x97: {  	_ =	strace $0x8FFFFFFF  }
0x98: {  	s18 =	sld [smem:$0x3FDB];
	_ =	sdelay $0x1  }
0x99: {  	s19 =	simm.s32 $_scs_section_size  }
0x9a: {  	s4 =	simm.s32 $_size__tile_overlayer_lowered;
	s5 =	simm.s32 $_tile_overlayer_lowered  }
0x9b: {  	s22 =	simm.s32 $0x1BFF;
	s21 =	sshll.u32 s5, $0x1;
	s2 =	sadd.s32 s19, s18  }
0x9c: {  	s6 =	simm.s32 $0x0;
	s20 =	sshll.u32 s4, $0x1;
	s4 =	sadd.s32 s21, s2  }
0x9d: {  	[timem:s6], [sflag:s22] =	dma.local [hbm:s4], s20  }
0x9e: {  	_ =	swait.ge [sflag:s22], s20  }
0x9f: {  	s3 =	ssub.s32 $0x0, s20;
	[sflag:s22] =	ssyncset.done $0x0  }
0xa0: {  	[sflag:s22] =	ssyncadd.s32 s3;
	_ =	sdelay $0x1  }
0xa1: {  	s23 =	simm.s32 $0x1B8B  }
0xa2: {  	_ =	swait.ge [sflag:s23], $0x1  }
0xa3: {  	[sflag:s23] =	ssyncset.done $0x0  }
0xa4: {  	s25 =	simm.s32 $0x1B8E;
	s24 =	sld [smem:$0x3FFE];
	[sflag:s23] =	ssyncadd.s32 $0xFFFFFFFF  }
0xa5: {  	s26 =	simm.s32 $execute0_lowered;
	[smem:$0x3FD2] =	sst s25  }
0xa6: {  	s4 =	sshll.u32 s26, $0x1;
	_ =	strace $0x80000055;
	[dreg:$0x1] =	wrdreg $0xFFFFFFFF  }
0xa7: {  	s28 =	simm.s32 $_size_execute0_lowered;
	s2 =	sadd.s32 s2, s4;
	[dreg:$0x0] =	wrdreg $0x0  }
0xa8: {  	s4 =	sshll.u32 s28, $0x1;
	[dreg:$0x2] =	wrdreg s2  }
0xa9: {  	[dreg:$0x3] =	wrdreg s4  }
0xaa: {  	[dreg:$0x4] =	wrdreg $0xC0  }
0xab: {  	_ =	task [dreg:s6], $0x5FFFF  }
0xac: {  	[dreg:$0x1] =	wrdreg $0xFFFFFFFF  }
0xad: {  	[dreg:$0x0] =	wrdreg $0x60  }
0xae: {  	[dreg:$0x2] =	wrdreg s24  }
0xaf: {  	[dreg:$0x3] =	wrdreg $0x154000  }
0xb0: {  	[dreg:$0x4] =	wrdreg $0x9  }
0xb1: {  	_ =	task.clear_ibuf [dreg:s6], $0x5FFFF;
	_ =	strace $0x90000055  }
0xb2: {  	s29 =	simm.s32 $0x9;
	_ =	strace $0x80000057  }
0xb3: {  	_ =	swait.ge [sflag:s29], $0x1  }
0xb4: {  	[sflag:s29] =	ssyncadd.s32 $0xFFFFFFFF  }
0xb5: {  	_ =	strace $0x90000057  }
0xb6: {  	_ =	sfence  }
0xb7: {  	s30 =	sld [smem:$0x0];
	_ =	sdelay $0x2  }
0xb8: {  	s31 =	sshll.u32 s1, $0xD;
	s1 =	sshrl.u32 s1, $0x2  }
0xb9: {  	s3 =	sand.u32 $0x4000, s31;
	s1 =	sadd.s32 s1, s30  }
0xba: {  	s0 =	sor.u32 s3, s0;
	s1 =	sshll.u32 s1, $0x11  }
0xbb: {  	s0 =	sor.u32 s1, s0  }
0xbc: {  	s0 =	sadd.s32 $0x8F2B, s0  }
0xbd: {  	[sflag:s0] =	ssyncadd.remote.s32 $0x1  }
0xbe: {  	_ =	sfence.sel $0xFFFF  }
0xbf: {  	[dreg:$0x0] =	wrdreg $0xFFFFFFFF;
	(pc) =	sbr.abs _section_cstart, $3  }
0xc0: {  	[dreg:$0x1] =	wrdreg $0xFFFFFFFF  }
0xc1: {  	_ =	task.clear_ibuf [dreg:s6], $0x2FFFF;
	_ =	strace $0x9FFFFFFF  }
0xc2: {  	(tm) =	ssettm $0x7FFFFFFF  }
0xc3: {  	_ =	shalt  }
tec
execute0_lowered:
.L_overlay_start_1:
0x0: {  	(tag) =	ssettag $0x1  }
0x1: {  	s4 =	rddreg [dreg:$0x0]  }
0x2: {  	s2 =	rddreg [dreg:$0x1]  }
0x3: {  	s0 =	rddreg [dreg:$0x2];
	s1 =	stileid.u32  }
0x4: {  	s5 =	srdreg.scid;
	s3 =	simm.s32 $0x0;
	s13 =	simm.s32 $0x1400  }
0x5: {  	s14 =	simm.s32 $0x0;
	s5 =	sand.u32 $0x1, s5;
	s6 =	sshll.u32 s1, $0x1  }
0x6: {  	[smem:$0x7FF] =	sst s3;
	s7 =	smul.u32 $0x2800, s1;
	s6 =	sor.u32 s5, s6  }
0x7: {  	s31 =	sshll.u32 s1, $0x6;
	_ =	strace $0x80000056;
	s8 =	smul.u32 $0x280, s6  }
0x8: {  	s5 =	ssub.s32 $0x2, s5;
	s9 =	sshrl.u32 s7, $0x3;
	s6 =	smul.u32 $0x2800, s6  }
0x9: {  	s10 =	sshrl.u32 s5, $0x1;
	s12 =	sadd.s32 s7, s2;
	s9 =	sadd.s32 s9, s4  }
0xa: {  	s10 =	ssub.s32 s5, s10;
	s5 =	sor.u32 $0x1C02, s31;
	s8 =	sadd.s32 s8, s4  }
0xb: {  	s11 =	sadd.s32 s6, s4;
	s4 =	sadd.s32 $0x8E00, s9;
	s9 =	sshrl.u32 s12, $0x3  }
0xc: {  	s12 =	simm.s32 $0x1;
	s6 =	sadd.s32 $0xDE00, s8;
	s7 =	sadd.s32 $0x12E00, s11  }
0xd: {  	s8 =	smax.u32 s10, $0x1;
	s10 =	simm.s32 $0x2;
	s11 =	simm.s32 $0x80  }
.LBB2_1:
0xe: {  	[spmem:s9], [sflag:s5] =	dma.local [hbm:s4], $0x500  }
0xf: {  	_ =	swait.ge [sflag:s10], $0x500  }
0x10: {  	[sflag:s10] =	ssyncset.done $0x0  }
0x11: {  	[sflag:s10] =	ssyncadd.s32 $0xFFFFFB00  }
0x12: {  	[tilespmem:s3], [sflag:$0x2] =	stream.linear.gather [hbm4b:s6+s3], $0x1400, $0x38;
	[tilespmem:$0x17C00] =	vst v63  }
0x13: {  	_ =	swait.ge [sflag:s10], $0x1400  }
0x14: {  	[sflag:s10] =	ssyncset.done $0x0  }
0x15: {  	[sflag:s10] =	ssyncadd.s32 $0xFFFFEC00  }
0x16: {  	s15 =	simm.s32 $0x1400;
	s16 =	simm.s32 $0x0;
	[bflag:$0x0] =	sbarrier.arrive $0xFFFF  }
.LBB2_2:
0x17: {  	p0 =	sne.s32 s16, $0x4E00  }
.Ltmp0:
0x18: {  	_ = 	snop;
	(pc) =	sbr.rel @p0 .LBB2_2-.Ltmp0, $4  }
0x19: {  	_ = 	snop  }
0x1a: {  	s17 =	sshra.s32 s16, $0x2  }
0x1b: {  	[tilespmem:s15], [sflag:$0x1] =	stream.indirect.gather [spmem:s2], $0x10, s17, s11, $0xb8;
	[tilespmem:$0x17C00] =	vst v63  }
0x1c: {  	s16 =	sadd.s32 $0x200, s16;
	s15 =	sadd.s32 $0x800, s15  }
0x1d: {  	_ =	swait.ge [sflag:s12], $0x800  }
0x1e: {  	s15 =	simm.s32 $0x27;
	[sflag:s12] =	ssyncset.done $0x0  }
.LBB2_4:
0x1f: {  	p0 =	sne.s32 s15, $0x1;
	s15 =	sadd.s32 $0xFFFFFFFF, s15;
	[sflag:s12] =	ssyncadd.s32 $0xFFFFF800  }
.Ltmp1:
0x20: {  	(pc) =	sbr.rel @p0 .LBB2_4-.Ltmp1, $3  }
0x21: {  	_ =	sdelay $0x1  }
0x22: {  	_ =	swait.ge [sflag:s12], $0x800  }
0x23: {  	[sflag:s12] =	ssyncset.done $0x0  }
0x24: {  	s14 =	sadd.s32 $0x1, s14  }
0x25: {  	p0 =	sne.s32 s14, s8  }
.Ltmp2:
0x26: {  	[sflag:s12] =	ssyncadd.s32 $0xFFFFF800;
	(pc) =	sbr.rel @p0 .LBB2_1-.Ltmp2, $4  }
0x27: {  	[hbm4b:s7+s3] =	stream.linear.scatter [tilespmem:s13], [sflag:$0x2], $0x14000, $0x38;
	[tilespmem:$0x17C00] =	vst v63  }
0x28: {  	_ =	swait.ge [sflag:s10], $0x14000  }
0x29: {  	[sflag:s10] =	ssyncset.done $0x0  }
0x2a: {  	[sflag:s10] =	ssyncadd.s32 $0xFFFEC000  }
0x2b: {  	_ =	sfence.sel $0x180000  }
0x2c: {  	[bflag:$0x0] =	sbarrier.arrive $0xFFFF  }
0x2d: {  	p0 =	sne.s32 s1, $0x0;
	_ =	strace $0x90000056  }
0x2e: {  	s0 =	sadd.s32 @!p0 $0x100000, s0;
	[bflag:$0x2] =	sbarrier.arrive $0xFFFF  }
0x2f: {  	[sflag:s0] =	ssyncadd.tile.s32 @!p0 $0x1;
	_ =	shalt  }
.Lfunc_end2:
_tile_overlayer_lowered:
.L_overlay_start_2:
0x30: {  	(tag) =	ssettag $0x2  }
0x31: {  	s0 =	rddreg [dreg:$0x0];
	s2 =	stileid.u32  }
0x32: {  	s1 =	rddreg [dreg:$0x1];
	p0 =	sne.s32 s2, $0x0  }
0x33: {  	s3 =	rddreg [dreg:$0x2];
	[bflag:$0x3] =	sbarrier.arrive $0xFFFF;
	s2 =	simm.s32 @!p0 $0x1C02  }
0x34: {  	[timem:s3], [sflag:s2] =	dma.local @!p0 [hbm:s0], s1  }
0x35: {  	s0 =	simm.s32 @!p0 $0x2  }
0x36: {  	_ =	swait.ge @!p0 [sflag:s0], s1  }
0x37: {  	s1 =	ssub.s32 @!p0 $0x0, s1;
	[sflag:s0] =	ssyncset.done @!p0 $0x0  }
0x38: {  	[sflag:s0] =	ssyncadd.s32 @!p0 s1  }
0x39: {  	[bflag:$0x3] =	sbarrier.arrive $0xFFFF  }
0x3a: {  	_ =	shalt  }

// kernel: kernel.49.cloned.1.call-start
scs
__scs_entry_jumppad:
0x0: {  	(pc) =	sbr.rel $0x88, $3  }
0x1: {  	(tag) =	ssettag $0x0;
	lr =	simm.s32 $0x1  }
0x2: {  	[smem:$0x3F87] =	sst lr;
	_ =	strace $0xD0000000  }
0x3: {  	_ = 	snop  }
0x4: {  	_ = 	snop  }
0x5: {  	_ = 	snop  }
0x6: {  	_ = 	snop  }
0x7: {  	_ = 	snop  }
__scs_overlays_trampoline_lowered:
0x8: {  	[smem:$0x3F96] =	sst s0  }
0x9: {  	[smem:$0x3F97] =	sst s1  }
0xa: {  	[smem:$0x3F98] =	sst s2  }
0xb: {  	[smem:$0x3F99] =	sst s3  }
0xc: {  	[smem:$0x3F9A] =	sst s4  }
0xd: {  	[smem:$0x3F9B] =	sst s5  }
0xe: {  	[smem:$0x3F9C] =	sst s6  }
0xf: {  	[smem:$0x3F9D] =	sst s7  }
0x10: {  	[smem:$0x3F9E] =	sst s8  }
0x11: {  	[smem:$0x3F9F] =	sst s9;
	s0 =	simm.s32 @!p0 $0x0  }
0x12: {  	s1 =	sld [smem:$0x3F85];
	s0 =	simm.s32 @p0 $0x1  }
0x13: {  	[smem:$0x3FA0] =	sst s0;
	s0 =	simm.s32 @!p1 $0x0  }
0x14: {  	s2 =	sld [smem:$0x3F84];
	s0 =	simm.s32 @p1 $0x1  }
0x15: {  	[smem:$0x3FA1] =	sst s0;
	s0 =	simm.s32 @!p2 $0x0  }
0x16: {  	s3 =	sld [smem:$0x3FDB];
	s0 =	simm.s32 @p2 $0x1  }
0x17: {  	s4 =	simm.s32 $0x1BF5;
	[smem:$0x3FA3] =	sst s0  }
0x18: {  	s0 =	sld [smem:$0x3F86];
	_ =	swait.ge [sflag:s4], $0x0  }
0x19: {  	s7 =	sld [smem:$0x3F87]  }
0x1a: {  	s8 =	sadd.s32 $0xFFFFE003, lr  }
0x1b: {  	s9 =	sadd.s32 $0xFFFFFEF7, lr;
	s5 =	simm.s32 $0xFFFFFFFF;
	p2 =	slt.u32 s8, $0xFFFFF086  }
0x1c: {  	p1 =	slt.u32 s9, $0xF7A;
	s5 =	simm.s32 @!p2 $0x0  }
0x1d: {  	s5 =	simm.s32 @p1 $0x1;
	p0 =	seq.s32 s7, s2  }
0x1e: {  	s7 =	smul.u32 @!p0 $0xF7A, s2;
	p2 =	seq.s32 @!p0 s5, $0x0  }
0x1f: {  	s9 =	smul.u32 $0xF7A, s1;
	s8 =	simm.s32 @!p0 $0x1BF5;
	p2 =	por !p2, p0  }
0x20: {  	[sflag:s8] =	ssyncset.s32 @!p0 $0xFFFFF086;
	s6 =	sadd.s32 @!p0 s3, s7;
	s7 =	simm.s32 @!p0 $0x108  }
0x21: {  	s3 =	sadd.s32 s3, s9;
	s6 =	sadd.s32 @!p0 $0x88, s6;
	s7 =	simm.s32 @p2 $0x1082  }
0x22: {  	[simem:s7], [sflag:s8] =	dma.local @!p0 [hbm:s6], $0xF7A  }
0x23: {  	s9 =	sor.u32 $0xD0000000, s2;
	s6 =	simm.s32 $0x108;
	_ =	swait.ge @!p0 [sflag:s8], $0x0  }
0x24: {  	s3 =	sadd.s32 $0x88, s3;
	s6 =	simm.s32 @!p1 $0x1082;
	[sflag:s4] =	ssyncset.s32 $0xFFFFF086  }
0x25: {  	[simem:s6], [sflag:s4] =	dma.local [hbm:s3], $0xF7A  }
0x26: {  	[smem:$0x3F87] =	sst s1;
	(tag) =	ssettag s2;
	_ =	strace s9  }
0x27: {  	s1 =	sld [smem:$0x3F97]  }
0x28: {  	s2 =	sld [smem:$0x3F98]  }
0x29: {  	s4 =	sld [smem:$0x3F9A]  }
0x2a: {  	p0 =	seq.s32 s5, $0x0;
	s5 =	sld [smem:$0x3F9B]  }
0x2b: {  	s6 =	sld [smem:$0x3F9C]  }
0x2c: {  	s7 =	sld [smem:$0x3F9D]  }
0x2d: {  	s3 =	simm.s32 $0x108;
	s8 =	sld [smem:$0x3F9E]  }
0x2e: {  	s3 =	simm.s32 @!p0 $0x1082;
	s9 =	sld [smem:$0x3F9F]  }
0x2f: {  	lr =	sadd.s32 s0, s3;
	s0 =	sld [smem:$0x3F96]  }
0x30: {  	s3 =	sld [smem:$0x3F99]  }
0x31: {  	[smem:$0x3FA2] =	sst s10  }
0x32: {  	s10 =	sld [smem:$0x3FA0];
	_ =	sdelay $0x3  }
0x33: {  	p0 =	seq.s32 s10, $0x1;
	s10 =	sld [smem:$0x3FA2];
	_ =	sdelay $0x3  }
0x34: {  	[smem:$0x3FA2] =	sst s10  }
0x35: {  	s10 =	sld [smem:$0x3FA1];
	_ =	sdelay $0x3  }
0x36: {  	p1 =	seq.s32 s10, $0x1;
	s10 =	sld [smem:$0x3FA2];
	_ =	sdelay $0x3  }
0x37: {  	[smem:$0x3FA2] =	sst s10  }
0x38: {  	s10 =	sld [smem:$0x3FA3]  }
0x39: {  	_ = 	snop;
	(pc) =	sbr.ind lr, $3  }
0x3a: {  	_ = 	snop  }
0x3b: {  	_ = 	snop  }
0x3c: {  	p2 =	seq.s32 s10, $0x1;
	s10 =	sld [smem:$0x3FA2]  }
0x3d: {  	_ =	shalt  }
0x3e: {  	_ =	shalt  }
0x3f: {  	_ =	shalt  }
0x40: {  	_ =	shalt  }
0x41: {  	_ =	shalt  }
0x42: {  	_ =	shalt  }
0x43: {  	_ =	shalt  }
0x44: {  	_ =	shalt  }
0x45: {  	_ =	shalt  }
0x46: {  	_ =	shalt  }
0x47: {  	_ =	shalt  }
0x48: {  	_ =	shalt  }
0x49: {  	_ =	shalt  }
0x4a: {  	_ =	shalt  }
0x4b: {  	_ =	shalt  }
0x4c: {  	_ =	shalt  }
0x4d: {  	_ =	shalt  }
0x4e: {  	_ =	shalt  }
0x4f: {  	_ =	shalt  }
0x50: {  	_ =	shalt  }
0x51: {  	_ =	shalt  }
0x52: {  	_ =	shalt  }
0x53: {  	_ =	shalt  }
0x54: {  	_ =	shalt  }
0x55: {  	_ =	shalt  }
0x56: {  	_ =	shalt  }
0x57: {  	_ =	shalt  }
0x58: {  	_ =	shalt  }
0x59: {  	_ =	shalt  }
0x5a: {  	_ =	shalt  }
0x5b: {  	_ =	shalt  }
0x5c: {  	_ =	shalt  }
0x5d: {  	_ =	shalt  }
0x5e: {  	_ =	shalt  }
0x5f: {  	_ =	shalt  }
0x60: {  	_ =	shalt  }
0x61: {  	_ =	shalt  }
0x62: {  	_ =	shalt  }
0x63: {  	_ =	shalt  }
0x64: {  	_ =	shalt  }
0x65: {  	_ =	shalt  }
0x66: {  	_ =	shalt  }
0x67: {  	_ =	shalt  }
0x68: {  	_ =	shalt  }
0x69: {  	_ =	shalt  }
0x6a: {  	_ =	shalt  }
0x6b: {  	_ =	shalt  }
0x6c: {  	_ =	shalt  }
0x6d: {  	_ =	shalt  }
0x6e: {  	_ =	shalt  }
0x6f: {  	_ =	shalt  }
0x70: {  	_ =	shalt  }
0x71: {  	_ =	shalt  }
0x72: {  	_ =	shalt  }
0x73: {  	_ =	shalt  }
0x74: {  	_ =	shalt  }
0x75: {  	_ =	shalt  }
0x76: {  	_ =	shalt  }
0x77: {  	_ =	shalt  }
0x78: {  	_ =	shalt  }
0x79: {  	_ =	shalt  }
0x7a: {  	_ =	shalt  }
0x7b: {  	_ =	shalt  }
0x7c: {  	_ =	shalt  }
0x7d: {  	_ =	shalt  }
0x7e: {  	_ =	shalt  }
0x7f: {  	_ =	shalt  }
0x80: {  	_ =	shalt  }
0x81: {  	_ =	shalt  }
0x82: {  	_ =	shalt  }
0x83: {  	_ =	shalt  }
0x84: {  	_ =	shalt  }
0x85: {  	_ =	shalt  }
0x86: {  	_ =	shalt  }
0x87: {  	_ =	shalt  }
.Lfunc_end0:
.L_simem_size_0:
called_computation.6_lowered:
.L_overlay_start_0:
0x88: {  	s2 =	sld [smem:$0x3FD9]  }
0x89: {  	s3 =	sld [smem:$0x3FFE];
	_ =	sdelay $0x1  }
0x8a: {  	s1 =	srdreg.scid  }
0x8b: {  	s0 =	sand.u32 $0x1, s1  }
0x8c: {  	s16 =	sshll.u32 s0, $0xA;
	s2 =	sadd.s32 s3, s2  }
0x8d: {  	s2 =	sadd.s32 s2, s16  }
0x8e: {  	[smem:$0x3FAE] =	sst s2  }
0x8f: {  	_ = 	snop  }
0x90: {  	(tm) =	ssettm $0x1  }
0x91: {  	s17 =	sld [smem:$0x3FFB];
	_ =	sdelay $0x3  }
0x92: {  	_ =	strace s17  }
0x93: {  	s2 =	sld [smem:$0x3FFC];
	_ =	sdelay $0x3  }
0x94: {  	_ =	strace s2  }
0x95: {  	s2 =	sld [smem:$0x3FFD];
	_ =	sdelay $0x3  }
0x96: {  	_ =	strace s2  }
0x97: {  	_ =	strace $0x8FFFFFFF  }
0x98: {  	s18 =	sld [smem:$0x3FDB];
	_ =	sdelay $0x1  }
0x99: {  	s19 =	simm.s32 $_scs_section_size  }
0x9a: {  	s4 =	simm.s32 $_size__tile_overlayer_lowered;
	s5 =	simm.s32 $_tile_overlayer_lowered  }
0x9b: {  	s22 =	simm.s32 $0x1BFF;
	s21 =	sshll.u32 s5, $0x1;
	s2 =	sadd.s32 s19, s18  }
0x9c: {  	s6 =	simm.s32 $0x0;
	s20 =	sshll.u32 s4, $0x1;
	s4 =	sadd.s32 s21, s2  }
0x9d: {  	[timem:s6], [sflag:s22] =	dma.local [hbm:s4], s20  }
0x9e: {  	_ =	swait.ge [sflag:s22], s20  }
0x9f: {  	s3 =	ssub.s32 $0x0, s20;
	[sflag:s22] =	ssyncset.done $0x0  }
0xa0: {  	[sflag:s22] =	ssyncadd.s32 s3;
	_ =	sdelay $0x1  }
0xa1: {  	s23 =	simm.s32 $0x1B8B  }
0xa2: {  	_ =	swait.ge [sflag:s23], $0x1  }
0xa3: {  	[sflag:s23] =	ssyncset.done $0x0  }
0xa4: {  	s25 =	simm.s32 $0x1B8E;
	s24 =	sld [smem:$0x3FFE];
	[sflag:s23] =	ssyncadd.s32 $0xFFFFFFFF  }
0xa5: {  	s26 =	simm.s32 $execute0_lowered;
	[smem:$0x3FD2] =	sst s25  }
0xa6: {  	s4 =	sshll.u32 s26, $0x1;
	_ =	strace $0x80000058;
	[dreg:$0x1] =	wrdreg $0xFFFFFFFF  }
0xa7: {  	s28 =	simm.s32 $_size_execute0_lowered;
	s2 =	sadd.s32 s2, s4;
	[dreg:$0x0] =	wrdreg $0x0  }
0xa8: {  	s4 =	sshll.u32 s28, $0x1;
	[dreg:$0x2] =	wrdreg s2  }
0xa9: {  	[dreg:$0x3] =	wrdreg s4  }
0xaa: {  	[dreg:$0x4] =	wrdreg $0xC0  }
0xab: {  	_ =	task [dreg:s6], $0x5FFFF  }
0xac: {  	[dreg:$0x1] =	wrdreg $0xFFFFFFFF  }
0xad: {  	[dreg:$0x0] =	wrdreg $0x60  }
0xae: {  	[dreg:$0x2] =	wrdreg s24  }
0xaf: {  	[dreg:$0x3] =	wrdreg $0x154000  }
0xb0: {  	[dreg:$0x4] =	wrdreg $0x9  }
0xb1: {  	_ =	task.clear_ibuf [dreg:s6], $0x5FFFF;
	_ =	strace $0x90000058  }
0xb2: {  	s29 =	simm.s32 $0x9;
	_ =	strace $0x8000005A  }
0xb3: {  	_ =	swait.ge [sflag:s29], $0x1  }
0xb4: {  	[sflag:s29] =	ssyncadd.s32 $0xFFFFFFFF  }
0xb5: {  	_ =	strace $0x9000005A  }
0xb6: {  	_ =	sfence  }
0xb7: {  	s30 =	sld [smem:$0x0];
	_ =	sdelay $0x2  }
0xb8: {  	s31 =	sshll.u32 s1, $0xD;
	s1 =	sshrl.u32 s1, $0x2  }
0xb9: {  	s3 =	sand.u32 $0x4000, s31;
	s1 =	sadd.s32 s1, s30  }
0xba: {  	s0 =	sor.u32 s3, s0;
	s1 =	sshll.u32 s1, $0x11  }
0xbb: {  	s0 =	sor.u32 s1, s0  }
0xbc: {  	s0 =	sadd.s32 $0x8F2B, s0  }
0xbd: {  	[sflag:s0] =	ssyncadd.remote.s32 $0x1  }
0xbe: {  	_ =	sfence.sel $0xFFFF  }
0xbf: {  	[dreg:$0x0] =	wrdreg $0xFFFFFFFF;
	(pc) =	sbr.abs _section_cstart, $3  }
0xc0: {  	[dreg:$0x1] =	wrdreg $0xFFFFFFFF  }
0xc1: {  	_ =	task.clear_ibuf [dreg:s6], $0x2FFFF;
	_ =	strace $0x9FFFFFFF  }
0xc2: {  	(tm) =	ssettm $0x7FFFFFFF  }
0xc3: {  	_ =	shalt  }
tec
execute0_lowered:
.L_overlay_start_1:
0x0: {  	(tag) =	ssettag $0x1  }
0x1: {  	s1 =	srdreg.scid;
	s5 =	rddreg [dreg:$0x0]  }
0x2: {  	s0 =	stileid.u32;
	s2 =	rddreg [dreg:$0x1];
	s3 =	simm.s32 $0x0  }
0x3: {  	s4 =	sand.u32 $0x1, s1;
	s28 =	sshll.u32 s0, $0x1;
	s8 =	smul.u32 $0x2800, s0  }
0x4: {  	s13 =	simm.s32 $0x1;
	s1 =	sor.u32 s4, s28;
	s9 =	smul.u32 $0x28000, s4  }
0x5: {  	s14 =	simm.s32 $0x0;
	[smem:$0x7FF] =	sst s3;
	s6 =	smul.u32 $0x2800, s1  }
0x6: {  	s31 =	sshll.u32 s0, $0x6;
	s4 =	ssub.s32 $0x2, s4;
	s7 =	smul.u32 $0x280, s1  }
0x7: {  	s1 =	rddreg [dreg:$0x2];
	_ =	strace $0x80000059;
	s30 =	sshrl.u32 s8, $0x3  }
0x8: {  	s11 =	sshrl.u32 s4, $0x1;
	s12 =	sadd.s32 s8, s2;
	s9 =	sadd.s32 s8, s9  }
0x9: {  	s11 =	ssub.s32 s4, s11;
	s10 =	sadd.s32 s6, s5;
	s9 =	sshrl.u32 s9, $0x3  }
0xa: {  	s29 =	sadd.s32 s7, s5;
	s7 =	sadd.s32 s30, s5;
	s9 =	sadd.s32 s9, s5  }
0xb: {  	s4 =	sadd.s32 $0x67E00, s7;
	s5 =	sor.u32 $0x1C02, s31;
	s6 =	sadd.s32 $0x62E00, s29  }
0xc: {  	s7 =	sadd.s32 $0x12E00, s10;
	s10 =	sshrl.u32 s12, $0x3;
	s12 =	simm.s32 $0x80  }
0xd: {  	s8 =	sadd.s32 $0x6CE00, s9;
	s9 =	smax.u32 s11, $0x1;
	s11 =	simm.s32 $0x2  }
.LBB2_1:
0xe: {  	[spmem:s10], [sflag:s5] =	dma.local [hbm:s4], $0x500  }
0xf: {  	_ =	swait.ge [sflag:s11], $0x500  }
0x10: {  	[sflag:s11] =	ssyncset.done $0x0  }
0x11: {  	[sflag:s11] =	ssyncadd.s32 $0xFFFFFB00  }
0x12: {  	[tilespmem:s3], [sflag:$0x2] =	stream.linear.gather [hbm4b:s6+s3], $0x1400, $0x38;
	[tilespmem:$0x17C00] =	vst v63  }
0x13: {  	_ =	swait.ge [sflag:s11], $0x1400  }
0x14: {  	[sflag:s11] =	ssyncset.done $0x0  }
0x15: {  	s15 =	simm.s32 $0x1400;
	[sflag:s11] =	ssyncadd.s32 $0xFFFFEC00  }
0x16: {  	[tilespmem:s15], [sflag:$0x2] =	stream.linear.gather [hbm4b:s7+s3], $0x14000, $0x38;
	[tilespmem:$0x17C00] =	vst v63  }
0x17: {  	_ =	swait.ge [sflag:s11], $0x14000  }
0x18: {  	[sflag:s11] =	ssyncset.done $0x0  }
0x19: {  	[sflag:s11] =	ssyncadd.s32 $0xFFFEC000  }
0x1a: {  	s16 =	simm.s32 $0x0;
	[bflag:$0x0] =	sbarrier.arrive $0xFFFF  }
.LBB2_2:
0x1b: {  	p0 =	sne.s32 s16, $0x4E00  }
.Ltmp0:
0x1c: {  	_ = 	snop;
	(pc) =	sbr.rel @p0 .LBB2_2-.Ltmp0, $4  }
0x1d: {  	_ = 	snop  }
0x1e: {  	s17 =	sshra.s32 s16, $0x2  }
0x1f: {  	[spmem:s2] =	stream.indirect.scatter.add.f32 [tilespmem:s15], [sflag:$0x1], $0x10, s17, s12, $0xb8;
	[tilespmem:$0x17C00] =	vst v63  }
0x20: {  	s16 =	sadd.s32 $0x200, s16;
	s15 =	sadd.s32 $0x800, s15  }
0x21: {  	_ =	swait.ge [sflag:s13], $0x800  }
0x22: {  	s15 =	simm.s32 $0x27;
	[sflag:s13] =	ssyncset.done $0x0  }
.LBB2_4:
0x23: {  	p0 =	sne.s32 s15, $0x1;
	s15 =	sadd.s32 $0xFFFFFFFF, s15;
	[sflag:s13] =	ssyncadd.s32 $0xFFFFF800  }
.Ltmp1:
0x24: {  	(pc) =	sbr.rel @p0 .LBB2_4-.Ltmp1, $3  }
0x25: {  	_ =	sdelay $0x1  }
0x26: {  	_ =	swait.ge [sflag:s13], $0x800  }
0x27: {  	[sflag:s13] =	ssyncset.done $0x0  }
0x28: {  	s14 =	sadd.s32 $0x1, s14  }
0x29: {  	[sflag:s13] =	ssyncadd.s32 $0xFFFFF800;
	p0 =	sne.s32 s14, s9  }
.Ltmp2:
0x2a: {  	[bflag:$0x0] =	sbarrier.arrive $0xFFFF;
	(pc) =	sbr.rel @p0 .LBB2_1-.Ltmp2, $4  }
0x2b: {  	[hbm:s8], [sflag:s5] =	dma.local [spmem:s10], $0x500  }
0x2c: {  	_ =	swait.ge [sflag:s11], $0x500  }
0x2d: {  	[sflag:s11] =	ssyncset.done $0x0  }
0x2e: {  	[sflag:s11] =	ssyncadd.s32 $0xFFFFFB00  }
0x2f: {  	_ =	sfence.sel $0x180000  }
0x30: {  	[bflag:$0x0] =	sbarrier.arrive $0xFFFF  }
0x31: {  	p0 =	sne.s32 s0, $0x0;
	_ =	strace $0x90000059  }
0x32: {  	s0 =	sadd.s32 @!p0 $0x100000, s1;
	[bflag:$0x2] =	sbarrier.arrive $0xFFFF  }
0x33: {  	[sflag:s0] =	ssyncadd.tile.s32 @!p0 $0x1;
	_ =	shalt  }
.Lfunc_end2:
_tile_overlayer_lowered:
.L_overlay_start_2:
0x34: {  	(tag) =	ssettag $0x2  }
0x35: {  	s0 =	rddreg [dreg:$0x0];
	s2 =	stileid.u32  }
0x36: {  	s1 =	rddreg [dreg:$0x1];
	p0 =	sne.s32 s2, $0x0  }
0x37: {  	s3 =	rddreg [dreg:$0x2];
	[bflag:$0x3] =	sbarrier.arrive $0xFFFF;
	s2 =	simm.s32 @!p0 $0x1C02  }
0x38: {  	[timem:s3], [sflag:s2] =	dma.local @!p0 [hbm:s0], s1  }
0x39: {  	s0 =	simm.s32 @!p0 $0x2  }
0x3a: {  	_ =	swait.ge @!p0 [sflag:s0], s1  }
0x3b: {  	s1 =	ssub.s32 @!p0 $0x0, s1;
	[sflag:s0] =	ssyncset.done @!p0 $0x0  }
0x3c: {  	[sflag:s0] =	ssyncadd.s32 @!p0 s1  }
0x3d: {  	[bflag:$0x3] =	sbarrier.arrive $0xFFFF  }
0x3e: {  	_ =	shalt  }

// kernel: kernel.52.cloned.1.call-start
scs
__scs_entry_jumppad:
0x0: {  	(pc) =	sbr.rel $0x88, $3  }
0x1: {  	(tag) =	ssettag $0x0;
	lr =	simm.s32 $0x1  }
0x2: {  	[smem:$0x3F87] =	sst lr;
	_ =	strace $0xD0000000  }
0x3: {  	_ = 	snop  }
0x4: {  	_ = 	snop  }
0x5: {  	_ = 	snop  }
0x6: {  	_ = 	snop  }
0x7: {  	_ = 	snop  }
__scs_overlays_trampoline_lowered:
0x8: {  	[smem:$0x3F96] =	sst s0  }
0x9: {  	[smem:$0x3F97] =	sst s1  }
0xa: {  	[smem:$0x3F98] =	sst s2  }
0xb: {  	[smem:$0x3F99] =	sst s3  }
0xc: {  	[smem:$0x3F9A] =	sst s4  }
0xd: {  	[smem:$0x3F9B] =	sst s5  }
0xe: {  	[smem:$0x3F9C] =	sst s6  }
0xf: {  	[smem:$0x3F9D] =	sst s7  }
0x10: {  	[smem:$0x3F9E] =	sst s8  }
0x11: {  	[smem:$0x3F9F] =	sst s9;
	s0 =	simm.s32 @!p0 $0x0  }
0x12: {  	s1 =	sld [smem:$0x3F85];
	s0 =	simm.s32 @p0 $0x1  }
0x13: {  	[smem:$0x3FA0] =	sst s0;
	s0 =	simm.s32 @!p1 $0x0  }
0x14: {  	s2 =	sld [smem:$0x3F84];
	s0 =	simm.s32 @p1 $0x1  }
0x15: {  	[smem:$0x3FA1] =	sst s0;
	s0 =	simm.s32 @!p2 $0x0  }
0x16: {  	s3 =	sld [smem:$0x3FDB];
	s0 =	simm.s32 @p2 $0x1  }
0x17: {  	s4 =	simm.s32 $0x1BF5;
	[smem:$0x3FA3] =	sst s0  }
0x18: {  	s0 =	sld [smem:$0x3F86];
	_ =	swait.ge [sflag:s4], $0x0  }
0x19: {  	s7 =	sld [smem:$0x3F87]  }
0x1a: {  	s8 =	sadd.s32 $0xFFFFE003, lr  }
0x1b: {  	s9 =	sadd.s32 $0xFFFFFEF7, lr;
	s5 =	simm.s32 $0xFFFFFFFF;
	p2 =	slt.u32 s8, $0xFFFFF086  }
0x1c: {  	p1 =	slt.u32 s9, $0xF7A;
	s5 =	simm.s32 @!p2 $0x0  }
0x1d: {  	s5 =	simm.s32 @p1 $0x1;
	p0 =	seq.s32 s7, s2  }
0x1e: {  	s7 =	smul.u32 @!p0 $0xF7A, s2;
	p2 =	seq.s32 @!p0 s5, $0x0  }
0x1f: {  	s9 =	smul.u32 $0xF7A, s1;
	s8 =	simm.s32 @!p0 $0x1BF5;
	p2 =	por !p2, p0  }
0x20: {  	[sflag:s8] =	ssyncset.s32 @!p0 $0xFFFFF086;
	s6 =	sadd.s32 @!p0 s3, s7;
	s7 =	simm.s32 @!p0 $0x108  }
0x21: {  	s3 =	sadd.s32 s3, s9;
	s6 =	sadd.s32 @!p0 $0x88, s6;
	s7 =	simm.s32 @p2 $0x1082  }
0x22: {  	[simem:s7], [sflag:s8] =	dma.local @!p0 [hbm:s6], $0xF7A  }
0x23: {  	s9 =	sor.u32 $0xD0000000, s2;
	s6 =	simm.s32 $0x108;
	_ =	swait.ge @!p0 [sflag:s8], $0x0  }
0x24: {  	s3 =	sadd.s32 $0x88, s3;
	s6 =	simm.s32 @!p1 $0x1082;
	[sflag:s4] =	ssyncset.s32 $0xFFFFF086  }
0x25: {  	[simem:s6], [sflag:s4] =	dma.local [hbm:s3], $0xF7A  }
0x26: {  	[smem:$0x3F87] =	sst s1;
	(tag) =	ssettag s2;
	_ =	strace s9  }
0x27: {  	s1 =	sld [smem:$0x3F97]  }
0x28: {  	s2 =	sld [smem:$0x3F98]  }
0x29: {  	s4 =	sld [smem:$0x3F9A]  }
0x2a: {  	p0 =	seq.s32 s5, $0x0;
	s5 =	sld [smem:$0x3F9B]  }
0x2b: {  	s6 =	sld [smem:$0x3F9C]  }
0x2c: {  	s7 =	sld [smem:$0x3F9D]  }
0x2d: {  	s3 =	simm.s32 $0x108;
	s8 =	sld [smem:$0x3F9E]  }
0x2e: {  	s3 =	simm.s32 @!p0 $0x1082;
	s9 =	sld [smem:$0x3F9F]  }
0x2f: {  	lr =	sadd.s32 s0, s3;
	s0 =	sld [smem:$0x3F96]  }
0x30: {  	s3 =	sld [smem:$0x3F99]  }
0x31: {  	[smem:$0x3FA2] =	sst s10  }
0x32: {  	s10 =	sld [smem:$0x3FA0];
	_ =	sdelay $0x3  }
0x33: {  	p0 =	seq.s32 s10, $0x1;
	s10 =	sld [smem:$0x3FA2];
	_ =	sdelay $0x3  }
0x34: {  	[smem:$0x3FA2] =	sst s10  }
0x35: {  	s10 =	sld [smem:$0x3FA1];
	_ =	sdelay $0x3  }
0x36: {  	p1 =	seq.s32 s10, $0x1;
	s10 =	sld [smem:$0x3FA2];
	_ =	sdelay $0x3  }
0x37: {  	[smem:$0x3FA2] =	sst s10  }
0x38: {  	s10 =	sld [smem:$0x3FA3]  }
0x39: {  	_ = 	snop;
	(pc) =	sbr.ind lr, $3  }
0x3a: {  	_ = 	snop  }
0x3b: {  	_ = 	snop  }
0x3c: {  	p2 =	seq.s32 s10, $0x1;
	s10 =	sld [smem:$0x3FA2]  }
0x3d: {  	_ =	shalt  }
0x3e: {  	_ =	shalt  }
0x3f: {  	_ =	shalt  }
0x40: {  	_ =	shalt  }
0x41: {  	_ =	shalt  }
0x42: {  	_ =	shalt  }
0x43: {  	_ =	shalt  }
0x44: {  	_ =	shalt  }
0x45: {  	_ =	shalt  }
0x46: {  	_ =	shalt  }
0x47: {  	_ =	shalt  }
0x48: {  	_ =	shalt  }
0x49: {  	_ =	shalt  }
0x4a: {  	_ =	shalt  }
0x4b: {  	_ =	shalt  }
0x4c: {  	_ =	shalt  }
0x4d: {  	_ =	shalt  }
0x4e: {  	_ =	shalt  }
0x4f: {  	_ =	shalt  }
0x50: {  	_ =	shalt  }
0x51: {  	_ =	shalt  }
0x52: {  	_ =	shalt  }
0x53: {  	_ =	shalt  }
0x54: {  	_ =	shalt  }
0x55: {  	_ =	shalt  }
0x56: {  	_ =	shalt  }
0x57: {  	_ =	shalt  }
0x58: {  	_ =	shalt  }
0x59: {  	_ =	shalt  }
0x5a: {  	_ =	shalt  }
0x5b: {  	_ =	shalt  }
0x5c: {  	_ =	shalt  }
0x5d: {  	_ =	shalt  }
0x5e: {  	_ =	shalt  }
0x5f: {  	_ =	shalt  }
0x60: {  	_ =	shalt  }
0x61: {  	_ =	shalt  }
0x62: {  	_ =	shalt  }
0x63: {  	_ =	shalt  }
0x64: {  	_ =	shalt  }
0x65: {  	_ =	shalt  }
0x66: {  	_ =	shalt  }
0x67: {  	_ =	shalt  }
0x68: {  	_ =	shalt  }
0x69: {  	_ =	shalt  }
0x6a: {  	_ =	shalt  }
0x6b: {  	_ =	shalt  }
0x6c: {  	_ =	shalt  }
0x6d: {  	_ =	shalt  }
0x6e: {  	_ =	shalt  }
0x6f: {  	_ =	shalt  }
0x70: {  	_ =	shalt  }
0x71: {  	_ =	shalt  }
0x72: {  	_ =	shalt  }
0x73: {  	_ =	shalt  }
0x74: {  	_ =	shalt  }
0x75: {  	_ =	shalt  }
0x76: {  	_ =	shalt  }
0x77: {  	_ =	shalt  }
0x78: {  	_ =	shalt  }
0x79: {  	_ =	shalt  }
0x7a: {  	_ =	shalt  }
0x7b: {  	_ =	shalt  }
0x7c: {  	_ =	shalt  }
0x7d: {  	_ =	shalt  }
0x7e: {  	_ =	shalt  }
0x7f: {  	_ =	shalt  }
0x80: {  	_ =	shalt  }
0x81: {  	_ =	shalt  }
0x82: {  	_ =	shalt  }
0x83: {  	_ =	shalt  }
0x84: {  	_ =	shalt  }
0x85: {  	_ =	shalt  }
0x86: {  	_ =	shalt  }
0x87: {  	_ =	shalt  }
.Lfunc_end0:
.L_simem_size_0:
called_computation.7_lowered:
.L_overlay_start_0:
0x88: {  	s2 =	sld [smem:$0x3FD9]  }
0x89: {  	s3 =	sld [smem:$0x3FFE];
	_ =	sdelay $0x1  }
0x8a: {  	s1 =	srdreg.scid  }
0x8b: {  	s0 =	sand.u32 $0x1, s1  }
0x8c: {  	s16 =	sshll.u32 s0, $0xA;
	s2 =	sadd.s32 s3, s2  }
0x8d: {  	s2 =	sadd.s32 s2, s16  }
0x8e: {  	[smem:$0x3FAE] =	sst s2  }
0x8f: {  	_ = 	snop  }
0x90: {  	(tm) =	ssettm $0x1  }
0x91: {  	s17 =	sld [smem:$0x3FFB];
	_ =	sdelay $0x3  }
0x92: {  	_ =	strace s17  }
0x93: {  	s2 =	sld [smem:$0x3FFC];
	_ =	sdelay $0x3  }
0x94: {  	_ =	strace s2  }
0x95: {  	s2 =	sld [smem:$0x3FFD];
	_ =	sdelay $0x3  }
0x96: {  	_ =	strace s2  }
0x97: {  	_ =	strace $0x8FFFFFFF  }
0x98: {  	s18 =	sld [smem:$0x3FDB];
	_ =	sdelay $0x1  }
0x99: {  	s19 =	simm.s32 $_scs_section_size  }
0x9a: {  	s4 =	simm.s32 $_size__tile_overlayer_lowered;
	s5 =	simm.s32 $_tile_overlayer_lowered  }
0x9b: {  	s22 =	simm.s32 $0x1BFF;
	s21 =	sshll.u32 s5, $0x1;
	s2 =	sadd.s32 s19, s18  }
0x9c: {  	s6 =	simm.s32 $0x0;
	s20 =	sshll.u32 s4, $0x1;
	s4 =	sadd.s32 s21, s2  }
0x9d: {  	[timem:s6], [sflag:s22] =	dma.local [hbm:s4], s20  }
0x9e: {  	_ =	swait.ge [sflag:s22], s20  }
0x9f: {  	s3 =	ssub.s32 $0x0, s20;
	[sflag:s22] =	ssyncset.done $0x0  }
0xa0: {  	[sflag:s22] =	ssyncadd.s32 s3;
	_ =	sdelay $0x1  }
0xa1: {  	s23 =	simm.s32 $0x1B8B  }
0xa2: {  	_ =	swait.ge [sflag:s23], $0x1  }
0xa3: {  	[sflag:s23] =	ssyncset.done $0x0  }
0xa4: {  	s25 =	simm.s32 $0x1B8E;
	s24 =	sld [smem:$0x3FFE];
	[sflag:s23] =	ssyncadd.s32 $0xFFFFFFFF  }
0xa5: {  	s26 =	simm.s32 $execute0_lowered;
	[smem:$0x3FD2] =	sst s25  }
0xa6: {  	s4 =	sshll.u32 s26, $0x1;
	_ =	strace $0x8000005B;
	[dreg:$0x1] =	wrdreg $0xFFFFFFFF  }
0xa7: {  	s28 =	simm.s32 $_size_execute0_lowered;
	s2 =	sadd.s32 s2, s4;
	[dreg:$0x0] =	wrdreg $0x0  }
0xa8: {  	s4 =	sshll.u32 s28, $0x1;
	[dreg:$0x2] =	wrdreg s2  }
0xa9: {  	[dreg:$0x3] =	wrdreg s4  }
0xaa: {  	[dreg:$0x4] =	wrdreg $0xC0  }
0xab: {  	_ =	task [dreg:s6], $0x5FFFF  }
0xac: {  	[dreg:$0x1] =	wrdreg $0xFFFFFFFF  }
0xad: {  	[dreg:$0x0] =	wrdreg $0x60  }
0xae: {  	[dreg:$0x2] =	wrdreg s24  }
0xaf: {  	[dreg:$0x3] =	wrdreg $0x154000  }
0xb0: {  	[dreg:$0x4] =	wrdreg $0x9  }
0xb1: {  	_ =	task.clear_ibuf [dreg:s6], $0x5FFFF;
	_ =	strace $0x9000005B  }
0xb2: {  	s29 =	simm.s32 $0x9;
	_ =	strace $0x8000005D  }
0xb3: {  	_ =	swait.ge [sflag:s29], $0x1  }
0xb4: {  	[sflag:s29] =	ssyncadd.s32 $0xFFFFFFFF  }
0xb5: {  	_ =	strace $0x9000005D  }
0xb6: {  	_ =	sfence  }
0xb7: {  	s30 =	sld [smem:$0x0];
	_ =	sdelay $0x2  }
0xb8: {  	s31 =	sshll.u32 s1, $0xD;
	s1 =	sshrl.u32 s1, $0x2  }
0xb9: {  	s3 =	sand.u32 $0x4000, s31;
	s1 =	sadd.s32 s1, s30  }
0xba: {  	s0 =	sor.u32 s3, s0;
	s1 =	sshll.u32 s1, $0x11  }
0xbb: {  	s0 =	sor.u32 s1, s0  }
0xbc: {  	s0 =	sadd.s32 $0x8F2B, s0  }
0xbd: {  	[sflag:s0] =	ssyncadd.remote.s32 $0x1  }
0xbe: {  	_ =	sfence.sel $0xFFFF  }
0xbf: {  	[dreg:$0x0] =	wrdreg $0xFFFFFFFF;
	(pc) =	sbr.abs _section_cstart, $3  }
0xc0: {  	[dreg:$0x1] =	wrdreg $0xFFFFFFFF  }
0xc1: {  	_ =	task.clear_ibuf [dreg:s6], $0x2FFFF;
	_ =	strace $0x9FFFFFFF  }
0xc2: {  	(tm) =	ssettm $0x7FFFFFFF  }
0xc3: {  	_ =	shalt  }
tec
execute0_lowered:
.L_overlay_start_1:
0x0: {  	(tag) =	ssettag $0x1  }
0x1: {  	s4 =	rddreg [dreg:$0x0]  }
0x2: {  	s2 =	rddreg [dreg:$0x1]  }
0x3: {  	s0 =	rddreg [dreg:$0x2];
	s1 =	stileid.u32  }
0x4: {  	s5 =	srdreg.scid;
	s3 =	simm.s32 $0x0;
	s13 =	simm.s32 $0x1400  }
0x5: {  	s14 =	simm.s32 $0x0;
	s5 =	sand.u32 $0x1, s5;
	s6 =	sshll.u32 s1, $0x1  }
0x6: {  	[smem:$0x7FF] =	sst s3;
	s7 =	smul.u32 $0x2800, s1;
	s6 =	sor.u32 s5, s6  }
0x7: {  	s31 =	sshll.u32 s1, $0x6;
	_ =	strace $0x8000005C;
	s8 =	smul.u32 $0x280, s6  }
0x8: {  	s5 =	ssub.s32 $0x2, s5;
	s9 =	sshrl.u32 s7, $0x3;
	s6 =	smul.u32 $0x2800, s6  }
0x9: {  	s10 =	sshrl.u32 s5, $0x1;
	s12 =	sadd.s32 s7, s2;
	s9 =	sadd.s32 s9, s4  }
0xa: {  	s10 =	ssub.s32 s5, s10;
	s5 =	sor.u32 $0x1C02, s31;
	s8 =	sadd.s32 s8, s4  }
0xb: {  	s11 =	sadd.s32 s6, s4;
	s4 =	sadd.s32 $0x8E00, s9;
	s9 =	sshrl.u32 s12, $0x3  }
0xc: {  	s12 =	simm.s32 $0x1;
	s6 =	sadd.s32 $0xDE00, s8;
	s7 =	sadd.s32 $0x12E00, s11  }
0xd: {  	s8 =	smax.u32 s10, $0x1;
	s10 =	simm.s32 $0x2;
	s11 =	simm.s32 $0x80  }
.LBB2_1:
0xe: {  	[spmem:s9], [sflag:s5] =	dma.local [hbm:s4], $0x500  }
0xf: {  	_ =	swait.ge [sflag:s10], $0x500  }
0x10: {  	[sflag:s10] =	ssyncset.done $0x0  }
0x11: {  	[sflag:s10] =	ssyncadd.s32 $0xFFFFFB00  }
0x12: {  	[tilespmem:s3], [sflag:$0x2] =	stream.linear.gather [hbm4b:s6+s3], $0x1400, $0x38;
	[tilespmem:$0x17C00] =	vst v63  }
0x13: {  	_ =	swait.ge [sflag:s10], $0x1400  }
0x14: {  	[sflag:s10] =	ssyncset.done $0x0  }
0x15: {  	[sflag:s10] =	ssyncadd.s32 $0xFFFFEC00  }
0x16: {  	s15 =	simm.s32 $0x1400;
	s16 =	simm.s32 $0x0;
	[bflag:$0x0] =	sbarrier.arrive $0xFFFF  }
.LBB2_2:
0x17: {  	p0 =	sne.s32 s16, $0x4E00  }
.Ltmp0:
0x18: {  	_ = 	snop;
	(pc) =	sbr.rel @p0 .LBB2_2-.Ltmp0, $4  }
0x19: {  	_ = 	snop  }
0x1a: {  	s17 =	sshra.s32 s16, $0x2  }
0x1b: {  	[tilespmem:s15], [sflag:$0x1] =	stream.indirect.gather [spmem:s2], $0x10, s17, s11, $0xb8;
	[tilespmem:$0x17C00] =	vst v63  }
0x1c: {  	s16 =	sadd.s32 $0x200, s16;
	s15 =	sadd.s32 $0x800, s15  }
0x1d: {  	_ =	swait.ge [sflag:s12], $0x800  }
0x1e: {  	s15 =	simm.s32 $0x27;
	[sflag:s12] =	ssyncset.done $0x0  }
.LBB2_4:
0x1f: {  	p0 =	sne.s32 s15, $0x1;
	s15 =	sadd.s32 $0xFFFFFFFF, s15;
	[sflag:s12] =	ssyncadd.s32 $0xFFFFF800  }
.Ltmp1:
0x20: {  	(pc) =	sbr.rel @p0 .LBB2_4-.Ltmp1, $3  }
0x21: {  	_ =	sdelay $0x1  }
0x22: {  	_ =	swait.ge [sflag:s12], $0x800  }
0x23: {  	[sflag:s12] =	ssyncset.done $0x0  }
0x24: {  	s14 =	sadd.s32 $0x1, s14  }
0x25: {  	p0 =	sne.s32 s14, s8  }
.Ltmp2:
0x26: {  	[sflag:s12] =	ssyncadd.s32 $0xFFFFF800;
	(pc) =	sbr.rel @p0 .LBB2_1-.Ltmp2, $4  }
0x27: {  	[hbm4b:s7+s3] =	stream.linear.scatter [tilespmem:s13], [sflag:$0x2], $0x14000, $0x38;
	[tilespmem:$0x17C00] =	vst v63  }
0x28: {  	_ =	swait.ge [sflag:s10], $0x14000  }
0x29: {  	[sflag:s10] =	ssyncset.done $0x0  }
0x2a: {  	[sflag:s10] =	ssyncadd.s32 $0xFFFEC000  }
0x2b: {  	_ =	sfence.sel $0x180000  }
0x2c: {  	[bflag:$0x0] =	sbarrier.arrive $0xFFFF  }
0x2d: {  	p0 =	sne.s32 s1, $0x0;
	_ =	strace $0x9000005C  }
0x2e: {  	s0 =	sadd.s32 @!p0 $0x100000, s0;
	[bflag:$0x2] =	sbarrier.arrive $0xFFFF  }
0x2f: {  	[sflag:s0] =	ssyncadd.tile.s32 @!p0 $0x1;
	_ =	shalt  }
.Lfunc_end2:
_tile_overlayer_lowered:
.L_overlay_start_2:
0x30: {  	(tag) =	ssettag $0x2  }
0x31: {  	s0 =	rddreg [dreg:$0x0];
	s2 =	stileid.u32  }
0x32: {  	s1 =	rddreg [dreg:$0x1];
	p0 =	sne.s32 s2, $0x0  }
0x33: {  	s3 =	rddreg [dreg:$0x2];
	[bflag:$0x3] =	sbarrier.arrive $0xFFFF;
	s2 =	simm.s32 @!p0 $0x1C02  }
0x34: {  	[timem:s3], [sflag:s2] =	dma.local @!p0 [hbm:s0], s1  }
0x35: {  	s0 =	simm.s32 @!p0 $0x2  }
0x36: {  	_ =	swait.ge @!p0 [sflag:s0], s1  }
0x37: {  	s1 =	ssub.s32 @!p0 $0x0, s1;
	[sflag:s0] =	ssyncset.done @!p0 $0x0  }
0x38: {  	[sflag:s0] =	ssyncadd.s32 @!p0 s1  }
0x39: {  	[bflag:$0x3] =	sbarrier.arrive $0xFFFF  }
0x3a: {  	_ =	shalt  }

// kernel: kernel.55.cloned.1.call-start
scs
__scs_entry_jumppad:
0x0: {  	(pc) =	sbr.rel $0x88, $3  }
0x1: {  	(tag) =	ssettag $0x0;
	lr =	simm.s32 $0x1  }
0x2: {  	[smem:$0x3F87] =	sst lr;
	_ =	strace $0xD0000000  }
0x3: {  	_ = 	snop  }
0x4: {  	_ = 	snop  }
0x5: {  	_ = 	snop  }
0x6: {  	_ = 	snop  }
0x7: {  	_ = 	snop  }
__scs_overlays_trampoline_lowered:
0x8: {  	[smem:$0x3F96] =	sst s0  }
0x9: {  	[smem:$0x3F97] =	sst s1  }
0xa: {  	[smem:$0x3F98] =	sst s2  }
0xb: {  	[smem:$0x3F99] =	sst s3  }
0xc: {  	[smem:$0x3F9A] =	sst s4  }
0xd: {  	[smem:$0x3F9B] =	sst s5  }
0xe: {  	[smem:$0x3F9C] =	sst s6  }
0xf: {  	[smem:$0x3F9D] =	sst s7  }
0x10: {  	[smem:$0x3F9E] =	sst s8  }
0x11: {  	[smem:$0x3F9F] =	sst s9;
	s0 =	simm.s32 @!p0 $0x0  }
0x12: {  	s1 =	sld [smem:$0x3F85];
	s0 =	simm.s32 @p0 $0x1  }
0x13: {  	[smem:$0x3FA0] =	sst s0;
	s0 =	simm.s32 @!p1 $0x0  }
0x14: {  	s2 =	sld [smem:$0x3F84];
	s0 =	simm.s32 @p1 $0x1  }
0x15: {  	[smem:$0x3FA1] =	sst s0;
	s0 =	simm.s32 @!p2 $0x0  }
0x16: {  	s3 =	sld [smem:$0x3FDB];
	s0 =	simm.s32 @p2 $0x1  }
0x17: {  	s4 =	simm.s32 $0x1BF5;
	[smem:$0x3FA3] =	sst s0  }
0x18: {  	s0 =	sld [smem:$0x3F86];
	_ =	swait.ge [sflag:s4], $0x0  }
0x19: {  	s7 =	sld [smem:$0x3F87]  }
0x1a: {  	s8 =	sadd.s32 $0xFFFFE003, lr  }
0x1b: {  	s9 =	sadd.s32 $0xFFFFFEF7, lr;
	s5 =	simm.s32 $0xFFFFFFFF;
	p2 =	slt.u32 s8, $0xFFFFF086  }
0x1c: {  	p1 =	slt.u32 s9, $0xF7A;
	s5 =	simm.s32 @!p2 $0x0  }
0x1d: {  	s5 =	simm.s32 @p1 $0x1;
	p0 =	seq.s32 s7, s2  }
0x1e: {  	s7 =	smul.u32 @!p0 $0xF7A, s2;
	p2 =	seq.s32 @!p0 s5, $0x0  }
0x1f: {  	s9 =	smul.u32 $0xF7A, s1;
	s8 =	simm.s32 @!p0 $0x1BF5;
	p2 =	por !p2, p0  }
0x20: {  	[sflag:s8] =	ssyncset.s32 @!p0 $0xFFFFF086;
	s6 =	sadd.s32 @!p0 s3, s7;
	s7 =	simm.s32 @!p0 $0x108  }
0x21: {  	s3 =	sadd.s32 s3, s9;
	s6 =	sadd.s32 @!p0 $0x88, s6;
	s7 =	simm.s32 @p2 $0x1082  }
0x22: {  	[simem:s7], [sflag:s8] =	dma.local @!p0 [hbm:s6], $0xF7A  }
0x23: {  	s9 =	sor.u32 $0xD0000000, s2;
	s6 =	simm.s32 $0x108;
	_ =	swait.ge @!p0 [sflag:s8], $0x0  }
0x24: {  	s3 =	sadd.s32 $0x88, s3;
	s6 =	simm.s32 @!p1 $0x1082;
	[sflag:s4] =	ssyncset.s32 $0xFFFFF086  }
0x25: {  	[simem:s6], [sflag:s4] =	dma.local [hbm:s3], $0xF7A  }
0x26: {  	[smem:$0x3F87] =	sst s1;
	(tag) =	ssettag s2;
	_ =	strace s9  }
0x27: {  	s1 =	sld [smem:$0x3F97]  }
0x28: {  	s2 =	sld [smem:$0x3F98]  }
0x29: {  	s4 =	sld [smem:$0x3F9A]  }
0x2a: {  	p0 =	seq.s32 s5, $0x0;
	s5 =	sld [smem:$0x3F9B]  }
0x2b: {  	s6 =	sld [smem:$0x3F9C]  }
0x2c: {  	s7 =	sld [smem:$0x3F9D]  }
0x2d: {  	s3 =	simm.s32 $0x108;
	s8 =	sld [smem:$0x3F9E]  }
0x2e: {  	s3 =	simm.s32 @!p0 $0x1082;
	s9 =	sld [smem:$0x3F9F]  }
0x2f: {  	lr =	sadd.s32 s0, s3;
	s0 =	sld [smem:$0x3F96]  }
0x30: {  	s3 =	sld [smem:$0x3F99]  }
0x31: {  	[smem:$0x3FA2] =	sst s10  }
0x32: {  	s10 =	sld [smem:$0x3FA0];
	_ =	sdelay $0x3  }
0x33: {  	p0 =	seq.s32 s10, $0x1;
	s10 =	sld [smem:$0x3FA2];
	_ =	sdelay $0x3  }
0x34: {  	[smem:$0x3FA2] =	sst s10  }
0x35: {  	s10 =	sld [smem:$0x3FA1];
	_ =	sdelay $0x3  }
0x36: {  	p1 =	seq.s32 s10, $0x1;
	s10 =	sld [smem:$0x3FA2];
	_ =	sdelay $0x3  }
0x37: {  	[smem:$0x3FA2] =	sst s10  }
0x38: {  	s10 =	sld [smem:$0x3FA3]  }
0x39: {  	_ = 	snop;
	(pc) =	sbr.ind lr, $3  }
0x3a: {  	_ = 	snop  }
0x3b: {  	_ = 	snop  }
0x3c: {  	p2 =	seq.s32 s10, $0x1;
	s10 =	sld [smem:$0x3FA2]  }
0x3d: {  	_ =	shalt  }
0x3e: {  	_ =	shalt  }
0x3f: {  	_ =	shalt  }
0x40: {  	_ =	shalt  }
0x41: {  	_ =	shalt  }
0x42: {  	_ =	shalt  }
0x43: {  	_ =	shalt  }
0x44: {  	_ =	shalt  }
0x45: {  	_ =	shalt  }
0x46: {  	_ =	shalt  }
0x47: {  	_ =	shalt  }
0x48: {  	_ =	shalt  }
0x49: {  	_ =	shalt  }
0x4a: {  	_ =	shalt  }
0x4b: {  	_ =	shalt  }
0x4c: {  	_ =	shalt  }
0x4d: {  	_ =	shalt  }
0x4e: {  	_ =	shalt  }
0x4f: {  	_ =	shalt  }
0x50: {  	_ =	shalt  }
0x51: {  	_ =	shalt  }
0x52: {  	_ =	shalt  }
0x53: {  	_ =	shalt  }
0x54: {  	_ =	shalt  }
0x55: {  	_ =	shalt  }
0x56: {  	_ =	shalt  }
0x57: {  	_ =	shalt  }
0x58: {  	_ =	shalt  }
0x59: {  	_ =	shalt  }
0x5a: {  	_ =	shalt  }
0x5b: {  	_ =	shalt  }
0x5c: {  	_ =	shalt  }
0x5d: {  	_ =	shalt  }
0x5e: {  	_ =	shalt  }
0x5f: {  	_ =	shalt  }
0x60: {  	_ =	shalt  }
0x61: {  	_ =	shalt  }
0x62: {  	_ =	shalt  }
0x63: {  	_ =	shalt  }
0x64: {  	_ =	shalt  }
0x65: {  	_ =	shalt  }
0x66: {  	_ =	shalt  }
0x67: {  	_ =	shalt  }
0x68: {  	_ =	shalt  }
0x69: {  	_ =	shalt  }
0x6a: {  	_ =	shalt  }
0x6b: {  	_ =	shalt  }
0x6c: {  	_ =	shalt  }
0x6d: {  	_ =	shalt  }
0x6e: {  	_ =	shalt  }
0x6f: {  	_ =	shalt  }
0x70: {  	_ =	shalt  }
0x71: {  	_ =	shalt  }
0x72: {  	_ =	shalt  }
0x73: {  	_ =	shalt  }
0x74: {  	_ =	shalt  }
0x75: {  	_ =	shalt  }
0x76: {  	_ =	shalt  }
0x77: {  	_ =	shalt  }
0x78: {  	_ =	shalt  }
0x79: {  	_ =	shalt  }
0x7a: {  	_ =	shalt  }
0x7b: {  	_ =	shalt  }
0x7c: {  	_ =	shalt  }
0x7d: {  	_ =	shalt  }
0x7e: {  	_ =	shalt  }
0x7f: {  	_ =	shalt  }
0x80: {  	_ =	shalt  }
0x81: {  	_ =	shalt  }
0x82: {  	_ =	shalt  }
0x83: {  	_ =	shalt  }
0x84: {  	_ =	shalt  }
0x85: {  	_ =	shalt  }
0x86: {  	_ =	shalt  }
0x87: {  	_ =	shalt  }
.Lfunc_end0:
.L_simem_size_0:
called_computation.8_lowered:
.L_overlay_start_0:
0x88: {  	s2 =	sld [smem:$0x3FD9]  }
0x89: {  	s3 =	sld [smem:$0x3FFE];
	_ =	sdelay $0x1  }
0x8a: {  	s1 =	srdreg.scid  }
0x8b: {  	s0 =	sand.u32 $0x1, s1  }
0x8c: {  	s16 =	sshll.u32 s0, $0xA;
	s2 =	sadd.s32 s3, s2  }
0x8d: {  	s2 =	sadd.s32 s2, s16  }
0x8e: {  	[smem:$0x3FAE] =	sst s2  }
0x8f: {  	_ = 	snop  }
0x90: {  	(tm) =	ssettm $0x1  }
0x91: {  	s17 =	sld [smem:$0x3FFB];
	_ =	sdelay $0x3  }
0x92: {  	_ =	strace s17  }
0x93: {  	s2 =	sld [smem:$0x3FFC];
	_ =	sdelay $0x3  }
0x94: {  	_ =	strace s2  }
0x95: {  	s2 =	sld [smem:$0x3FFD];
	_ =	sdelay $0x3  }
0x96: {  	_ =	strace s2  }
0x97: {  	_ =	strace $0x8FFFFFFF  }
0x98: {  	s18 =	sld [smem:$0x3FDB];
	_ =	sdelay $0x1  }
0x99: {  	s19 =	simm.s32 $_scs_section_size  }
0x9a: {  	s4 =	simm.s32 $_size__tile_overlayer_lowered;
	s5 =	simm.s32 $_tile_overlayer_lowered  }
0x9b: {  	s22 =	simm.s32 $0x1BFF;
	s21 =	sshll.u32 s5, $0x1;
	s2 =	sadd.s32 s19, s18  }
0x9c: {  	s6 =	simm.s32 $0x0;
	s20 =	sshll.u32 s4, $0x1;
	s4 =	sadd.s32 s21, s2  }
0x9d: {  	[timem:s6], [sflag:s22] =	dma.local [hbm:s4], s20  }
0x9e: {  	_ =	swait.ge [sflag:s22], s20  }
0x9f: {  	s3 =	ssub.s32 $0x0, s20;
	[sflag:s22] =	ssyncset.done $0x0  }
0xa0: {  	[sflag:s22] =	ssyncadd.s32 s3;
	_ =	sdelay $0x1  }
0xa1: {  	s23 =	simm.s32 $0x1B8B  }
0xa2: {  	_ =	swait.ge [sflag:s23], $0x1  }
0xa3: {  	[sflag:s23] =	ssyncset.done $0x0  }
0xa4: {  	s25 =	simm.s32 $0x1B8E;
	s24 =	sld [smem:$0x3FFE];
	[sflag:s23] =	ssyncadd.s32 $0xFFFFFFFF  }
0xa5: {  	s26 =	simm.s32 $execute0_lowered;
	[smem:$0x3FD2] =	sst s25  }
0xa6: {  	s4 =	sshll.u32 s26, $0x1;
	_ =	strace $0x8000005E;
	[dreg:$0x1] =	wrdreg $0xFFFFFFFF  }
0xa7: {  	s28 =	simm.s32 $_size_execute0_lowered;
	s2 =	sadd.s32 s2, s4;
	[dreg:$0x0] =	wrdreg $0x0  }
0xa8: {  	s4 =	sshll.u32 s28, $0x1;
	[dreg:$0x2] =	wrdreg s2  }
0xa9: {  	[dreg:$0x3] =	wrdreg s4  }
0xaa: {  	[dreg:$0x4] =	wrdreg $0xC0  }
0xab: {  	_ =	task [dreg:s6], $0x5FFFF  }
0xac: {  	[dreg:$0x1] =	wrdreg $0xFFFFFFFF  }
0xad: {  	[dreg:$0x0] =	wrdreg $0x60  }
0xae: {  	[dreg:$0x2] =	wrdreg s24  }
0xaf: {  	[dreg:$0x3] =	wrdreg $0x154000  }
0xb0: {  	[dreg:$0x4] =	wrdreg $0x9  }
0xb1: {  	_ =	task.clear_ibuf [dreg:s6], $0x5FFFF;
	_ =	strace $0x9000005E  }
0xb2: {  	s29 =	simm.s32 $0x9;
	_ =	strace $0x80000060  }
0xb3: {  	_ =	swait.ge [sflag:s29], $0x1  }
0xb4: {  	[sflag:s29] =	ssyncadd.s32 $0xFFFFFFFF  }
0xb5: {  	_ =	strace $0x90000060  }
0xb6: {  	_ =	sfence  }
0xb7: {  	s30 =	sld [smem:$0x0];
	_ =	sdelay $0x2  }
0xb8: {  	s31 =	sshll.u32 s1, $0xD;
	s1 =	sshrl.u32 s1, $0x2  }
0xb9: {  	s3 =	sand.u32 $0x4000, s31;
	s1 =	sadd.s32 s1, s30  }
0xba: {  	s0 =	sor.u32 s3, s0;
	s1 =	sshll.u32 s1, $0x11  }
0xbb: {  	s0 =	sor.u32 s1, s0  }
0xbc: {  	s0 =	sadd.s32 $0x8F2B, s0  }
0xbd: {  	[sflag:s0] =	ssyncadd.remote.s32 $0x1  }
0xbe: {  	_ =	sfence.sel $0xFFFF  }
0xbf: {  	[dreg:$0x0] =	wrdreg $0xFFFFFFFF;
	(pc) =	sbr.abs _section_cstart, $3  }
0xc0: {  	[dreg:$0x1] =	wrdreg $0xFFFFFFFF  }
0xc1: {  	_ =	task.clear_ibuf [dreg:s6], $0x2FFFF;
	_ =	strace $0x9FFFFFFF  }
0xc2: {  	(tm) =	ssettm $0x7FFFFFFF  }
0xc3: {  	_ =	shalt  }
tec
execute0_lowered:
.L_overlay_start_1:
0x0: {  	(tag) =	ssettag $0x1  }
0x1: {  	s1 =	srdreg.scid;
	s5 =	rddreg [dreg:$0x0]  }
0x2: {  	s0 =	stileid.u32;
	s2 =	rddreg [dreg:$0x1];
	s3 =	simm.s32 $0x0  }
0x3: {  	s4 =	sand.u32 $0x1, s1;
	s28 =	sshll.u32 s0, $0x1;
	s8 =	smul.u32 $0x2800, s0  }
0x4: {  	s13 =	simm.s32 $0x1;
	s1 =	sor.u32 s4, s28;
	s9 =	smul.u32 $0x28000, s4  }
0x5: {  	s14 =	simm.s32 $0x0;
	[smem:$0x7FF] =	sst s3;
	s6 =	smul.u32 $0x2800, s1  }
0x6: {  	s31 =	sshll.u32 s0, $0x6;
	s4 =	ssub.s32 $0x2, s4;
	s7 =	smul.u32 $0x280, s1  }
0x7: {  	s1 =	rddreg [dreg:$0x2];
	_ =	strace $0x8000005F;
	s30 =	sshrl.u32 s8, $0x3  }
0x8: {  	s11 =	sshrl.u32 s4, $0x1;
	s12 =	sadd.s32 s8, s2;
	s9 =	sadd.s32 s8, s9  }
0x9: {  	s11 =	ssub.s32 s4, s11;
	s10 =	sadd.s32 s6, s5;
	s9 =	sshrl.u32 s9, $0x3  }
0xa: {  	s29 =	sadd.s32 s7, s5;
	s7 =	sadd.s32 s30, s5;
	s9 =	sadd.s32 s9, s5  }
0xb: {  	s4 =	sadd.s32 $0x67E00, s7;
	s5 =	sor.u32 $0x1C02, s31;
	s6 =	sadd.s32 $0x62E00, s29  }
0xc: {  	s7 =	sadd.s32 $0x12E00, s10;
	s10 =	sshrl.u32 s12, $0x3;
	s12 =	simm.s32 $0x80  }
0xd: {  	s8 =	sadd.s32 $0x6CE00, s9;
	s9 =	smax.u32 s11, $0x1;
	s11 =	simm.s32 $0x2  }
.LBB2_1:
0xe: {  	[spmem:s10], [sflag:s5] =	dma.local [hbm:s4], $0x500  }
0xf: {  	_ =	swait.ge [sflag:s11], $0x500  }
0x10: {  	[sflag:s11] =	ssyncset.done $0x0  }
0x11: {  	[sflag:s11] =	ssyncadd.s32 $0xFFFFFB00  }
0x12: {  	[tilespmem:s3], [sflag:$0x2] =	stream.linear.gather [hbm4b:s6+s3], $0x1400, $0x38;
	[tilespmem:$0x17C00] =	vst v63  }
0x13: {  	_ =	swait.ge [sflag:s11], $0x1400  }
0x14: {  	[sflag:s11] =	ssyncset.done $0x0  }
0x15: {  	s15 =	simm.s32 $0x1400;
	[sflag:s11] =	ssyncadd.s32 $0xFFFFEC00  }
0x16: {  	[tilespmem:s15], [sflag:$0x2] =	stream.linear.gather [hbm4b:s7+s3], $0x14000, $0x38;
	[tilespmem:$0x17C00] =	vst v63  }
0x17: {  	_ =	swait.ge [sflag:s11], $0x14000  }
0x18: {  	[sflag:s11] =	ssyncset.done $0x0  }
0x19: {  	[sflag:s11] =	ssyncadd.s32 $0xFFFEC000  }
0x1a: {  	s16 =	simm.s32 $0x0;
	[bflag:$0x0] =	sbarrier.arrive $0xFFFF  }
.LBB2_2:
0x1b: {  	p0 =	sne.s32 s16, $0x4E00  }
.Ltmp0:
0x1c: {  	_ = 	snop;
	(pc) =	sbr.rel @p0 .LBB2_2-.Ltmp0, $4  }
0x1d: {  	_ = 	snop  }
0x1e: {  	s17 =	sshra.s32 s16, $0x2  }
0x1f: {  	[spmem:s2] =	stream.indirect.scatter.add.f32 [tilespmem:s15], [sflag:$0x1], $0x10, s17, s12, $0xb8;
	[tilespmem:$0x17C00] =	vst v63  }
0x20: {  	s16 =	sadd.s32 $0x200, s16;
	s15 =	sadd.s32 $0x800, s15  }
0x21: {  	_ =	swait.ge [sflag:s13], $0x800  }
0x22: {  	s15 =	simm.s32 $0x27;
	[sflag:s13] =	ssyncset.done $0x0  }
.LBB2_4:
0x23: {  	p0 =	sne.s32 s15, $0x1;
	s15 =	sadd.s32 $0xFFFFFFFF, s15;
	[sflag:s13] =	ssyncadd.s32 $0xFFFFF800  }
.Ltmp1:
0x24: {  	(pc) =	sbr.rel @p0 .LBB2_4-.Ltmp1, $3  }
0x25: {  	_ =	sdelay $0x1  }
0x26: {  	_ =	swait.ge [sflag:s13], $0x800  }
0x27: {  	[sflag:s13] =	ssyncset.done $0x0  }
0x28: {  	s14 =	sadd.s32 $0x1, s14  }
0x29: {  	[sflag:s13] =	ssyncadd.s32 $0xFFFFF800;
	p0 =	sne.s32 s14, s9  }
.Ltmp2:
0x2a: {  	[bflag:$0x0] =	sbarrier.arrive $0xFFFF;
	(pc) =	sbr.rel @p0 .LBB2_1-.Ltmp2, $4  }
0x2b: {  	[hbm:s8], [sflag:s5] =	dma.local [spmem:s10], $0x500  }
0x2c: {  	_ =	swait.ge [sflag:s11], $0x500  }
0x2d: {  	[sflag:s11] =	ssyncset.done $0x0  }
0x2e: {  	[sflag:s11] =	ssyncadd.s32 $0xFFFFFB00  }
0x2f: {  	_ =	sfence.sel $0x180000  }
0x30: {  	[bflag:$0x0] =	sbarrier.arrive $0xFFFF  }
0x31: {  	p0 =	sne.s32 s0, $0x0;
	_ =	strace $0x9000005F  }
0x32: {  	s0 =	sadd.s32 @!p0 $0x100000, s1;
	[bflag:$0x2] =	sbarrier.arrive $0xFFFF  }
0x33: {  	[sflag:s0] =	ssyncadd.tile.s32 @!p0 $0x1;
	_ =	shalt  }
.Lfunc_end2:
_tile_overlayer_lowered:
.L_overlay_start_2:
0x34: {  	(tag) =	ssettag $0x2  }
0x35: {  	s0 =	rddreg [dreg:$0x0];
	s2 =	stileid.u32  }
0x36: {  	s1 =	rddreg [dreg:$0x1];
	p0 =	sne.s32 s2, $0x0  }
0x37: {  	s3 =	rddreg [dreg:$0x2];
	[bflag:$0x3] =	sbarrier.arrive $0xFFFF;
	s2 =	simm.s32 @!p0 $0x1C02  }
0x38: {  	[timem:s3], [sflag:s2] =	dma.local @!p0 [hbm:s0], s1  }
0x39: {  	s0 =	simm.s32 @!p0 $0x2  }
0x3a: {  	_ =	swait.ge @!p0 [sflag:s0], s1  }
0x3b: {  	s1 =	ssub.s32 @!p0 $0x0, s1;
	[sflag:s0] =	ssyncset.done @!p0 $0x0  }
0x3c: {  	[sflag:s0] =	ssyncadd.s32 @!p0 s1  }
0x3d: {  	[bflag:$0x3] =	sbarrier.arrive $0xFFFF  }
0x3e: {  	_ =	shalt  }

// kernel: kernel.58.cloned.1.call-start
scs
__scs_entry_jumppad:
0x0: {  	(pc) =	sbr.rel $0x88, $3  }
0x1: {  	(tag) =	ssettag $0x0;
	lr =	simm.s32 $0x1  }
0x2: {  	[smem:$0x3F87] =	sst lr;
	_ =	strace $0xD0000000  }
0x3: {  	_ = 	snop  }
0x4: {  	_ = 	snop  }
0x5: {  	_ = 	snop  }
0x6: {  	_ = 	snop  }
0x7: {  	_ = 	snop  }
__scs_overlays_trampoline_lowered:
0x8: {  	[smem:$0x3F96] =	sst s0  }
0x9: {  	[smem:$0x3F97] =	sst s1  }
0xa: {  	[smem:$0x3F98] =	sst s2  }
0xb: {  	[smem:$0x3F99] =	sst s3  }
0xc: {  	[smem:$0x3F9A] =	sst s4  }
0xd: {  	[smem:$0x3F9B] =	sst s5  }
0xe: {  	[smem:$0x3F9C] =	sst s6  }
0xf: {  	[smem:$0x3F9D] =	sst s7  }
0x10: {  	[smem:$0x3F9E] =	sst s8  }
0x11: {  	[smem:$0x3F9F] =	sst s9;
	s0 =	simm.s32 @!p0 $0x0  }
0x12: {  	s1 =	sld [smem:$0x3F85];
	s0 =	simm.s32 @p0 $0x1  }
0x13: {  	[smem:$0x3FA0] =	sst s0;
	s0 =	simm.s32 @!p1 $0x0  }
0x14: {  	s2 =	sld [smem:$0x3F84];
	s0 =	simm.s32 @p1 $0x1  }
0x15: {  	[smem:$0x3FA1] =	sst s0;
	s0 =	simm.s32 @!p2 $0x0  }
0x16: {  	s3 =	sld [smem:$0x3FDB];
	s0 =	simm.s32 @p2 $0x1  }
0x17: {  	s4 =	simm.s32 $0x1BF5;
	[smem:$0x3FA3] =	sst s0  }
0x18: {  	s0 =	sld [smem:$0x3F86];
	_ =	swait.ge [sflag:s4], $0x0  }
0x19: {  	s7 =	sld [smem:$0x3F87]  }
0x1a: {  	s8 =	sadd.s32 $0xFFFFE003, lr  }
0x1b: {  	s9 =	sadd.s32 $0xFFFFFEF7, lr;
	s5 =	simm.s32 $0xFFFFFFFF;
	p2 =	slt.u32 s8, $0xFFFFF086  }
0x1c: {  	p1 =	slt.u32 s9, $0xF7A;
	s5 =	simm.s32 @!p2 $0x0  }
0x1d: {  	s5 =	simm.s32 @p1 $0x1;
	p0 =	seq.s32 s7, s2  }
0x1e: {  	s7 =	smul.u32 @!p0 $0xF7A, s2;
	p2 =	seq.s32 @!p0 s5, $0x0  }
0x1f: {  	s9 =	smul.u32 $0xF7A, s1;
	s8 =	simm.s32 @!p0 $0x1BF5;
	p2 =	por !p2, p0  }
0x20: {  	[sflag:s8] =	ssyncset.s32 @!p0 $0xFFFFF086;
	s6 =	sadd.s32 @!p0 s3, s7;
	s7 =	simm.s32 @!p0 $0x108  }
0x21: {  	s3 =	sadd.s32 s3, s9;
	s6 =	sadd.s32 @!p0 $0x88, s6;
	s7 =	simm.s32 @p2 $0x1082  }
0x22: {  	[simem:s7], [sflag:s8] =	dma.local @!p0 [hbm:s6], $0xF7A  }
0x23: {  	s9 =	sor.u32 $0xD0000000, s2;
	s6 =	simm.s32 $0x108;
	_ =	swait.ge @!p0 [sflag:s8], $0x0  }
0x24: {  	s3 =	sadd.s32 $0x88, s3;
	s6 =	simm.s32 @!p1 $0x1082;
	[sflag:s4] =	ssyncset.s32 $0xFFFFF086  }
0x25: {  	[simem:s6], [sflag:s4] =	dma.local [hbm:s3], $0xF7A  }
0x26: {  	[smem:$0x3F87] =	sst s1;
	(tag) =	ssettag s2;
	_ =	strace s9  }
0x27: {  	s1 =	sld [smem:$0x3F97]  }
0x28: {  	s2 =	sld [smem:$0x3F98]  }
0x29: {  	s4 =	sld [smem:$0x3F9A]  }
0x2a: {  	p0 =	seq.s32 s5, $0x0;
	s5 =	sld [smem:$0x3F9B]  }
0x2b: {  	s6 =	sld [smem:$0x3F9C]  }
0x2c: {  	s7 =	sld [smem:$0x3F9D]  }
0x2d: {  	s3 =	simm.s32 $0x108;
	s8 =	sld [smem:$0x3F9E]  }
0x2e: {  	s3 =	simm.s32 @!p0 $0x1082;
	s9 =	sld [smem:$0x3F9F]  }
0x2f: {  	lr =	sadd.s32 s0, s3;
	s0 =	sld [smem:$0x3F96]  }
0x30: {  	s3 =	sld [smem:$0x3F99]  }
0x31: {  	[smem:$0x3FA2] =	sst s10  }
0x32: {  	s10 =	sld [smem:$0x3FA0];
	_ =	sdelay $0x3  }
0x33: {  	p0 =	seq.s32 s10, $0x1;
	s10 =	sld [smem:$0x3FA2];
	_ =	sdelay $0x3  }
0x34: {  	[smem:$0x3FA2] =	sst s10  }
0x35: {  	s10 =	sld [smem:$0x3FA1];
	_ =	sdelay $0x3  }
0x36: {  	p1 =	seq.s32 s10, $0x1;
	s10 =	sld [smem:$0x3FA2];
	_ =	sdelay $0x3  }
0x37: {  	[smem:$0x3FA2] =	sst s10  }
0x38: {  	s10 =	sld [smem:$0x3FA3]  }
0x39: {  	_ = 	snop;
	(pc) =	sbr.ind lr, $3  }
0x3a: {  	_ = 	snop  }
0x3b: {  	_ = 	snop  }
0x3c: {  	p2 =	seq.s32 s10, $0x1;
	s10 =	sld [smem:$0x3FA2]  }
0x3d: {  	_ =	shalt  }
0x3e: {  	_ =	shalt  }
0x3f: {  	_ =	shalt  }
0x40: {  	_ =	shalt  }
0x41: {  	_ =	shalt  }
0x42: {  	_ =	shalt  }
0x43: {  	_ =	shalt  }
0x44: {  	_ =	shalt  }
0x45: {  	_ =	shalt  }
0x46: {  	_ =	shalt  }
0x47: {  	_ =	shalt  }
0x48: {  	_ =	shalt  }
0x49: {  	_ =	shalt  }
0x4a: {  	_ =	shalt  }
0x4b: {  	_ =	shalt  }
0x4c: {  	_ =	shalt  }
0x4d: {  	_ =	shalt  }
0x4e: {  	_ =	shalt  }
0x4f: {  	_ =	shalt  }
0x50: {  	_ =	shalt  }
0x51: {  	_ =	shalt  }
0x52: {  	_ =	shalt  }
0x53: {  	_ =	shalt  }
0x54: {  	_ =	shalt  }
0x55: {  	_ =	shalt  }
0x56: {  	_ =	shalt  }
0x57: {  	_ =	shalt  }
0x58: {  	_ =	shalt  }
0x59: {  	_ =	shalt  }
0x5a: {  	_ =	shalt  }
0x5b: {  	_ =	shalt  }
0x5c: {  	_ =	shalt  }
0x5d: {  	_ =	shalt  }
0x5e: {  	_ =	shalt  }
0x5f: {  	_ =	shalt  }
0x60: {  	_ =	shalt  }
0x61: {  	_ =	shalt  }
0x62: {  	_ =	shalt  }
0x63: {  	_ =	shalt  }
0x64: {  	_ =	shalt  }
0x65: {  	_ =	shalt  }
0x66: {  	_ =	shalt  }
0x67: {  	_ =	shalt  }
0x68: {  	_ =	shalt  }
0x69: {  	_ =	shalt  }
0x6a: {  	_ =	shalt  }
0x6b: {  	_ =	shalt  }
0x6c: {  	_ =	shalt  }
0x6d: {  	_ =	shalt  }
0x6e: {  	_ =	shalt  }
0x6f: {  	_ =	shalt  }
0x70: {  	_ =	shalt  }
0x71: {  	_ =	shalt  }
0x72: {  	_ =	shalt  }
0x73: {  	_ =	shalt  }
0x74: {  	_ =	shalt  }
0x75: {  	_ =	shalt  }
0x76: {  	_ =	shalt  }
0x77: {  	_ =	shalt  }
0x78: {  	_ =	shalt  }
0x79: {  	_ =	shalt  }
0x7a: {  	_ =	shalt  }
0x7b: {  	_ =	shalt  }
0x7c: {  	_ =	shalt  }
0x7d: {  	_ =	shalt  }
0x7e: {  	_ =	shalt  }
0x7f: {  	_ =	shalt  }
0x80: {  	_ =	shalt  }
0x81: {  	_ =	shalt  }
0x82: {  	_ =	shalt  }
0x83: {  	_ =	shalt  }
0x84: {  	_ =	shalt  }
0x85: {  	_ =	shalt  }
0x86: {  	_ =	shalt  }
0x87: {  	_ =	shalt  }
.Lfunc_end0:
.L_simem_size_0:
called_computation.9_lowered:
.L_overlay_start_0:
0x88: {  	s2 =	sld [smem:$0x3FD9]  }
0x89: {  	s3 =	sld [smem:$0x3FFE];
	_ =	sdelay $0x1  }
0x8a: {  	s1 =	srdreg.scid  }
0x8b: {  	s0 =	sand.u32 $0x1, s1  }
0x8c: {  	s16 =	sshll.u32 s0, $0xA;
	s2 =	sadd.s32 s3, s2  }
0x8d: {  	s2 =	sadd.s32 s2, s16  }
0x8e: {  	[smem:$0x3FAE] =	sst s2  }
0x8f: {  	_ = 	snop  }
0x90: {  	(tm) =	ssettm $0x1  }
0x91: {  	s17 =	sld [smem:$0x3FFB];
	_ =	sdelay $0x3  }
0x92: {  	_ =	strace s17  }
0x93: {  	s2 =	sld [smem:$0x3FFC];
	_ =	sdelay $0x3  }
0x94: {  	_ =	strace s2  }
0x95: {  	s2 =	sld [smem:$0x3FFD];
	_ =	sdelay $0x3  }
0x96: {  	_ =	strace s2  }
0x97: {  	_ =	strace $0x8FFFFFFF  }
0x98: {  	s18 =	sld [smem:$0x3FDB];
	_ =	sdelay $0x1  }
0x99: {  	s19 =	simm.s32 $_scs_section_size  }
0x9a: {  	s4 =	simm.s32 $_size__tile_overlayer_lowered;
	s5 =	simm.s32 $_tile_overlayer_lowered  }
0x9b: {  	s22 =	simm.s32 $0x1BFF;
	s21 =	sshll.u32 s5, $0x1;
	s2 =	sadd.s32 s19, s18  }
0x9c: {  	s6 =	simm.s32 $0x0;
	s20 =	sshll.u32 s4, $0x1;
	s4 =	sadd.s32 s21, s2  }
0x9d: {  	[timem:s6], [sflag:s22] =	dma.local [hbm:s4], s20  }
0x9e: {  	_ =	swait.ge [sflag:s22], s20  }
0x9f: {  	s3 =	ssub.s32 $0x0, s20;
	[sflag:s22] =	ssyncset.done $0x0  }
0xa0: {  	[sflag:s22] =	ssyncadd.s32 s3;
	_ =	sdelay $0x1  }
0xa1: {  	s23 =	simm.s32 $0x1B8B  }
0xa2: {  	_ =	swait.ge [sflag:s23], $0x1  }
0xa3: {  	[sflag:s23] =	ssyncset.done $0x0  }
0xa4: {  	s25 =	simm.s32 $0x1B8E;
	s24 =	sld [smem:$0x3FFE];
	[sflag:s23] =	ssyncadd.s32 $0xFFFFFFFF  }
0xa5: {  	s26 =	simm.s32 $execute0_lowered;
	[smem:$0x3FD2] =	sst s25  }
0xa6: {  	s4 =	sshll.u32 s26, $0x1;
	_ =	strace $0x80000061;
	[dreg:$0x1] =	wrdreg $0xFFFFFFFF  }
0xa7: {  	s28 =	simm.s32 $_size_execute0_lowered;
	s2 =	sadd.s32 s2, s4;
	[dreg:$0x0] =	wrdreg $0x0  }
0xa8: {  	s4 =	sshll.u32 s28, $0x1;
	[dreg:$0x2] =	wrdreg s2  }
0xa9: {  	[dreg:$0x3] =	wrdreg s4  }
0xaa: {  	[dreg:$0x4] =	wrdreg $0xC0  }
0xab: {  	_ =	task [dreg:s6], $0x5FFFF  }
0xac: {  	[dreg:$0x1] =	wrdreg $0xFFFFFFFF  }
0xad: {  	[dreg:$0x0] =	wrdreg $0x60  }
0xae: {  	[dreg:$0x2] =	wrdreg s24  }
0xaf: {  	[dreg:$0x3] =	wrdreg $0x154000  }
0xb0: {  	[dreg:$0x4] =	wrdreg $0x9  }
0xb1: {  	_ =	task.clear_ibuf [dreg:s6], $0x5FFFF;
	_ =	strace $0x90000061  }
0xb2: {  	s29 =	simm.s32 $0x9;
	_ =	strace $0x80000063  }
0xb3: {  	_ =	swait.ge [sflag:s29], $0x1  }
0xb4: {  	[sflag:s29] =	ssyncadd.s32 $0xFFFFFFFF  }
0xb5: {  	_ =	strace $0x90000063  }
0xb6: {  	_ =	sfence  }
0xb7: {  	s30 =	sld [smem:$0x0];
	_ =	sdelay $0x2  }
0xb8: {  	s31 =	sshll.u32 s1, $0xD;
	s1 =	sshrl.u32 s1, $0x2  }
0xb9: {  	s3 =	sand.u32 $0x4000, s31;
	s1 =	sadd.s32 s1, s30  }
0xba: {  	s0 =	sor.u32 s3, s0;
	s1 =	sshll.u32 s1, $0x11  }
0xbb: {  	s0 =	sor.u32 s1, s0  }
0xbc: {  	s0 =	sadd.s32 $0x8F2B, s0  }
0xbd: {  	[sflag:s0] =	ssyncadd.remote.s32 $0x1  }
0xbe: {  	_ =	sfence.sel $0xFFFF  }
0xbf: {  	[dreg:$0x0] =	wrdreg $0xFFFFFFFF;
	(pc) =	sbr.abs _section_cstart, $3  }
0xc0: {  	[dreg:$0x1] =	wrdreg $0xFFFFFFFF  }
0xc1: {  	_ =	task.clear_ibuf [dreg:s6], $0x2FFFF;
	_ =	strace $0x9FFFFFFF  }
0xc2: {  	(tm) =	ssettm $0x7FFFFFFF  }
0xc3: {  	_ =	shalt  }
tec
execute0_lowered:
.L_overlay_start_1:
0x0: {  	(tag) =	ssettag $0x1  }
0x1: {  	s4 =	rddreg [dreg:$0x0]  }
0x2: {  	s2 =	rddreg [dreg:$0x1]  }
0x3: {  	s0 =	rddreg [dreg:$0x2];
	s1 =	stileid.u32  }
0x4: {  	s5 =	srdreg.scid;
	s3 =	simm.s32 $0x0;
	s13 =	simm.s32 $0x1400  }
0x5: {  	s14 =	simm.s32 $0x0;
	s5 =	sand.u32 $0x1, s5;
	s6 =	sshll.u32 s1, $0x1  }
0x6: {  	[smem:$0x7FF] =	sst s3;
	s7 =	smul.u32 $0x2800, s1;
	s6 =	sor.u32 s5, s6  }
0x7: {  	s31 =	sshll.u32 s1, $0x6;
	_ =	strace $0x80000062;
	s8 =	smul.u32 $0x280, s6  }
0x8: {  	s5 =	ssub.s32 $0x2, s5;
	s9 =	sshrl.u32 s7, $0x3;
	s6 =	smul.u32 $0x2800, s6  }
0x9: {  	s10 =	sshrl.u32 s5, $0x1;
	s12 =	sadd.s32 s7, s2;
	s9 =	sadd.s32 s9, s4  }
0xa: {  	s10 =	ssub.s32 s5, s10;
	s5 =	sor.u32 $0x1C02, s31;
	s8 =	sadd.s32 s8, s4  }
0xb: {  	s11 =	sadd.s32 s6, s4;
	s4 =	sadd.s32 $0x8E00, s9;
	s9 =	sshrl.u32 s12, $0x3  }
0xc: {  	s12 =	simm.s32 $0x1;
	s6 =	sadd.s32 $0xDE00, s8;
	s7 =	sadd.s32 $0x12E00, s11  }
0xd: {  	s8 =	smax.u32 s10, $0x1;
	s10 =	simm.s32 $0x2;
	s11 =	simm.s32 $0x80  }
.LBB2_1:
0xe: {  	[spmem:s9], [sflag:s5] =	dma.local [hbm:s4], $0x500  }
0xf: {  	_ =	swait.ge [sflag:s10], $0x500  }
0x10: {  	[sflag:s10] =	ssyncset.done $0x0  }
0x11: {  	[sflag:s10] =	ssyncadd.s32 $0xFFFFFB00  }
0x12: {  	[tilespmem:s3], [sflag:$0x2] =	stream.linear.gather [hbm4b:s6+s3], $0x1400, $0x38;
	[tilespmem:$0x17C00] =	vst v63  }
0x13: {  	_ =	swait.ge [sflag:s10], $0x1400  }
0x14: {  	[sflag:s10] =	ssyncset.done $0x0  }
0x15: {  	[sflag:s10] =	ssyncadd.s32 $0xFFFFEC00  }
0x16: {  	s15 =	simm.s32 $0x1400;
	s16 =	simm.s32 $0x0;
	[bflag:$0x0] =	sbarrier.arrive $0xFFFF  }
.LBB2_2:
0x17: {  	p0 =	sne.s32 s16, $0x4E00  }
.Ltmp0:
0x18: {  	_ = 	snop;
	(pc) =	sbr.rel @p0 .LBB2_2-.Ltmp0, $4  }
0x19: {  	_ = 	snop  }
0x1a: {  	s17 =	sshra.s32 s16, $0x2  }
0x1b: {  	[tilespmem:s15], [sflag:$0x1] =	stream.indirect.gather [spmem:s2], $0x10, s17, s11, $0xb8;
	[tilespmem:$0x17C00] =	vst v63  }
0x1c: {  	s16 =	sadd.s32 $0x200, s16;
	s15 =	sadd.s32 $0x800, s15  }
0x1d: {  	_ =	swait.ge [sflag:s12], $0x800  }
0x1e: {  	s15 =	simm.s32 $0x27;
	[sflag:s12] =	ssyncset.done $0x0  }
.LBB2_4:
0x1f: {  	p0 =	sne.s32 s15, $0x1;
	s15 =	sadd.s32 $0xFFFFFFFF, s15;
	[sflag:s12] =	ssyncadd.s32 $0xFFFFF800  }
.Ltmp1:
0x20: {  	(pc) =	sbr.rel @p0 .LBB2_4-.Ltmp1, $3  }
0x21: {  	_ =	sdelay $0x1  }
0x22: {  	_ =	swait.ge [sflag:s12], $0x800  }
0x23: {  	[sflag:s12] =	ssyncset.done $0x0  }
0x24: {  	s14 =	sadd.s32 $0x1, s14  }
0x25: {  	p0 =	sne.s32 s14, s8  }
.Ltmp2:
0x26: {  	[sflag:s12] =	ssyncadd.s32 $0xFFFFF800;
	(pc) =	sbr.rel @p0 .LBB2_1-.Ltmp2, $4  }
0x27: {  	[hbm4b:s7+s3] =	stream.linear.scatter [tilespmem:s13], [sflag:$0x2], $0x14000, $0x38;
	[tilespmem:$0x17C00] =	vst v63  }
0x28: {  	_ =	swait.ge [sflag:s10], $0x14000  }
0x29: {  	[sflag:s10] =	ssyncset.done $0x0  }
0x2a: {  	[sflag:s10] =	ssyncadd.s32 $0xFFFEC000  }
0x2b: {  	_ =	sfence.sel $0x180000  }
0x2c: {  	[bflag:$0x0] =	sbarrier.arrive $0xFFFF  }
0x2d: {  	p0 =	sne.s32 s1, $0x0;
	_ =	strace $0x90000062  }
0x2e: {  	s0 =	sadd.s32 @!p0 $0x100000, s0;
	[bflag:$0x2] =	sbarrier.arrive $0xFFFF  }
0x2f: {  	[sflag:s0] =	ssyncadd.tile.s32 @!p0 $0x1;
	_ =	shalt  }
.Lfunc_end2:
_tile_overlayer_lowered:
.L_overlay_start_2:
0x30: {  	(tag) =	ssettag $0x2  }
0x31: {  	s0 =	rddreg [dreg:$0x0];
	s2 =	stileid.u32  }
0x32: {  	s1 =	rddreg [dreg:$0x1];
	p0 =	sne.s32 s2, $0x0  }
0x33: {  	s3 =	rddreg [dreg:$0x2];
	[bflag:$0x3] =	sbarrier.arrive $0xFFFF;
	s2 =	simm.s32 @!p0 $0x1C02  }
0x34: {  	[timem:s3], [sflag:s2] =	dma.local @!p0 [hbm:s0], s1  }
0x35: {  	s0 =	simm.s32 @!p0 $0x2  }
0x36: {  	_ =	swait.ge @!p0 [sflag:s0], s1  }
0x37: {  	s1 =	ssub.s32 @!p0 $0x0, s1;
	[sflag:s0] =	ssyncset.done @!p0 $0x0  }
0x38: {  	[sflag:s0] =	ssyncadd.s32 @!p0 s1  }
0x39: {  	[bflag:$0x3] =	sbarrier.arrive $0xFFFF  }
0x3a: {  	_ =	shalt  }

// kernel: kernel.61.cloned.1.call-start
scs
__scs_entry_jumppad:
0x0: {  	(pc) =	sbr.rel $0x88, $3  }
0x1: {  	(tag) =	ssettag $0x0;
	lr =	simm.s32 $0x1  }
0x2: {  	[smem:$0x3F87] =	sst lr;
	_ =	strace $0xD0000000  }
0x3: {  	_ = 	snop  }
0x4: {  	_ = 	snop  }
0x5: {  	_ = 	snop  }
0x6: {  	_ = 	snop  }
0x7: {  	_ = 	snop  }
__scs_overlays_trampoline_lowered:
0x8: {  	[smem:$0x3F96] =	sst s0  }
0x9: {  	[smem:$0x3F97] =	sst s1  }
0xa: {  	[smem:$0x3F98] =	sst s2  }
0xb: {  	[smem:$0x3F99] =	sst s3  }
0xc: {  	[smem:$0x3F9A] =	sst s4  }
0xd: {  	[smem:$0x3F9B] =	sst s5  }
0xe: {  	[smem:$0x3F9C] =	sst s6  }
0xf: {  	[smem:$0x3F9D] =	sst s7  }
0x10: {  	[smem:$0x3F9E] =	sst s8  }
0x11: {  	[smem:$0x3F9F] =	sst s9;
	s0 =	simm.s32 @!p0 $0x0  }
0x12: {  	s1 =	sld [smem:$0x3F85];
	s0 =	simm.s32 @p0 $0x1  }
0x13: {  	[smem:$0x3FA0] =	sst s0;
	s0 =	simm.s32 @!p1 $0x0  }
0x14: {  	s2 =	sld [smem:$0x3F84];
	s0 =	simm.s32 @p1 $0x1  }
0x15: {  	[smem:$0x3FA1] =	sst s0;
	s0 =	simm.s32 @!p2 $0x0  }
0x16: {  	s3 =	sld [smem:$0x3FDB];
	s0 =	simm.s32 @p2 $0x1  }
0x17: {  	s4 =	simm.s32 $0x1BF5;
	[smem:$0x3FA3] =	sst s0  }
0x18: {  	s0 =	sld [smem:$0x3F86];
	_ =	swait.ge [sflag:s4], $0x0  }
0x19: {  	s7 =	sld [smem:$0x3F87]  }
0x1a: {  	s8 =	sadd.s32 $0xFFFFE003, lr  }
0x1b: {  	s9 =	sadd.s32 $0xFFFFFEF7, lr;
	s5 =	simm.s32 $0xFFFFFFFF;
	p2 =	slt.u32 s8, $0xFFFFF086  }
0x1c: {  	p1 =	slt.u32 s9, $0xF7A;
	s5 =	simm.s32 @!p2 $0x0  }
0x1d: {  	s5 =	simm.s32 @p1 $0x1;
	p0 =	seq.s32 s7, s2  }
0x1e: {  	s7 =	smul.u32 @!p0 $0xF7A, s2;
	p2 =	seq.s32 @!p0 s5, $0x0  }
0x1f: {  	s9 =	smul.u32 $0xF7A, s1;
	s8 =	simm.s32 @!p0 $0x1BF5;
	p2 =	por !p2, p0  }
0x20: {  	[sflag:s8] =	ssyncset.s32 @!p0 $0xFFFFF086;
	s6 =	sadd.s32 @!p0 s3, s7;
	s7 =	simm.s32 @!p0 $0x108  }
0x21: {  	s3 =	sadd.s32 s3, s9;
	s6 =	sadd.s32 @!p0 $0x88, s6;
	s7 =	simm.s32 @p2 $0x1082  }
0x22: {  	[simem:s7], [sflag:s8] =	dma.local @!p0 [hbm:s6], $0xF7A  }
0x23: {  	s9 =	sor.u32 $0xD0000000, s2;
	s6 =	simm.s32 $0x108;
	_ =	swait.ge @!p0 [sflag:s8], $0x0  }
0x24: {  	s3 =	sadd.s32 $0x88, s3;
	s6 =	simm.s32 @!p1 $0x1082;
	[sflag:s4] =	ssyncset.s32 $0xFFFFF086  }
0x25: {  	[simem:s6], [sflag:s4] =	dma.local [hbm:s3], $0xF7A  }
0x26: {  	[smem:$0x3F87] =	sst s1;
	(tag) =	ssettag s2;
	_ =	strace s9  }
0x27: {  	s1 =	sld [smem:$0x3F97]  }
0x28: {  	s2 =	sld [smem:$0x3F98]  }
0x29: {  	s4 =	sld [smem:$0x3F9A]  }
0x2a: {  	p0 =	seq.s32 s5, $0x0;
	s5 =	sld [smem:$0x3F9B]  }
0x2b: {  	s6 =	sld [smem:$0x3F9C]  }
0x2c: {  	s7 =	sld [smem:$0x3F9D]  }
0x2d: {  	s3 =	simm.s32 $0x108;
	s8 =	sld [smem:$0x3F9E]  }
0x2e: {  	s3 =	simm.s32 @!p0 $0x1082;
	s9 =	sld [smem:$0x3F9F]  }
0x2f: {  	lr =	sadd.s32 s0, s3;
	s0 =	sld [smem:$0x3F96]  }
0x30: {  	s3 =	sld [smem:$0x3F99]  }
0x31: {  	[smem:$0x3FA2] =	sst s10  }
0x32: {  	s10 =	sld [smem:$0x3FA0];
	_ =	sdelay $0x3  }
0x33: {  	p0 =	seq.s32 s10, $0x1;
	s10 =	sld [smem:$0x3FA2];
	_ =	sdelay $0x3  }
0x34: {  	[smem:$0x3FA2] =	sst s10  }
0x35: {  	s10 =	sld [smem:$0x3FA1];
	_ =	sdelay $0x3  }
0x36: {  	p1 =	seq.s32 s10, $0x1;
	s10 =	sld [smem:$0x3FA2];
	_ =	sdelay $0x3  }
0x37: {  	[smem:$0x3FA2] =	sst s10  }
0x38: {  	s10 =	sld [smem:$0x3FA3]  }
0x39: {  	_ = 	snop;
	(pc) =	sbr.ind lr, $3  }
0x3a: {  	_ = 	snop  }
0x3b: {  	_ = 	snop  }
0x3c: {  	p2 =	seq.s32 s10, $0x1;
	s10 =	sld [smem:$0x3FA2]  }
0x3d: {  	_ =	shalt  }
0x3e: {  	_ =	shalt  }
0x3f: {  	_ =	shalt  }
0x40: {  	_ =	shalt  }
0x41: {  	_ =	shalt  }
0x42: {  	_ =	shalt  }
0x43: {  	_ =	shalt  }
0x44: {  	_ =	shalt  }
0x45: {  	_ =	shalt  }
0x46: {  	_ =	shalt  }
0x47: {  	_ =	shalt  }
0x48: {  	_ =	shalt  }
0x49: {  	_ =	shalt  }
0x4a: {  	_ =	shalt  }
0x4b: {  	_ =	shalt  }
0x4c: {  	_ =	shalt  }
0x4d: {  	_ =	shalt  }
0x4e: {  	_ =	shalt  }
0x4f: {  	_ =	shalt  }
0x50: {  	_ =	shalt  }
0x51: {  	_ =	shalt  }
0x52: {  	_ =	shalt  }
0x53: {  	_ =	shalt  }
0x54: {  	_ =	shalt  }
0x55: {  	_ =	shalt  }
0x56: {  	_ =	shalt  }
0x57: {  	_ =	shalt  }
0x58: {  	_ =	shalt  }
0x59: {  	_ =	shalt  }
0x5a: {  	_ =	shalt  }
0x5b: {  	_ =	shalt  }
0x5c: {  	_ =	shalt  }
0x5d: {  	_ =	shalt  }
0x5e: {  	_ =	shalt  }
0x5f: {  	_ =	shalt  }
0x60: {  	_ =	shalt  }
0x61: {  	_ =	shalt  }
0x62: {  	_ =	shalt  }
0x63: {  	_ =	shalt  }
0x64: {  	_ =	shalt  }
0x65: {  	_ =	shalt  }
0x66: {  	_ =	shalt  }
0x67: {  	_ =	shalt  }
0x68: {  	_ =	shalt  }
0x69: {  	_ =	shalt  }
0x6a: {  	_ =	shalt  }
0x6b: {  	_ =	shalt  }
0x6c: {  	_ =	shalt  }
0x6d: {  	_ =	shalt  }
0x6e: {  	_ =	shalt  }
0x6f: {  	_ =	shalt  }
0x70: {  	_ =	shalt  }
0x71: {  	_ =	shalt  }
0x72: {  	_ =	shalt  }
0x73: {  	_ =	shalt  }
0x74: {  	_ =	shalt  }
0x75: {  	_ =	shalt  }
0x76: {  	_ =	shalt  }
0x77: {  	_ =	shalt  }
0x78: {  	_ =	shalt  }
0x79: {  	_ =	shalt  }
0x7a: {  	_ =	shalt  }
0x7b: {  	_ =	shalt  }
0x7c: {  	_ =	shalt  }
0x7d: {  	_ =	shalt  }
0x7e: {  	_ =	shalt  }
0x7f: {  	_ =	shalt  }
0x80: {  	_ =	shalt  }
0x81: {  	_ =	shalt  }
0x82: {  	_ =	shalt  }
0x83: {  	_ =	shalt  }
0x84: {  	_ =	shalt  }
0x85: {  	_ =	shalt  }
0x86: {  	_ =	shalt  }
0x87: {  	_ =	shalt  }
.Lfunc_end0:
.L_simem_size_0:
called_computation.10_lowered:
.L_overlay_start_0:
0x88: {  	s2 =	sld [smem:$0x3FD9]  }
0x89: {  	s3 =	sld [smem:$0x3FFE];
	_ =	sdelay $0x1  }
0x8a: {  	s1 =	srdreg.scid  }
0x8b: {  	s0 =	sand.u32 $0x1, s1  }
0x8c: {  	s16 =	sshll.u32 s0, $0xA;
	s2 =	sadd.s32 s3, s2  }
0x8d: {  	s2 =	sadd.s32 s2, s16  }
0x8e: {  	[smem:$0x3FAE] =	sst s2  }
0x8f: {  	_ = 	snop  }
0x90: {  	(tm) =	ssettm $0x1  }
0x91: {  	s17 =	sld [smem:$0x3FFB];
	_ =	sdelay $0x3  }
0x92: {  	_ =	strace s17  }
0x93: {  	s2 =	sld [smem:$0x3FFC];
	_ =	sdelay $0x3  }
0x94: {  	_ =	strace s2  }
0x95: {  	s2 =	sld [smem:$0x3FFD];
	_ =	sdelay $0x3  }
0x96: {  	_ =	strace s2  }
0x97: {  	_ =	strace $0x8FFFFFFF  }
0x98: {  	s18 =	sld [smem:$0x3FDB];
	_ =	sdelay $0x1  }
0x99: {  	s19 =	simm.s32 $_scs_section_size  }
0x9a: {  	s4 =	simm.s32 $_size__tile_overlayer_lowered;
	s5 =	simm.s32 $_tile_overlayer_lowered  }
0x9b: {  	s22 =	simm.s32 $0x1BFF;
	s21 =	sshll.u32 s5, $0x1;
	s2 =	sadd.s32 s19, s18  }
0x9c: {  	s6 =	simm.s32 $0x0;
	s20 =	sshll.u32 s4, $0x1;
	s4 =	sadd.s32 s21, s2  }
0x9d: {  	[timem:s6], [sflag:s22] =	dma.local [hbm:s4], s20  }
0x9e: {  	_ =	swait.ge [sflag:s22], s20  }
0x9f: {  	s3 =	ssub.s32 $0x0, s20;
	[sflag:s22] =	ssyncset.done $0x0  }
0xa0: {  	[sflag:s22] =	ssyncadd.s32 s3;
	_ =	sdelay $0x1  }
0xa1: {  	s23 =	simm.s32 $0x1B8B  }
0xa2: {  	_ =	swait.ge [sflag:s23], $0x1  }
0xa3: {  	[sflag:s23] =	ssyncset.done $0x0  }
0xa4: {  	s25 =	simm.s32 $0x1B8E;
	s24 =	sld [smem:$0x3FFE];
	[sflag:s23] =	ssyncadd.s32 $0xFFFFFFFF  }
0xa5: {  	s26 =	simm.s32 $execute0_lowered;
	[smem:$0x3FD2] =	sst s25  }
0xa6: {  	s4 =	sshll.u32 s26, $0x1;
	_ =	strace $0x80000064;
	[dreg:$0x1] =	wrdreg $0xFFFFFFFF  }
0xa7: {  	s28 =	simm.s32 $_size_execute0_lowered;
	s2 =	sadd.s32 s2, s4;
	[dreg:$0x0] =	wrdreg $0x0  }
0xa8: {  	s4 =	sshll.u32 s28, $0x1;
	[dreg:$0x2] =	wrdreg s2  }
0xa9: {  	[dreg:$0x3] =	wrdreg s4  }
0xaa: {  	[dreg:$0x4] =	wrdreg $0xC0  }
0xab: {  	_ =	task [dreg:s6], $0x5FFFF  }
0xac: {  	[dreg:$0x1] =	wrdreg $0xFFFFFFFF  }
0xad: {  	[dreg:$0x0] =	wrdreg $0x60  }
0xae: {  	[dreg:$0x2] =	wrdreg s24  }
0xaf: {  	[dreg:$0x3] =	wrdreg $0x154000  }
0xb0: {  	[dreg:$0x4] =	wrdreg $0x9  }
0xb1: {  	_ =	task.clear_ibuf [dreg:s6], $0x5FFFF;
	_ =	strace $0x90000064  }
0xb2: {  	s29 =	simm.s32 $0x9;
	_ =	strace $0x80000066  }
0xb3: {  	_ =	swait.ge [sflag:s29], $0x1  }
0xb4: {  	[sflag:s29] =	ssyncadd.s32 $0xFFFFFFFF  }
0xb5: {  	_ =	strace $0x90000066  }
0xb6: {  	_ =	sfence  }
0xb7: {  	s30 =	sld [smem:$0x0];
	_ =	sdelay $0x2  }
0xb8: {  	s31 =	sshll.u32 s1, $0xD;
	s1 =	sshrl.u32 s1, $0x2  }
0xb9: {  	s3 =	sand.u32 $0x4000, s31;
	s1 =	sadd.s32 s1, s30  }
0xba: {  	s0 =	sor.u32 s3, s0;
	s1 =	sshll.u32 s1, $0x11  }
0xbb: {  	s0 =	sor.u32 s1, s0  }
0xbc: {  	s0 =	sadd.s32 $0x8F2B, s0  }
0xbd: {  	[sflag:s0] =	ssyncadd.remote.s32 $0x1  }
0xbe: {  	_ =	sfence.sel $0xFFFF  }
0xbf: {  	[dreg:$0x0] =	wrdreg $0xFFFFFFFF;
	(pc) =	sbr.abs _section_cstart, $3  }
0xc0: {  	[dreg:$0x1] =	wrdreg $0xFFFFFFFF  }
0xc1: {  	_ =	task.clear_ibuf [dreg:s6], $0x2FFFF;
	_ =	strace $0x9FFFFFFF  }
0xc2: {  	(tm) =	ssettm $0x7FFFFFFF  }
0xc3: {  	_ =	shalt  }
tec
execute0_lowered:
.L_overlay_start_1:
0x0: {  	(tag) =	ssettag $0x1  }
0x1: {  	s1 =	srdreg.scid;
	s5 =	rddreg [dreg:$0x0]  }
0x2: {  	s0 =	stileid.u32;
	s2 =	rddreg [dreg:$0x1];
	s3 =	simm.s32 $0x0  }
0x3: {  	s4 =	sand.u32 $0x1, s1;
	s28 =	sshll.u32 s0, $0x1;
	s8 =	smul.u32 $0x2800, s0  }
0x4: {  	s13 =	simm.s32 $0x1;
	s1 =	sor.u32 s4, s28;
	s9 =	smul.u32 $0x28000, s4  }
0x5: {  	s14 =	simm.s32 $0x0;
	[smem:$0x7FF] =	sst s3;
	s6 =	smul.u32 $0x2800, s1  }
0x6: {  	s31 =	sshll.u32 s0, $0x6;
	s4 =	ssub.s32 $0x2, s4;
	s7 =	smul.u32 $0x280, s1  }
0x7: {  	s1 =	rddreg [dreg:$0x2];
	_ =	strace $0x80000065;
	s30 =	sshrl.u32 s8, $0x3  }
0x8: {  	s11 =	sshrl.u32 s4, $0x1;
	s12 =	sadd.s32 s8, s2;
	s9 =	sadd.s32 s8, s9  }
0x9: {  	s11 =	ssub.s32 s4, s11;
	s10 =	sadd.s32 s6, s5;
	s9 =	sshrl.u32 s9, $0x3  }
0xa: {  	s29 =	sadd.s32 s7, s5;
	s7 =	sadd.s32 s30, s5;
	s9 =	sadd.s32 s9, s5  }
0xb: {  	s4 =	sadd.s32 $0x67E00, s7;
	s5 =	sor.u32 $0x1C02, s31;
	s6 =	sadd.s32 $0x62E00, s29  }
0xc: {  	s7 =	sadd.s32 $0x12E00, s10;
	s10 =	sshrl.u32 s12, $0x3;
	s12 =	simm.s32 $0x80  }
0xd: {  	s8 =	sadd.s32 $0x6CE00, s9;
	s9 =	smax.u32 s11, $0x1;
	s11 =	simm.s32 $0x2  }
.LBB2_1:
0xe: {  	[spmem:s10], [sflag:s5] =	dma.local [hbm:s4], $0x500  }
0xf: {  	_ =	swait.ge [sflag:s11], $0x500  }
0x10: {  	[sflag:s11] =	ssyncset.done $0x0  }
0x11: {  	[sflag:s11] =	ssyncadd.s32 $0xFFFFFB00  }
0x12: {  	[tilespmem:s3], [sflag:$0x2] =	stream.linear.gather [hbm4b:s6+s3], $0x1400, $0x38;
	[tilespmem:$0x17C00] =	vst v63  }
0x13: {  	_ =	swait.ge [sflag:s11], $0x1400  }
0x14: {  	[sflag:s11] =	ssyncset.done $0x0  }
0x15: {  	s15 =	simm.s32 $0x1400;
	[sflag:s11] =	ssyncadd.s32 $0xFFFFEC00  }
0x16: {  	[tilespmem:s15], [sflag:$0x2] =	stream.linear.gather [hbm4b:s7+s3], $0x14000, $0x38;
	[tilespmem:$0x17C00] =	vst v63  }
0x17: {  	_ =	swait.ge [sflag:s11], $0x14000  }
0x18: {  	[sflag:s11] =	ssyncset.done $0x0  }
0x19: {  	[sflag:s11] =	ssyncadd.s32 $0xFFFEC000  }
0x1a: {  	s16 =	simm.s32 $0x0;
	[bflag:$0x0] =	sbarrier.arrive $0xFFFF  }
.LBB2_2:
0x1b: {  	p0 =	sne.s32 s16, $0x4E00  }
.Ltmp0:
0x1c: {  	_ = 	snop;
	(pc) =	sbr.rel @p0 .LBB2_2-.Ltmp0, $4  }
0x1d: {  	_ = 	snop  }
0x1e: {  	s17 =	sshra.s32 s16, $0x2  }
0x1f: {  	[spmem:s2] =	stream.indirect.scatter.add.f32 [tilespmem:s15], [sflag:$0x1], $0x10, s17, s12, $0xb8;
	[tilespmem:$0x17C00] =	vst v63  }
0x20: {  	s16 =	sadd.s32 $0x200, s16;
	s15 =	sadd.s32 $0x800, s15  }
0x21: {  	_ =	swait.ge [sflag:s13], $0x800  }
0x22: {  	s15 =	simm.s32 $0x27;
	[sflag:s13] =	ssyncset.done $0x0  }
.LBB2_4:
0x23: {  	p0 =	sne.s32 s15, $0x1;
	s15 =	sadd.s32 $0xFFFFFFFF, s15;
	[sflag:s13] =	ssyncadd.s32 $0xFFFFF800  }
.Ltmp1:
0x24: {  	(pc) =	sbr.rel @p0 .LBB2_4-.Ltmp1, $3  }
0x25: {  	_ =	sdelay $0x1  }
0x26: {  	_ =	swait.ge [sflag:s13], $0x800  }
0x27: {  	[sflag:s13] =	ssyncset.done $0x0  }
0x28: {  	s14 =	sadd.s32 $0x1, s14  }
0x29: {  	[sflag:s13] =	ssyncadd.s32 $0xFFFFF800;
	p0 =	sne.s32 s14, s9  }
.Ltmp2:
0x2a: {  	[bflag:$0x0] =	sbarrier.arrive $0xFFFF;
	(pc) =	sbr.rel @p0 .LBB2_1-.Ltmp2, $4  }
0x2b: {  	[hbm:s8], [sflag:s5] =	dma.local [spmem:s10], $0x500  }
0x2c: {  	_ =	swait.ge [sflag:s11], $0x500  }
0x2d: {  	[sflag:s11] =	ssyncset.done $0x0  }
0x2e: {  	[sflag:s11] =	ssyncadd.s32 $0xFFFFFB00  }
0x2f: {  	_ =	sfence.sel $0x180000  }
0x30: {  	[bflag:$0x0] =	sbarrier.arrive $0xFFFF  }
0x31: {  	p0 =	sne.s32 s0, $0x0;
	_ =	strace $0x90000065  }
0x32: {  	s0 =	sadd.s32 @!p0 $0x100000, s1;
	[bflag:$0x2] =	sbarrier.arrive $0xFFFF  }
0x33: {  	[sflag:s0] =	ssyncadd.tile.s32 @!p0 $0x1;
	_ =	shalt  }
.Lfunc_end2:
_tile_overlayer_lowered:
.L_overlay_start_2:
0x34: {  	(tag) =	ssettag $0x2  }
0x35: {  	s0 =	rddreg [dreg:$0x0];
	s2 =	stileid.u32  }
0x36: {  	s1 =	rddreg [dreg:$0x1];
	p0 =	sne.s32 s2, $0x0  }
0x37: {  	s3 =	rddreg [dreg:$0x2];
	[bflag:$0x3] =	sbarrier.arrive $0xFFFF;
	s2 =	simm.s32 @!p0 $0x1C02  }
0x38: {  	[timem:s3], [sflag:s2] =	dma.local @!p0 [hbm:s0], s1  }
0x39: {  	s0 =	simm.s32 @!p0 $0x2  }
0x3a: {  	_ =	swait.ge @!p0 [sflag:s0], s1  }
0x3b: {  	s1 =	ssub.s32 @!p0 $0x0, s1;
	[sflag:s0] =	ssyncset.done @!p0 $0x0  }
0x3c: {  	[sflag:s0] =	ssyncadd.s32 @!p0 s1  }
0x3d: {  	[bflag:$0x3] =	sbarrier.arrive $0xFFFF  }
0x3e: {  	_ =	shalt  }

// kernel: kernel.64.cloned.1.call-start
scs
__scs_entry_jumppad:
0x0: {  	(pc) =	sbr.rel $0x88, $3  }
0x1: {  	(tag) =	ssettag $0x0;
	lr =	simm.s32 $0x1  }
0x2: {  	[smem:$0x3F87] =	sst lr;
	_ =	strace $0xD0000000  }
0x3: {  	_ = 	snop  }
0x4: {  	_ = 	snop  }
0x5: {  	_ = 	snop  }
0x6: {  	_ = 	snop  }
0x7: {  	_ = 	snop  }
__scs_overlays_trampoline_lowered:
0x8: {  	[smem:$0x3F96] =	sst s0  }
0x9: {  	[smem:$0x3F97] =	sst s1  }
0xa: {  	[smem:$0x3F98] =	sst s2  }
0xb: {  	[smem:$0x3F99] =	sst s3  }
0xc: {  	[smem:$0x3F9A] =	sst s4  }
0xd: {  	[smem:$0x3F9B] =	sst s5  }
0xe: {  	[smem:$0x3F9C] =	sst s6  }
0xf: {  	[smem:$0x3F9D] =	sst s7  }
0x10: {  	[smem:$0x3F9E] =	sst s8  }
0x11: {  	[smem:$0x3F9F] =	sst s9;
	s0 =	simm.s32 @!p0 $0x0  }
0x12: {  	s1 =	sld [smem:$0x3F85];
	s0 =	simm.s32 @p0 $0x1  }
0x13: {  	[smem:$0x3FA0] =	sst s0;
	s0 =	simm.s32 @!p1 $0x0  }
0x14: {  	s2 =	sld [smem:$0x3F84];
	s0 =	simm.s32 @p1 $0x1  }
0x15: {  	[smem:$0x3FA1] =	sst s0;
	s0 =	simm.s32 @!p2 $0x0  }
0x16: {  	s3 =	sld [smem:$0x3FDB];
	s0 =	simm.s32 @p2 $0x1  }
0x17: {  	s4 =	simm.s32 $0x1BF5;
	[smem:$0x3FA3] =	sst s0  }
0x18: {  	s0 =	sld [smem:$0x3F86];
	_ =	swait.ge [sflag:s4], $0x0  }
0x19: {  	s7 =	sld [smem:$0x3F87]  }
0x1a: {  	s8 =	sadd.s32 $0xFFFFE003, lr  }
0x1b: {  	s9 =	sadd.s32 $0xFFFFFEF7, lr;
	s5 =	simm.s32 $0xFFFFFFFF;
	p2 =	slt.u32 s8, $0xFFFFF086  }
0x1c: {  	p1 =	slt.u32 s9, $0xF7A;
	s5 =	simm.s32 @!p2 $0x0  }
0x1d: {  	s5 =	simm.s32 @p1 $0x1;
	p0 =	seq.s32 s7, s2  }
0x1e: {  	s7 =	smul.u32 @!p0 $0xF7A, s2;
	p2 =	seq.s32 @!p0 s5, $0x0  }
0x1f: {  	s9 =	smul.u32 $0xF7A, s1;
	s8 =	simm.s32 @!p0 $0x1BF5;
	p2 =	por !p2, p0  }
0x20: {  	[sflag:s8] =	ssyncset.s32 @!p0 $0xFFFFF086;
	s6 =	sadd.s32 @!p0 s3, s7;
	s7 =	simm.s32 @!p0 $0x108  }
0x21: {  	s3 =	sadd.s32 s3, s9;
	s6 =	sadd.s32 @!p0 $0x88, s6;
	s7 =	simm.s32 @p2 $0x1082  }
0x22: {  	[simem:s7], [sflag:s8] =	dma.local @!p0 [hbm:s6], $0xF7A  }
0x23: {  	s9 =	sor.u32 $0xD0000000, s2;
	s6 =	simm.s32 $0x108;
	_ =	swait.ge @!p0 [sflag:s8], $0x0  }
0x24: {  	s3 =	sadd.s32 $0x88, s3;
	s6 =	simm.s32 @!p1 $0x1082;
	[sflag:s4] =	ssyncset.s32 $0xFFFFF086  }
0x25: {  	[simem:s6], [sflag:s4] =	dma.local [hbm:s3], $0xF7A  }
0x26: {  	[smem:$0x3F87] =	sst s1;
	(tag) =	ssettag s2;
	_ =	strace s9  }
0x27: {  	s1 =	sld [smem:$0x3F97]  }
0x28: {  	s2 =	sld [smem:$0x3F98]  }
0x29: {  	s4 =	sld [smem:$0x3F9A]  }
0x2a: {  	p0 =	seq.s32 s5, $0x0;
	s5 =	sld [smem:$0x3F9B]  }
0x2b: {  	s6 =	sld [smem:$0x3F9C]  }
0x2c: {  	s7 =	sld [smem:$0x3F9D]  }
0x2d: {  	s3 =	simm.s32 $0x108;
	s8 =	sld [smem:$0x3F9E]  }
0x2e: {  	s3 =	simm.s32 @!p0 $0x1082;
	s9 =	sld [smem:$0x3F9F]  }
0x2f: {  	lr =	sadd.s32 s0, s3;
	s0 =	sld [smem:$0x3F96]  }
0x30: {  	s3 =	sld [smem:$0x3F99]  }
0x31: {  	[smem:$0x3FA2] =	sst s10  }
0x32: {  	s10 =	sld [smem:$0x3FA0];
	_ =	sdelay $0x3  }
0x33: {  	p0 =	seq.s32 s10, $0x1;
	s10 =	sld [smem:$0x3FA2];
	_ =	sdelay $0x3  }
0x34: {  	[smem:$0x3FA2] =	sst s10  }
0x35: {  	s10 =	sld [smem:$0x3FA1];
	_ =	sdelay $0x3  }
0x36: {  	p1 =	seq.s32 s10, $0x1;
	s10 =	sld [smem:$0x3FA2];
	_ =	sdelay $0x3  }
0x37: {  	[smem:$0x3FA2] =	sst s10  }
0x38: {  	s10 =	sld [smem:$0x3FA3]  }
0x39: {  	_ = 	snop;
	(pc) =	sbr.ind lr, $3  }
0x3a: {  	_ = 	snop  }
0x3b: {  	_ = 	snop  }
0x3c: {  	p2 =	seq.s32 s10, $0x1;
	s10 =	sld [smem:$0x3FA2]  }
0x3d: {  	_ =	shalt  }
0x3e: {  	_ =	shalt  }
0x3f: {  	_ =	shalt  }
0x40: {  	_ =	shalt  }
0x41: {  	_ =	shalt  }
0x42: {  	_ =	shalt  }
0x43: {  	_ =	shalt  }
0x44: {  	_ =	shalt  }
0x45: {  	_ =	shalt  }
0x46: {  	_ =	shalt  }
0x47: {  	_ =	shalt  }
0x48: {  	_ =	shalt  }
0x49: {  	_ =	shalt  }
0x4a: {  	_ =	shalt  }
0x4b: {  	_ =	shalt  }
0x4c: {  	_ =	shalt  }
0x4d: {  	_ =	shalt  }
0x4e: {  	_ =	shalt  }
0x4f: {  	_ =	shalt  }
0x50: {  	_ =	shalt  }
0x51: {  	_ =	shalt  }
0x52: {  	_ =	shalt  }
0x53: {  	_ =	shalt  }
0x54: {  	_ =	shalt  }
0x55: {  	_ =	shalt  }
0x56: {  	_ =	shalt  }
0x57: {  	_ =	shalt  }
0x58: {  	_ =	shalt  }
0x59: {  	_ =	shalt  }
0x5a: {  	_ =	shalt  }
0x5b: {  	_ =	shalt  }
0x5c: {  	_ =	shalt  }
0x5d: {  	_ =	shalt  }
0x5e: {  	_ =	shalt  }
0x5f: {  	_ =	shalt  }
0x60: {  	_ =	shalt  }
0x61: {  	_ =	shalt  }
0x62: {  	_ =	shalt  }
0x63: {  	_ =	shalt  }
0x64: {  	_ =	shalt  }
0x65: {  	_ =	shalt  }
0x66: {  	_ =	shalt  }
0x67: {  	_ =	shalt  }
0x68: {  	_ =	shalt  }
0x69: {  	_ =	shalt  }
0x6a: {  	_ =	shalt  }
0x6b: {  	_ =	shalt  }
0x6c: {  	_ =	shalt  }
0x6d: {  	_ =	shalt  }
0x6e: {  	_ =	shalt  }
0x6f: {  	_ =	shalt  }
0x70: {  	_ =	shalt  }
0x71: {  	_ =	shalt  }
0x72: {  	_ =	shalt  }
0x73: {  	_ =	shalt  }
0x74: {  	_ =	shalt  }
0x75: {  	_ =	shalt  }
0x76: {  	_ =	shalt  }
0x77: {  	_ =	shalt  }
0x78: {  	_ =	shalt  }
0x79: {  	_ =	shalt  }
0x7a: {  	_ =	shalt  }
0x7b: {  	_ =	shalt  }
0x7c: {  	_ =	shalt  }
0x7d: {  	_ =	shalt  }
0x7e: {  	_ =	shalt  }
0x7f: {  	_ =	shalt  }
0x80: {  	_ =	shalt  }
0x81: {  	_ =	shalt  }
0x82: {  	_ =	shalt  }
0x83: {  	_ =	shalt  }
0x84: {  	_ =	shalt  }
0x85: {  	_ =	shalt  }
0x86: {  	_ =	shalt  }
0x87: {  	_ =	shalt  }
.Lfunc_end0:
.L_simem_size_0:
called_computation.11_lowered:
.L_overlay_start_0:
0x88: {  	s2 =	sld [smem:$0x3FD9]  }
0x89: {  	s3 =	sld [smem:$0x3FFE];
	_ =	sdelay $0x1  }
0x8a: {  	s1 =	srdreg.scid  }
0x8b: {  	s0 =	sand.u32 $0x1, s1  }
0x8c: {  	s16 =	sshll.u32 s0, $0xA;
	s2 =	sadd.s32 s3, s2  }
0x8d: {  	s2 =	sadd.s32 s2, s16  }
0x8e: {  	[smem:$0x3FAE] =	sst s2  }
0x8f: {  	_ = 	snop  }
0x90: {  	(tm) =	ssettm $0x1  }
0x91: {  	s17 =	sld [smem:$0x3FFB];
	_ =	sdelay $0x3  }
0x92: {  	_ =	strace s17  }
0x93: {  	s2 =	sld [smem:$0x3FFC];
	_ =	sdelay $0x3  }
0x94: {  	_ =	strace s2  }
0x95: {  	s2 =	sld [smem:$0x3FFD];
	_ =	sdelay $0x3  }
0x96: {  	_ =	strace s2  }
0x97: {  	_ =	strace $0x8FFFFFFF  }
0x98: {  	s18 =	sld [smem:$0x3FDB];
	_ =	sdelay $0x1  }
0x99: {  	s19 =	simm.s32 $_scs_section_size  }
0x9a: {  	s4 =	simm.s32 $_size__tile_overlayer_lowered;
	s5 =	simm.s32 $_tile_overlayer_lowered  }
0x9b: {  	s22 =	simm.s32 $0x1BFF;
	s21 =	sshll.u32 s5, $0x1;
	s2 =	sadd.s32 s19, s18  }
0x9c: {  	s6 =	simm.s32 $0x0;
	s20 =	sshll.u32 s4, $0x1;
	s4 =	sadd.s32 s21, s2  }
0x9d: {  	[timem:s6], [sflag:s22] =	dma.local [hbm:s4], s20  }
0x9e: {  	_ =	swait.ge [sflag:s22], s20  }
0x9f: {  	s3 =	ssub.s32 $0x0, s20;
	[sflag:s22] =	ssyncset.done $0x0  }
0xa0: {  	[sflag:s22] =	ssyncadd.s32 s3;
	_ =	sdelay $0x1  }
0xa1: {  	s23 =	simm.s32 $0x1B8B  }
0xa2: {  	_ =	swait.ge [sflag:s23], $0x1  }
0xa3: {  	[sflag:s23] =	ssyncset.done $0x0  }
0xa4: {  	s25 =	simm.s32 $0x1B8E;
	s24 =	sld [smem:$0x3FFE];
	[sflag:s23] =	ssyncadd.s32 $0xFFFFFFFF  }
0xa5: {  	s26 =	simm.s32 $execute0_lowered;
	[smem:$0x3FD2] =	sst s25  }
0xa6: {  	s4 =	sshll.u32 s26, $0x1;
	_ =	strace $0x80000067;
	[dreg:$0x1] =	wrdreg $0xFFFFFFFF  }
0xa7: {  	s28 =	simm.s32 $_size_execute0_lowered;
	s2 =	sadd.s32 s2, s4;
	[dreg:$0x0] =	wrdreg $0x0  }
0xa8: {  	s4 =	sshll.u32 s28, $0x1;
	[dreg:$0x2] =	wrdreg s2  }
0xa9: {  	[dreg:$0x3] =	wrdreg s4  }
0xaa: {  	[dreg:$0x4] =	wrdreg $0xC0  }
0xab: {  	_ =	task [dreg:s6], $0x5FFFF  }
0xac: {  	[dreg:$0x1] =	wrdreg $0xFFFFFFFF  }
0xad: {  	[dreg:$0x0] =	wrdreg $0x60  }
0xae: {  	[dreg:$0x2] =	wrdreg s24  }
0xaf: {  	[dreg:$0x3] =	wrdreg $0x154000  }
0xb0: {  	[dreg:$0x4] =	wrdreg $0x9  }
0xb1: {  	_ =	task.clear_ibuf [dreg:s6], $0x5FFFF;
	_ =	strace $0x90000067  }
0xb2: {  	s29 =	simm.s32 $0x9;
	_ =	strace $0x80000069  }
0xb3: {  	_ =	swait.ge [sflag:s29], $0x1  }
0xb4: {  	[sflag:s29] =	ssyncadd.s32 $0xFFFFFFFF  }
0xb5: {  	_ =	strace $0x90000069  }
0xb6: {  	_ =	sfence  }
0xb7: {  	s30 =	sld [smem:$0x0];
	_ =	sdelay $0x2  }
0xb8: {  	s31 =	sshll.u32 s1, $0xD;
	s1 =	sshrl.u32 s1, $0x2  }
0xb9: {  	s3 =	sand.u32 $0x4000, s31;
	s1 =	sadd.s32 s1, s30  }
0xba: {  	s0 =	sor.u32 s3, s0;
	s1 =	sshll.u32 s1, $0x11  }
0xbb: {  	s0 =	sor.u32 s1, s0  }
0xbc: {  	s0 =	sadd.s32 $0x8F2B, s0  }
0xbd: {  	[sflag:s0] =	ssyncadd.remote.s32 $0x1  }
0xbe: {  	_ =	sfence.sel $0xFFFF  }
0xbf: {  	[dreg:$0x0] =	wrdreg $0xFFFFFFFF;
	(pc) =	sbr.abs _section_cstart, $3  }
0xc0: {  	[dreg:$0x1] =	wrdreg $0xFFFFFFFF  }
0xc1: {  	_ =	task.clear_ibuf [dreg:s6], $0x2FFFF;
	_ =	strace $0x9FFFFFFF  }
0xc2: {  	(tm) =	ssettm $0x7FFFFFFF  }
0xc3: {  	_ =	shalt  }
tec
execute0_lowered:
.L_overlay_start_1:
0x0: {  	(tag) =	ssettag $0x1  }
0x1: {  	s4 =	rddreg [dreg:$0x0]  }
0x2: {  	s2 =	rddreg [dreg:$0x1]  }
0x3: {  	s0 =	rddreg [dreg:$0x2];
	s1 =	stileid.u32  }
0x4: {  	s5 =	srdreg.scid;
	s3 =	simm.s32 $0x0;
	s13 =	simm.s32 $0x1400  }
0x5: {  	s14 =	simm.s32 $0x0;
	s5 =	sand.u32 $0x1, s5;
	s6 =	sshll.u32 s1, $0x1  }
0x6: {  	[smem:$0x7FF] =	sst s3;
	s7 =	smul.u32 $0x2800, s1;
	s6 =	sor.u32 s5, s6  }
0x7: {  	s31 =	sshll.u32 s1, $0x6;
	_ =	strace $0x80000068;
	s8 =	smul.u32 $0x280, s6  }
0x8: {  	s5 =	ssub.s32 $0x2, s5;
	s9 =	sshrl.u32 s7, $0x3;
	s6 =	smul.u32 $0x2800, s6  }
0x9: {  	s10 =	sshrl.u32 s5, $0x1;
	s12 =	sadd.s32 s7, s2;
	s9 =	sadd.s32 s9, s4  }
0xa: {  	s10 =	ssub.s32 s5, s10;
	s5 =	sor.u32 $0x1C02, s31;
	s8 =	sadd.s32 s8, s4  }
0xb: {  	s11 =	sadd.s32 s6, s4;
	s4 =	sadd.s32 $0x8E00, s9;
	s9 =	sshrl.u32 s12, $0x3  }
0xc: {  	s12 =	simm.s32 $0x1;
	s6 =	sadd.s32 $0xDE00, s8;
	s7 =	sadd.s32 $0x12E00, s11  }
0xd: {  	s8 =	smax.u32 s10, $0x1;
	s10 =	simm.s32 $0x2;
	s11 =	simm.s32 $0x80  }
.LBB2_1:
0xe: {  	[spmem:s9], [sflag:s5] =	dma.local [hbm:s4], $0x500  }
0xf: {  	_ =	swait.ge [sflag:s10], $0x500  }
0x10: {  	[sflag:s10] =	ssyncset.done $0x0  }
0x11: {  	[sflag:s10] =	ssyncadd.s32 $0xFFFFFB00  }
0x12: {  	[tilespmem:s3], [sflag:$0x2] =	stream.linear.gather [hbm4b:s6+s3], $0x1400, $0x38;
	[tilespmem:$0x17C00] =	vst v63  }
0x13: {  	_ =	swait.ge [sflag:s10], $0x1400  }
0x14: {  	[sflag:s10] =	ssyncset.done $0x0  }
0x15: {  	[sflag:s10] =	ssyncadd.s32 $0xFFFFEC00  }
0x16: {  	s15 =	simm.s32 $0x1400;
	s16 =	simm.s32 $0x0;
	[bflag:$0x0] =	sbarrier.arrive $0xFFFF  }
.LBB2_2:
0x17: {  	p0 =	sne.s32 s16, $0x4E00  }
.Ltmp0:
0x18: {  	_ = 	snop;
	(pc) =	sbr.rel @p0 .LBB2_2-.Ltmp0, $4  }
0x19: {  	_ = 	snop  }
0x1a: {  	s17 =	sshra.s32 s16, $0x2  }
0x1b: {  	[tilespmem:s15], [sflag:$0x1] =	stream.indirect.gather [spmem:s2], $0x10, s17, s11, $0xb8;
	[tilespmem:$0x17C00] =	vst v63  }
0x1c: {  	s16 =	sadd.s32 $0x200, s16;
	s15 =	sadd.s32 $0x800, s15  }
0x1d: {  	_ =	swait.ge [sflag:s12], $0x800  }
0x1e: {  	s15 =	simm.s32 $0x27;
	[sflag:s12] =	ssyncset.done $0x0  }
.LBB2_4:
0x1f: {  	p0 =	sne.s32 s15, $0x1;
	s15 =	sadd.s32 $0xFFFFFFFF, s15;
	[sflag:s12] =	ssyncadd.s32 $0xFFFFF800  }
.Ltmp1:
0x20: {  	(pc) =	sbr.rel @p0 .LBB2_4-.Ltmp1, $3  }
0x21: {  	_ =	sdelay $0x1  }
0x22: {  	_ =	swait.ge [sflag:s12], $0x800  }
0x23: {  	[sflag:s12] =	ssyncset.done $0x0  }
0x24: {  	s14 =	sadd.s32 $0x1, s14  }
0x25: {  	p0 =	sne.s32 s14, s8  }
.Ltmp2:
0x26: {  	[sflag:s12] =	ssyncadd.s32 $0xFFFFF800;
	(pc) =	sbr.rel @p0 .LBB2_1-.Ltmp2, $4  }
0x27: {  	[hbm4b:s7+s3] =	stream.linear.scatter [tilespmem:s13], [sflag:$0x2], $0x14000, $0x38;
	[tilespmem:$0x17C00] =	vst v63  }
0x28: {  	_ =	swait.ge [sflag:s10], $0x14000  }
0x29: {  	[sflag:s10] =	ssyncset.done $0x0  }
0x2a: {  	[sflag:s10] =	ssyncadd.s32 $0xFFFEC000  }
0x2b: {  	_ =	sfence.sel $0x180000  }
0x2c: {  	[bflag:$0x0] =	sbarrier.arrive $0xFFFF  }
0x2d: {  	p0 =	sne.s32 s1, $0x0;
	_ =	strace $0x90000068  }
0x2e: {  	s0 =	sadd.s32 @!p0 $0x100000, s0;
	[bflag:$0x2] =	sbarrier.arrive $0xFFFF  }
0x2f: {  	[sflag:s0] =	ssyncadd.tile.s32 @!p0 $0x1;
	_ =	shalt  }
.Lfunc_end2:
_tile_overlayer_lowered:
.L_overlay_start_2:
0x30: {  	(tag) =	ssettag $0x2  }
0x31: {  	s0 =	rddreg [dreg:$0x0];
	s2 =	stileid.u32  }
0x32: {  	s1 =	rddreg [dreg:$0x1];
	p0 =	sne.s32 s2, $0x0  }
0x33: {  	s3 =	rddreg [dreg:$0x2];
	[bflag:$0x3] =	sbarrier.arrive $0xFFFF;
	s2 =	simm.s32 @!p0 $0x1C02  }
0x34: {  	[timem:s3], [sflag:s2] =	dma.local @!p0 [hbm:s0], s1  }
0x35: {  	s0 =	simm.s32 @!p0 $0x2  }
0x36: {  	_ =	swait.ge @!p0 [sflag:s0], s1  }
0x37: {  	s1 =	ssub.s32 @!p0 $0x0, s1;
	[sflag:s0] =	ssyncset.done @!p0 $0x0  }
0x38: {  	[sflag:s0] =	ssyncadd.s32 @!p0 s1  }
0x39: {  	[bflag:$0x3] =	sbarrier.arrive $0xFFFF  }
0x3a: {  	_ =	shalt  }

// kernel: kernel.67.cloned.1.call-start
scs
__scs_entry_jumppad:
0x0: {  	(pc) =	sbr.rel $0x88, $3  }
0x1: {  	(tag) =	ssettag $0x0;
	lr =	simm.s32 $0x1  }
0x2: {  	[smem:$0x3F87] =	sst lr;
	_ =	strace $0xD0000000  }
0x3: {  	_ = 	snop  }
0x4: {  	_ = 	snop  }
0x5: {  	_ = 	snop  }
0x6: {  	_ = 	snop  }
0x7: {  	_ = 	snop  }
__scs_overlays_trampoline_lowered:
0x8: {  	[smem:$0x3F96] =	sst s0  }
0x9: {  	[smem:$0x3F97] =	sst s1  }
0xa: {  	[smem:$0x3F98] =	sst s2  }
0xb: {  	[smem:$0x3F99] =	sst s3  }
0xc: {  	[smem:$0x3F9A] =	sst s4  }
0xd: {  	[smem:$0x3F9B] =	sst s5  }
0xe: {  	[smem:$0x3F9C] =	sst s6  }
0xf: {  	[smem:$0x3F9D] =	sst s7  }
0x10: {  	[smem:$0x3F9E] =	sst s8  }
0x11: {  	[smem:$0x3F9F] =	sst s9;
	s0 =	simm.s32 @!p0 $0x0  }
0x12: {  	s1 =	sld [smem:$0x3F85];
	s0 =	simm.s32 @p0 $0x1  }
0x13: {  	[smem:$0x3FA0] =	sst s0;
	s0 =	simm.s32 @!p1 $0x0  }
0x14: {  	s2 =	sld [smem:$0x3F84];
	s0 =	simm.s32 @p1 $0x1  }
0x15: {  	[smem:$0x3FA1] =	sst s0;
	s0 =	simm.s32 @!p2 $0x0  }
0x16: {  	s3 =	sld [smem:$0x3FDB];
	s0 =	simm.s32 @p2 $0x1  }
0x17: {  	s4 =	simm.s32 $0x1BF5;
	[smem:$0x3FA3] =	sst s0  }
0x18: {  	s0 =	sld [smem:$0x3F86];
	_ =	swait.ge [sflag:s4], $0x0  }
0x19: {  	s7 =	sld [smem:$0x3F87]  }
0x1a: {  	s8 =	sadd.s32 $0xFFFFE003, lr  }
0x1b: {  	s9 =	sadd.s32 $0xFFFFFEF7, lr;
	s5 =	simm.s32 $0xFFFFFFFF;
	p2 =	slt.u32 s8, $0xFFFFF086  }
0x1c: {  	p1 =	slt.u32 s9, $0xF7A;
	s5 =	simm.s32 @!p2 $0x0  }
0x1d: {  	s5 =	simm.s32 @p1 $0x1;
	p0 =	seq.s32 s7, s2  }
0x1e: {  	s7 =	smul.u32 @!p0 $0xF7A, s2;
	p2 =	seq.s32 @!p0 s5, $0x0  }
0x1f: {  	s9 =	smul.u32 $0xF7A, s1;
	s8 =	simm.s32 @!p0 $0x1BF5;
	p2 =	por !p2, p0  }
0x20: {  	[sflag:s8] =	ssyncset.s32 @!p0 $0xFFFFF086;
	s6 =	sadd.s32 @!p0 s3, s7;
	s7 =	simm.s32 @!p0 $0x108  }
0x21: {  	s3 =	sadd.s32 s3, s9;
	s6 =	sadd.s32 @!p0 $0x88, s6;
	s7 =	simm.s32 @p2 $0x1082  }
0x22: {  	[simem:s7], [sflag:s8] =	dma.local @!p0 [hbm:s6], $0xF7A  }
0x23: {  	s9 =	sor.u32 $0xD0000000, s2;
	s6 =	simm.s32 $0x108;
	_ =	swait.ge @!p0 [sflag:s8], $0x0  }
0x24: {  	s3 =	sadd.s32 $0x88, s3;
	s6 =	simm.s32 @!p1 $0x1082;
	[sflag:s4] =	ssyncset.s32 $0xFFFFF086  }
0x25: {  	[simem:s6], [sflag:s4] =	dma.local [hbm:s3], $0xF7A  }
0x26: {  	[smem:$0x3F87] =	sst s1;
	(tag) =	ssettag s2;
	_ =	strace s9  }
0x27: {  	s1 =	sld [smem:$0x3F97]  }
0x28: {  	s2 =	sld [smem:$0x3F98]  }
0x29: {  	s4 =	sld [smem:$0x3F9A]  }
0x2a: {  	p0 =	seq.s32 s5, $0x0;
	s5 =	sld [smem:$0x3F9B]  }
0x2b: {  	s6 =	sld [smem:$0x3F9C]  }
0x2c: {  	s7 =	sld [smem:$0x3F9D]  }
0x2d: {  	s3 =	simm.s32 $0x108;
	s8 =	sld [smem:$0x3F9E]  }
0x2e: {  	s3 =	simm.s32 @!p0 $0x1082;
	s9 =	sld [smem:$0x3F9F]  }
0x2f: {  	lr =	sadd.s32 s0, s3;
	s0 =	sld [smem:$0x3F96]  }
0x30: {  	s3 =	sld [smem:$0x3F99]  }
0x31: {  	[smem:$0x3FA2] =	sst s10  }
0x32: {  	s10 =	sld [smem:$0x3FA0];
	_ =	sdelay $0x3  }
0x33: {  	p0 =	seq.s32 s10, $0x1;
	s10 =	sld [smem:$0x3FA2];
	_ =	sdelay $0x3  }
0x34: {  	[smem:$0x3FA2] =	sst s10  }
0x35: {  	s10 =	sld [smem:$0x3FA1];
	_ =	sdelay $0x3  }
0x36: {  	p1 =	seq.s32 s10, $0x1;
	s10 =	sld [smem:$0x3FA2];
	_ =	sdelay $0x3  }
0x37: {  	[smem:$0x3FA2] =	sst s10  }
0x38: {  	s10 =	sld [smem:$0x3FA3]  }
0x39: {  	_ = 	snop;
	(pc) =	sbr.ind lr, $3  }
0x3a: {  	_ = 	snop  }
0x3b: {  	_ = 	snop  }
0x3c: {  	p2 =	seq.s32 s10, $0x1;
	s10 =	sld [smem:$0x3FA2]  }
0x3d: {  	_ =	shalt  }
0x3e: {  	_ =	shalt  }
0x3f: {  	_ =	shalt  }
0x40: {  	_ =	shalt  }
0x41: {  	_ =	shalt  }
0x42: {  	_ =	shalt  }
0x43: {  	_ =	shalt  }
0x44: {  	_ =	shalt  }
0x45: {  	_ =	shalt  }
0x46: {  	_ =	shalt  }
0x47: {  	_ =	shalt  }
0x48: {  	_ =	shalt  }
0x49: {  	_ =	shalt  }
0x4a: {  	_ =	shalt  }
0x4b: {  	_ =	shalt  }
0x4c: {  	_ =	shalt  }
0x4d: {  	_ =	shalt  }
0x4e: {  	_ =	shalt  }
0x4f: {  	_ =	shalt  }
0x50: {  	_ =	shalt  }
0x51: {  	_ =	shalt  }
0x52: {  	_ =	shalt  }
0x53: {  	_ =	shalt  }
0x54: {  	_ =	shalt  }
0x55: {  	_ =	shalt  }
0x56: {  	_ =	shalt  }
0x57: {  	_ =	shalt  }
0x58: {  	_ =	shalt  }
0x59: {  	_ =	shalt  }
0x5a: {  	_ =	shalt  }
0x5b: {  	_ =	shalt  }
0x5c: {  	_ =	shalt  }
0x5d: {  	_ =	shalt  }
0x5e: {  	_ =	shalt  }
0x5f: {  	_ =	shalt  }
0x60: {  	_ =	shalt  }
0x61: {  	_ =	shalt  }
0x62: {  	_ =	shalt  }
0x63: {  	_ =	shalt  }
0x64: {  	_ =	shalt  }
0x65: {  	_ =	shalt  }
0x66: {  	_ =	shalt  }
0x67: {  	_ =	shalt  }
0x68: {  	_ =	shalt  }
0x69: {  	_ =	shalt  }
0x6a: {  	_ =	shalt  }
0x6b: {  	_ =	shalt  }
0x6c: {  	_ =	shalt  }
0x6d: {  	_ =	shalt  }
0x6e: {  	_ =	shalt  }
0x6f: {  	_ =	shalt  }
0x70: {  	_ =	shalt  }
0x71: {  	_ =	shalt  }
0x72: {  	_ =	shalt  }
0x73: {  	_ =	shalt  }
0x74: {  	_ =	shalt  }
0x75: {  	_ =	shalt  }
0x76: {  	_ =	shalt  }
0x77: {  	_ =	shalt  }
0x78: {  	_ =	shalt  }
0x79: {  	_ =	shalt  }
0x7a: {  	_ =	shalt  }
0x7b: {  	_ =	shalt  }
0x7c: {  	_ =	shalt  }
0x7d: {  	_ =	shalt  }
0x7e: {  	_ =	shalt  }
0x7f: {  	_ =	shalt  }
0x80: {  	_ =	shalt  }
0x81: {  	_ =	shalt  }
0x82: {  	_ =	shalt  }
0x83: {  	_ =	shalt  }
0x84: {  	_ =	shalt  }
0x85: {  	_ =	shalt  }
0x86: {  	_ =	shalt  }
0x87: {  	_ =	shalt  }
.Lfunc_end0:
.L_simem_size_0:
called_computation.12_lowered:
.L_overlay_start_0:
0x88: {  	s2 =	sld [smem:$0x3FD9]  }
0x89: {  	s3 =	sld [smem:$0x3FFE];
	_ =	sdelay $0x1  }
0x8a: {  	s1 =	srdreg.scid  }
0x8b: {  	s0 =	sand.u32 $0x1, s1  }
0x8c: {  	s16 =	sshll.u32 s0, $0xA;
	s2 =	sadd.s32 s3, s2  }
0x8d: {  	s2 =	sadd.s32 s2, s16  }
0x8e: {  	[smem:$0x3FAE] =	sst s2  }
0x8f: {  	_ = 	snop  }
0x90: {  	(tm) =	ssettm $0x1  }
0x91: {  	s17 =	sld [smem:$0x3FFB];
	_ =	sdelay $0x3  }
0x92: {  	_ =	strace s17  }
0x93: {  	s2 =	sld [smem:$0x3FFC];
	_ =	sdelay $0x3  }
0x94: {  	_ =	strace s2  }
0x95: {  	s2 =	sld [smem:$0x3FFD];
	_ =	sdelay $0x3  }
0x96: {  	_ =	strace s2  }
0x97: {  	_ =	strace $0x8FFFFFFF  }
0x98: {  	s18 =	sld [smem:$0x3FDB];
	_ =	sdelay $0x1  }
0x99: {  	s19 =	simm.s32 $_scs_section_size  }
0x9a: {  	s4 =	simm.s32 $_size__tile_overlayer_lowered;
	s5 =	simm.s32 $_tile_overlayer_lowered  }
0x9b: {  	s22 =	simm.s32 $0x1BFF;
	s21 =	sshll.u32 s5, $0x1;
	s2 =	sadd.s32 s19, s18  }
0x9c: {  	s6 =	simm.s32 $0x0;
	s20 =	sshll.u32 s4, $0x1;
	s4 =	sadd.s32 s21, s2  }
0x9d: {  	[timem:s6], [sflag:s22] =	dma.local [hbm:s4], s20  }
0x9e: {  	_ =	swait.ge [sflag:s22], s20  }
0x9f: {  	s3 =	ssub.s32 $0x0, s20;
	[sflag:s22] =	ssyncset.done $0x0  }
0xa0: {  	[sflag:s22] =	ssyncadd.s32 s3;
	_ =	sdelay $0x1  }
0xa1: {  	s23 =	simm.s32 $0x1B8B  }
0xa2: {  	_ =	swait.ge [sflag:s23], $0x1  }
0xa3: {  	[sflag:s23] =	ssyncset.done $0x0  }
0xa4: {  	s25 =	simm.s32 $0x1B8E;
	s24 =	sld [smem:$0x3FFE];
	[sflag:s23] =	ssyncadd.s32 $0xFFFFFFFF  }
0xa5: {  	s26 =	simm.s32 $execute0_lowered;
	[smem:$0x3FD2] =	sst s25  }
0xa6: {  	s4 =	sshll.u32 s26, $0x1;
	_ =	strace $0x8000006A;
	[dreg:$0x1] =	wrdreg $0xFFFFFFFF  }
0xa7: {  	s28 =	simm.s32 $_size_execute0_lowered;
	s2 =	sadd.s32 s2, s4;
	[dreg:$0x0] =	wrdreg $0x0  }
0xa8: {  	s4 =	sshll.u32 s28, $0x1;
	[dreg:$0x2] =	wrdreg s2  }
0xa9: {  	[dreg:$0x3] =	wrdreg s4  }
0xaa: {  	[dreg:$0x4] =	wrdreg $0xC0  }
0xab: {  	_ =	task [dreg:s6], $0x5FFFF  }
0xac: {  	[dreg:$0x1] =	wrdreg $0xFFFFFFFF  }
0xad: {  	[dreg:$0x0] =	wrdreg $0x60  }
0xae: {  	[dreg:$0x2] =	wrdreg s24  }
0xaf: {  	[dreg:$0x3] =	wrdreg $0x154000  }
0xb0: {  	[dreg:$0x4] =	wrdreg $0x9  }
0xb1: {  	_ =	task.clear_ibuf [dreg:s6], $0x5FFFF;
	_ =	strace $0x9000006A  }
0xb2: {  	s29 =	simm.s32 $0x9;
	_ =	strace $0x8000006C  }
0xb3: {  	_ =	swait.ge [sflag:s29], $0x1  }
0xb4: {  	[sflag:s29] =	ssyncadd.s32 $0xFFFFFFFF  }
0xb5: {  	_ =	strace $0x9000006C  }
0xb6: {  	_ =	sfence  }
0xb7: {  	s30 =	sld [smem:$0x0];
	_ =	sdelay $0x2  }
0xb8: {  	s31 =	sshll.u32 s1, $0xD;
	s1 =	sshrl.u32 s1, $0x2  }
0xb9: {  	s3 =	sand.u32 $0x4000, s31;
	s1 =	sadd.s32 s1, s30  }
0xba: {  	s0 =	sor.u32 s3, s0;
	s1 =	sshll.u32 s1, $0x11  }
0xbb: {  	s0 =	sor.u32 s1, s0  }
0xbc: {  	s0 =	sadd.s32 $0x8F2B, s0  }
0xbd: {  	[sflag:s0] =	ssyncadd.remote.s32 $0x1  }
0xbe: {  	_ =	sfence.sel $0xFFFF  }
0xbf: {  	[dreg:$0x0] =	wrdreg $0xFFFFFFFF;
	(pc) =	sbr.abs _section_cstart, $3  }
0xc0: {  	[dreg:$0x1] =	wrdreg $0xFFFFFFFF  }
0xc1: {  	_ =	task.clear_ibuf [dreg:s6], $0x2FFFF;
	_ =	strace $0x9FFFFFFF  }
0xc2: {  	(tm) =	ssettm $0x7FFFFFFF  }
0xc3: {  	_ =	shalt  }
tec
execute0_lowered:
.L_overlay_start_1:
0x0: {  	(tag) =	ssettag $0x1  }
0x1: {  	s1 =	srdreg.scid;
	s5 =	rddreg [dreg:$0x0]  }
0x2: {  	s0 =	stileid.u32;
	s2 =	rddreg [dreg:$0x1];
	s3 =	simm.s32 $0x0  }
0x3: {  	s4 =	sand.u32 $0x1, s1;
	s28 =	sshll.u32 s0, $0x1;
	s8 =	smul.u32 $0x2800, s0  }
0x4: {  	s13 =	simm.s32 $0x1;
	s1 =	sor.u32 s4, s28;
	s9 =	smul.u32 $0x28000, s4  }
0x5: {  	s14 =	simm.s32 $0x0;
	[smem:$0x7FF] =	sst s3;
	s6 =	smul.u32 $0x2800, s1  }
0x6: {  	s31 =	sshll.u32 s0, $0x6;
	s4 =	ssub.s32 $0x2, s4;
	s7 =	smul.u32 $0x280, s1  }
0x7: {  	s1 =	rddreg [dreg:$0x2];
	_ =	strace $0x8000006B;
	s30 =	sshrl.u32 s8, $0x3  }
0x8: {  	s11 =	sshrl.u32 s4, $0x1;
	s12 =	sadd.s32 s8, s2;
	s9 =	sadd.s32 s8, s9  }
0x9: {  	s11 =	ssub.s32 s4, s11;
	s10 =	sadd.s32 s6, s5;
	s9 =	sshrl.u32 s9, $0x3  }
0xa: {  	s29 =	sadd.s32 s7, s5;
	s7 =	sadd.s32 s30, s5;
	s9 =	sadd.s32 s9, s5  }
0xb: {  	s4 =	sadd.s32 $0x67E00, s7;
	s5 =	sor.u32 $0x1C02, s31;
	s6 =	sadd.s32 $0x62E00, s29  }
0xc: {  	s7 =	sadd.s32 $0xDE00, s10;
	s10 =	sshrl.u32 s12, $0x3;
	s12 =	simm.s32 $0x80  }
0xd: {  	s8 =	sadd.s32 $0x6CE00, s9;
	s9 =	smax.u32 s11, $0x1;
	s11 =	simm.s32 $0x2  }
.LBB2_1:
0xe: {  	[spmem:s10], [sflag:s5] =	dma.local [hbm:s4], $0x500  }
0xf: {  	_ =	swait.ge [sflag:s11], $0x500  }
0x10: {  	[sflag:s11] =	ssyncset.done $0x0  }
0x11: {  	[sflag:s11] =	ssyncadd.s32 $0xFFFFFB00  }
0x12: {  	[tilespmem:s3], [sflag:$0x2] =	stream.linear.gather [hbm4b:s6+s3], $0x1400, $0x38;
	[tilespmem:$0x17C00] =	vst v63  }
0x13: {  	_ =	swait.ge [sflag:s11], $0x1400  }
0x14: {  	[sflag:s11] =	ssyncset.done $0x0  }
0x15: {  	s15 =	simm.s32 $0x1400;
	[sflag:s11] =	ssyncadd.s32 $0xFFFFEC00  }
0x16: {  	[tilespmem:s15], [sflag:$0x2] =	stream.linear.gather [hbm4b:s7+s3], $0x14000, $0x38;
	[tilespmem:$0x17C00] =	vst v63  }
0x17: {  	_ =	swait.ge [sflag:s11], $0x14000  }
0x18: {  	[sflag:s11] =	ssyncset.done $0x0  }
0x19: {  	[sflag:s11] =	ssyncadd.s32 $0xFFFEC000  }
0x1a: {  	s16 =	simm.s32 $0x0;
	[bflag:$0x0] =	sbarrier.arrive $0xFFFF  }
.LBB2_2:
0x1b: {  	p0 =	sne.s32 s16, $0x4E00  }
.Ltmp0:
0x1c: {  	_ = 	snop;
	(pc) =	sbr.rel @p0 .LBB2_2-.Ltmp0, $4  }
0x1d: {  	_ = 	snop  }
0x1e: {  	s17 =	sshra.s32 s16, $0x2  }
0x1f: {  	[spmem:s2] =	stream.indirect.scatter.add.f32 [tilespmem:s15], [sflag:$0x1], $0x10, s17, s12, $0xb8;
	[tilespmem:$0x17C00] =	vst v63  }
0x20: {  	s16 =	sadd.s32 $0x200, s16;
	s15 =	sadd.s32 $0x800, s15  }
0x21: {  	_ =	swait.ge [sflag:s13], $0x800  }
0x22: {  	s15 =	simm.s32 $0x27;
	[sflag:s13] =	ssyncset.done $0x0  }
.LBB2_4:
0x23: {  	p0 =	sne.s32 s15, $0x1;
	s15 =	sadd.s32 $0xFFFFFFFF, s15;
	[sflag:s13] =	ssyncadd.s32 $0xFFFFF800  }
.Ltmp1:
0x24: {  	(pc) =	sbr.rel @p0 .LBB2_4-.Ltmp1, $3  }
0x25: {  	_ =	sdelay $0x1  }
0x26: {  	_ =	swait.ge [sflag:s13], $0x800  }
0x27: {  	[sflag:s13] =	ssyncset.done $0x0  }
0x28: {  	s14 =	sadd.s32 $0x1, s14  }
0x29: {  	[sflag:s13] =	ssyncadd.s32 $0xFFFFF800;
	p0 =	sne.s32 s14, s9  }
.Ltmp2:
0x2a: {  	[bflag:$0x0] =	sbarrier.arrive $0xFFFF;
	(pc) =	sbr.rel @p0 .LBB2_1-.Ltmp2, $4  }
0x2b: {  	[hbm:s8], [sflag:s5] =	dma.local [spmem:s10], $0x500  }
0x2c: {  	_ =	swait.ge [sflag:s11], $0x500  }
0x2d: {  	[sflag:s11] =	ssyncset.done $0x0  }
0x2e: {  	[sflag:s11] =	ssyncadd.s32 $0xFFFFFB00  }
0x2f: {  	_ =	sfence.sel $0x180000  }
0x30: {  	[bflag:$0x0] =	sbarrier.arrive $0xFFFF  }
0x31: {  	p0 =	sne.s32 s0, $0x0;
	_ =	strace $0x9000006B  }
0x32: {  	s0 =	sadd.s32 @!p0 $0x100000, s1;
	[bflag:$0x2] =	sbarrier.arrive $0xFFFF  }
0x33: {  	[sflag:s0] =	ssyncadd.tile.s32 @!p0 $0x1;
	_ =	shalt  }
.Lfunc_end2:
_tile_overlayer_lowered:
.L_overlay_start_2:
0x34: {  	(tag) =	ssettag $0x2  }
0x35: {  	s0 =	rddreg [dreg:$0x0];
	s2 =	stileid.u32  }
0x36: {  	s1 =	rddreg [dreg:$0x1];
	p0 =	sne.s32 s2, $0x0  }
0x37: {  	s3 =	rddreg [dreg:$0x2];
	[bflag:$0x3] =	sbarrier.arrive $0xFFFF;
	s2 =	simm.s32 @!p0 $0x1C02  }
0x38: {  	[timem:s3], [sflag:s2] =	dma.local @!p0 [hbm:s0], s1  }
0x39: {  	s0 =	simm.s32 @!p0 $0x2  }
0x3a: {  	_ =	swait.ge @!p0 [sflag:s0], s1  }
0x3b: {  	s1 =	ssub.s32 @!p0 $0x0, s1;
	[sflag:s0] =	ssyncset.done @!p0 $0x0  }
0x3c: {  	[sflag:s0] =	ssyncadd.s32 @!p0 s1  }
0x3d: {  	[bflag:$0x3] =	sbarrier.arrive $0xFFFF  }
0x3e: {  	_ =	shalt  }

</sc_bundles>
